<compile_context>
chip_gen: v7x
topology: tpu7x:2x2x1
jax: 0.10.2.dev20260603
libtpu: 0.0.44.dev20260713+nightly
codegen_flags: <defaults>
</compile_context>

<pallas_src>
import functools

import jax
import jax.numpy as jnp
from jax import lax
from jax.experimental import pallas as pl
from jax.experimental.pallas import tpu as pltpu
from jax.experimental.pallas import tpu_sc as plsc

N = 50000
E = 800000
G = 2048
F = 128
NB = 16
CB = 8
EPS = 1e-5

E_PAD = 802816
PAD_E = E_PAD - E
CHUNK = 128
CHUNKS = 392
NHALF = 25000
N_ACC = 25008
N_POOL = 53248
G_ACC = 2176
BN = 400

NCORES = 2
_mesh = plsc.VectorSubcoreMesh(core_axis_name="c", subcore_axis_name="s",
                               num_cores=NCORES)

NBUF = 8
GRP = CHUNKS // NBUF


@functools.partial(
    pl.kernel,
    out_type=jax.ShapeDtypeStruct((NB, N, CB), jnp.float32),
    mesh=_mesh,
    compiler_params=pltpu.CompilerParams(use_tc_tiling_on_sc=False),
    scratch_types=[
        pltpu.VMEM((CHUNKS, CHUNK), jnp.int32),
        pltpu.VMEM((CHUNKS, CHUNK), jnp.int32),
        pltpu.VMEM((NBUF, CHUNK, CB), jnp.float32),
        pltpu.VMEM_SHARED((N_ACC, CB), jnp.float32),
        pltpu.SemaphoreType.DMA((NBUF,)),
        pltpu.SemaphoreType.DMA,
    ],
)
def _segsum_sc(y_hbm, src_hbm, dst_hbm, zero_hbm, out_hbm, sidx, didx, bufs,
               acc, sem_g, sem_s):
    c = lax.axis_index("c")
    s = lax.axis_index("s")

    pltpu.sync_copy(src_hbm.at[pl.ds(s * CHUNKS, CHUNKS)], sidx)
    pltpu.sync_copy(dst_hbm.at[pl.ds(s * CHUNKS, CHUNKS)], didx)

    off = c * NHALF

    @pl.loop(0, CHUNKS)
    def _(k):
        for w in range(CHUNK // 16):
            d = didx[k, pl.ds(16 * w, 16)] - off
            ok = (d >= 0) & (d < NHALF)
            didx[k, pl.ds(16 * w, 16)] = jnp.where(ok, d, NHALF)

    @pl.loop(0, NB)
    def _(j):
        pltpu.sync_copy(zero_hbm.at[pl.ds(0, 1563)],
                        acc.at[pl.ds(s * 1563, 1563)])
        plsc.subcore_barrier()

        tbl = y_hbm.at[j]

        @pl.loop(0, GRP)
        def _(g):
            k0 = g * NBUF
            gd = [pltpu.async_copy(tbl.at[sidx.at[k0 + b]], bufs.at[b],
                                   sem_g.at[b]) for b in range(NBUF)]
            sd = []
            for b in range(NBUF):
                gd[b].wait()
                sd.append(pltpu.async_copy(bufs.at[b], acc.at[didx.at[k0 + b]],
                                           sem_s, add=True))
            for d in sd:
                d.wait()

        plsc.subcore_barrier()

        @pl.when(s < 8)
        def _():
            pltpu.sync_copy(
                acc.at[pl.ds(s * 3125, 3125)],
                out_hbm.at[j, pl.ds(c * NHALF + s * 3125, 3125)])

        plsc.subcore_barrier()


@functools.partial(
    pl.kernel,
    out_type=jax.ShapeDtypeStruct((NB, G, CB), jnp.float32),
    mesh=_mesh,
    compiler_params=pltpu.CompilerParams(use_tc_tiling_on_sc=False),
    scratch_types=[
        pltpu.VMEM((N_POOL // 128, 128), jnp.int32),
        pltpu.VMEM((NBUF, 128, CB), jnp.float32),
        pltpu.VMEM_SHARED((G_ACC, CB), jnp.float32),
        pltpu.SemaphoreType.DMA((NBUF,)),
        pltpu.SemaphoreType.DMA,
    ],
)
def _pool_sc(h_hbm, bidx_hbm, zero_hbm, out_hbm, pidx, bufs, accp, sem_g,
             sem_s):
    c = lax.axis_index("c")
    s = lax.axis_index("s")

    pltpu.sync_copy(bidx_hbm, pidx)

    @pl.loop(0, NB // NCORES)
    def _(jj):
        j = c * (NB // NCORES) + jj
        pltpu.sync_copy(zero_hbm.at[pl.ds(0, 136)],
                        accp.at[pl.ds(s * 136, 136)])
        plsc.subcore_barrier()

        base = s * 3328

        for g in range(4):
            k0 = g * NBUF
            nb = NBUF if g < 3 else 2
            gd = [pltpu.async_copy(
                      h_hbm.at[j, pl.ds(base + (k0 + b) * 128, 128)],
                      bufs.at[b], sem_g.at[b]) for b in range(nb)]
            sd = []
            for b in range(nb):
                gd[b].wait()
                sd.append(pltpu.async_copy(bufs.at[b],
                                           accp.at[pidx.at[s * 26 + k0 + b]],
                                           sem_s, add=True))
            for d in sd:
                d.wait()

        plsc.subcore_barrier()

        pltpu.sync_copy(accp.at[pl.ds(s * 128, 128)],
                        out_hbm.at[j, pl.ds(s * 128, 128)])
        plsc.subcore_barrier()


def _cat(ref):
    return jnp.concatenate([ref[q] for q in range(NB)], axis=1)


def _split(out_ref, v):
    for q in range(NB):
        out_ref[q] = v[:, q * CB:(q + 1) * CB]


def _p0_body(x_ref, w_ref, out_ref):
    _split(out_ref, jnp.dot(x_ref[...], w_ref[...],
                            preferred_element_type=jnp.float32))


def _p0(x, w1a):
    return pl.pallas_call(
        _p0_body,
        grid=(N // BN,),
        in_specs=[
            pl.BlockSpec((BN, 78), lambda i: (i, 0)),
            pl.BlockSpec((78, F), lambda i: (0, 0)),
        ],
        out_specs=pl.BlockSpec((NB, BN, CB), lambda i: (0, i, 0)),
        out_shape=jax.ShapeDtypeStruct((NB, N_POOL, CB), jnp.float32),
    )(x, w1a)


def _passA_body(y_ref, a_ref, ba_ref, wa_ref, wb_ref, bb_ref, u_ref, sm_ref,
                sq_ref):
    i = pl.program_id(0)
    y = _cat(y_ref)
    a = _cat(a_ref)
    row0 = (lax.broadcasted_iota(jnp.int32, (BN, 1), 0) == 0) & (i == 0)
    a = a - jnp.where(row0, jnp.float32(PAD_E), 0.0) * y
    z = jnp.maximum(
        jnp.dot(y + a, wa_ref[...], preferred_element_type=jnp.float32)
        + ba_ref[...], 0.0)
    t = jnp.dot(z, wb_ref[...], preferred_element_type=jnp.float32) + bb_ref[...]
    u = jnp.maximum(t, 0.0)
    u_ref[...] = u

    @pl.when(i == 0)
    def _():
        sm_ref[...] = jnp.zeros_like(sm_ref)
        sq_ref[...] = jnp.zeros_like(sq_ref)

    sm_ref[...] += jnp.sum(u, axis=0, keepdims=True)
    sq_ref[...] += jnp.sum(u * u, axis=0, keepdims=True)


def _passA(ycb, acb, ba, wa, wb, bb):
    return pl.pallas_call(
        _passA_body,
        grid=(N // BN,),
        in_specs=[
            pl.BlockSpec((NB, BN, CB), lambda i: (0, i, 0)),
            pl.BlockSpec((NB, BN, CB), lambda i: (0, i, 0)),
            pl.BlockSpec((1, F), lambda i: (0, 0)),
            pl.BlockSpec((F, F), lambda i: (0, 0)),
            pl.BlockSpec((F, F), lambda i: (0, 0)),
            pl.BlockSpec((1, F), lambda i: (0, 0)),
        ],
        out_specs=[
            pl.BlockSpec((BN, F), lambda i: (i, 0)),
            pl.BlockSpec((1, F), lambda i: (0, 0)),
            pl.BlockSpec((1, F), lambda i: (0, 0)),
        ],
        out_shape=[
            jax.ShapeDtypeStruct((N, F), jnp.float32),
            jax.ShapeDtypeStruct((1, F), jnp.float32),
            jax.ShapeDtypeStruct((1, F), jnp.float32),
        ],
    )(ycb, acb, ba, wa, wb, bb)


def _bn_affine(sm, sq, gam, bet):
    m = sm * (1.0 / N)
    var = sq * (1.0 / N) - m * m
    sc = gam / jnp.sqrt(var + EPS)
    off = bet - m * sc
    return sc, off


def _passBaff_body(u_ref, sm_ref, sq_ref, g_ref, be_ref, out_ref):
    sc, off = _bn_affine(sm_ref[...], sq_ref[...], g_ref[...], be_ref[...])
    _split(out_ref, u_ref[...] * sc + off)


def _passB_aff(u, sm, sq, gam, bet):
    return pl.pallas_call(
        _passBaff_body,
        grid=(N // BN,),
        in_specs=[
            pl.BlockSpec((BN, F), lambda i: (i, 0)),
            pl.BlockSpec((1, F), lambda i: (0, 0)),
            pl.BlockSpec((1, F), lambda i: (0, 0)),
            pl.BlockSpec((1, F), lambda i: (0, 0)),
            pl.BlockSpec((1, F), lambda i: (0, 0)),
        ],
        out_specs=pl.BlockSpec((NB, BN, CB), lambda i: (0, i, 0)),
        out_shape=jax.ShapeDtypeStruct((NB, N_POOL, CB), jnp.float32),
    )(u, sm, sq, gam, bet)


def _final_body(p_ref, w_ref, b_ref, out_ref):
    hg = _cat(p_ref)
    out_ref[...] = jnp.maximum(
        jnp.dot(hg, w_ref[...], preferred_element_type=jnp.float32) + b_ref[...],
        0.0)


def _final(pool, wfc, bfc):
    return pl.pallas_call(
        _final_body,
        grid=(1,),
        in_specs=[
            pl.BlockSpec((NB, G, CB), lambda i: (0, 0, 0)),
            pl.BlockSpec((F, F), lambda i: (0, 0)),
            pl.BlockSpec((1, F), lambda i: (0, 0)),
        ],
        out_specs=pl.BlockSpec((G, F), lambda i: (0, 0)),
        out_shape=jax.ShapeDtypeStruct((G, F), jnp.float32),
    )(pool, wfc, bfc)


def _branch_body(f_ref, w_ref, b_ref, g_ref, be_ref, out_ref):
    v = jnp.maximum(
        jnp.dot(f_ref[...], w_ref[...], preferred_element_type=jnp.float32)
        + b_ref[...], 0.0)
    m = jnp.mean(v, axis=0, keepdims=True)
    var = jnp.mean(v * v, axis=0, keepdims=True) - m * m
    out_ref[...] = (v - m) / jnp.sqrt(var + EPS) * g_ref[...] + be_ref[...]


def _branch(feat, w, b, gam, bet):
    nr, dk = feat.shape
    return pl.pallas_call(
        _branch_body,
        grid=(1,),
        in_specs=[
            pl.BlockSpec((nr, dk), lambda i: (0, 0)),
            pl.BlockSpec((dk, F), lambda i: (0, 0)),
            pl.BlockSpec((1, F), lambda i: (0, 0)),
            pl.BlockSpec((1, F), lambda i: (0, 0)),
            pl.BlockSpec((1, F), lambda i: (0, 0)),
        ],
        out_specs=pl.BlockSpec((nr, F), lambda i: (0, 0)),
        out_shape=jax.ShapeDtypeStruct((nr, F), jnp.float32),
    )(feat, w, b, gam, bet)


def kernel(x, edge_index, batch, mic_feature, dis_feature, params):
    p = params
    r2 = lambda v: v.reshape(1, F)

    src = edge_index[0]
    dst = edge_index[1]
    srcp = jnp.concatenate(
        [src, jnp.zeros((E_PAD - E,), jnp.int32)]).reshape(E_PAD // CHUNK, CHUNK)
    dstp = jnp.concatenate(
        [dst, jnp.zeros((E_PAD - E,), jnp.int32)]).reshape(E_PAD // CHUNK, CHUNK)
    batchp = jnp.concatenate(
        [batch, jnp.full((N_POOL - N,), G, jnp.int32)]).reshape(N_POOL // 128, 128)
    del src, dst
    zeros = jnp.zeros((3200, CB), jnp.float32)

    w1a_p = jnp.pad(p['w1a'], ((0, F - 78), (0, 0)))
    ws = (
        jnp.stack([r2(p['b1a']), r2(p['b2a']), r2(p['b3a'])]),
        jnp.stack([w1a_p, p['w2a'], p['w3a']]),
        jnp.stack([p['w1b'], p['w2b'], p['w3b']]),
        jnp.stack([r2(p['b1b']), r2(p['b2b']), r2(p['b3b'])]),
        jnp.stack([r2(p['g1']), r2(p['g2']), r2(p['g3'])]),
        jnp.stack([r2(p['be1']), r2(p['be2']), r2(p['be3'])]),
    )

    def _layer(y, w):
        ba, wa, wb, bb, gam, bet = w
        a = _segsum_sc(y, srcp, dstp, zeros)
        u, sm, sq = _passA(y, a, ba, wa, wb, bb)
        return _passB_aff(u, sm, sq, gam, bet), None

    xcb = jnp.pad(x, ((0, N_POOL - N), (0, F - 78))).reshape(
        N_POOL, NB, CB).transpose(1, 0, 2)
    h3, _ = lax.scan(_layer, xcb, ws)
    pool = _pool_sc(h3, batchp, zeros)
    hg = _final(pool, p['wfc'], r2(p['bfc']))
    xm = _branch(mic_feature, p['wmic'], r2(p['bmic']), r2(p['gmic']),
                 r2(p['bemic']))
    xd = _branch(dis_feature, p['wdis'], r2(p['bdis']), r2(p['gdis']),
                 r2(p['bedis']))
    return hg, xm, xd

# --- scband reference (transcript-rebuilt; emitter-appended) ---
"""Pipeline reference for scband-bio-encoder-85667417686130 (READ-ONLY COPY).

The authoritative reference and input builder live on the scoring server;
editing this copy changes nothing except your own understanding.
"""

import jax, jax.numpy as jnp
import numpy as np

N = 50000
E = 800000
ATOM = 78
OUT = 128
DIM_MIC = 256
DIM_DIS = 256
N_MIC = 4096
N_DIS = 4096
G = 2048


def _glorot(key, shape):
    fan_in, fan_out = shape[0], shape[1]
    s = jnp.sqrt(2.0 / (fan_in + fan_out))
    return jax.random.normal(key, shape, dtype=jnp.float32) * s


def setup_inputs(seed: int = 0) -> dict:
    key = jax.random.key(seed)
    ks = jax.random.split(key, 32)
    x = jax.random.normal(ks[0], (N, ATOM), dtype=jnp.float32)
    edge_index = jax.random.randint(ks[1], (2, E), 0, N, dtype=jnp.int32)
    batch = jnp.sort(jax.random.randint(ks[2], (N,), 0, G, dtype=jnp.int32))
    mic_feature = jax.random.normal(ks[3], (N_MIC, DIM_MIC), dtype=jnp.float32)
    dis_feature = jax.random.normal(ks[4], (N_DIS, DIM_DIS), dtype=jnp.float32)
    params = {
        'w1a': _glorot(ks[5], (ATOM, OUT)), 'b1a': jnp.zeros((OUT,), jnp.float32),
        'w1b': _glorot(ks[6], (OUT, OUT)), 'b1b': jnp.zeros((OUT,), jnp.float32),
        'g1': jnp.ones((OUT,), jnp.float32), 'be1': jnp.zeros((OUT,), jnp.float32),
        'w2a': _glorot(ks[7], (OUT, OUT)), 'b2a': jnp.zeros((OUT,), jnp.float32),
        'w2b': _glorot(ks[8], (OUT, OUT)), 'b2b': jnp.zeros((OUT,), jnp.float32),
        'g2': jnp.ones((OUT,), jnp.float32), 'be2': jnp.zeros((OUT,), jnp.float32),
        'w3a': _glorot(ks[9], (OUT, OUT)), 'b3a': jnp.zeros((OUT,), jnp.float32),
        'w3b': _glorot(ks[10], (OUT, OUT)), 'b3b': jnp.zeros((OUT,), jnp.float32),
        'g3': jnp.ones((OUT,), jnp.float32), 'be3': jnp.zeros((OUT,), jnp.float32),
        'wfc': _glorot(ks[11], (OUT, OUT)), 'bfc': jnp.zeros((OUT,), jnp.float32),
        'wmic': _glorot(ks[12], (DIM_MIC, OUT)), 'bmic': jnp.zeros((OUT,), jnp.float32),
        'gmic': jnp.ones((OUT,), jnp.float32), 'bemic': jnp.zeros((OUT,), jnp.float32),
        'wdis': _glorot(ks[13], (DIM_DIS, OUT)), 'bdis': jnp.zeros((OUT,), jnp.float32),
        'gdis': jnp.ones((OUT,), jnp.float32), 'bedis': jnp.zeros((OUT,), jnp.float32),
    }
    return {'x': x, 'edge_index': edge_index, 'batch': batch,
            'mic_feature': mic_feature, 'dis_feature': dis_feature, 'params': params}


def _bn(h, gamma, beta):
    m = jnp.mean(h, axis=0)
    v = jnp.var(h, axis=0)
    return (h - m) / jnp.sqrt(v + 1e-5) * gamma + beta


def _gin(h, edge_index, wa, ba, wb, bb):
    # GINConv, eps=0: mlp((1+eps)*x + sum_{j in N(i)} x_j)
    agg = jax.ops.segment_sum(h[edge_index[0]], edge_index[1], num_segments=N)
    z = h + agg
    z = jax.nn.relu(z @ wa + ba)
    return z @ wb + bb


def reference(x, edge_index, batch, mic_feature, dis_feature, params):
    p = params
    h = jax.nn.relu(_gin(x, edge_index, p['w1a'], p['b1a'], p['w1b'], p['b1b']))
    h = _bn(h, p['g1'], p['be1'])
    h = jax.nn.relu(_gin(h, edge_index, p['w2a'], p['b2a'], p['w2b'], p['b2b']))
    h = _bn(h, p['g2'], p['be2'])
    h = jax.nn.relu(_gin(h, edge_index, p['w3a'], p['b3a'], p['w3b'], p['b3b']))
    h = _bn(h, p['g3'], p['be3'])
    hg = jax.ops.segment_sum(h, batch, num_segments=G)  # global_add_pool
    hg = jax.nn.relu(hg @ p['wfc'] + p['bfc'])  # dropout = identity (eval)
    xm = jax.nn.relu(mic_feature @ p['wmic'] + p['bmic'])
    xm = _bn(xm, p['gmic'], p['bemic'])
    xd = jax.nn.relu(dis_feature @ p['wdis'] + p['bdis'])
    xd = _bn(xd, p['gdis'], p['bedis'])
    return hg, xm, xd

if __name__ == "__main__":
    import jax
    _d = setup_inputs()
    print(jax.jit(kernel)(*tuple(_d.values())))

</pallas_src>

<mosaic_0001>
#map = affine_map<(d0, d1) -> (0, 0, 0)>
#map1 = affine_map<(d0, d1) -> (0, 0)>
module attributes {stable_mosaic.version = 14 : i64} {
  func.func @_segsum_sc(%arg0: i32, %arg1: i32, %arg2: memref<16x53248x8xf32, #tpu.memory_space<hbm>>, %arg3: memref<6272x128xi32, #tpu.memory_space<hbm>>, %arg4: memref<6272x128xi32, #tpu.memory_space<hbm>>, %arg5: memref<3200x8xf32, #tpu.memory_space<hbm>>, %arg6: memref<16x50000x8xf32, #tpu.memory_space<hbm>>, %arg7: memref<392x128xi32, #tpu.memory_space<vmem>>, %arg8: memref<392x128xi32, #tpu.memory_space<vmem>>, %arg9: memref<8x128x8xf32, #tpu.memory_space<vmem>>, %arg10: memref<25008x8xf32, #tpu.memory_space<vmem_shared>>, %arg11: memref<8x!tpu.dma_semaphore, #tpu.memory_space<semaphore_mem>>, %arg12: memref<!tpu.dma_semaphore, #tpu.memory_space<semaphore_mem>>) attributes {dimension_semantics = [#tpu.dimension_semantics<core_parallel>, #tpu.dimension_semantics<subcore_parallel>], iteration_bounds = array<i64: 2, 16>, scalar_prefetch = 0 : i64, scratch_operands = 6 : i64, tpu.core_type = #tpu.core_type<sc_vector_subcore>, window_params = [{transform_indices = #map}, {transform_indices = #map1}, {transform_indices = #map1}, {transform_indices = #map1}, {transform_indices = #map}]} {
    %mul3A = arith.constant 392 : i32
    %mul3A_0 = arith.muli %arg1, %mul3A : i32
    "tpu.region"() ({
      %run_scoped3A = tpu.sem_alloc : memref<!tpu.dma_semaphore, #tpu.memory_space<semaphore_mem>>
      %dma_start3A = arith.constant 0 : i32
      %dma_start3A_14 = tpu.memref_slice %arg3[%mul3A_0, %dma_start3A] : memref<6272x128xi32, #tpu.memory_space<hbm>> -> memref<392x128xi32, #tpu.memory_space<hbm>>
      %dma_start3A_15 = arith.constant 0 : i32
      %dma_start3A_16 = tpu.memref_slice %arg3[%mul3A_0, %dma_start3A_15] : memref<6272x128xi32, #tpu.memory_space<hbm>> -> memref<392x128xi32, #tpu.memory_space<hbm>>
      tpu.enqueue_dma source(%dma_start3A_16 : memref<392x128xi32, #tpu.memory_space<hbm>>) target(%arg7 : memref<392x128xi32, #tpu.memory_space<vmem>>) target_semaphore(%run_scoped3A : memref<!tpu.dma_semaphore, #tpu.memory_space<semaphore_mem>>)
      %dma_wait3A = arith.constant 0 : i32
      %dma_wait3A_17 = tpu.memref_slice %arg3[%mul3A_0, %dma_wait3A] : memref<6272x128xi32, #tpu.memory_space<hbm>> -> memref<392x128xi32, #tpu.memory_space<hbm>>
      %dma_wait3A_18 = arith.constant 0 : i32
      %dma_wait3A_19 = tpu.memref_slice %arg3[%mul3A_0, %dma_wait3A_18] : memref<6272x128xi32, #tpu.memory_space<hbm>> -> memref<392x128xi32, #tpu.memory_space<hbm>>
      tpu.wait_dma2 semaphore(%run_scoped3A : memref<!tpu.dma_semaphore, #tpu.memory_space<semaphore_mem>>) src(%dma_wait3A_19 : memref<392x128xi32, #tpu.memory_space<hbm>>) dst(%arg7 : memref<392x128xi32, #tpu.memory_space<vmem>>)
      tpu.yield
    }) : () -> ()
    %mul3A_1 = arith.constant 392 : i32
    %mul3A_2 = arith.muli %arg1, %mul3A_1 : i32
    "tpu.region"() ({
      %run_scoped3A = tpu.sem_alloc : memref<!tpu.dma_semaphore, #tpu.memory_space<semaphore_mem>>
      %dma_start3A = arith.constant 0 : i32
      %dma_start3A_14 = tpu.memref_slice %arg4[%mul3A_2, %dma_start3A] : memref<6272x128xi32, #tpu.memory_space<hbm>> -> memref<392x128xi32, #tpu.memory_space<hbm>>
      %dma_start3A_15 = arith.constant 0 : i32
      %dma_start3A_16 = tpu.memref_slice %arg4[%mul3A_2, %dma_start3A_15] : memref<6272x128xi32, #tpu.memory_space<hbm>> -> memref<392x128xi32, #tpu.memory_space<hbm>>
      tpu.enqueue_dma source(%dma_start3A_16 : memref<392x128xi32, #tpu.memory_space<hbm>>) target(%arg8 : memref<392x128xi32, #tpu.memory_space<vmem>>) target_semaphore(%run_scoped3A : memref<!tpu.dma_semaphore, #tpu.memory_space<semaphore_mem>>)
      %dma_wait3A = arith.constant 0 : i32
      %dma_wait3A_17 = tpu.memref_slice %arg4[%mul3A_2, %dma_wait3A] : memref<6272x128xi32, #tpu.memory_space<hbm>> -> memref<392x128xi32, #tpu.memory_space<hbm>>
      %dma_wait3A_18 = arith.constant 0 : i32
      %dma_wait3A_19 = tpu.memref_slice %arg4[%mul3A_2, %dma_wait3A_18] : memref<6272x128xi32, #tpu.memory_space<hbm>> -> memref<392x128xi32, #tpu.memory_space<hbm>>
      tpu.wait_dma2 semaphore(%run_scoped3A : memref<!tpu.dma_semaphore, #tpu.memory_space<semaphore_mem>>) src(%dma_wait3A_19 : memref<392x128xi32, #tpu.memory_space<hbm>>) dst(%arg8 : memref<392x128xi32, #tpu.memory_space<vmem>>)
      tpu.yield
    }) : () -> ()
    %mul3A_3 = arith.constant 25000 : i32
    %mul3A_4 = arith.muli %arg0, %mul3A_3 : i32
    %scan3A = arith.constant 0 : i32
    %scan3A_5 = arith.constant 392 : i32
    %scan3A_6 = arith.addi %scan3A, %scan3A_5 : i32
    %scan3A_7 = arith.constant 1 : i32
    scf.for %scan3A_14 = %scan3A to %scan3A_6 step %scan3A_7  : i32 {
      %mul3A_15 = arith.constant 1 : i32
      %mul3A_16 = arith.muli %scan3A_14, %mul3A_15 : i32
      %add3A = arith.constant 0 : i32
      %add3A_17 = arith.addi %add3A, %mul3A_16 : i32
      %get3A = arith.index_cast %add3A_17 : i32 to index
      %get3A_18 = arith.constant 0 : index
      %get3A_19 = tpu.vector_load %arg8[%get3A, %get3A_18] {strides = array<i32>} : memref<392x128xi32, #tpu.memory_space<vmem>>, vector<1x16xi32>,
      %get3A_20 = vector.shape_cast %get3A_19 : vector<1x16xi32> to vector<16xi32>
      %sub3A = vector.broadcast %mul3A_4 : i32 to vector<16xi32>
      %sub3A_21 = arith.subi %get3A_20, %sub3A : vector<16xi32>
      %ge3A = arith.constant 0 : i32
      %ge3A_22 = vector.broadcast %ge3A : i32 to vector<16xi32>
      %ge3A_23 = arith.cmpi sge, %sub3A_21, %ge3A_22 : vector<16xi32>
      %lt3A = arith.constant 25000 : i32
      %lt3A_24 = vector.broadcast %lt3A : i32 to vector<16xi32>
      %lt3A_25 = arith.cmpi slt, %sub3A_21, %lt3A_24 : vector<16xi32>
      %and3A = arith.andi %ge3A_23, %lt3A_25 : vector<16xi1>
      %jit3A = arith.constant 25000 : i32
      %broadcast_in_dim3A = vector.broadcast %jit3A : i32 to vector<16xi32>
      %select_n3A = arith.select %and3A, %sub3A_21, %broadcast_in_dim3A : vector<16xi1>, vector<16xi32>
      %swap3A = arith.index_cast %add3A_17 : i32 to index
      %swap3A_26 = arith.constant 0 : index
      %swap3A_27 = tpu.vector_load %arg8[%swap3A, %swap3A_26] {strides = array<i32>} : memref<392x128xi32, #tpu.memory_space<vmem>>, vector<1x16xi32>,
      %swap3A_28 = vector.shape_cast %swap3A_27 : vector<1x16xi32> to vector<16xi32>
      %swap3A_29 = vector.shape_cast %select_n3A : vector<16xi32> to vector<1x16xi32>
      tpu.vector_store %arg8[%swap3A, %swap3A_26], %swap3A_29 {strides = array<i32>} : memref<392x128xi32, #tpu.memory_space<vmem>>, vector<1x16xi32>,
      %get3A_30 = arith.index_cast %add3A_17 : i32 to index
      %get3A_31 = arith.constant 16 : index
      %get3A_32 = tpu.vector_load %arg8[%get3A_30, %get3A_31] {strides = array<i32>} : memref<392x128xi32, #tpu.memory_space<vmem>>, vector<1x16xi32>,
      %get3A_33 = vector.shape_cast %get3A_32 : vector<1x16xi32> to vector<16xi32>
      %sub3A_34 = vector.broadcast %mul3A_4 : i32 to vector<16xi32>
      %sub3A_35 = arith.subi %get3A_33, %sub3A_34 : vector<16xi32>
      %ge3A_36 = arith.constant 0 : i32
      %ge3A_37 = vector.broadcast %ge3A_36 : i32 to vector<16xi32>
      %ge3A_38 = arith.cmpi sge, %sub3A_35, %ge3A_37 : vector<16xi32>
      %lt3A_39 = arith.constant 25000 : i32
      %lt3A_40 = vector.broadcast %lt3A_39 : i32 to vector<16xi32>
      %lt3A_41 = arith.cmpi slt, %sub3A_35, %lt3A_40 : vector<16xi32>
      %and3A_42 = arith.andi %ge3A_38, %lt3A_41 : vector<16xi1>
      %jit3A_43 = arith.constant 25000 : i32
      %broadcast_in_dim3A_44 = vector.broadcast %jit3A_43 : i32 to vector<16xi32>
      %select_n3A_45 = arith.select %and3A_42, %sub3A_35, %broadcast_in_dim3A_44 : vector<16xi1>, vector<16xi32>
      %swap3A_46 = arith.index_cast %add3A_17 : i32 to index
      %swap3A_47 = arith.constant 16 : index
      %swap3A_48 = tpu.vector_load %arg8[%swap3A_46, %swap3A_47] {strides = array<i32>} : memref<392x128xi32, #tpu.memory_space<vmem>>, vector<1x16xi32>,
      %swap3A_49 = vector.shape_cast %swap3A_48 : vector<1x16xi32> to vector<16xi32>
      %swap3A_50 = vector.shape_cast %select_n3A_45 : vector<16xi32> to vector<1x16xi32>
      tpu.vector_store %arg8[%swap3A_46, %swap3A_47], %swap3A_50 {strides = array<i32>} : memref<392x128xi32, #tpu.memory_space<vmem>>, vector<1x16xi32>,
      %get3A_51 = arith.index_cast %add3A_17 : i32 to index
      %get3A_52 = arith.constant 32 : index
      %get3A_53 = tpu.vector_load %arg8[%get3A_51, %get3A_52] {strides = array<i32>} : memref<392x128xi32, #tpu.memory_space<vmem>>, vector<1x16xi32>,
      %get3A_54 = vector.shape_cast %get3A_53 : vector<1x16xi32> to vector<16xi32>
      %sub3A_55 = vector.broadcast %mul3A_4 : i32 to vector<16xi32>
      %sub3A_56 = arith.subi %get3A_54, %sub3A_55 : vector<16xi32>
      %ge3A_57 = arith.constant 0 : i32
      %ge3A_58 = vector.broadcast %ge3A_57 : i32 to vector<16xi32>
      %ge3A_59 = arith.cmpi sge, %sub3A_56, %ge3A_58 : vector<16xi32>
      %lt3A_60 = arith.constant 25000 : i32
      %lt3A_61 = vector.broadcast %lt3A_60 : i32 to vector<16xi32>
      %lt3A_62 = arith.cmpi slt, %sub3A_56, %lt3A_61 : vector<16xi32>
      %and3A_63 = arith.andi %ge3A_59, %lt3A_62 : vector<16xi1>
      %jit3A_64 = arith.constant 25000 : i32
      %broadcast_in_dim3A_65 = vector.broadcast %jit3A_64 : i32 to vector<16xi32>
      %select_n3A_66 = arith.select %and3A_63, %sub3A_56, %broadcast_in_dim3A_65 : vector<16xi1>, vector<16xi32>
      %swap3A_67 = arith.index_cast %add3A_17 : i32 to index
      %swap3A_68 = arith.constant 32 : index
      %swap3A_69 = tpu.vector_load %arg8[%swap3A_67, %swap3A_68] {strides = array<i32>} : memref<392x128xi32, #tpu.memory_space<vmem>>, vector<1x16xi32>,
      %swap3A_70 = vector.shape_cast %swap3A_69 : vector<1x16xi32> to vector<16xi32>
      %swap3A_71 = vector.shape_cast %select_n3A_66 : vector<16xi32> to vector<1x16xi32>
      tpu.vector_store %arg8[%swap3A_67, %swap3A_68], %swap3A_71 {strides = array<i32>} : memref<392x128xi32, #tpu.memory_space<vmem>>, vector<1x16xi32>,
      %get3A_72 = arith.index_cast %add3A_17 : i32 to index
      %get3A_73 = arith.constant 48 : index
      %get3A_74 = tpu.vector_load %arg8[%get3A_72, %get3A_73] {strides = array<i32>} : memref<392x128xi32, #tpu.memory_space<vmem>>, vector<1x16xi32>,
      %get3A_75 = vector.shape_cast %get3A_74 : vector<1x16xi32> to vector<16xi32>
      %sub3A_76 = vector.broadcast %mul3A_4 : i32 to vector<16xi32>
      %sub3A_77 = arith.subi %get3A_75, %sub3A_76 : vector<16xi32>
      %ge3A_78 = arith.constant 0 : i32
      %ge3A_79 = vector.broadcast %ge3A_78 : i32 to vector<16xi32>
      %ge3A_80 = arith.cmpi sge, %sub3A_77, %ge3A_79 : vector<16xi32>
      %lt3A_81 = arith.constant 25000 : i32
      %lt3A_82 = vector.broadcast %lt3A_81 : i32 to vector<16xi32>
      %lt3A_83 = arith.cmpi slt, %sub3A_77, %lt3A_82 : vector<16xi32>
      %and3A_84 = arith.andi %ge3A_80, %lt3A_83 : vector<16xi1>
      %jit3A_85 = arith.constant 25000 : i32
      %broadcast_in_dim3A_86 = vector.broadcast %jit3A_85 : i32 to vector<16xi32>
      %select_n3A_87 = arith.select %and3A_84, %sub3A_77, %broadcast_in_dim3A_86 : vector<16xi1>, vector<16xi32>
      %swap3A_88 = arith.index_cast %add3A_17 : i32 to index
      %swap3A_89 = arith.constant 48 : index
      %swap3A_90 = tpu.vector_load %arg8[%swap3A_88, %swap3A_89] {strides = array<i32>} : memref<392x128xi32, #tpu.memory_space<vmem>>, vector<1x16xi32>,
      %swap3A_91 = vector.shape_cast %swap3A_90 : vector<1x16xi32> to vector<16xi32>
      %swap3A_92 = vector.shape_cast %select_n3A_87 : vector<16xi32> to vector<1x16xi32>
      tpu.vector_store %arg8[%swap3A_88, %swap3A_89], %swap3A_92 {strides = array<i32>} : memref<392x128xi32, #tpu.memory_space<vmem>>, vector<1x16xi32>,
      %get3A_93 = arith.index_cast %add3A_17 : i32 to index
      %get3A_94 = arith.constant 64 : index
      %get3A_95 = tpu.vector_load %arg8[%get3A_93, %get3A_94] {strides = array<i32>} : memref<392x128xi32, #tpu.memory_space<vmem>>, vector<1x16xi32>,
      %get3A_96 = vector.shape_cast %get3A_95 : vector<1x16xi32> to vector<16xi32>
      %sub3A_97 = vector.broadcast %mul3A_4 : i32 to vector<16xi32>
      %sub3A_98 = arith.subi %get3A_96, %sub3A_97 : vector<16xi32>
      %ge3A_99 = arith.constant 0 : i32
      %ge3A_100 = vector.broadcast %ge3A_99 : i32 to vector<16xi32>
      %ge3A_101 = arith.cmpi sge, %sub3A_98, %ge3A_100 : vector<16xi32>
      %lt3A_102 = arith.constant 25000 : i32
      %lt3A_103 = vector.broadcast %lt3A_102 : i32 to vector<16xi32>
      %lt3A_104 = arith.cmpi slt, %sub3A_98, %lt3A_103 : vector<16xi32>
      %and3A_105 = arith.andi %ge3A_101, %lt3A_104 : vector<16xi1>
      %jit3A_106 = arith.constant 25000 : i32
      %broadcast_in_dim3A_107 = vector.broadcast %jit3A_106 : i32 to vector<16xi32>
      %select_n3A_108 = arith.select %and3A_105, %sub3A_98, %broadcast_in_dim3A_107 : vector<16xi1>, vector<16xi32>
      %swap3A_109 = arith.index_cast %add3A_17 : i32 to index
      %swap3A_110 = arith.constant 64 : index
      %swap3A_111 = tpu.vector_load %arg8[%swap3A_109, %swap3A_110] {strides = array<i32>} : memref<392x128xi32, #tpu.memory_space<vmem>>, vector<1x16xi32>,
      %swap3A_112 = vector.shape_cast %swap3A_111 : vector<1x16xi32> to vector<16xi32>
      %swap3A_113 = vector.shape_cast %select_n3A_108 : vector<16xi32> to vector<1x16xi32>
      tpu.vector_store %arg8[%swap3A_109, %swap3A_110], %swap3A_113 {strides = array<i32>} : memref<392x128xi32, #tpu.memory_space<vmem>>, vector<1x16xi32>,
      %get3A_114 = arith.index_cast %add3A_17 : i32 to index
      %get3A_115 = arith.constant 80 : index
      %get3A_116 = tpu.vector_load %arg8[%get3A_114, %get3A_115] {strides = array<i32>} : memref<392x128xi32, #tpu.memory_space<vmem>>, vector<1x16xi32>,
      %get3A_117 = vector.shape_cast %get3A_116 : vector<1x16xi32> to vector<16xi32>
      %sub3A_118 = vector.broadcast %mul3A_4 : i32 to vector<16xi32>
      %sub3A_119 = arith.subi %get3A_117, %sub3A_118 : vector<16xi32>
      %ge3A_120 = arith.constant 0 : i32
      %ge3A_121 = vector.broadcast %ge3A_120 : i32 to vector<16xi32>
      %ge3A_122 = arith.cmpi sge, %sub3A_119, %ge3A_121 : vector<16xi32>
      %lt3A_123 = arith.constant 25000 : i32
      %lt3A_124 = vector.broadcast %lt3A_123 : i32 to vector<16xi32>
      %lt3A_125 = arith.cmpi slt, %sub3A_119, %lt3A_124 : vector<16xi32>
      %and3A_126 = arith.andi %ge3A_122, %lt3A_125 : vector<16xi1>
      %jit3A_127 = arith.constant 25000 : i32
      %broadcast_in_dim3A_128 = vector.broadcast %jit3A_127 : i32 to vector<16xi32>
      %select_n3A_129 = arith.select %and3A_126, %sub3A_119, %broadcast_in_dim3A_128 : vector<16xi1>, vector<16xi32>
      %swap3A_130 = arith.index_cast %add3A_17 : i32 to index
      %swap3A_131 = arith.constant 80 : index
      %swap3A_132 = tpu.vector_load %arg8[%swap3A_130, %swap3A_131] {strides = array<i32>} : memref<392x128xi32, #tpu.memory_space<vmem>>, vector<1x16xi32>,
      %swap3A_133 = vector.shape_cast %swap3A_132 : vector<1x16xi32> to vector<16xi32>
      %swap3A_134 = vector.shape_cast %select_n3A_129 : vector<16xi32> to vector<1x16xi32>
      tpu.vector_store %arg8[%swap3A_130, %swap3A_131], %swap3A_134 {strides = array<i32>} : memref<392x128xi32, #tpu.memory_space<vmem>>, vector<1x16xi32>,
      %get3A_135 = arith.index_cast %add3A_17 : i32 to index
      %get3A_136 = arith.constant 96 : index
      %get3A_137 = tpu.vector_load %arg8[%get3A_135, %get3A_136] {strides = array<i32>} : memref<392x128xi32, #tpu.memory_space<vmem>>, vector<1x16xi32>,
      %get3A_138 = vector.shape_cast %get3A_137 : vector<1x16xi32> to vector<16xi32>
      %sub3A_139 = vector.broadcast %mul3A_4 : i32 to vector<16xi32>
      %sub3A_140 = arith.subi %get3A_138, %sub3A_139 : vector<16xi32>
      %ge3A_141 = arith.constant 0 : i32
      %ge3A_142 = vector.broadcast %ge3A_141 : i32 to vector<16xi32>
      %ge3A_143 = arith.cmpi sge, %sub3A_140, %ge3A_142 : vector<16xi32>
      %lt3A_144 = arith.constant 25000 : i32
      %lt3A_145 = vector.broadcast %lt3A_144 : i32 to vector<16xi32>
      %lt3A_146 = arith.cmpi slt, %sub3A_140, %lt3A_145 : vector<16xi32>
      %and3A_147 = arith.andi %ge3A_143, %lt3A_146 : vector<16xi1>
      %jit3A_148 = arith.constant 25000 : i32
      %broadcast_in_dim3A_149 = vector.broadcast %jit3A_148 : i32 to vector<16xi32>
      %select_n3A_150 = arith.select %and3A_147, %sub3A_140, %broadcast_in_dim3A_149 : vector<16xi1>, vector<16xi32>
      %swap3A_151 = arith.index_cast %add3A_17 : i32 to index
      %swap3A_152 = arith.constant 96 : index
      %swap3A_153 = tpu.vector_load %arg8[%swap3A_151, %swap3A_152] {strides = array<i32>} : memref<392x128xi32, #tpu.memory_space<vmem>>, vector<1x16xi32>,
      %swap3A_154 = vector.shape_cast %swap3A_153 : vector<1x16xi32> to vector<16xi32>
      %swap3A_155 = vector.shape_cast %select_n3A_150 : vector<16xi32> to vector<1x16xi32>
      tpu.vector_store %arg8[%swap3A_151, %swap3A_152], %swap3A_155 {strides = array<i32>} : memref<392x128xi32, #tpu.memory_space<vmem>>, vector<1x16xi32>,
      %get3A_156 = arith.index_cast %add3A_17 : i32 to index
      %get3A_157 = arith.constant 112 : index
      %get3A_158 = tpu.vector_load %arg8[%get3A_156, %get3A_157] {strides = array<i32>} : memref<392x128xi32, #tpu.memory_space<vmem>>, vector<1x16xi32>,
      %get3A_159 = vector.shape_cast %get3A_158 : vector<1x16xi32> to vector<16xi32>
      %sub3A_160 = vector.broadcast %mul3A_4 : i32 to vector<16xi32>
      %sub3A_161 = arith.subi %get3A_159, %sub3A_160 : vector<16xi32>
      %ge3A_162 = arith.constant 0 : i32
      %ge3A_163 = vector.broadcast %ge3A_162 : i32 to vector<16xi32>
      %ge3A_164 = arith.cmpi sge, %sub3A_161, %ge3A_163 : vector<16xi32>
      %lt3A_165 = arith.constant 25000 : i32
      %lt3A_166 = vector.broadcast %lt3A_165 : i32 to vector<16xi32>
      %lt3A_167 = arith.cmpi slt, %sub3A_161, %lt3A_166 : vector<16xi32>
      %and3A_168 = arith.andi %ge3A_164, %lt3A_167 : vector<16xi1>
      %jit3A_169 = arith.constant 25000 : i32
      %broadcast_in_dim3A_170 = vector.broadcast %jit3A_169 : i32 to vector<16xi32>
      %select_n3A_171 = arith.select %and3A_168, %sub3A_161, %broadcast_in_dim3A_170 : vector<16xi1>, vector<16xi32>
      %swap3A_172 = arith.index_cast %add3A_17 : i32 to index
      %swap3A_173 = arith.constant 112 : index
      %swap3A_174 = tpu.vector_load %arg8[%swap3A_172, %swap3A_173] {strides = array<i32>} : memref<392x128xi32, #tpu.memory_space<vmem>>, vector<1x16xi32>,
      %swap3A_175 = vector.shape_cast %swap3A_174 : vector<1x16xi32> to vector<16xi32>
      %swap3A_176 = vector.shape_cast %select_n3A_171 : vector<16xi32> to vector<1x16xi32>
      tpu.vector_store %arg8[%swap3A_172, %swap3A_173], %swap3A_176 {strides = array<i32>} : memref<392x128xi32, #tpu.memory_space<vmem>>, vector<1x16xi32>,
    }
    %scan3A_8 = arith.constant 392 : i32
    %scan3A_9 = arith.constant 0 : i32
    %scan3A_10 = arith.constant 16 : i32
    %scan3A_11 = arith.addi %scan3A_9, %scan3A_10 : i32
    %scan3A_12 = arith.constant 1 : i32
    scf.for %scan3A_14 = %scan3A_9 to %scan3A_11 step %scan3A_12  : i32 {
      %mul3A_15 = arith.constant 1 : i32
      %mul3A_16 = arith.muli %scan3A_14, %mul3A_15 : i32
      %add3A = arith.constant 0 : i32
      %add3A_17 = arith.addi %add3A, %mul3A_16 : i32
      %mul3A_18 = arith.constant 1563 : i32
      %mul3A_19 = arith.muli %arg1, %mul3A_18 : i32
      "tpu.region"() ({
        %run_scoped3A = tpu.sem_alloc : memref<!tpu.dma_semaphore, #tpu.memory_space<semaphore_mem>>
        %dma_start3A = arith.constant 0 : i32
        %dma_start3A_29 = tpu.memref_slice %arg10[%mul3A_19, %dma_start3A] : memref<25008x8xf32, #tpu.memory_space<vmem_shared>> -> memref<1563x8xf32, #tpu.memory_space<vmem_shared>>
        %dma_start3A_30 = arith.constant 0 : i32
        %dma_start3A_31 = arith.constant 0 : i32
        %dma_start3A_32 = tpu.memref_slice %arg5[%dma_start3A_30, %dma_start3A_31] : memref<3200x8xf32, #tpu.memory_space<hbm>> -> memref<1563x8xf32, #tpu.memory_space<hbm>>
        tpu.enqueue_dma source(%dma_start3A_32 : memref<1563x8xf32, #tpu.memory_space<hbm>>) target(%dma_start3A_29 : memref<1563x8xf32, #tpu.memory_space<vmem_shared>>) target_semaphore(%run_scoped3A : memref<!tpu.dma_semaphore, #tpu.memory_space<semaphore_mem>>)
        %dma_wait3A = arith.constant 0 : i32
        %dma_wait3A_33 = tpu.memref_slice %arg10[%mul3A_19, %dma_wait3A] : memref<25008x8xf32, #tpu.memory_space<vmem_shared>> -> memref<1563x8xf32, #tpu.memory_space<vmem_shared>>
        %dma_wait3A_34 = arith.constant 0 : i32
        %dma_wait3A_35 = arith.constant 0 : i32
        %dma_wait3A_36 = tpu.memref_slice %arg5[%dma_wait3A_34, %dma_wait3A_35] : memref<3200x8xf32, #tpu.memory_space<hbm>> -> memref<1563x8xf32, #tpu.memory_space<hbm>>
        tpu.wait_dma2 semaphore(%run_scoped3A : memref<!tpu.dma_semaphore, #tpu.memory_space<semaphore_mem>>) src(%dma_wait3A_36 : memref<1563x8xf32, #tpu.memory_space<hbm>>) dst(%dma_wait3A_33 : memref<1563x8xf32, #tpu.memory_space<vmem_shared>>)
        tpu.yield
      }) : () -> ()
      %barrier3A = arith.constant 0 : index
      tpu.barrier barrier_id(%barrier3A)
      %scan3A_20 = arith.constant 0 : i32
      %scan3A_21 = arith.constant 49 : i32
      %scan3A_22 = arith.addi %scan3A_20, %scan3A_21 : i32
      %scan3A_23 = arith.constant 1 : i32
      scf.for %scan3A_29 = %scan3A_20 to %scan3A_22 step %scan3A_23  : i32 {
        %mul3A_30 = arith.constant 1 : i32
        %mul3A_31 = arith.muli %scan3A_29, %mul3A_30 : i32
        %add3A_32 = arith.constant 0 : i32
        %add3A_33 = arith.addi %add3A_32, %mul3A_31 : i32
        %mul3A_34 = arith.constant 8 : i32
        %mul3A_35 = arith.muli %add3A_33, %mul3A_34 : i32
        %add3A_36 = arith.constant 0 : i32
        %add3A_37 = arith.addi %mul3A_35, %add3A_36 : i32
        %dma_start3A = arith.constant 0 : i32
        %dma_start3A_38 = arith.constant 0 : i32
        %dma_start3A_39 = arith.constant 0 : i32
        %dma_start3A_40 = arith.constant 0 : i32
        %dma_start3A_41 = tpu.memref_slice %arg9[%dma_start3A, %dma_start3A_39, %dma_start3A_40] : memref<8x128x8xf32, #tpu.memory_space<vmem>> -> memref<1x128x8xf32, #tpu.memory_space<vmem>>
        %dma_start3A_42 = tpu.memref_squeeze %dma_start3A_41 : memref<1x128x8xf32, #tpu.memory_space<vmem>> -> memref<128x8xf32, #tpu.memory_space<vmem>>
        %dma_start3A_43 = arith.constant 0 : i32
        %dma_start3A_44 = tpu.memref_slice %arg7[%add3A_37, %dma_start3A_43] : memref<392x128xi32, #tpu.memory_space<vmem>> -> memref<1x128xi32, #tpu.memory_space<vmem>>
        %dma_start3A_45 = tpu.memref_squeeze %dma_start3A_44 : memref<1x128xi32, #tpu.memory_space<vmem>> -> memref<128xi32, #tpu.memory_space<vmem>>
        %dma_start3A_46 = arith.constant 0 : i32
        %dma_start3A_47 = arith.constant 0 : i32
        %dma_start3A_48 = tpu.memref_slice %arg2[%add3A_17, %dma_start3A_46, %dma_start3A_47] : memref<16x53248x8xf32, #tpu.memory_space<hbm>> -> memref<1x53248x8xf32, #tpu.memory_space<hbm>>
        %dma_start3A_49 = tpu.memref_squeeze %dma_start3A_48 : memref<1x53248x8xf32, #tpu.memory_space<hbm>> -> memref<53248x8xf32, #tpu.memory_space<hbm>>
        %dma_start3A_50 = arith.constant 0 : i32
        %dma_start3A_51 = arith.constant 0 : i32
        %dma_start3A_52 = tpu.memref_slice %dma_start3A_49[%dma_start3A_50, %dma_start3A_51] : memref<53248x8xf32, #tpu.memory_space<hbm>> -> memref<53248x8xf32, #tpu.memory_space<hbm>>
        %dma_start3A_53 = tpu.memref_slice %arg11[%dma_start3A_38] : memref<8x!tpu.dma_semaphore, #tpu.memory_space<semaphore_mem>> -> memref<1x!tpu.dma_semaphore, #tpu.memory_space<semaphore_mem>>
        %dma_start3A_54 = tpu.memref_squeeze %dma_start3A_53 : memref<1x!tpu.dma_semaphore, #tpu.memory_space<semaphore_mem>> -> memref<!tpu.dma_semaphore, #tpu.memory_space<semaphore_mem>>
        tpu.enqueue_indirect_dma source(%dma_start3A_52 : memref<53248x8xf32, #tpu.memory_space<hbm>>) target(%dma_start3A_42 : memref<128x8xf32, #tpu.memory_space<vmem>>) offsets(%dma_start3A_45 : memref<128xi32, #tpu.memory_space<vmem>>) semaphore(%dma_start3A_54 : memref<!tpu.dma_semaphore, #tpu.memory_space<semaphore_mem>>)
        %add3A_55 = arith.constant 1 : i32
        %add3A_56 = arith.addi %mul3A_35, %add3A_55 : i32
        %dma_start3A_57 = arith.constant 1 : i32
        %dma_start3A_58 = arith.constant 1 : i32
        %dma_start3A_59 = arith.constant 0 : i32
        %dma_start3A_60 = arith.constant 0 : i32
        %dma_start3A_61 = tpu.memref_slice %arg9[%dma_start3A_57, %dma_start3A_59, %dma_start3A_60] : memref<8x128x8xf32, #tpu.memory_space<vmem>> -> memref<1x128x8xf32, #tpu.memory_space<vmem>>
        %dma_start3A_62 = tpu.memref_squeeze %dma_start3A_61 : memref<1x128x8xf32, #tpu.memory_space<vmem>> -> memref<128x8xf32, #tpu.memory_space<vmem>>
        %dma_start3A_63 = arith.constant 0 : i32
        %dma_start3A_64 = tpu.memref_slice %arg7[%add3A_56, %dma_start3A_63] : memref<392x128xi32, #tpu.memory_space<vmem>> -> memref<1x128xi32, #tpu.memory_space<vmem>>
        %dma_start3A_65 = tpu.memref_squeeze %dma_start3A_64 : memref<1x128xi32, #tpu.memory_space<vmem>> -> memref<128xi32, #tpu.memory_space<vmem>>
        %dma_start3A_66 = arith.constant 0 : i32
        %dma_start3A_67 = arith.constant 0 : i32
        %dma_start3A_68 = tpu.memref_slice %arg2[%add3A_17, %dma_start3A_66, %dma_start3A_67] : memref<16x53248x8xf32, #tpu.memory_space<hbm>> -> memref<1x53248x8xf32, #tpu.memory_space<hbm>>
        %dma_start3A_69 = tpu.memref_squeeze %dma_start3A_68 : memref<1x53248x8xf32, #tpu.memory_space<hbm>> -> memref<53248x8xf32, #tpu.memory_space<hbm>>
        %dma_start3A_70 = arith.constant 0 : i32
        %dma_start3A_71 = arith.constant 0 : i32
        %dma_start3A_72 = tpu.memref_slice %dma_start3A_69[%dma_start3A_70, %dma_start3A_71] : memref<53248x8xf32, #tpu.memory_space<hbm>> -> memref<53248x8xf32, #tpu.memory_space<hbm>>
        %dma_start3A_73 = tpu.memref_slice %arg11[%dma_start3A_58] : memref<8x!tpu.dma_semaphore, #tpu.memory_space<semaphore_mem>> -> memref<1x!tpu.dma_semaphore, #tpu.memory_space<semaphore_mem>>
        %dma_start3A_74 = tpu.memref_squeeze %dma_start3A_73 : memref<1x!tpu.dma_semaphore, #tpu.memory_space<semaphore_mem>> -> memref<!tpu.dma_semaphore, #tpu.memory_space<semaphore_mem>>
        tpu.enqueue_indirect_dma source(%dma_start3A_72 : memref<53248x8xf32, #tpu.memory_space<hbm>>) target(%dma_start3A_62 : memref<128x8xf32, #tpu.memory_space<vmem>>) offsets(%dma_start3A_65 : memref<128xi32, #tpu.memory_space<vmem>>) semaphore(%dma_start3A_74 : memref<!tpu.dma_semaphore, #tpu.memory_space<semaphore_mem>>)
        %add3A_75 = arith.constant 2 : i32
        %add3A_76 = arith.addi %mul3A_35, %add3A_75 : i32
        %dma_start3A_77 = arith.constant 2 : i32
        %dma_start3A_78 = arith.constant 2 : i32
        %dma_start3A_79 = arith.constant 0 : i32
        %dma_start3A_80 = arith.constant 0 : i32
        %dma_start3A_81 = tpu.memref_slice %arg9[%dma_start3A_77, %dma_start3A_79, %dma_start3A_80] : memref<8x128x8xf32, #tpu.memory_space<vmem>> -> memref<1x128x8xf32, #tpu.memory_space<vmem>>
        %dma_start3A_82 = tpu.memref_squeeze %dma_start3A_81 : memref<1x128x8xf32, #tpu.memory_space<vmem>> -> memref<128x8xf32, #tpu.memory_space<vmem>>
        %dma_start3A_83 = arith.constant 0 : i32
        %dma_start3A_84 = tpu.memref_slice %arg7[%add3A_76, %dma_start3A_83] : memref<392x128xi32, #tpu.memory_space<vmem>> -> memref<1x128xi32, #tpu.memory_space<vmem>>
        %dma_start3A_85 = tpu.memref_squeeze %dma_start3A_84 : memref<1x128xi32, #tpu.memory_space<vmem>> -> memref<128xi32, #tpu.memory_space<vmem>>
        %dma_start3A_86 = arith.constant 0 : i32
        %dma_start3A_87 = arith.constant 0 : i32
        %dma_start3A_88 = tpu.memref_slice %arg2[%add3A_17, %dma_start3A_86, %dma_start3A_87] : memref<16x53248x8xf32, #tpu.memory_space<hbm>> -> memref<1x53248x8xf32, #tpu.memory_space<hbm>>
        %dma_start3A_89 = tpu.memref_squeeze %dma_start3A_88 : memref<1x53248x8xf32, #tpu.memory_space<hbm>> -> memref<53248x8xf32, #tpu.memory_space<hbm>>
        %dma_start3A_90 = arith.constant 0 : i32
        %dma_start3A_91 = arith.constant 0 : i32
        %dma_start3A_92 = tpu.memref_slice %dma_start3A_89[%dma_start3A_90, %dma_start3A_91] : memref<53248x8xf32, #tpu.memory_space<hbm>> -> memref<53248x8xf32, #tpu.memory_space<hbm>>
        %dma_start3A_93 = tpu.memref_slice %arg11[%dma_start3A_78] : memref<8x!tpu.dma_semaphore, #tpu.memory_space<semaphore_mem>> -> memref<1x!tpu.dma_semaphore, #tpu.memory_space<semaphore_mem>>
        %dma_start3A_94 = tpu.memref_squeeze %dma_start3A_93 : memref<1x!tpu.dma_semaphore, #tpu.memory_space<semaphore_mem>> -> memref<!tpu.dma_semaphore, #tpu.memory_space<semaphore_mem>>
        tpu.enqueue_indirect_dma source(%dma_start3A_92 : memref<53248x8xf32, #tpu.memory_space<hbm>>) target(%dma_start3A_82 : memref<128x8xf32, #tpu.memory_space<vmem>>) offsets(%dma_start3A_85 : memref<128xi32, #tpu.memory_space<vmem>>) semaphore(%dma_start3A_94 : memref<!tpu.dma_semaphore, #tpu.memory_space<semaphore_mem>>)
        %add3A_95 = arith.constant 3 : i32
        %add3A_96 = arith.addi %mul3A_35, %add3A_95 : i32
        %dma_start3A_97 = arith.constant 3 : i32
        %dma_start3A_98 = arith.constant 3 : i32
        %dma_start3A_99 = arith.constant 0 : i32
        %dma_start3A_100 = arith.constant 0 : i32
        %dma_start3A_101 = tpu.memref_slice %arg9[%dma_start3A_97, %dma_start3A_99, %dma_start3A_100] : memref<8x128x8xf32, #tpu.memory_space<vmem>> -> memref<1x128x8xf32, #tpu.memory_space<vmem>>
        %dma_start3A_102 = tpu.memref_squeeze %dma_start3A_101 : memref<1x128x8xf32, #tpu.memory_space<vmem>> -> memref<128x8xf32, #tpu.memory_space<vmem>>
        %dma_start3A_103 = arith.constant 0 : i32
        %dma_start3A_104 = tpu.memref_slice %arg7[%add3A_96, %dma_start3A_103] : memref<392x128xi32, #tpu.memory_space<vmem>> -> memref<1x128xi32, #tpu.memory_space<vmem>>
        %dma_start3A_105 = tpu.memref_squeeze %dma_start3A_104 : memref<1x128xi32, #tpu.memory_space<vmem>> -> memref<128xi32, #tpu.memory_space<vmem>>
        %dma_start3A_106 = arith.constant 0 : i32
        %dma_start3A_107 = arith.constant 0 : i32
        %dma_start3A_108 = tpu.memref_slice %arg2[%add3A_17, %dma_start3A_106, %dma_start3A_107] : memref<16x53248x8xf32, #tpu.memory_space<hbm>> -> memref<1x53248x8xf32, #tpu.memory_space<hbm>>
        %dma_start3A_109 = tpu.memref_squeeze %dma_start3A_108 : memref<1x53248x8xf32, #tpu.memory_space<hbm>> -> memref<53248x8xf32, #tpu.memory_space<hbm>>
        %dma_start3A_110 = arith.constant 0 : i32
        %dma_start3A_111 = arith.constant 0 : i32
        %dma_start3A_112 = tpu.memref_slice %dma_start3A_109[%dma_start3A_110, %dma_start3A_111] : memref<53248x8xf32, #tpu.memory_space<hbm>> -> memref<53248x8xf32, #tpu.memory_space<hbm>>
        %dma_start3A_113 = tpu.memref_slice %arg11[%dma_start3A_98] : memref<8x!tpu.dma_semaphore, #tpu.memory_space<semaphore_mem>> -> memref<1x!tpu.dma_semaphore, #tpu.memory_space<semaphore_mem>>
        %dma_start3A_114 = tpu.memref_squeeze %dma_start3A_113 : memref<1x!tpu.dma_semaphore, #tpu.memory_space<semaphore_mem>> -> memref<!tpu.dma_semaphore, #tpu.memory_space<semaphore_mem>>
        tpu.enqueue_indirect_dma source(%dma_start3A_112 : memref<53248x8xf32, #tpu.memory_space<hbm>>) target(%dma_start3A_102 : memref<128x8xf32, #tpu.memory_space<vmem>>) offsets(%dma_start3A_105 : memref<128xi32, #tpu.memory_space<vmem>>) semaphore(%dma_start3A_114 : memref<!tpu.dma_semaphore, #tpu.memory_space<semaphore_mem>>)
        %add3A_115 = arith.constant 4 : i32
        %add3A_116 = arith.addi %mul3A_35, %add3A_115 : i32
        %dma_start3A_117 = arith.constant 4 : i32
        %dma_start3A_118 = arith.constant 4 : i32
        %dma_start3A_119 = arith.constant 0 : i32
        %dma_start3A_120 = arith.constant 0 : i32
        %dma_start3A_121 = tpu.memref_slice %arg9[%dma_start3A_117, %dma_start3A_119, %dma_start3A_120] : memref<8x128x8xf32, #tpu.memory_space<vmem>> -> memref<1x128x8xf32, #tpu.memory_space<vmem>>
        %dma_start3A_122 = tpu.memref_squeeze %dma_start3A_121 : memref<1x128x8xf32, #tpu.memory_space<vmem>> -> memref<128x8xf32, #tpu.memory_space<vmem>>
        %dma_start3A_123 = arith.constant 0 : i32
        %dma_start3A_124 = tpu.memref_slice %arg7[%add3A_116, %dma_start3A_123] : memref<392x128xi32, #tpu.memory_space<vmem>> -> memref<1x128xi32, #tpu.memory_space<vmem>>
        %dma_start3A_125 = tpu.memref_squeeze %dma_start3A_124 : memref<1x128xi32, #tpu.memory_space<vmem>> -> memref<128xi32, #tpu.memory_space<vmem>>
        %dma_start3A_126 = arith.constant 0 : i32
        %dma_start3A_127 = arith.constant 0 : i32
        %dma_start3A_128 = tpu.memref_slice %arg2[%add3A_17, %dma_start3A_126, %dma_start3A_127] : memref<16x53248x8xf32, #tpu.memory_space<hbm>> -> memref<1x53248x8xf32, #tpu.memory_space<hbm>>
        %dma_start3A_129 = tpu.memref_squeeze %dma_start3A_128 : memref<1x53248x8xf32, #tpu.memory_space<hbm>> -> memref<53248x8xf32, #tpu.memory_space<hbm>>
        %dma_start3A_130 = arith.constant 0 : i32
        %dma_start3A_131 = arith.constant 0 : i32
        %dma_start3A_132 = tpu.memref_slice %dma_start3A_129[%dma_start3A_130, %dma_start3A_131] : memref<53248x8xf32, #tpu.memory_space<hbm>> -> memref<53248x8xf32, #tpu.memory_space<hbm>>
        %dma_start3A_133 = tpu.memref_slice %arg11[%dma_start3A_118] : memref<8x!tpu.dma_semaphore, #tpu.memory_space<semaphore_mem>> -> memref<1x!tpu.dma_semaphore, #tpu.memory_space<semaphore_mem>>
        %dma_start3A_134 = tpu.memref_squeeze %dma_start3A_133 : memref<1x!tpu.dma_semaphore, #tpu.memory_space<semaphore_mem>> -> memref<!tpu.dma_semaphore, #tpu.memory_space<semaphore_mem>>
        tpu.enqueue_indirect_dma source(%dma_start3A_132 : memref<53248x8xf32, #tpu.memory_space<hbm>>) target(%dma_start3A_122 : memref<128x8xf32, #tpu.memory_space<vmem>>) offsets(%dma_start3A_125 : memref<128xi32, #tpu.memory_space<vmem>>) semaphore(%dma_start3A_134 : memref<!tpu.dma_semaphore, #tpu.memory_space<semaphore_mem>>)
        %add3A_135 = arith.constant 5 : i32
        %add3A_136 = arith.addi %mul3A_35, %add3A_135 : i32
        %dma_start3A_137 = arith.constant 5 : i32
        %dma_start3A_138 = arith.constant 5 : i32
        %dma_start3A_139 = arith.constant 0 : i32
        %dma_start3A_140 = arith.constant 0 : i32
        %dma_start3A_141 = tpu.memref_slice %arg9[%dma_start3A_137, %dma_start3A_139, %dma_start3A_140] : memref<8x128x8xf32, #tpu.memory_space<vmem>> -> memref<1x128x8xf32, #tpu.memory_space<vmem>>
        %dma_start3A_142 = tpu.memref_squeeze %dma_start3A_141 : memref<1x128x8xf32, #tpu.memory_space<vmem>> -> memref<128x8xf32, #tpu.memory_space<vmem>>
        %dma_start3A_143 = arith.constant 0 : i32
        %dma_start3A_144 = tpu.memref_slice %arg7[%add3A_136, %dma_start3A_143] : memref<392x128xi32, #tpu.memory_space<vmem>> -> memref<1x128xi32, #tpu.memory_space<vmem>>
        %dma_start3A_145 = tpu.memref_squeeze %dma_start3A_144 : memref<1x128xi32, #tpu.memory_space<vmem>> -> memref<128xi32, #tpu.memory_space<vmem>>
        %dma_start3A_146 = arith.constant 0 : i32
        %dma_start3A_147 = arith.constant 0 : i32
        %dma_start3A_148 = tpu.memref_slice %arg2[%add3A_17, %dma_start3A_146, %dma_start3A_147] : memref<16x53248x8xf32, #tpu.memory_space<hbm>> -> memref<1x53248x8xf32, #tpu.memory_space<hbm>>
        %dma_start3A_149 = tpu.memref_squeeze %dma_start3A_148 : memref<1x53248x8xf32, #tpu.memory_space<hbm>> -> memref<53248x8xf32, #tpu.memory_space<hbm>>
        %dma_start3A_150 = arith.constant 0 : i32
        %dma_start3A_151 = arith.constant 0 : i32
        %dma_start3A_152 = tpu.memref_slice %dma_start3A_149[%dma_start3A_150, %dma_start3A_151] : memref<53248x8xf32, #tpu.memory_space<hbm>> -> memref<53248x8xf32, #tpu.memory_space<hbm>>
        %dma_start3A_153 = tpu.memref_slice %arg11[%dma_start3A_138] : memref<8x!tpu.dma_semaphore, #tpu.memory_space<semaphore_mem>> -> memref<1x!tpu.dma_semaphore, #tpu.memory_space<semaphore_mem>>
        %dma_start3A_154 = tpu.memref_squeeze %dma_start3A_153 : memref<1x!tpu.dma_semaphore, #tpu.memory_space<semaphore_mem>> -> memref<!tpu.dma_semaphore, #tpu.memory_space<semaphore_mem>>
        tpu.enqueue_indirect_dma source(%dma_start3A_152 : memref<53248x8xf32, #tpu.memory_space<hbm>>) target(%dma_start3A_142 : memref<128x8xf32, #tpu.memory_space<vmem>>) offsets(%dma_start3A_145 : memref<128xi32, #tpu.memory_space<vmem>>) semaphore(%dma_start3A_154 : memref<!tpu.dma_semaphore, #tpu.memory_space<semaphore_mem>>)
        %add3A_155 = arith.constant 6 : i32
        %add3A_156 = arith.addi %mul3A_35, %add3A_155 : i32
        %dma_start3A_157 = arith.constant 6 : i32
        %dma_start3A_158 = arith.constant 6 : i32
        %dma_start3A_159 = arith.constant 0 : i32
        %dma_start3A_160 = arith.constant 0 : i32
        %dma_start3A_161 = tpu.memref_slice %arg9[%dma_start3A_157, %dma_start3A_159, %dma_start3A_160] : memref<8x128x8xf32, #tpu.memory_space<vmem>> -> memref<1x128x8xf32, #tpu.memory_space<vmem>>
        %dma_start3A_162 = tpu.memref_squeeze %dma_start3A_161 : memref<1x128x8xf32, #tpu.memory_space<vmem>> -> memref<128x8xf32, #tpu.memory_space<vmem>>
        %dma_start3A_163 = arith.constant 0 : i32
        %dma_start3A_164 = tpu.memref_slice %arg7[%add3A_156, %dma_start3A_163] : memref<392x128xi32, #tpu.memory_space<vmem>> -> memref<1x128xi32, #tpu.memory_space<vmem>>
        %dma_start3A_165 = tpu.memref_squeeze %dma_start3A_164 : memref<1x128xi32, #tpu.memory_space<vmem>> -> memref<128xi32, #tpu.memory_space<vmem>>
        %dma_start3A_166 = arith.constant 0 : i32
        %dma_start3A_167 = arith.constant 0 : i32
        %dma_start3A_168 = tpu.memref_slice %arg2[%add3A_17, %dma_start3A_166, %dma_start3A_167] : memref<16x53248x8xf32, #tpu.memory_space<hbm>> -> memref<1x53248x8xf32, #tpu.memory_space<hbm>>
        %dma_start3A_169 = tpu.memref_squeeze %dma_start3A_168 : memref<1x53248x8xf32, #tpu.memory_space<hbm>> -> memref<53248x8xf32, #tpu.memory_space<hbm>>
        %dma_start3A_170 = arith.constant 0 : i32
        %dma_start3A_171 = arith.constant 0 : i32
        %dma_start3A_172 = tpu.memref_slice %dma_start3A_169[%dma_start3A_170, %dma_start3A_171] : memref<53248x8xf32, #tpu.memory_space<hbm>> -> memref<53248x8xf32, #tpu.memory_space<hbm>>
        %dma_start3A_173 = tpu.memref_slice %arg11[%dma_start3A_158] : memref<8x!tpu.dma_semaphore, #tpu.memory_space<semaphore_mem>> -> memref<1x!tpu.dma_semaphore, #tpu.memory_space<semaphore_mem>>
        %dma_start3A_174 = tpu.memref_squeeze %dma_start3A_173 : memref<1x!tpu.dma_semaphore, #tpu.memory_space<semaphore_mem>> -> memref<!tpu.dma_semaphore, #tpu.memory_space<semaphore_mem>>
        tpu.enqueue_indirect_dma source(%dma_start3A_172 : memref<53248x8xf32, #tpu.memory_space<hbm>>) target(%dma_start3A_162 : memref<128x8xf32, #tpu.memory_space<vmem>>) offsets(%dma_start3A_165 : memref<128xi32, #tpu.memory_space<vmem>>) semaphore(%dma_start3A_174 : memref<!tpu.dma_semaphore, #tpu.memory_space<semaphore_mem>>)
        %add3A_175 = arith.constant 7 : i32
        %add3A_176 = arith.addi %mul3A_35, %add3A_175 : i32
        %dma_start3A_177 = arith.constant 7 : i32
        %dma_start3A_178 = arith.constant 7 : i32
        %dma_start3A_179 = arith.constant 0 : i32
        %dma_start3A_180 = arith.constant 0 : i32
        %dma_start3A_181 = tpu.memref_slice %arg9[%dma_start3A_177, %dma_start3A_179, %dma_start3A_180] : memref<8x128x8xf32, #tpu.memory_space<vmem>> -> memref<1x128x8xf32, #tpu.memory_space<vmem>>
        %dma_start3A_182 = tpu.memref_squeeze %dma_start3A_181 : memref<1x128x8xf32, #tpu.memory_space<vmem>> -> memref<128x8xf32, #tpu.memory_space<vmem>>
        %dma_start3A_183 = arith.constant 0 : i32
        %dma_start3A_184 = tpu.memref_slice %arg7[%add3A_176, %dma_start3A_183] : memref<392x128xi32, #tpu.memory_space<vmem>> -> memref<1x128xi32, #tpu.memory_space<vmem>>
        %dma_start3A_185 = tpu.memref_squeeze %dma_start3A_184 : memref<1x128xi32, #tpu.memory_space<vmem>> -> memref<128xi32, #tpu.memory_space<vmem>>
        %dma_start3A_186 = arith.constant 0 : i32
        %dma_start3A_187 = arith.constant 0 : i32
        %dma_start3A_188 = tpu.memref_slice %arg2[%add3A_17, %dma_start3A_186, %dma_start3A_187] : memref<16x53248x8xf32, #tpu.memory_space<hbm>> -> memref<1x53248x8xf32, #tpu.memory_space<hbm>>
        %dma_start3A_189 = tpu.memref_squeeze %dma_start3A_188 : memref<1x53248x8xf32, #tpu.memory_space<hbm>> -> memref<53248x8xf32, #tpu.memory_space<hbm>>
        %dma_start3A_190 = arith.constant 0 : i32
        %dma_start3A_191 = arith.constant 0 : i32
        %dma_start3A_192 = tpu.memref_slice %dma_start3A_189[%dma_start3A_190, %dma_start3A_191] : memref<53248x8xf32, #tpu.memory_space<hbm>> -> memref<53248x8xf32, #tpu.memory_space<hbm>>
        %dma_start3A_193 = tpu.memref_slice %arg11[%dma_start3A_178] : memref<8x!tpu.dma_semaphore, #tpu.memory_space<semaphore_mem>> -> memref<1x!tpu.dma_semaphore, #tpu.memory_space<semaphore_mem>>
        %dma_start3A_194 = tpu.memref_squeeze %dma_start3A_193 : memref<1x!tpu.dma_semaphore, #tpu.memory_space<semaphore_mem>> -> memref<!tpu.dma_semaphore, #tpu.memory_space<semaphore_mem>>
        tpu.enqueue_indirect_dma source(%dma_start3A_192 : memref<53248x8xf32, #tpu.memory_space<hbm>>) target(%dma_start3A_182 : memref<128x8xf32, #tpu.memory_space<vmem>>) offsets(%dma_start3A_185 : memref<128xi32, #tpu.memory_space<vmem>>) semaphore(%dma_start3A_194 : memref<!tpu.dma_semaphore, #tpu.memory_space<semaphore_mem>>)
        %dma_wait3A = arith.constant 0 : i32
        %dma_wait3A_195 = arith.constant 0 : i32
        %dma_wait3A_196 = arith.constant 0 : i32
        %dma_wait3A_197 = arith.constant 0 : i32
        %dma_wait3A_198 = tpu.memref_slice %arg9[%dma_wait3A, %dma_wait3A_196, %dma_wait3A_197] : memref<8x128x8xf32, #tpu.memory_space<vmem>> -> memref<1x128x8xf32, #tpu.memory_space<vmem>>
        %dma_wait3A_199 = tpu.memref_squeeze %dma_wait3A_198 : memref<1x128x8xf32, #tpu.memory_space<vmem>> -> memref<128x8xf32, #tpu.memory_space<vmem>>
        %dma_wait3A_200 = arith.constant 0 : i32
        %dma_wait3A_201 = tpu.memref_slice %arg7[%add3A_37, %dma_wait3A_200] : memref<392x128xi32, #tpu.memory_space<vmem>> -> memref<1x128xi32, #tpu.memory_space<vmem>>
        %dma_wait3A_202 = tpu.memref_squeeze %dma_wait3A_201 : memref<1x128xi32, #tpu.memory_space<vmem>> -> memref<128xi32, #tpu.memory_space<vmem>>
        %dma_wait3A_203 = arith.constant 0 : i32
        %dma_wait3A_204 = arith.constant 0 : i32
        %dma_wait3A_205 = tpu.memref_slice %arg2[%add3A_17, %dma_wait3A_203, %dma_wait3A_204] : memref<16x53248x8xf32, #tpu.memory_space<hbm>> -> memref<1x53248x8xf32, #tpu.memory_space<hbm>>
        %dma_wait3A_206 = tpu.memref_squeeze %dma_wait3A_205 : memref<1x53248x8xf32, #tpu.memory_space<hbm>> -> memref<53248x8xf32, #tpu.memory_space<hbm>>
        %dma_wait3A_207 = arith.constant 0 : i32
        %dma_wait3A_208 = arith.constant 0 : i32
        %dma_wait3A_209 = tpu.memref_slice %dma_wait3A_206[%dma_wait3A_207, %dma_wait3A_208] : memref<53248x8xf32, #tpu.memory_space<hbm>> -> memref<53248x8xf32, #tpu.memory_space<hbm>>
        %dma_wait3A_210 = tpu.memref_slice %arg11[%dma_wait3A_195] : memref<8x!tpu.dma_semaphore, #tpu.memory_space<semaphore_mem>> -> memref<1x!tpu.dma_semaphore, #tpu.memory_space<semaphore_mem>>
        %dma_wait3A_211 = tpu.memref_squeeze %dma_wait3A_210 : memref<1x!tpu.dma_semaphore, #tpu.memory_space<semaphore_mem>> -> memref<!tpu.dma_semaphore, #tpu.memory_space<semaphore_mem>>
        tpu.wait_indirect_dma semaphore(%dma_wait3A_211 : memref<!tpu.dma_semaphore, #tpu.memory_space<semaphore_mem>>) src(%dma_wait3A_209 : memref<53248x8xf32, #tpu.memory_space<hbm>>) dst(%dma_wait3A_199 : memref<128x8xf32, #tpu.memory_space<vmem>>)
        %add3A_212 = arith.constant 0 : i32
        %add3A_213 = arith.addi %mul3A_35, %add3A_212 : i32
        %dma_start3A_214 = arith.constant 0 : i32
        %dma_start3A_215 = arith.constant 0 : i32
        %dma_start3A_216 = arith.constant 0 : i32
        %dma_start3A_217 = tpu.memref_slice %arg9[%dma_start3A_214, %dma_start3A_215, %dma_start3A_216] : memref<8x128x8xf32, #tpu.memory_space<vmem>> -> memref<1x128x8xf32, #tpu.memory_space<vmem>>
        %dma_start3A_218 = tpu.memref_squeeze %dma_start3A_217 : memref<1x128x8xf32, #tpu.memory_space<vmem>> -> memref<128x8xf32, #tpu.memory_space<vmem>>
        %dma_start3A_219 = arith.constant 0 : i32
        %dma_start3A_220 = tpu.memref_slice %arg8[%add3A_213, %dma_start3A_219] : memref<392x128xi32, #tpu.memory_space<vmem>> -> memref<1x128xi32, #tpu.memory_space<vmem>>
        %dma_start3A_221 = tpu.memref_squeeze %dma_start3A_220 : memref<1x128xi32, #tpu.memory_space<vmem>> -> memref<128xi32, #tpu.memory_space<vmem>>
        %dma_start3A_222 = arith.constant 0 : i32
        %dma_start3A_223 = arith.constant 0 : i32
        %dma_start3A_224 = tpu.memref_slice %arg10[%dma_start3A_222, %dma_start3A_223] : memref<25008x8xf32, #tpu.memory_space<vmem_shared>> -> memref<25008x8xf32, #tpu.memory_space<vmem_shared>>
        tpu.enqueue_indirect_dma source(%dma_start3A_218 : memref<128x8xf32, #tpu.memory_space<vmem>>) target(%dma_start3A_224 : memref<25008x8xf32, #tpu.memory_space<vmem_shared>>) offsets(%dma_start3A_221 : memref<128xi32, #tpu.memory_space<vmem>>) semaphore(%arg12 : memref<!tpu.dma_semaphore, #tpu.memory_space<semaphore_mem>>) {add = true}
        %dma_wait3A_225 = arith.constant 1 : i32
        %dma_wait3A_226 = arith.constant 1 : i32
        %dma_wait3A_227 = arith.constant 0 : i32
        %dma_wait3A_228 = arith.constant 0 : i32
        %dma_wait3A_229 = tpu.memref_slice %arg9[%dma_wait3A_225, %dma_wait3A_227, %dma_wait3A_228] : memref<8x128x8xf32, #tpu.memory_space<vmem>> -> memref<1x128x8xf32, #tpu.memory_space<vmem>>
        %dma_wait3A_230 = tpu.memref_squeeze %dma_wait3A_229 : memref<1x128x8xf32, #tpu.memory_space<vmem>> -> memref<128x8xf32, #tpu.memory_space<vmem>>
        %dma_wait3A_231 = arith.constant 0 : i32
        %dma_wait3A_232 = tpu.memref_slice %arg7[%add3A_56, %dma_wait3A_231] : memref<392x128xi32, #tpu.memory_space<vmem>> -> memref<1x128xi32, #tpu.memory_space<vmem>>
        %dma_wait3A_233 = tpu.memref_squeeze %dma_wait3A_232 : memref<1x128xi32, #tpu.memory_space<vmem>> -> memref<128xi32, #tpu.memory_space<vmem>>
        %dma_wait3A_234 = arith.constant 0 : i32
        %dma_wait3A_235 = arith.constant 0 : i32
        %dma_wait3A_236 = tpu.memref_slice %arg2[%add3A_17, %dma_wait3A_234, %dma_wait3A_235] : memref<16x53248x8xf32, #tpu.memory_space<hbm>> -> memref<1x53248x8xf32, #tpu.memory_space<hbm>>
        %dma_wait3A_237 = tpu.memref_squeeze %dma_wait3A_236 : memref<1x53248x8xf32, #tpu.memory_space<hbm>> -> memref<53248x8xf32, #tpu.memory_space<hbm>>
        %dma_wait3A_238 = arith.constant 0 : i32
        %dma_wait3A_239 = arith.constant 0 : i32
        %dma_wait3A_240 = tpu.memref_slice %dma_wait3A_237[%dma_wait3A_238, %dma_wait3A_239] : memref<53248x8xf32, #tpu.memory_space<hbm>> -> memref<53248x8xf32, #tpu.memory_space<hbm>>
        %dma_wait3A_241 = tpu.memref_slice %arg11[%dma_wait3A_226] : memref<8x!tpu.dma_semaphore, #tpu.memory_space<semaphore_mem>> -> memref<1x!tpu.dma_semaphore, #tpu.memory_space<semaphore_mem>>
        %dma_wait3A_242 = tpu.memref_squeeze %dma_wait3A_241 : memref<1x!tpu.dma_semaphore, #tpu.memory_space<semaphore_mem>> -> memref<!tpu.dma_semaphore, #tpu.memory_space<semaphore_mem>>
        tpu.wait_indirect_dma semaphore(%dma_wait3A_242 : memref<!tpu.dma_semaphore, #tpu.memory_space<semaphore_mem>>) src(%dma_wait3A_240 : memref<53248x8xf32, #tpu.memory_space<hbm>>) dst(%dma_wait3A_230 : memref<128x8xf32, #tpu.memory_space<vmem>>)
        %add3A_243 = arith.constant 1 : i32
        %add3A_244 = arith.addi %mul3A_35, %add3A_243 : i32
        %dma_start3A_245 = arith.constant 1 : i32
        %dma_start3A_246 = arith.constant 0 : i32
        %dma_start3A_247 = arith.constant 0 : i32
        %dma_start3A_248 = tpu.memref_slice %arg9[%dma_start3A_245, %dma_start3A_246, %dma_start3A_247] : memref<8x128x8xf32, #tpu.memory_space<vmem>> -> memref<1x128x8xf32, #tpu.memory_space<vmem>>
        %dma_start3A_249 = tpu.memref_squeeze %dma_start3A_248 : memref<1x128x8xf32, #tpu.memory_space<vmem>> -> memref<128x8xf32, #tpu.memory_space<vmem>>
        %dma_start3A_250 = arith.constant 0 : i32
        %dma_start3A_251 = tpu.memref_slice %arg8[%add3A_244, %dma_start3A_250] : memref<392x128xi32, #tpu.memory_space<vmem>> -> memref<1x128xi32, #tpu.memory_space<vmem>>
        %dma_start3A_252 = tpu.memref_squeeze %dma_start3A_251 : memref<1x128xi32, #tpu.memory_space<vmem>> -> memref<128xi32, #tpu.memory_space<vmem>>
        %dma_start3A_253 = arith.constant 0 : i32
        %dma_start3A_254 = arith.constant 0 : i32
        %dma_start3A_255 = tpu.memref_slice %arg10[%dma_start3A_253, %dma_start3A_254] : memref<25008x8xf32, #tpu.memory_space<vmem_shared>> -> memref<25008x8xf32, #tpu.memory_space<vmem_shared>>
        tpu.enqueue_indirect_dma source(%dma_start3A_249 : memref<128x8xf32, #tpu.memory_space<vmem>>) target(%dma_start3A_255 : memref<25008x8xf32, #tpu.memory_space<vmem_shared>>) offsets(%dma_start3A_252 : memref<128xi32, #tpu.memory_space<vmem>>) semaphore(%arg12 : memref<!tpu.dma_semaphore, #tpu.memory_space<semaphore_mem>>) {add = true}
        %dma_wait3A_256 = arith.constant 2 : i32
        %dma_wait3A_257 = arith.constant 2 : i32
        %dma_wait3A_258 = arith.constant 0 : i32
        %dma_wait3A_259 = arith.constant 0 : i32
        %dma_wait3A_260 = tpu.memref_slice %arg9[%dma_wait3A_256, %dma_wait3A_258, %dma_wait3A_259] : memref<8x128x8xf32, #tpu.memory_space<vmem>> -> memref<1x128x8xf32, #tpu.memory_space<vmem>>
        %dma_wait3A_261 = tpu.memref_squeeze %dma_wait3A_260 : memref<1x128x8xf32, #tpu.memory_space<vmem>> -> memref<128x8xf32, #tpu.memory_space<vmem>>
        %dma_wait3A_262 = arith.constant 0 : i32
        %dma_wait3A_263 = tpu.memref_slice %arg7[%add3A_76, %dma_wait3A_262] : memref<392x128xi32, #tpu.memory_space<vmem>> -> memref<1x128xi32, #tpu.memory_space<vmem>>
        %dma_wait3A_264 = tpu.memref_squeeze %dma_wait3A_263 : memref<1x128xi32, #tpu.memory_space<vmem>> -> memref<128xi32, #tpu.memory_space<vmem>>
        %dma_wait3A_265 = arith.constant 0 : i32
        %dma_wait3A_266 = arith.constant 0 : i32
        %dma_wait3A_267 = tpu.memref_slice %arg2[%add3A_17, %dma_wait3A_265, %dma_wait3A_266] : memref<16x53248x8xf32, #tpu.memory_space<hbm>> -> memref<1x53248x8xf32, #tpu.memory_space<hbm>>
        %dma_wait3A_268 = tpu.memref_squeeze %dma_wait3A_267 : memref<1x53248x8xf32, #tpu.memory_space<hbm>> -> memref<53248x8xf32, #tpu.memory_space<hbm>>
        %dma_wait3A_269 = arith.constant 0 : i32
        %dma_wait3A_270 = arith.constant 0 : i32
        %dma_wait3A_271 = tpu.memref_slice %dma_wait3A_268[%dma_wait3A_269, %dma_wait3A_270] : memref<53248x8xf32, #tpu.memory_space<hbm>> -> memref<53248x8xf32, #tpu.memory_space<hbm>>
        %dma_wait3A_272 = tpu.memref_slice %arg11[%dma_wait3A_257] : memref<8x!tpu.dma_semaphore, #tpu.memory_space<semaphore_mem>> -> memref<1x!tpu.dma_semaphore, #tpu.memory_space<semaphore_mem>>
        %dma_wait3A_273 = tpu.memref_squeeze %dma_wait3A_272 : memref<1x!tpu.dma_semaphore, #tpu.memory_space<semaphore_mem>> -> memref<!tpu.dma_semaphore, #tpu.memory_space<semaphore_mem>>
        tpu.wait_indirect_dma semaphore(%dma_wait3A_273 : memref<!tpu.dma_semaphore, #tpu.memory_space<semaphore_mem>>) src(%dma_wait3A_271 : memref<53248x8xf32, #tpu.memory_space<hbm>>) dst(%dma_wait3A_261 : memref<128x8xf32, #tpu.memory_space<vmem>>)
        %add3A_274 = arith.constant 2 : i32
        %add3A_275 = arith.addi %mul3A_35, %add3A_274 : i32
        %dma_start3A_276 = arith.constant 2 : i32
        %dma_start3A_277 = arith.constant 0 : i32
        %dma_start3A_278 = arith.constant 0 : i32
        %dma_start3A_279 = tpu.memref_slice %arg9[%dma_start3A_276, %dma_start3A_277, %dma_start3A_278] : memref<8x128x8xf32, #tpu.memory_space<vmem>> -> memref<1x128x8xf32, #tpu.memory_space<vmem>>
        %dma_start3A_280 = tpu.memref_squeeze %dma_start3A_279 : memref<1x128x8xf32, #tpu.memory_space<vmem>> -> memref<128x8xf32, #tpu.memory_space<vmem>>
        %dma_start3A_281 = arith.constant 0 : i32
        %dma_start3A_282 = tpu.memref_slice %arg8[%add3A_275, %dma_start3A_281] : memref<392x128xi32, #tpu.memory_space<vmem>> -> memref<1x128xi32, #tpu.memory_space<vmem>>
        %dma_start3A_283 = tpu.memref_squeeze %dma_start3A_282 : memref<1x128xi32, #tpu.memory_space<vmem>> -> memref<128xi32, #tpu.memory_space<vmem>>
        %dma_start3A_284 = arith.constant 0 : i32
        %dma_start3A_285 = arith.constant 0 : i32
        %dma_start3A_286 = tpu.memref_slice %arg10[%dma_start3A_284, %dma_start3A_285] : memref<25008x8xf32, #tpu.memory_space<vmem_shared>> -> memref<25008x8xf32, #tpu.memory_space<vmem_shared>>
        tpu.enqueue_indirect_dma source(%dma_start3A_280 : memref<128x8xf32, #tpu.memory_space<vmem>>) target(%dma_start3A_286 : memref<25008x8xf32, #tpu.memory_space<vmem_shared>>) offsets(%dma_start3A_283 : memref<128xi32, #tpu.memory_space<vmem>>) semaphore(%arg12 : memref<!tpu.dma_semaphore, #tpu.memory_space<semaphore_mem>>) {add = true}
        %dma_wait3A_287 = arith.constant 3 : i32
        %dma_wait3A_288 = arith.constant 3 : i32
        %dma_wait3A_289 = arith.constant 0 : i32
        %dma_wait3A_290 = arith.constant 0 : i32
        %dma_wait3A_291 = tpu.memref_slice %arg9[%dma_wait3A_287, %dma_wait3A_289, %dma_wait3A_290] : memref<8x128x8xf32, #tpu.memory_space<vmem>> -> memref<1x128x8xf32, #tpu.memory_space<vmem>>
        %dma_wait3A_292 = tpu.memref_squeeze %dma_wait3A_291 : memref<1x128x8xf32, #tpu.memory_space<vmem>> -> memref<128x8xf32, #tpu.memory_space<vmem>>
        %dma_wait3A_293 = arith.constant 0 : i32
        %dma_wait3A_294 = tpu.memref_slice %arg7[%add3A_96, %dma_wait3A_293] : memref<392x128xi32, #tpu.memory_space<vmem>> -> memref<1x128xi32, #tpu.memory_space<vmem>>
        %dma_wait3A_295 = tpu.memref_squeeze %dma_wait3A_294 : memref<1x128xi32, #tpu.memory_space<vmem>> -> memref<128xi32, #tpu.memory_space<vmem>>
        %dma_wait3A_296 = arith.constant 0 : i32
        %dma_wait3A_297 = arith.constant 0 : i32
        %dma_wait3A_298 = tpu.memref_slice %arg2[%add3A_17, %dma_wait3A_296, %dma_wait3A_297] : memref<16x53248x8xf32, #tpu.memory_space<hbm>> -> memref<1x53248x8xf32, #tpu.memory_space<hbm>>
        %dma_wait3A_299 = tpu.memref_squeeze %dma_wait3A_298 : memref<1x53248x8xf32, #tpu.memory_space<hbm>> -> memref<53248x8xf32, #tpu.memory_space<hbm>>
        %dma_wait3A_300 = arith.constant 0 : i32
        %dma_wait3A_301 = arith.constant 0 : i32
        %dma_wait3A_302 = tpu.memref_slice %dma_wait3A_299[%dma_wait3A_300, %dma_wait3A_301] : memref<53248x8xf32, #tpu.memory_space<hbm>> -> memref<53248x8xf32, #tpu.memory_space<hbm>>
        %dma_wait3A_303 = tpu.memref_slice %arg11[%dma_wait3A_288] : memref<8x!tpu.dma_semaphore, #tpu.memory_space<semaphore_mem>> -> memref<1x!tpu.dma_semaphore, #tpu.memory_space<semaphore_mem>>
        %dma_wait3A_304 = tpu.memref_squeeze %dma_wait3A_303 : memref<1x!tpu.dma_semaphore, #tpu.memory_space<semaphore_mem>> -> memref<!tpu.dma_semaphore, #tpu.memory_space<semaphore_mem>>
        tpu.wait_indirect_dma semaphore(%dma_wait3A_304 : memref<!tpu.dma_semaphore, #tpu.memory_space<semaphore_mem>>) src(%dma_wait3A_302 : memref<53248x8xf32, #tpu.memory_space<hbm>>) dst(%dma_wait3A_292 : memref<128x8xf32, #tpu.memory_space<vmem>>)
        %add3A_305 = arith.constant 3 : i32
        %add3A_306 = arith.addi %mul3A_35, %add3A_305 : i32
        %dma_start3A_307 = arith.constant 3 : i32
        %dma_start3A_308 = arith.constant 0 : i32
        %dma_start3A_309 = arith.constant 0 : i32
        %dma_start3A_310 = tpu.memref_slice %arg9[%dma_start3A_307, %dma_start3A_308, %dma_start3A_309] : memref<8x128x8xf32, #tpu.memory_space<vmem>> -> memref<1x128x8xf32, #tpu.memory_space<vmem>>
        %dma_start3A_311 = tpu.memref_squeeze %dma_start3A_310 : memref<1x128x8xf32, #tpu.memory_space<vmem>> -> memref<128x8xf32, #tpu.memory_space<vmem>>
        %dma_start3A_312 = arith.constant 0 : i32
        %dma_start3A_313 = tpu.memref_slice %arg8[%add3A_306, %dma_start3A_312] : memref<392x128xi32, #tpu.memory_space<vmem>> -> memref<1x128xi32, #tpu.memory_space<vmem>>
        %dma_start3A_314 = tpu.memref_squeeze %dma_start3A_313 : memref<1x128xi32, #tpu.memory_space<vmem>> -> memref<128xi32, #tpu.memory_space<vmem>>
        %dma_start3A_315 = arith.constant 0 : i32
        %dma_start3A_316 = arith.constant 0 : i32
        %dma_start3A_317 = tpu.memref_slice %arg10[%dma_start3A_315, %dma_start3A_316] : memref<25008x8xf32, #tpu.memory_space<vmem_shared>> -> memref<25008x8xf32, #tpu.memory_space<vmem_shared>>
        tpu.enqueue_indirect_dma source(%dma_start3A_311 : memref<128x8xf32, #tpu.memory_space<vmem>>) target(%dma_start3A_317 : memref<25008x8xf32, #tpu.memory_space<vmem_shared>>) offsets(%dma_start3A_314 : memref<128xi32, #tpu.memory_space<vmem>>) semaphore(%arg12 : memref<!tpu.dma_semaphore, #tpu.memory_space<semaphore_mem>>) {add = true}
        %dma_wait3A_318 = arith.constant 4 : i32
        %dma_wait3A_319 = arith.constant 4 : i32
        %dma_wait3A_320 = arith.constant 0 : i32
        %dma_wait3A_321 = arith.constant 0 : i32
        %dma_wait3A_322 = tpu.memref_slice %arg9[%dma_wait3A_318, %dma_wait3A_320, %dma_wait3A_321] : memref<8x128x8xf32, #tpu.memory_space<vmem>> -> memref<1x128x8xf32, #tpu.memory_space<vmem>>
        %dma_wait3A_323 = tpu.memref_squeeze %dma_wait3A_322 : memref<1x128x8xf32, #tpu.memory_space<vmem>> -> memref<128x8xf32, #tpu.memory_space<vmem>>
        %dma_wait3A_324 = arith.constant 0 : i32
        %dma_wait3A_325 = tpu.memref_slice %arg7[%add3A_116, %dma_wait3A_324] : memref<392x128xi32, #tpu.memory_space<vmem>> -> memref<1x128xi32, #tpu.memory_space<vmem>>
        %dma_wait3A_326 = tpu.memref_squeeze %dma_wait3A_325 : memref<1x128xi32, #tpu.memory_space<vmem>> -> memref<128xi32, #tpu.memory_space<vmem>>
        %dma_wait3A_327 = arith.constant 0 : i32
        %dma_wait3A_328 = arith.constant 0 : i32
        %dma_wait3A_329 = tpu.memref_slice %arg2[%add3A_17, %dma_wait3A_327, %dma_wait3A_328] : memref<16x53248x8xf32, #tpu.memory_space<hbm>> -> memref<1x53248x8xf32, #tpu.memory_space<hbm>>
        %dma_wait3A_330 = tpu.memref_squeeze %dma_wait3A_329 : memref<1x53248x8xf32, #tpu.memory_space<hbm>> -> memref<53248x8xf32, #tpu.memory_space<hbm>>
        %dma_wait3A_331 = arith.constant 0 : i32
        %dma_wait3A_332 = arith.constant 0 : i32
        %dma_wait3A_333 = tpu.memref_slice %dma_wait3A_330[%dma_wait3A_331, %dma_wait3A_332] : memref<53248x8xf32, #tpu.memory_space<hbm>> -> memref<53248x8xf32, #tpu.memory_space<hbm>>
        %dma_wait3A_334 = tpu.memref_slice %arg11[%dma_wait3A_319] : memref<8x!tpu.dma_semaphore, #tpu.memory_space<semaphore_mem>> -> memref<1x!tpu.dma_semaphore, #tpu.memory_space<semaphore_mem>>
        %dma_wait3A_335 = tpu.memref_squeeze %dma_wait3A_334 : memref<1x!tpu.dma_semaphore, #tpu.memory_space<semaphore_mem>> -> memref<!tpu.dma_semaphore, #tpu.memory_space<semaphore_mem>>
        tpu.wait_indirect_dma semaphore(%dma_wait3A_335 : memref<!tpu.dma_semaphore, #tpu.memory_space<semaphore_mem>>) src(%dma_wait3A_333 : memref<53248x8xf32, #tpu.memory_space<hbm>>) dst(%dma_wait3A_323 : memref<128x8xf32, #tpu.memory_space<vmem>>)
        %add3A_336 = arith.constant 4 : i32
        %add3A_337 = arith.addi %mul3A_35, %add3A_336 : i32
        %dma_start3A_338 = arith.constant 4 : i32
        %dma_start3A_339 = arith.constant 0 : i32
        %dma_start3A_340 = arith.constant 0 : i32
        %dma_start3A_341 = tpu.memref_slice %arg9[%dma_start3A_338, %dma_start3A_339, %dma_start3A_340] : memref<8x128x8xf32, #tpu.memory_space<vmem>> -> memref<1x128x8xf32, #tpu.memory_space<vmem>>
        %dma_start3A_342 = tpu.memref_squeeze %dma_start3A_341 : memref<1x128x8xf32, #tpu.memory_space<vmem>> -> memref<128x8xf32, #tpu.memory_space<vmem>>
        %dma_start3A_343 = arith.constant 0 : i32
        %dma_start3A_344 = tpu.memref_slice %arg8[%add3A_337, %dma_start3A_343] : memref<392x128xi32, #tpu.memory_space<vmem>> -> memref<1x128xi32, #tpu.memory_space<vmem>>
        %dma_start3A_345 = tpu.memref_squeeze %dma_start3A_344 : memref<1x128xi32, #tpu.memory_space<vmem>> -> memref<128xi32, #tpu.memory_space<vmem>>
        %dma_start3A_346 = arith.constant 0 : i32
        %dma_start3A_347 = arith.constant 0 : i32
        %dma_start3A_348 = tpu.memref_slice %arg10[%dma_start3A_346, %dma_start3A_347] : memref<25008x8xf32, #tpu.memory_space<vmem_shared>> -> memref<25008x8xf32, #tpu.memory_space<vmem_shared>>
        tpu.enqueue_indirect_dma source(%dma_start3A_342 : memref<128x8xf32, #tpu.memory_space<vmem>>) target(%dma_start3A_348 : memref<25008x8xf32, #tpu.memory_space<vmem_shared>>) offsets(%dma_start3A_345 : memref<128xi32, #tpu.memory_space<vmem>>) semaphore(%arg12 : memref<!tpu.dma_semaphore, #tpu.memory_space<semaphore_mem>>) {add = true}
        %dma_wait3A_349 = arith.constant 5 : i32
        %dma_wait3A_350 = arith.constant 5 : i32
        %dma_wait3A_351 = arith.constant 0 : i32
        %dma_wait3A_352 = arith.constant 0 : i32
        %dma_wait3A_353 = tpu.memref_slice %arg9[%dma_wait3A_349, %dma_wait3A_351, %dma_wait3A_352] : memref<8x128x8xf32, #tpu.memory_space<vmem>> -> memref<1x128x8xf32, #tpu.memory_space<vmem>>
        %dma_wait3A_354 = tpu.memref_squeeze %dma_wait3A_353 : memref<1x128x8xf32, #tpu.memory_space<vmem>> -> memref<128x8xf32, #tpu.memory_space<vmem>>
        %dma_wait3A_355 = arith.constant 0 : i32
        %dma_wait3A_356 = tpu.memref_slice %arg7[%add3A_136, %dma_wait3A_355] : memref<392x128xi32, #tpu.memory_space<vmem>> -> memref<1x128xi32, #tpu.memory_space<vmem>>
        %dma_wait3A_357 = tpu.memref_squeeze %dma_wait3A_356 : memref<1x128xi32, #tpu.memory_space<vmem>> -> memref<128xi32, #tpu.memory_space<vmem>>
        %dma_wait3A_358 = arith.constant 0 : i32
        %dma_wait3A_359 = arith.constant 0 : i32
        %dma_wait3A_360 = tpu.memref_slice %arg2[%add3A_17, %dma_wait3A_358, %dma_wait3A_359] : memref<16x53248x8xf32, #tpu.memory_space<hbm>> -> memref<1x53248x8xf32, #tpu.memory_space<hbm>>
        %dma_wait3A_361 = tpu.memref_squeeze %dma_wait3A_360 : memref<1x53248x8xf32, #tpu.memory_space<hbm>> -> memref<53248x8xf32, #tpu.memory_space<hbm>>
        %dma_wait3A_362 = arith.constant 0 : i32
        %dma_wait3A_363 = arith.constant 0 : i32
        %dma_wait3A_364 = tpu.memref_slice %dma_wait3A_361[%dma_wait3A_362, %dma_wait3A_363] : memref<53248x8xf32, #tpu.memory_space<hbm>> -> memref<53248x8xf32, #tpu.memory_space<hbm>>
        %dma_wait3A_365 = tpu.memref_slice %arg11[%dma_wait3A_350] : memref<8x!tpu.dma_semaphore, #tpu.memory_space<semaphore_mem>> -> memref<1x!tpu.dma_semaphore, #tpu.memory_space<semaphore_mem>>
        %dma_wait3A_366 = tpu.memref_squeeze %dma_wait3A_365 : memref<1x!tpu.dma_semaphore, #tpu.memory_space<semaphore_mem>> -> memref<!tpu.dma_semaphore, #tpu.memory_space<semaphore_mem>>
        tpu.wait_indirect_dma semaphore(%dma_wait3A_366 : memref<!tpu.dma_semaphore, #tpu.memory_space<semaphore_mem>>) src(%dma_wait3A_364 : memref<53248x8xf32, #tpu.memory_space<hbm>>) dst(%dma_wait3A_354 : memref<128x8xf32, #tpu.memory_space<vmem>>)
        %add3A_367 = arith.constant 5 : i32
        %add3A_368 = arith.addi %mul3A_35, %add3A_367 : i32
        %dma_start3A_369 = arith.constant 5 : i32
        %dma_start3A_370 = arith.constant 0 : i32
        %dma_start3A_371 = arith.constant 0 : i32
        %dma_start3A_372 = tpu.memref_slice %arg9[%dma_start3A_369, %dma_start3A_370, %dma_start3A_371] : memref<8x128x8xf32, #tpu.memory_space<vmem>> -> memref<1x128x8xf32, #tpu.memory_space<vmem>>
        %dma_start3A_373 = tpu.memref_squeeze %dma_start3A_372 : memref<1x128x8xf32, #tpu.memory_space<vmem>> -> memref<128x8xf32, #tpu.memory_space<vmem>>
        %dma_start3A_374 = arith.constant 0 : i32
        %dma_start3A_375 = tpu.memref_slice %arg8[%add3A_368, %dma_start3A_374] : memref<392x128xi32, #tpu.memory_space<vmem>> -> memref<1x128xi32, #tpu.memory_space<vmem>>
        %dma_start3A_376 = tpu.memref_squeeze %dma_start3A_375 : memref<1x128xi32, #tpu.memory_space<vmem>> -> memref<128xi32, #tpu.memory_space<vmem>>
        %dma_start3A_377 = arith.constant 0 : i32
        %dma_start3A_378 = arith.constant 0 : i32
        %dma_start3A_379 = tpu.memref_slice %arg10[%dma_start3A_377, %dma_start3A_378] : memref<25008x8xf32, #tpu.memory_space<vmem_shared>> -> memref<25008x8xf32, #tpu.memory_space<vmem_shared>>
        tpu.enqueue_indirect_dma source(%dma_start3A_373 : memref<128x8xf32, #tpu.memory_space<vmem>>) target(%dma_start3A_379 : memref<25008x8xf32, #tpu.memory_space<vmem_shared>>) offsets(%dma_start3A_376 : memref<128xi32, #tpu.memory_space<vmem>>) semaphore(%arg12 : memref<!tpu.dma_semaphore, #tpu.memory_space<semaphore_mem>>) {add = true}
        %dma_wait3A_380 = arith.constant 6 : i32
        %dma_wait3A_381 = arith.constant 6 : i32
        %dma_wait3A_382 = arith.constant 0 : i32
        %dma_wait3A_383 = arith.constant 0 : i32
        %dma_wait3A_384 = tpu.memref_slice %arg9[%dma_wait3A_380, %dma_wait3A_382, %dma_wait3A_383] : memref<8x128x8xf32, #tpu.memory_space<vmem>> -> memref<1x128x8xf32, #tpu.memory_space<vmem>>
        %dma_wait3A_385 = tpu.memref_squeeze %dma_wait3A_384 : memref<1x128x8xf32, #tpu.memory_space<vmem>> -> memref<128x8xf32, #tpu.memory_space<vmem>>
        %dma_wait3A_386 = arith.constant 0 : i32
        %dma_wait3A_387 = tpu.memref_slice %arg7[%add3A_156, %dma_wait3A_386] : memref<392x128xi32, #tpu.memory_space<vmem>> -> memref<1x128xi32, #tpu.memory_space<vmem>>
        %dma_wait3A_388 = tpu.memref_squeeze %dma_wait3A_387 : memref<1x128xi32, #tpu.memory_space<vmem>> -> memref<128xi32, #tpu.memory_space<vmem>>
        %dma_wait3A_389 = arith.constant 0 : i32
        %dma_wait3A_390 = arith.constant 0 : i32
        %dma_wait3A_391 = tpu.memref_slice %arg2[%add3A_17, %dma_wait3A_389, %dma_wait3A_390] : memref<16x53248x8xf32, #tpu.memory_space<hbm>> -> memref<1x53248x8xf32, #tpu.memory_space<hbm>>
        %dma_wait3A_392 = tpu.memref_squeeze %dma_wait3A_391 : memref<1x53248x8xf32, #tpu.memory_space<hbm>> -> memref<53248x8xf32, #tpu.memory_space<hbm>>
        %dma_wait3A_393 = arith.constant 0 : i32
        %dma_wait3A_394 = arith.constant 0 : i32
        %dma_wait3A_395 = tpu.memref_slice %dma_wait3A_392[%dma_wait3A_393, %dma_wait3A_394] : memref<53248x8xf32, #tpu.memory_space<hbm>> -> memref<53248x8xf32, #tpu.memory_space<hbm>>
        %dma_wait3A_396 = tpu.memref_slice %arg11[%dma_wait3A_381] : memref<8x!tpu.dma_semaphore, #tpu.memory_space<semaphore_mem>> -> memref<1x!tpu.dma_semaphore, #tpu.memory_space<semaphore_mem>>
        %dma_wait3A_397 = tpu.memref_squeeze %dma_wait3A_396 : memref<1x!tpu.dma_semaphore, #tpu.memory_space<semaphore_mem>> -> memref<!tpu.dma_semaphore, #tpu.memory_space<semaphore_mem>>
        tpu.wait_indirect_dma semaphore(%dma_wait3A_397 : memref<!tpu.dma_semaphore, #tpu.memory_space<semaphore_mem>>) src(%dma_wait3A_395 : memref<53248x8xf32, #tpu.memory_space<hbm>>) dst(%dma_wait3A_385 : memref<128x8xf32, #tpu.memory_space<vmem>>)
        %add3A_398 = arith.constant 6 : i32
        %add3A_399 = arith.addi %mul3A_35, %add3A_398 : i32
        %dma_start3A_400 = arith.constant 6 : i32
        %dma_start3A_401 = arith.constant 0 : i32
        %dma_start3A_402 = arith.constant 0 : i32
        %dma_start3A_403 = tpu.memref_slice %arg9[%dma_start3A_400, %dma_start3A_401, %dma_start3A_402] : memref<8x128x8xf32, #tpu.memory_space<vmem>> -> memref<1x128x8xf32, #tpu.memory_space<vmem>>
        %dma_start3A_404 = tpu.memref_squeeze %dma_start3A_403 : memref<1x128x8xf32, #tpu.memory_space<vmem>> -> memref<128x8xf32, #tpu.memory_space<vmem>>
        %dma_start3A_405 = arith.constant 0 : i32
        %dma_start3A_406 = tpu.memref_slice %arg8[%add3A_399, %dma_start3A_405] : memref<392x128xi32, #tpu.memory_space<vmem>> -> memref<1x128xi32, #tpu.memory_space<vmem>>
        %dma_start3A_407 = tpu.memref_squeeze %dma_start3A_406 : memref<1x128xi32, #tpu.memory_space<vmem>> -> memref<128xi32, #tpu.memory_space<vmem>>
        %dma_start3A_408 = arith.constant 0 : i32
        %dma_start3A_409 = arith.constant 0 : i32
        %dma_start3A_410 = tpu.memref_slice %arg10[%dma_start3A_408, %dma_start3A_409] : memref<25008x8xf32, #tpu.memory_space<vmem_shared>> -> memref<25008x8xf32, #tpu.memory_space<vmem_shared>>
        tpu.enqueue_indirect_dma source(%dma_start3A_404 : memref<128x8xf32, #tpu.memory_space<vmem>>) target(%dma_start3A_410 : memref<25008x8xf32, #tpu.memory_space<vmem_shared>>) offsets(%dma_start3A_407 : memref<128xi32, #tpu.memory_space<vmem>>) semaphore(%arg12 : memref<!tpu.dma_semaphore, #tpu.memory_space<semaphore_mem>>) {add = true}
        %dma_wait3A_411 = arith.constant 7 : i32
        %dma_wait3A_412 = arith.constant 7 : i32
        %dma_wait3A_413 = arith.constant 0 : i32
        %dma_wait3A_414 = arith.constant 0 : i32
        %dma_wait3A_415 = tpu.memref_slice %arg9[%dma_wait3A_411, %dma_wait3A_413, %dma_wait3A_414] : memref<8x128x8xf32, #tpu.memory_space<vmem>> -> memref<1x128x8xf32, #tpu.memory_space<vmem>>
        %dma_wait3A_416 = tpu.memref_squeeze %dma_wait3A_415 : memref<1x128x8xf32, #tpu.memory_space<vmem>> -> memref<128x8xf32, #tpu.memory_space<vmem>>
        %dma_wait3A_417 = arith.constant 0 : i32
        %dma_wait3A_418 = tpu.memref_slice %arg7[%add3A_176, %dma_wait3A_417] : memref<392x128xi32, #tpu.memory_space<vmem>> -> memref<1x128xi32, #tpu.memory_space<vmem>>
        %dma_wait3A_419 = tpu.memref_squeeze %dma_wait3A_418 : memref<1x128xi32, #tpu.memory_space<vmem>> -> memref<128xi32, #tpu.memory_space<vmem>>
        %dma_wait3A_420 = arith.constant 0 : i32
        %dma_wait3A_421 = arith.constant 0 : i32
        %dma_wait3A_422 = tpu.memref_slice %arg2[%add3A_17, %dma_wait3A_420, %dma_wait3A_421] : memref<16x53248x8xf32, #tpu.memory_space<hbm>> -> memref<1x53248x8xf32, #tpu.memory_space<hbm>>
        %dma_wait3A_423 = tpu.memref_squeeze %dma_wait3A_422 : memref<1x53248x8xf32, #tpu.memory_space<hbm>> -> memref<53248x8xf32, #tpu.memory_space<hbm>>
        %dma_wait3A_424 = arith.constant 0 : i32
        %dma_wait3A_425 = arith.constant 0 : i32
        %dma_wait3A_426 = tpu.memref_slice %dma_wait3A_423[%dma_wait3A_424, %dma_wait3A_425] : memref<53248x8xf32, #tpu.memory_space<hbm>> -> memref<53248x8xf32, #tpu.memory_space<hbm>>
        %dma_wait3A_427 = tpu.memref_slice %arg11[%dma_wait3A_412] : memref<8x!tpu.dma_semaphore, #tpu.memory_space<semaphore_mem>> -> memref<1x!tpu.dma_semaphore, #tpu.memory_space<semaphore_mem>>
        %dma_wait3A_428 = tpu.memref_squeeze %dma_wait3A_427 : memref<1x!tpu.dma_semaphore, #tpu.memory_space<semaphore_mem>> -> memref<!tpu.dma_semaphore, #tpu.memory_space<semaphore_mem>>
        tpu.wait_indirect_dma semaphore(%dma_wait3A_428 : memref<!tpu.dma_semaphore, #tpu.memory_space<semaphore_mem>>) src(%dma_wait3A_426 : memref<53248x8xf32, #tpu.memory_space<hbm>>) dst(%dma_wait3A_416 : memref<128x8xf32, #tpu.memory_space<vmem>>)
        %add3A_429 = arith.constant 7 : i32
        %add3A_430 = arith.addi %mul3A_35, %add3A_429 : i32
        %dma_start3A_431 = arith.constant 7 : i32
        %dma_start3A_432 = arith.constant 0 : i32
        %dma_start3A_433 = arith.constant 0 : i32
        %dma_start3A_434 = tpu.memref_slice %arg9[%dma_start3A_431, %dma_start3A_432, %dma_start3A_433] : memref<8x128x8xf32, #tpu.memory_space<vmem>> -> memref<1x128x8xf32, #tpu.memory_space<vmem>>
        %dma_start3A_435 = tpu.memref_squeeze %dma_start3A_434 : memref<1x128x8xf32, #tpu.memory_space<vmem>> -> memref<128x8xf32, #tpu.memory_space<vmem>>
        %dma_start3A_436 = arith.constant 0 : i32
        %dma_start3A_437 = tpu.memref_slice %arg8[%add3A_430, %dma_start3A_436] : memref<392x128xi32, #tpu.memory_space<vmem>> -> memref<1x128xi32, #tpu.memory_space<vmem>>
        %dma_start3A_438 = tpu.memref_squeeze %dma_start3A_437 : memref<1x128xi32, #tpu.memory_space<vmem>> -> memref<128xi32, #tpu.memory_space<vmem>>
        %dma_start3A_439 = arith.constant 0 : i32
        %dma_start3A_440 = arith.constant 0 : i32
        %dma_start3A_441 = tpu.memref_slice %arg10[%dma_start3A_439, %dma_start3A_440] : memref<25008x8xf32, #tpu.memory_space<vmem_shared>> -> memref<25008x8xf32, #tpu.memory_space<vmem_shared>>
        tpu.enqueue_indirect_dma source(%dma_start3A_435 : memref<128x8xf32, #tpu.memory_space<vmem>>) target(%dma_start3A_441 : memref<25008x8xf32, #tpu.memory_space<vmem_shared>>) offsets(%dma_start3A_438 : memref<128xi32, #tpu.memory_space<vmem>>) semaphore(%arg12 : memref<!tpu.dma_semaphore, #tpu.memory_space<semaphore_mem>>) {add = true}
        %dma_wait3A_442 = arith.constant 0 : i32
        %dma_wait3A_443 = arith.constant 0 : i32
        %dma_wait3A_444 = arith.constant 0 : i32
        %dma_wait3A_445 = tpu.memref_slice %arg9[%dma_wait3A_442, %dma_wait3A_443, %dma_wait3A_444] : memref<8x128x8xf32, #tpu.memory_space<vmem>> -> memref<1x128x8xf32, #tpu.memory_space<vmem>>
        %dma_wait3A_446 = tpu.memref_squeeze %dma_wait3A_445 : memref<1x128x8xf32, #tpu.memory_space<vmem>> -> memref<128x8xf32, #tpu.memory_space<vmem>>
        %dma_wait3A_447 = arith.constant 0 : i32
        %dma_wait3A_448 = tpu.memref_slice %arg8[%add3A_213, %dma_wait3A_447] : memref<392x128xi32, #tpu.memory_space<vmem>> -> memref<1x128xi32, #tpu.memory_space<vmem>>
        %dma_wait3A_449 = tpu.memref_squeeze %dma_wait3A_448 : memref<1x128xi32, #tpu.memory_space<vmem>> -> memref<128xi32, #tpu.memory_space<vmem>>
        %dma_wait3A_450 = arith.constant 0 : i32
        %dma_wait3A_451 = arith.constant 0 : i32
        %dma_wait3A_452 = tpu.memref_slice %arg10[%dma_wait3A_450, %dma_wait3A_451] : memref<25008x8xf32, #tpu.memory_space<vmem_shared>> -> memref<25008x8xf32, #tpu.memory_space<vmem_shared>>
        tpu.wait_indirect_dma semaphore(%arg12 : memref<!tpu.dma_semaphore, #tpu.memory_space<semaphore_mem>>) src(%dma_wait3A_446 : memref<128x8xf32, #tpu.memory_space<vmem>>) dst(%dma_wait3A_452 : memref<25008x8xf32, #tpu.memory_space<vmem_shared>>)
        %dma_wait3A_453 = arith.constant 1 : i32
        %dma_wait3A_454 = arith.constant 0 : i32
        %dma_wait3A_455 = arith.constant 0 : i32
        %dma_wait3A_456 = tpu.memref_slice %arg9[%dma_wait3A_453, %dma_wait3A_454, %dma_wait3A_455] : memref<8x128x8xf32, #tpu.memory_space<vmem>> -> memref<1x128x8xf32, #tpu.memory_space<vmem>>
        %dma_wait3A_457 = tpu.memref_squeeze %dma_wait3A_456 : memref<1x128x8xf32, #tpu.memory_space<vmem>> -> memref<128x8xf32, #tpu.memory_space<vmem>>
        %dma_wait3A_458 = arith.constant 0 : i32
        %dma_wait3A_459 = tpu.memref_slice %arg8[%add3A_244, %dma_wait3A_458] : memref<392x128xi32, #tpu.memory_space<vmem>> -> memref<1x128xi32, #tpu.memory_space<vmem>>
        %dma_wait3A_460 = tpu.memref_squeeze %dma_wait3A_459 : memref<1x128xi32, #tpu.memory_space<vmem>> -> memref<128xi32, #tpu.memory_space<vmem>>
        %dma_wait3A_461 = arith.constant 0 : i32
        %dma_wait3A_462 = arith.constant 0 : i32
        %dma_wait3A_463 = tpu.memref_slice %arg10[%dma_wait3A_461, %dma_wait3A_462] : memref<25008x8xf32, #tpu.memory_space<vmem_shared>> -> memref<25008x8xf32, #tpu.memory_space<vmem_shared>>
        tpu.wait_indirect_dma semaphore(%arg12 : memref<!tpu.dma_semaphore, #tpu.memory_space<semaphore_mem>>) src(%dma_wait3A_457 : memref<128x8xf32, #tpu.memory_space<vmem>>) dst(%dma_wait3A_463 : memref<25008x8xf32, #tpu.memory_space<vmem_shared>>)
        %dma_wait3A_464 = arith.constant 2 : i32
        %dma_wait3A_465 = arith.constant 0 : i32
        %dma_wait3A_466 = arith.constant 0 : i32
        %dma_wait3A_467 = tpu.memref_slice %arg9[%dma_wait3A_464, %dma_wait3A_465, %dma_wait3A_466] : memref<8x128x8xf32, #tpu.memory_space<vmem>> -> memref<1x128x8xf32, #tpu.memory_space<vmem>>
        %dma_wait3A_468 = tpu.memref_squeeze %dma_wait3A_467 : memref<1x128x8xf32, #tpu.memory_space<vmem>> -> memref<128x8xf32, #tpu.memory_space<vmem>>
        %dma_wait3A_469 = arith.constant 0 : i32
        %dma_wait3A_470 = tpu.memref_slice %arg8[%add3A_275, %dma_wait3A_469] : memref<392x128xi32, #tpu.memory_space<vmem>> -> memref<1x128xi32, #tpu.memory_space<vmem>>
        %dma_wait3A_471 = tpu.memref_squeeze %dma_wait3A_470 : memref<1x128xi32, #tpu.memory_space<vmem>> -> memref<128xi32, #tpu.memory_space<vmem>>
        %dma_wait3A_472 = arith.constant 0 : i32
        %dma_wait3A_473 = arith.constant 0 : i32
        %dma_wait3A_474 = tpu.memref_slice %arg10[%dma_wait3A_472, %dma_wait3A_473] : memref<25008x8xf32, #tpu.memory_space<vmem_shared>> -> memref<25008x8xf32, #tpu.memory_space<vmem_shared>>
        tpu.wait_indirect_dma semaphore(%arg12 : memref<!tpu.dma_semaphore, #tpu.memory_space<semaphore_mem>>) src(%dma_wait3A_468 : memref<128x8xf32, #tpu.memory_space<vmem>>) dst(%dma_wait3A_474 : memref<25008x8xf32, #tpu.memory_space<vmem_shared>>)
        %dma_wait3A_475 = arith.constant 3 : i32
        %dma_wait3A_476 = arith.constant 0 : i32
        %dma_wait3A_477 = arith.constant 0 : i32
        %dma_wait3A_478 = tpu.memref_slice %arg9[%dma_wait3A_475, %dma_wait3A_476, %dma_wait3A_477] : memref<8x128x8xf32, #tpu.memory_space<vmem>> -> memref<1x128x8xf32, #tpu.memory_space<vmem>>
        %dma_wait3A_479 = tpu.memref_squeeze %dma_wait3A_478 : memref<1x128x8xf32, #tpu.memory_space<vmem>> -> memref<128x8xf32, #tpu.memory_space<vmem>>
        %dma_wait3A_480 = arith.constant 0 : i32
        %dma_wait3A_481 = tpu.memref_slice %arg8[%add3A_306, %dma_wait3A_480] : memref<392x128xi32, #tpu.memory_space<vmem>> -> memref<1x128xi32, #tpu.memory_space<vmem>>
        %dma_wait3A_482 = tpu.memref_squeeze %dma_wait3A_481 : memref<1x128xi32, #tpu.memory_space<vmem>> -> memref<128xi32, #tpu.memory_space<vmem>>
        %dma_wait3A_483 = arith.constant 0 : i32
        %dma_wait3A_484 = arith.constant 0 : i32
        %dma_wait3A_485 = tpu.memref_slice %arg10[%dma_wait3A_483, %dma_wait3A_484] : memref<25008x8xf32, #tpu.memory_space<vmem_shared>> -> memref<25008x8xf32, #tpu.memory_space<vmem_shared>>
        tpu.wait_indirect_dma semaphore(%arg12 : memref<!tpu.dma_semaphore, #tpu.memory_space<semaphore_mem>>) src(%dma_wait3A_479 : memref<128x8xf32, #tpu.memory_space<vmem>>) dst(%dma_wait3A_485 : memref<25008x8xf32, #tpu.memory_space<vmem_shared>>)
        %dma_wait3A_486 = arith.constant 4 : i32
        %dma_wait3A_487 = arith.constant 0 : i32
        %dma_wait3A_488 = arith.constant 0 : i32
        %dma_wait3A_489 = tpu.memref_slice %arg9[%dma_wait3A_486, %dma_wait3A_487, %dma_wait3A_488] : memref<8x128x8xf32, #tpu.memory_space<vmem>> -> memref<1x128x8xf32, #tpu.memory_space<vmem>>
        %dma_wait3A_490 = tpu.memref_squeeze %dma_wait3A_489 : memref<1x128x8xf32, #tpu.memory_space<vmem>> -> memref<128x8xf32, #tpu.memory_space<vmem>>
        %dma_wait3A_491 = arith.constant 0 : i32
        %dma_wait3A_492 = tpu.memref_slice %arg8[%add3A_337, %dma_wait3A_491] : memref<392x128xi32, #tpu.memory_space<vmem>> -> memref<1x128xi32, #tpu.memory_space<vmem>>
        %dma_wait3A_493 = tpu.memref_squeeze %dma_wait3A_492 : memref<1x128xi32, #tpu.memory_space<vmem>> -> memref<128xi32, #tpu.memory_space<vmem>>
        %dma_wait3A_494 = arith.constant 0 : i32
        %dma_wait3A_495 = arith.constant 0 : i32
        %dma_wait3A_496 = tpu.memref_slice %arg10[%dma_wait3A_494, %dma_wait3A_495] : memref<25008x8xf32, #tpu.memory_space<vmem_shared>> -> memref<25008x8xf32, #tpu.memory_space<vmem_shared>>
        tpu.wait_indirect_dma semaphore(%arg12 : memref<!tpu.dma_semaphore, #tpu.memory_space<semaphore_mem>>) src(%dma_wait3A_490 : memref<128x8xf32, #tpu.memory_space<vmem>>) dst(%dma_wait3A_496 : memref<25008x8xf32, #tpu.memory_space<vmem_shared>>)
        %dma_wait3A_497 = arith.constant 5 : i32
        %dma_wait3A_498 = arith.constant 0 : i32
        %dma_wait3A_499 = arith.constant 0 : i32
        %dma_wait3A_500 = tpu.memref_slice %arg9[%dma_wait3A_497, %dma_wait3A_498, %dma_wait3A_499] : memref<8x128x8xf32, #tpu.memory_space<vmem>> -> memref<1x128x8xf32, #tpu.memory_space<vmem>>
        %dma_wait3A_501 = tpu.memref_squeeze %dma_wait3A_500 : memref<1x128x8xf32, #tpu.memory_space<vmem>> -> memref<128x8xf32, #tpu.memory_space<vmem>>
        %dma_wait3A_502 = arith.constant 0 : i32
        %dma_wait3A_503 = tpu.memref_slice %arg8[%add3A_368, %dma_wait3A_502] : memref<392x128xi32, #tpu.memory_space<vmem>> -> memref<1x128xi32, #tpu.memory_space<vmem>>
        %dma_wait3A_504 = tpu.memref_squeeze %dma_wait3A_503 : memref<1x128xi32, #tpu.memory_space<vmem>> -> memref<128xi32, #tpu.memory_space<vmem>>
        %dma_wait3A_505 = arith.constant 0 : i32
        %dma_wait3A_506 = arith.constant 0 : i32
        %dma_wait3A_507 = tpu.memref_slice %arg10[%dma_wait3A_505, %dma_wait3A_506] : memref<25008x8xf32, #tpu.memory_space<vmem_shared>> -> memref<25008x8xf32, #tpu.memory_space<vmem_shared>>
        tpu.wait_indirect_dma semaphore(%arg12 : memref<!tpu.dma_semaphore, #tpu.memory_space<semaphore_mem>>) src(%dma_wait3A_501 : memref<128x8xf32, #tpu.memory_space<vmem>>) dst(%dma_wait3A_507 : memref<25008x8xf32, #tpu.memory_space<vmem_shared>>)
        %dma_wait3A_508 = arith.constant 6 : i32
        %dma_wait3A_509 = arith.constant 0 : i32
        %dma_wait3A_510 = arith.constant 0 : i32
        %dma_wait3A_511 = tpu.memref_slice %arg9[%dma_wait3A_508, %dma_wait3A_509, %dma_wait3A_510] : memref<8x128x8xf32, #tpu.memory_space<vmem>> -> memref<1x128x8xf32, #tpu.memory_space<vmem>>
        %dma_wait3A_512 = tpu.memref_squeeze %dma_wait3A_511 : memref<1x128x8xf32, #tpu.memory_space<vmem>> -> memref<128x8xf32, #tpu.memory_space<vmem>>
        %dma_wait3A_513 = arith.constant 0 : i32
        %dma_wait3A_514 = tpu.memref_slice %arg8[%add3A_399, %dma_wait3A_513] : memref<392x128xi32, #tpu.memory_space<vmem>> -> memref<1x128xi32, #tpu.memory_space<vmem>>
        %dma_wait3A_515 = tpu.memref_squeeze %dma_wait3A_514 : memref<1x128xi32, #tpu.memory_space<vmem>> -> memref<128xi32, #tpu.memory_space<vmem>>
        %dma_wait3A_516 = arith.constant 0 : i32
        %dma_wait3A_517 = arith.constant 0 : i32
        %dma_wait3A_518 = tpu.memref_slice %arg10[%dma_wait3A_516, %dma_wait3A_517] : memref<25008x8xf32, #tpu.memory_space<vmem_shared>> -> memref<25008x8xf32, #tpu.memory_space<vmem_shared>>
        tpu.wait_indirect_dma semaphore(%arg12 : memref<!tpu.dma_semaphore, #tpu.memory_space<semaphore_mem>>) src(%dma_wait3A_512 : memref<128x8xf32, #tpu.memory_space<vmem>>) dst(%dma_wait3A_518 : memref<25008x8xf32, #tpu.memory_space<vmem_shared>>)
        %dma_wait3A_519 = arith.constant 7 : i32
        %dma_wait3A_520 = arith.constant 0 : i32
        %dma_wait3A_521 = arith.constant 0 : i32
        %dma_wait3A_522 = tpu.memref_slice %arg9[%dma_wait3A_519, %dma_wait3A_520, %dma_wait3A_521] : memref<8x128x8xf32, #tpu.memory_space<vmem>> -> memref<1x128x8xf32, #tpu.memory_space<vmem>>
        %dma_wait3A_523 = tpu.memref_squeeze %dma_wait3A_522 : memref<1x128x8xf32, #tpu.memory_space<vmem>> -> memref<128x8xf32, #tpu.memory_space<vmem>>
        %dma_wait3A_524 = arith.constant 0 : i32
        %dma_wait3A_525 = tpu.memref_slice %arg8[%add3A_430, %dma_wait3A_524] : memref<392x128xi32, #tpu.memory_space<vmem>> -> memref<1x128xi32, #tpu.memory_space<vmem>>
        %dma_wait3A_526 = tpu.memref_squeeze %dma_wait3A_525 : memref<1x128xi32, #tpu.memory_space<vmem>> -> memref<128xi32, #tpu.memory_space<vmem>>
        %dma_wait3A_527 = arith.constant 0 : i32
        %dma_wait3A_528 = arith.constant 0 : i32
        %dma_wait3A_529 = tpu.memref_slice %arg10[%dma_wait3A_527, %dma_wait3A_528] : memref<25008x8xf32, #tpu.memory_space<vmem_shared>> -> memref<25008x8xf32, #tpu.memory_space<vmem_shared>>
        tpu.wait_indirect_dma semaphore(%arg12 : memref<!tpu.dma_semaphore, #tpu.memory_space<semaphore_mem>>) src(%dma_wait3A_523 : memref<128x8xf32, #tpu.memory_space<vmem>>) dst(%dma_wait3A_529 : memref<25008x8xf32, #tpu.memory_space<vmem_shared>>)
      }
      %scan3A_24 = arith.constant 49 : i32
      %barrier3A_25 = arith.constant 0 : index
      tpu.barrier barrier_id(%barrier3A_25)
      %lt3A = arith.constant 8 : i32
      %lt3A_26 = arith.cmpi slt, %arg1, %lt3A : i32
      %convert_element_type3A = arith.extui %lt3A_26 : i1 to i32
      %cond3A = arith.constant 0 : i32
      %cond3A_27 = arith.cmpi ne, %convert_element_type3A, %cond3A : i32
      scf.if %cond3A_27 {
        %mul3A_29 = arith.constant 3125 : i32
        %mul3A_30 = arith.muli %arg1, %mul3A_29 : i32
        %mul3A_31 = arith.constant 25000 : i32
        %mul3A_32 = arith.muli %arg0, %mul3A_31 : i32
        %mul3A_33 = arith.constant 3125 : i32
        %mul3A_34 = arith.muli %arg1, %mul3A_33 : i32
        %add3A_35 = arith.addi %mul3A_32, %mul3A_34 : i32
        "tpu.region"() ({
          %run_scoped3A = tpu.sem_alloc : memref<!tpu.dma_semaphore, #tpu.memory_space<semaphore_mem>>
          %dma_start3A = arith.constant 0 : i32
          %dma_start3A_36 = tpu.memref_slice %arg6[%add3A_17, %add3A_35, %dma_start3A] : memref<16x50000x8xf32, #tpu.memory_space<hbm>> -> memref<1x3125x8xf32, #tpu.memory_space<hbm>>
          %dma_start3A_37 = tpu.memref_squeeze %dma_start3A_36 : memref<1x3125x8xf32, #tpu.memory_space<hbm>> -> memref<3125x8xf32, #tpu.memory_space<hbm>>
          %dma_start3A_38 = arith.constant 0 : i32
          %dma_start3A_39 = tpu.memref_slice %arg10[%mul3A_30, %dma_start3A_38] : memref<25008x8xf32, #tpu.memory_space<vmem_shared>> -> memref<3125x8xf32, #tpu.memory_space<vmem_shared>>
          tpu.enqueue_dma source(%dma_start3A_39 : memref<3125x8xf32, #tpu.memory_space<vmem_shared>>) target(%dma_start3A_37 : memref<3125x8xf32, #tpu.memory_space<hbm>>) target_semaphore(%run_scoped3A : memref<!tpu.dma_semaphore, #tpu.memory_space<semaphore_mem>>)
          %dma_wait3A = arith.constant 0 : i32
          %dma_wait3A_40 = tpu.memref_slice %arg6[%add3A_17, %add3A_35, %dma_wait3A] : memref<16x50000x8xf32, #tpu.memory_space<hbm>> -> memref<1x3125x8xf32, #tpu.memory_space<hbm>>
          %dma_wait3A_41 = tpu.memref_squeeze %dma_wait3A_40 : memref<1x3125x8xf32, #tpu.memory_space<hbm>> -> memref<3125x8xf32, #tpu.memory_space<hbm>>
          %dma_wait3A_42 = arith.constant 0 : i32
          %dma_wait3A_43 = tpu.memref_slice %arg10[%mul3A_30, %dma_wait3A_42] : memref<25008x8xf32, #tpu.memory_space<vmem_shared>> -> memref<3125x8xf32, #tpu.memory_space<vmem_shared>>
          tpu.wait_dma2 semaphore(%run_scoped3A : memref<!tpu.dma_semaphore, #tpu.memory_space<semaphore_mem>>) src(%dma_wait3A_43 : memref<3125x8xf32, #tpu.memory_space<vmem_shared>>) dst(%dma_wait3A_41 : memref<3125x8xf32, #tpu.memory_space<hbm>>)
          tpu.yield
        }) : () -> ()
      } else {
      }
      %barrier3A_28 = arith.constant 0 : index
      tpu.barrier barrier_id(%barrier3A_28)
    }
    %scan3A_13 = arith.constant 16 : i32
    return
  }
}

#map = affine_map<(d0, d1) -> (0, 0, 0)>
#map1 = affine_map<(d0, d1) -> (0, 0)>
module attributes {stable_mosaic.version = 14 : i64} {
  func.func @_pool_sc(%arg0: i32, %arg1: i32, %arg2: memref<16x53248x8xf32, #tpu.memory_space<hbm>>, %arg3: memref<416x128xi32, #tpu.memory_space<hbm>>, %arg4: memref<3200x8xf32, #tpu.memory_space<hbm>>, %arg5: memref<16x2048x8xf32, #tpu.memory_space<hbm>>, %arg6: memref<416x128xi32, #tpu.memory_space<vmem>>, %arg7: memref<8x128x8xf32, #tpu.memory_space<vmem>>, %arg8: memref<2176x8xf32, #tpu.memory_space<vmem_shared>>, %arg9: memref<8x!tpu.dma_semaphore, #tpu.memory_space<semaphore_mem>>, %arg10: memref<!tpu.dma_semaphore, #tpu.memory_space<semaphore_mem>>) attributes {dimension_semantics = [#tpu.dimension_semantics<core_parallel>, #tpu.dimension_semantics<subcore_parallel>], iteration_bounds = array<i64: 2, 16>, scalar_prefetch = 0 : i64, scratch_operands = 5 : i64, tpu.core_type = #tpu.core_type<sc_vector_subcore>, window_params = [{transform_indices = #map}, {transform_indices = #map1}, {transform_indices = #map1}, {transform_indices = #map}]} {
    "tpu.region"() ({
      %run_scoped3A = tpu.sem_alloc : memref<!tpu.dma_semaphore, #tpu.memory_space<semaphore_mem>>
      tpu.enqueue_dma source(%arg3 : memref<416x128xi32, #tpu.memory_space<hbm>>) target(%arg6 : memref<416x128xi32, #tpu.memory_space<vmem>>) target_semaphore(%run_scoped3A : memref<!tpu.dma_semaphore, #tpu.memory_space<semaphore_mem>>)
      tpu.wait_dma2 semaphore(%run_scoped3A : memref<!tpu.dma_semaphore, #tpu.memory_space<semaphore_mem>>) src(%arg3 : memref<416x128xi32, #tpu.memory_space<hbm>>) dst(%arg6 : memref<416x128xi32, #tpu.memory_space<vmem>>)
      tpu.yield
    }) : () -> ()
    %scan3A = arith.constant 0 : i32
    %scan3A_0 = arith.constant 8 : i32
    %scan3A_1 = arith.addi %scan3A, %scan3A_0 : i32
    %scan3A_2 = arith.constant 1 : i32
    scf.for %scan3A_4 = %scan3A to %scan3A_1 step %scan3A_2  : i32 {
      %mul3A = arith.constant 1 : i32
      %mul3A_5 = arith.muli %scan3A_4, %mul3A : i32
      %add3A = arith.constant 0 : i32
      %add3A_6 = arith.addi %add3A, %mul3A_5 : i32
      %mul3A_7 = arith.constant 8 : i32
      %mul3A_8 = arith.muli %arg0, %mul3A_7 : i32
      %add3A_9 = arith.addi %mul3A_8, %add3A_6 : i32
      %mul3A_10 = arith.constant 136 : i32
      %mul3A_11 = arith.muli %arg1, %mul3A_10 : i32
      "tpu.region"() ({
        %run_scoped3A = tpu.sem_alloc : memref<!tpu.dma_semaphore, #tpu.memory_space<semaphore_mem>>
        %dma_start3A_1734 = arith.constant 0 : i32
        %dma_start3A_1735 = tpu.memref_slice %arg8[%mul3A_11, %dma_start3A_1734] : memref<2176x8xf32, #tpu.memory_space<vmem_shared>> -> memref<136x8xf32, #tpu.memory_space<vmem_shared>>
        %dma_start3A_1736 = arith.constant 0 : i32
        %dma_start3A_1737 = arith.constant 0 : i32
        %dma_start3A_1738 = tpu.memref_slice %arg4[%dma_start3A_1736, %dma_start3A_1737] : memref<3200x8xf32, #tpu.memory_space<hbm>> -> memref<136x8xf32, #tpu.memory_space<hbm>>
        tpu.enqueue_dma source(%dma_start3A_1738 : memref<136x8xf32, #tpu.memory_space<hbm>>) target(%dma_start3A_1735 : memref<136x8xf32, #tpu.memory_space<vmem_shared>>) target_semaphore(%run_scoped3A : memref<!tpu.dma_semaphore, #tpu.memory_space<semaphore_mem>>)
        %dma_wait3A_1739 = arith.constant 0 : i32
        %dma_wait3A_1740 = tpu.memref_slice %arg8[%mul3A_11, %dma_wait3A_1739] : memref<2176x8xf32, #tpu.memory_space<vmem_shared>> -> memref<136x8xf32, #tpu.memory_space<vmem_shared>>
        %dma_wait3A_1741 = arith.constant 0 : i32
        %dma_wait3A_1742 = arith.constant 0 : i32
        %dma_wait3A_1743 = tpu.memref_slice %arg4[%dma_wait3A_1741, %dma_wait3A_1742] : memref<3200x8xf32, #tpu.memory_space<hbm>> -> memref<136x8xf32, #tpu.memory_space<hbm>>
        tpu.wait_dma2 semaphore(%run_scoped3A : memref<!tpu.dma_semaphore, #tpu.memory_space<semaphore_mem>>) src(%dma_wait3A_1743 : memref<136x8xf32, #tpu.memory_space<hbm>>) dst(%dma_wait3A_1740 : memref<136x8xf32, #tpu.memory_space<vmem_shared>>)
        tpu.yield
      }) : () -> ()
      %barrier3A = arith.constant 0 : index
      tpu.barrier barrier_id(%barrier3A)
      %mul3A_12 = arith.constant 3328 : i32
      %mul3A_13 = arith.muli %arg1, %mul3A_12 : i32
      %add3A_14 = arith.constant 0 : i32
      %add3A_15 = arith.addi %mul3A_13, %add3A_14 : i32
      %dma_start3A = arith.constant 0 : i32
      %dma_start3A_16 = arith.constant 0 : i32
      %dma_start3A_17 = arith.constant 0 : i32
      %dma_start3A_18 = arith.constant 0 : i32
      %dma_start3A_19 = tpu.memref_slice %arg7[%dma_start3A, %dma_start3A_17, %dma_start3A_18] : memref<8x128x8xf32, #tpu.memory_space<vmem>> -> memref<1x128x8xf32, #tpu.memory_space<vmem>>
      %dma_start3A_20 = tpu.memref_squeeze %dma_start3A_19 : memref<1x128x8xf32, #tpu.memory_space<vmem>> -> memref<128x8xf32, #tpu.memory_space<vmem>>
      %dma_start3A_21 = arith.constant 0 : i32
      %dma_start3A_22 = tpu.memref_slice %arg2[%add3A_9, %add3A_15, %dma_start3A_21] : memref<16x53248x8xf32, #tpu.memory_space<hbm>> -> memref<1x128x8xf32, #tpu.memory_space<hbm>>
      %dma_start3A_23 = tpu.memref_squeeze %dma_start3A_22 : memref<1x128x8xf32, #tpu.memory_space<hbm>> -> memref<128x8xf32, #tpu.memory_space<hbm>>
      %dma_start3A_24 = tpu.memref_slice %arg9[%dma_start3A_16] : memref<8x!tpu.dma_semaphore, #tpu.memory_space<semaphore_mem>> -> memref<1x!tpu.dma_semaphore, #tpu.memory_space<semaphore_mem>>
      %dma_start3A_25 = tpu.memref_squeeze %dma_start3A_24 : memref<1x!tpu.dma_semaphore, #tpu.memory_space<semaphore_mem>> -> memref<!tpu.dma_semaphore, #tpu.memory_space<semaphore_mem>>
      %dma_start3A_26 = arith.constant 0 : i32
      %dma_start3A_27 = arith.constant 0 : i32
      %dma_start3A_28 = tpu.memref_slice %arg7[%dma_start3A, %dma_start3A_26, %dma_start3A_27] : memref<8x128x8xf32, #tpu.memory_space<vmem>> -> memref<1x128x8xf32, #tpu.memory_space<vmem>>
      %dma_start3A_29 = tpu.memref_squeeze %dma_start3A_28 : memref<1x128x8xf32, #tpu.memory_space<vmem>> -> memref<128x8xf32, #tpu.memory_space<vmem>>
      %dma_start3A_30 = arith.constant 0 : i32
      %dma_start3A_31 = tpu.memref_slice %arg2[%add3A_9, %add3A_15, %dma_start3A_30] : memref<16x53248x8xf32, #tpu.memory_space<hbm>> -> memref<1x128x8xf32, #tpu.memory_space<hbm>>
      %dma_start3A_32 = tpu.memref_squeeze %dma_start3A_31 : memref<1x128x8xf32, #tpu.memory_space<hbm>> -> memref<128x8xf32, #tpu.memory_space<hbm>>
      tpu.enqueue_dma source(%dma_start3A_32 : memref<128x8xf32, #tpu.memory_space<hbm>>) target(%dma_start3A_29 : memref<128x8xf32, #tpu.memory_space<vmem>>) target_semaphore(%dma_start3A_25 : memref<!tpu.dma_semaphore, #tpu.memory_space<semaphore_mem>>)
      %add3A_33 = arith.constant 128 : i32
      %add3A_34 = arith.addi %mul3A_13, %add3A_33 : i32
      %dma_start3A_35 = arith.constant 1 : i32
      %dma_start3A_36 = arith.constant 1 : i32
      %dma_start3A_37 = arith.constant 0 : i32
      %dma_start3A_38 = arith.constant 0 : i32
      %dma_start3A_39 = tpu.memref_slice %arg7[%dma_start3A_35, %dma_start3A_37, %dma_start3A_38] : memref<8x128x8xf32, #tpu.memory_space<vmem>> -> memref<1x128x8xf32, #tpu.memory_space<vmem>>
      %dma_start3A_40 = tpu.memref_squeeze %dma_start3A_39 : memref<1x128x8xf32, #tpu.memory_space<vmem>> -> memref<128x8xf32, #tpu.memory_space<vmem>>
      %dma_start3A_41 = arith.constant 0 : i32
      %dma_start3A_42 = tpu.memref_slice %arg2[%add3A_9, %add3A_34, %dma_start3A_41] : memref<16x53248x8xf32, #tpu.memory_space<hbm>> -> memref<1x128x8xf32, #tpu.memory_space<hbm>>
      %dma_start3A_43 = tpu.memref_squeeze %dma_start3A_42 : memref<1x128x8xf32, #tpu.memory_space<hbm>> -> memref<128x8xf32, #tpu.memory_space<hbm>>
      %dma_start3A_44 = tpu.memref_slice %arg9[%dma_start3A_36] : memref<8x!tpu.dma_semaphore, #tpu.memory_space<semaphore_mem>> -> memref<1x!tpu.dma_semaphore, #tpu.memory_space<semaphore_mem>>
      %dma_start3A_45 = tpu.memref_squeeze %dma_start3A_44 : memref<1x!tpu.dma_semaphore, #tpu.memory_space<semaphore_mem>> -> memref<!tpu.dma_semaphore, #tpu.memory_space<semaphore_mem>>
      %dma_start3A_46 = arith.constant 0 : i32
      %dma_start3A_47 = arith.constant 0 : i32
      %dma_start3A_48 = tpu.memref_slice %arg7[%dma_start3A_35, %dma_start3A_46, %dma_start3A_47] : memref<8x128x8xf32, #tpu.memory_space<vmem>> -> memref<1x128x8xf32, #tpu.memory_space<vmem>>
      %dma_start3A_49 = tpu.memref_squeeze %dma_start3A_48 : memref<1x128x8xf32, #tpu.memory_space<vmem>> -> memref<128x8xf32, #tpu.memory_space<vmem>>
      %dma_start3A_50 = arith.constant 0 : i32
      %dma_start3A_51 = tpu.memref_slice %arg2[%add3A_9, %add3A_34, %dma_start3A_50] : memref<16x53248x8xf32, #tpu.memory_space<hbm>> -> memref<1x128x8xf32, #tpu.memory_space<hbm>>
      %dma_start3A_52 = tpu.memref_squeeze %dma_start3A_51 : memref<1x128x8xf32, #tpu.memory_space<hbm>> -> memref<128x8xf32, #tpu.memory_space<hbm>>
      tpu.enqueue_dma source(%dma_start3A_52 : memref<128x8xf32, #tpu.memory_space<hbm>>) target(%dma_start3A_49 : memref<128x8xf32, #tpu.memory_space<vmem>>) target_semaphore(%dma_start3A_45 : memref<!tpu.dma_semaphore, #tpu.memory_space<semaphore_mem>>)
      %add3A_53 = arith.constant 256 : i32
      %add3A_54 = arith.addi %mul3A_13, %add3A_53 : i32
      %dma_start3A_55 = arith.constant 2 : i32
      %dma_start3A_56 = arith.constant 2 : i32
      %dma_start3A_57 = arith.constant 0 : i32
      %dma_start3A_58 = arith.constant 0 : i32
      %dma_start3A_59 = tpu.memref_slice %arg7[%dma_start3A_55, %dma_start3A_57, %dma_start3A_58] : memref<8x128x8xf32, #tpu.memory_space<vmem>> -> memref<1x128x8xf32, #tpu.memory_space<vmem>>
      %dma_start3A_60 = tpu.memref_squeeze %dma_start3A_59 : memref<1x128x8xf32, #tpu.memory_space<vmem>> -> memref<128x8xf32, #tpu.memory_space<vmem>>
      %dma_start3A_61 = arith.constant 0 : i32
      %dma_start3A_62 = tpu.memref_slice %arg2[%add3A_9, %add3A_54, %dma_start3A_61] : memref<16x53248x8xf32, #tpu.memory_space<hbm>> -> memref<1x128x8xf32, #tpu.memory_space<hbm>>
      %dma_start3A_63 = tpu.memref_squeeze %dma_start3A_62 : memref<1x128x8xf32, #tpu.memory_space<hbm>> -> memref<128x8xf32, #tpu.memory_space<hbm>>
      %dma_start3A_64 = tpu.memref_slice %arg9[%dma_start3A_56] : memref<8x!tpu.dma_semaphore, #tpu.memory_space<semaphore_mem>> -> memref<1x!tpu.dma_semaphore, #tpu.memory_space<semaphore_mem>>
      %dma_start3A_65 = tpu.memref_squeeze %dma_start3A_64 : memref<1x!tpu.dma_semaphore, #tpu.memory_space<semaphore_mem>> -> memref<!tpu.dma_semaphore, #tpu.memory_space<semaphore_mem>>
      %dma_start3A_66 = arith.constant 0 : i32
      %dma_start3A_67 = arith.constant 0 : i32
      %dma_start3A_68 = tpu.memref_slice %arg7[%dma_start3A_55, %dma_start3A_66, %dma_start3A_67] : memref<8x128x8xf32, #tpu.memory_space<vmem>> -> memref<1x128x8xf32, #tpu.memory_space<vmem>>
      %dma_start3A_69 = tpu.memref_squeeze %dma_start3A_68 : memref<1x128x8xf32, #tpu.memory_space<vmem>> -> memref<128x8xf32, #tpu.memory_space<vmem>>
      %dma_start3A_70 = arith.constant 0 : i32
      %dma_start3A_71 = tpu.memref_slice %arg2[%add3A_9, %add3A_54, %dma_start3A_70] : memref<16x53248x8xf32, #tpu.memory_space<hbm>> -> memref<1x128x8xf32, #tpu.memory_space<hbm>>
      %dma_start3A_72 = tpu.memref_squeeze %dma_start3A_71 : memref<1x128x8xf32, #tpu.memory_space<hbm>> -> memref<128x8xf32, #tpu.memory_space<hbm>>
      tpu.enqueue_dma source(%dma_start3A_72 : memref<128x8xf32, #tpu.memory_space<hbm>>) target(%dma_start3A_69 : memref<128x8xf32, #tpu.memory_space<vmem>>) target_semaphore(%dma_start3A_65 : memref<!tpu.dma_semaphore, #tpu.memory_space<semaphore_mem>>)
      %add3A_73 = arith.constant 384 : i32
      %add3A_74 = arith.addi %mul3A_13, %add3A_73 : i32
      %dma_start3A_75 = arith.constant 3 : i32
      %dma_start3A_76 = arith.constant 3 : i32
      %dma_start3A_77 = arith.constant 0 : i32
      %dma_start3A_78 = arith.constant 0 : i32
      %dma_start3A_79 = tpu.memref_slice %arg7[%dma_start3A_75, %dma_start3A_77, %dma_start3A_78] : memref<8x128x8xf32, #tpu.memory_space<vmem>> -> memref<1x128x8xf32, #tpu.memory_space<vmem>>
      %dma_start3A_80 = tpu.memref_squeeze %dma_start3A_79 : memref<1x128x8xf32, #tpu.memory_space<vmem>> -> memref<128x8xf32, #tpu.memory_space<vmem>>
      %dma_start3A_81 = arith.constant 0 : i32
      %dma_start3A_82 = tpu.memref_slice %arg2[%add3A_9, %add3A_74, %dma_start3A_81] : memref<16x53248x8xf32, #tpu.memory_space<hbm>> -> memref<1x128x8xf32, #tpu.memory_space<hbm>>
      %dma_start3A_83 = tpu.memref_squeeze %dma_start3A_82 : memref<1x128x8xf32, #tpu.memory_space<hbm>> -> memref<128x8xf32, #tpu.memory_space<hbm>>
      %dma_start3A_84 = tpu.memref_slice %arg9[%dma_start3A_76] : memref<8x!tpu.dma_semaphore, #tpu.memory_space<semaphore_mem>> -> memref<1x!tpu.dma_semaphore, #tpu.memory_space<semaphore_mem>>
      %dma_start3A_85 = tpu.memref_squeeze %dma_start3A_84 : memref<1x!tpu.dma_semaphore, #tpu.memory_space<semaphore_mem>> -> memref<!tpu.dma_semaphore, #tpu.memory_space<semaphore_mem>>
      %dma_start3A_86 = arith.constant 0 : i32
      %dma_start3A_87 = arith.constant 0 : i32
      %dma_start3A_88 = tpu.memref_slice %arg7[%dma_start3A_75, %dma_start3A_86, %dma_start3A_87] : memref<8x128x8xf32, #tpu.memory_space<vmem>> -> memref<1x128x8xf32, #tpu.memory_space<vmem>>
      %dma_start3A_89 = tpu.memref_squeeze %dma_start3A_88 : memref<1x128x8xf32, #tpu.memory_space<vmem>> -> memref<128x8xf32, #tpu.memory_space<vmem>>
      %dma_start3A_90 = arith.constant 0 : i32
      %dma_start3A_91 = tpu.memref_slice %arg2[%add3A_9, %add3A_74, %dma_start3A_90] : memref<16x53248x8xf32, #tpu.memory_space<hbm>> -> memref<1x128x8xf32, #tpu.memory_space<hbm>>
      %dma_start3A_92 = tpu.memref_squeeze %dma_start3A_91 : memref<1x128x8xf32, #tpu.memory_space<hbm>> -> memref<128x8xf32, #tpu.memory_space<hbm>>
      tpu.enqueue_dma source(%dma_start3A_92 : memref<128x8xf32, #tpu.memory_space<hbm>>) target(%dma_start3A_89 : memref<128x8xf32, #tpu.memory_space<vmem>>) target_semaphore(%dma_start3A_85 : memref<!tpu.dma_semaphore, #tpu.memory_space<semaphore_mem>>)
      %add3A_93 = arith.constant 512 : i32
      %add3A_94 = arith.addi %mul3A_13, %add3A_93 : i32
      %dma_start3A_95 = arith.constant 4 : i32
      %dma_start3A_96 = arith.constant 4 : i32
      %dma_start3A_97 = arith.constant 0 : i32
      %dma_start3A_98 = arith.constant 0 : i32
      %dma_start3A_99 = tpu.memref_slice %arg7[%dma_start3A_95, %dma_start3A_97, %dma_start3A_98] : memref<8x128x8xf32, #tpu.memory_space<vmem>> -> memref<1x128x8xf32, #tpu.memory_space<vmem>>
      %dma_start3A_100 = tpu.memref_squeeze %dma_start3A_99 : memref<1x128x8xf32, #tpu.memory_space<vmem>> -> memref<128x8xf32, #tpu.memory_space<vmem>>
      %dma_start3A_101 = arith.constant 0 : i32
      %dma_start3A_102 = tpu.memref_slice %arg2[%add3A_9, %add3A_94, %dma_start3A_101] : memref<16x53248x8xf32, #tpu.memory_space<hbm>> -> memref<1x128x8xf32, #tpu.memory_space<hbm>>
      %dma_start3A_103 = tpu.memref_squeeze %dma_start3A_102 : memref<1x128x8xf32, #tpu.memory_space<hbm>> -> memref<128x8xf32, #tpu.memory_space<hbm>>
      %dma_start3A_104 = tpu.memref_slice %arg9[%dma_start3A_96] : memref<8x!tpu.dma_semaphore, #tpu.memory_space<semaphore_mem>> -> memref<1x!tpu.dma_semaphore, #tpu.memory_space<semaphore_mem>>
      %dma_start3A_105 = tpu.memref_squeeze %dma_start3A_104 : memref<1x!tpu.dma_semaphore, #tpu.memory_space<semaphore_mem>> -> memref<!tpu.dma_semaphore, #tpu.memory_space<semaphore_mem>>
      %dma_start3A_106 = arith.constant 0 : i32
      %dma_start3A_107 = arith.constant 0 : i32
      %dma_start3A_108 = tpu.memref_slice %arg7[%dma_start3A_95, %dma_start3A_106, %dma_start3A_107] : memref<8x128x8xf32, #tpu.memory_space<vmem>> -> memref<1x128x8xf32, #tpu.memory_space<vmem>>
      %dma_start3A_109 = tpu.memref_squeeze %dma_start3A_108 : memref<1x128x8xf32, #tpu.memory_space<vmem>> -> memref<128x8xf32, #tpu.memory_space<vmem>>
      %dma_start3A_110 = arith.constant 0 : i32
      %dma_start3A_111 = tpu.memref_slice %arg2[%add3A_9, %add3A_94, %dma_start3A_110] : memref<16x53248x8xf32, #tpu.memory_space<hbm>> -> memref<1x128x8xf32, #tpu.memory_space<hbm>>
      %dma_start3A_112 = tpu.memref_squeeze %dma_start3A_111 : memref<1x128x8xf32, #tpu.memory_space<hbm>> -> memref<128x8xf32, #tpu.memory_space<hbm>>
      tpu.enqueue_dma source(%dma_start3A_112 : memref<128x8xf32, #tpu.memory_space<hbm>>) target(%dma_start3A_109 : memref<128x8xf32, #tpu.memory_space<vmem>>) target_semaphore(%dma_start3A_105 : memref<!tpu.dma_semaphore, #tpu.memory_space<semaphore_mem>>)
      %add3A_113 = arith.constant 640 : i32
      %add3A_114 = arith.addi %mul3A_13, %add3A_113 : i32
      %dma_start3A_115 = arith.constant 5 : i32
      %dma_start3A_116 = arith.constant 5 : i32
      %dma_start3A_117 = arith.constant 0 : i32
      %dma_start3A_118 = arith.constant 0 : i32
      %dma_start3A_119 = tpu.memref_slice %arg7[%dma_start3A_115, %dma_start3A_117, %dma_start3A_118] : memref<8x128x8xf32, #tpu.memory_space<vmem>> -> memref<1x128x8xf32, #tpu.memory_space<vmem>>
      %dma_start3A_120 = tpu.memref_squeeze %dma_start3A_119 : memref<1x128x8xf32, #tpu.memory_space<vmem>> -> memref<128x8xf32, #tpu.memory_space<vmem>>
      %dma_start3A_121 = arith.constant 0 : i32
      %dma_start3A_122 = tpu.memref_slice %arg2[%add3A_9, %add3A_114, %dma_start3A_121] : memref<16x53248x8xf32, #tpu.memory_space<hbm>> -> memref<1x128x8xf32, #tpu.memory_space<hbm>>
      %dma_start3A_123 = tpu.memref_squeeze %dma_start3A_122 : memref<1x128x8xf32, #tpu.memory_space<hbm>> -> memref<128x8xf32, #tpu.memory_space<hbm>>
      %dma_start3A_124 = tpu.memref_slice %arg9[%dma_start3A_116] : memref<8x!tpu.dma_semaphore, #tpu.memory_space<semaphore_mem>> -> memref<1x!tpu.dma_semaphore, #tpu.memory_space<semaphore_mem>>
      %dma_start3A_125 = tpu.memref_squeeze %dma_start3A_124 : memref<1x!tpu.dma_semaphore, #tpu.memory_space<semaphore_mem>> -> memref<!tpu.dma_semaphore, #tpu.memory_space<semaphore_mem>>
      %dma_start3A_126 = arith.constant 0 : i32
      %dma_start3A_127 = arith.constant 0 : i32
      %dma_start3A_128 = tpu.memref_slice %arg7[%dma_start3A_115, %dma_start3A_126, %dma_start3A_127] : memref<8x128x8xf32, #tpu.memory_space<vmem>> -> memref<1x128x8xf32, #tpu.memory_space<vmem>>
      %dma_start3A_129 = tpu.memref_squeeze %dma_start3A_128 : memref<1x128x8xf32, #tpu.memory_space<vmem>> -> memref<128x8xf32, #tpu.memory_space<vmem>>
      %dma_start3A_130 = arith.constant 0 : i32
      %dma_start3A_131 = tpu.memref_slice %arg2[%add3A_9, %add3A_114, %dma_start3A_130] : memref<16x53248x8xf32, #tpu.memory_space<hbm>> -> memref<1x128x8xf32, #tpu.memory_space<hbm>>
      %dma_start3A_132 = tpu.memref_squeeze %dma_start3A_131 : memref<1x128x8xf32, #tpu.memory_space<hbm>> -> memref<128x8xf32, #tpu.memory_space<hbm>>
      tpu.enqueue_dma source(%dma_start3A_132 : memref<128x8xf32, #tpu.memory_space<hbm>>) target(%dma_start3A_129 : memref<128x8xf32, #tpu.memory_space<vmem>>) target_semaphore(%dma_start3A_125 : memref<!tpu.dma_semaphore, #tpu.memory_space<semaphore_mem>>)
      %add3A_133 = arith.constant 768 : i32
      %add3A_134 = arith.addi %mul3A_13, %add3A_133 : i32
      %dma_start3A_135 = arith.constant 6 : i32
      %dma_start3A_136 = arith.constant 6 : i32
      %dma_start3A_137 = arith.constant 0 : i32
      %dma_start3A_138 = arith.constant 0 : i32
      %dma_start3A_139 = tpu.memref_slice %arg7[%dma_start3A_135, %dma_start3A_137, %dma_start3A_138] : memref<8x128x8xf32, #tpu.memory_space<vmem>> -> memref<1x128x8xf32, #tpu.memory_space<vmem>>
      %dma_start3A_140 = tpu.memref_squeeze %dma_start3A_139 : memref<1x128x8xf32, #tpu.memory_space<vmem>> -> memref<128x8xf32, #tpu.memory_space<vmem>>
      %dma_start3A_141 = arith.constant 0 : i32
      %dma_start3A_142 = tpu.memref_slice %arg2[%add3A_9, %add3A_134, %dma_start3A_141] : memref<16x53248x8xf32, #tpu.memory_space<hbm>> -> memref<1x128x8xf32, #tpu.memory_space<hbm>>
      %dma_start3A_143 = tpu.memref_squeeze %dma_start3A_142 : memref<1x128x8xf32, #tpu.memory_space<hbm>> -> memref<128x8xf32, #tpu.memory_space<hbm>>
      %dma_start3A_144 = tpu.memref_slice %arg9[%dma_start3A_136] : memref<8x!tpu.dma_semaphore, #tpu.memory_space<semaphore_mem>> -> memref<1x!tpu.dma_semaphore, #tpu.memory_space<semaphore_mem>>
      %dma_start3A_145 = tpu.memref_squeeze %dma_start3A_144 : memref<1x!tpu.dma_semaphore, #tpu.memory_space<semaphore_mem>> -> memref<!tpu.dma_semaphore, #tpu.memory_space<semaphore_mem>>
      %dma_start3A_146 = arith.constant 0 : i32
      %dma_start3A_147 = arith.constant 0 : i32
      %dma_start3A_148 = tpu.memref_slice %arg7[%dma_start3A_135, %dma_start3A_146, %dma_start3A_147] : memref<8x128x8xf32, #tpu.memory_space<vmem>> -> memref<1x128x8xf32, #tpu.memory_space<vmem>>
      %dma_start3A_149 = tpu.memref_squeeze %dma_start3A_148 : memref<1x128x8xf32, #tpu.memory_space<vmem>> -> memref<128x8xf32, #tpu.memory_space<vmem>>
      %dma_start3A_150 = arith.constant 0 : i32
      %dma_start3A_151 = tpu.memref_slice %arg2[%add3A_9, %add3A_134, %dma_start3A_150] : memref<16x53248x8xf32, #tpu.memory_space<hbm>> -> memref<1x128x8xf32, #tpu.memory_space<hbm>>
      %dma_start3A_152 = tpu.memref_squeeze %dma_start3A_151 : memref<1x128x8xf32, #tpu.memory_space<hbm>> -> memref<128x8xf32, #tpu.memory_space<hbm>>
      tpu.enqueue_dma source(%dma_start3A_152 : memref<128x8xf32, #tpu.memory_space<hbm>>) target(%dma_start3A_149 : memref<128x8xf32, #tpu.memory_space<vmem>>) target_semaphore(%dma_start3A_145 : memref<!tpu.dma_semaphore, #tpu.memory_space<semaphore_mem>>)
      %add3A_153 = arith.constant 896 : i32
      %add3A_154 = arith.addi %mul3A_13, %add3A_153 : i32
      %dma_start3A_155 = arith.constant 7 : i32
      %dma_start3A_156 = arith.constant 7 : i32
      %dma_start3A_157 = arith.constant 0 : i32
      %dma_start3A_158 = arith.constant 0 : i32
      %dma_start3A_159 = tpu.memref_slice %arg7[%dma_start3A_155, %dma_start3A_157, %dma_start3A_158] : memref<8x128x8xf32, #tpu.memory_space<vmem>> -> memref<1x128x8xf32, #tpu.memory_space<vmem>>
      %dma_start3A_160 = tpu.memref_squeeze %dma_start3A_159 : memref<1x128x8xf32, #tpu.memory_space<vmem>> -> memref<128x8xf32, #tpu.memory_space<vmem>>
      %dma_start3A_161 = arith.constant 0 : i32
      %dma_start3A_162 = tpu.memref_slice %arg2[%add3A_9, %add3A_154, %dma_start3A_161] : memref<16x53248x8xf32, #tpu.memory_space<hbm>> -> memref<1x128x8xf32, #tpu.memory_space<hbm>>
      %dma_start3A_163 = tpu.memref_squeeze %dma_start3A_162 : memref<1x128x8xf32, #tpu.memory_space<hbm>> -> memref<128x8xf32, #tpu.memory_space<hbm>>
      %dma_start3A_164 = tpu.memref_slice %arg9[%dma_start3A_156] : memref<8x!tpu.dma_semaphore, #tpu.memory_space<semaphore_mem>> -> memref<1x!tpu.dma_semaphore, #tpu.memory_space<semaphore_mem>>
      %dma_start3A_165 = tpu.memref_squeeze %dma_start3A_164 : memref<1x!tpu.dma_semaphore, #tpu.memory_space<semaphore_mem>> -> memref<!tpu.dma_semaphore, #tpu.memory_space<semaphore_mem>>
      %dma_start3A_166 = arith.constant 0 : i32
      %dma_start3A_167 = arith.constant 0 : i32
      %dma_start3A_168 = tpu.memref_slice %arg7[%dma_start3A_155, %dma_start3A_166, %dma_start3A_167] : memref<8x128x8xf32, #tpu.memory_space<vmem>> -> memref<1x128x8xf32, #tpu.memory_space<vmem>>
      %dma_start3A_169 = tpu.memref_squeeze %dma_start3A_168 : memref<1x128x8xf32, #tpu.memory_space<vmem>> -> memref<128x8xf32, #tpu.memory_space<vmem>>
      %dma_start3A_170 = arith.constant 0 : i32
      %dma_start3A_171 = tpu.memref_slice %arg2[%add3A_9, %add3A_154, %dma_start3A_170] : memref<16x53248x8xf32, #tpu.memory_space<hbm>> -> memref<1x128x8xf32, #tpu.memory_space<hbm>>
      %dma_start3A_172 = tpu.memref_squeeze %dma_start3A_171 : memref<1x128x8xf32, #tpu.memory_space<hbm>> -> memref<128x8xf32, #tpu.memory_space<hbm>>
      tpu.enqueue_dma source(%dma_start3A_172 : memref<128x8xf32, #tpu.memory_space<hbm>>) target(%dma_start3A_169 : memref<128x8xf32, #tpu.memory_space<vmem>>) target_semaphore(%dma_start3A_165 : memref<!tpu.dma_semaphore, #tpu.memory_space<semaphore_mem>>)
      %dma_wait3A = arith.constant 0 : i32
      %dma_wait3A_173 = arith.constant 0 : i32
      %dma_wait3A_174 = arith.constant 0 : i32
      %dma_wait3A_175 = arith.constant 0 : i32
      %dma_wait3A_176 = tpu.memref_slice %arg7[%dma_wait3A, %dma_wait3A_174, %dma_wait3A_175] : memref<8x128x8xf32, #tpu.memory_space<vmem>> -> memref<1x128x8xf32, #tpu.memory_space<vmem>>
      %dma_wait3A_177 = tpu.memref_squeeze %dma_wait3A_176 : memref<1x128x8xf32, #tpu.memory_space<vmem>> -> memref<128x8xf32, #tpu.memory_space<vmem>>
      %dma_wait3A_178 = arith.constant 0 : i32
      %dma_wait3A_179 = tpu.memref_slice %arg2[%add3A_9, %add3A_15, %dma_wait3A_178] : memref<16x53248x8xf32, #tpu.memory_space<hbm>> -> memref<1x128x8xf32, #tpu.memory_space<hbm>>
      %dma_wait3A_180 = tpu.memref_squeeze %dma_wait3A_179 : memref<1x128x8xf32, #tpu.memory_space<hbm>> -> memref<128x8xf32, #tpu.memory_space<hbm>>
      %dma_wait3A_181 = tpu.memref_slice %arg9[%dma_wait3A_173] : memref<8x!tpu.dma_semaphore, #tpu.memory_space<semaphore_mem>> -> memref<1x!tpu.dma_semaphore, #tpu.memory_space<semaphore_mem>>
      %dma_wait3A_182 = tpu.memref_squeeze %dma_wait3A_181 : memref<1x!tpu.dma_semaphore, #tpu.memory_space<semaphore_mem>> -> memref<!tpu.dma_semaphore, #tpu.memory_space<semaphore_mem>>
      %dma_wait3A_183 = arith.constant 0 : i32
      %dma_wait3A_184 = arith.constant 0 : i32
      %dma_wait3A_185 = tpu.memref_slice %arg7[%dma_wait3A, %dma_wait3A_183, %dma_wait3A_184] : memref<8x128x8xf32, #tpu.memory_space<vmem>> -> memref<1x128x8xf32, #tpu.memory_space<vmem>>
      %dma_wait3A_186 = tpu.memref_squeeze %dma_wait3A_185 : memref<1x128x8xf32, #tpu.memory_space<vmem>> -> memref<128x8xf32, #tpu.memory_space<vmem>>
      %dma_wait3A_187 = arith.constant 0 : i32
      %dma_wait3A_188 = tpu.memref_slice %arg2[%add3A_9, %add3A_15, %dma_wait3A_187] : memref<16x53248x8xf32, #tpu.memory_space<hbm>> -> memref<1x128x8xf32, #tpu.memory_space<hbm>>
      %dma_wait3A_189 = tpu.memref_squeeze %dma_wait3A_188 : memref<1x128x8xf32, #tpu.memory_space<hbm>> -> memref<128x8xf32, #tpu.memory_space<hbm>>
      tpu.wait_dma2 semaphore(%dma_wait3A_182 : memref<!tpu.dma_semaphore, #tpu.memory_space<semaphore_mem>>) src(%dma_wait3A_189 : memref<128x8xf32, #tpu.memory_space<hbm>>) dst(%dma_wait3A_186 : memref<128x8xf32, #tpu.memory_space<vmem>>)
      %mul3A_190 = arith.constant 26 : i32
      %mul3A_191 = arith.muli %arg1, %mul3A_190 : i32
      %add3A_192 = arith.constant 0 : i32
      %add3A_193 = arith.addi %mul3A_191, %add3A_192 : i32
      %add3A_194 = arith.constant 0 : i32
      %add3A_195 = arith.addi %add3A_193, %add3A_194 : i32
      %dma_start3A_196 = arith.constant 0 : i32
      %dma_start3A_197 = arith.constant 0 : i32
      %dma_start3A_198 = arith.constant 0 : i32
      %dma_start3A_199 = tpu.memref_slice %arg7[%dma_start3A_196, %dma_start3A_197, %dma_start3A_198] : memref<8x128x8xf32, #tpu.memory_space<vmem>> -> memref<1x128x8xf32, #tpu.memory_space<vmem>>
      %dma_start3A_200 = tpu.memref_squeeze %dma_start3A_199 : memref<1x128x8xf32, #tpu.memory_space<vmem>> -> memref<128x8xf32, #tpu.memory_space<vmem>>
      %dma_start3A_201 = arith.constant 0 : i32
      %dma_start3A_202 = tpu.memref_slice %arg6[%add3A_195, %dma_start3A_201] : memref<416x128xi32, #tpu.memory_space<vmem>> -> memref<1x128xi32, #tpu.memory_space<vmem>>
      %dma_start3A_203 = tpu.memref_squeeze %dma_start3A_202 : memref<1x128xi32, #tpu.memory_space<vmem>> -> memref<128xi32, #tpu.memory_space<vmem>>
      %dma_start3A_204 = arith.constant 0 : i32
      %dma_start3A_205 = arith.constant 0 : i32
      %dma_start3A_206 = tpu.memref_slice %arg8[%dma_start3A_204, %dma_start3A_205] : memref<2176x8xf32, #tpu.memory_space<vmem_shared>> -> memref<2176x8xf32, #tpu.memory_space<vmem_shared>>
      tpu.enqueue_indirect_dma source(%dma_start3A_200 : memref<128x8xf32, #tpu.memory_space<vmem>>) target(%dma_start3A_206 : memref<2176x8xf32, #tpu.memory_space<vmem_shared>>) offsets(%dma_start3A_203 : memref<128xi32, #tpu.memory_space<vmem>>) semaphore(%arg10 : memref<!tpu.dma_semaphore, #tpu.memory_space<semaphore_mem>>) {add = true}
      %dma_wait3A_207 = arith.constant 1 : i32
      %dma_wait3A_208 = arith.constant 1 : i32
      %dma_wait3A_209 = arith.constant 0 : i32
      %dma_wait3A_210 = arith.constant 0 : i32
      %dma_wait3A_211 = tpu.memref_slice %arg7[%dma_wait3A_207, %dma_wait3A_209, %dma_wait3A_210] : memref<8x128x8xf32, #tpu.memory_space<vmem>> -> memref<1x128x8xf32, #tpu.memory_space<vmem>>
      %dma_wait3A_212 = tpu.memref_squeeze %dma_wait3A_211 : memref<1x128x8xf32, #tpu.memory_space<vmem>> -> memref<128x8xf32, #tpu.memory_space<vmem>>
      %dma_wait3A_213 = arith.constant 0 : i32
      %dma_wait3A_214 = tpu.memref_slice %arg2[%add3A_9, %add3A_34, %dma_wait3A_213] : memref<16x53248x8xf32, #tpu.memory_space<hbm>> -> memref<1x128x8xf32, #tpu.memory_space<hbm>>
      %dma_wait3A_215 = tpu.memref_squeeze %dma_wait3A_214 : memref<1x128x8xf32, #tpu.memory_space<hbm>> -> memref<128x8xf32, #tpu.memory_space<hbm>>
      %dma_wait3A_216 = tpu.memref_slice %arg9[%dma_wait3A_208] : memref<8x!tpu.dma_semaphore, #tpu.memory_space<semaphore_mem>> -> memref<1x!tpu.dma_semaphore, #tpu.memory_space<semaphore_mem>>
      %dma_wait3A_217 = tpu.memref_squeeze %dma_wait3A_216 : memref<1x!tpu.dma_semaphore, #tpu.memory_space<semaphore_mem>> -> memref<!tpu.dma_semaphore, #tpu.memory_space<semaphore_mem>>
      %dma_wait3A_218 = arith.constant 0 : i32
      %dma_wait3A_219 = arith.constant 0 : i32
      %dma_wait3A_220 = tpu.memref_slice %arg7[%dma_wait3A_207, %dma_wait3A_218, %dma_wait3A_219] : memref<8x128x8xf32, #tpu.memory_space<vmem>> -> memref<1x128x8xf32, #tpu.memory_space<vmem>>
      %dma_wait3A_221 = tpu.memref_squeeze %dma_wait3A_220 : memref<1x128x8xf32, #tpu.memory_space<vmem>> -> memref<128x8xf32, #tpu.memory_space<vmem>>
      %dma_wait3A_222 = arith.constant 0 : i32
      %dma_wait3A_223 = tpu.memref_slice %arg2[%add3A_9, %add3A_34, %dma_wait3A_222] : memref<16x53248x8xf32, #tpu.memory_space<hbm>> -> memref<1x128x8xf32, #tpu.memory_space<hbm>>
      %dma_wait3A_224 = tpu.memref_squeeze %dma_wait3A_223 : memref<1x128x8xf32, #tpu.memory_space<hbm>> -> memref<128x8xf32, #tpu.memory_space<hbm>>
      tpu.wait_dma2 semaphore(%dma_wait3A_217 : memref<!tpu.dma_semaphore, #tpu.memory_space<semaphore_mem>>) src(%dma_wait3A_224 : memref<128x8xf32, #tpu.memory_space<hbm>>) dst(%dma_wait3A_221 : memref<128x8xf32, #tpu.memory_space<vmem>>)
      %mul3A_225 = arith.constant 26 : i32
      %mul3A_226 = arith.muli %arg1, %mul3A_225 : i32
      %add3A_227 = arith.constant 0 : i32
      %add3A_228 = arith.addi %mul3A_226, %add3A_227 : i32
      %add3A_229 = arith.constant 1 : i32
      %add3A_230 = arith.addi %add3A_228, %add3A_229 : i32
      %dma_start3A_231 = arith.constant 1 : i32
      %dma_start3A_232 = arith.constant 0 : i32
      %dma_start3A_233 = arith.constant 0 : i32
      %dma_start3A_234 = tpu.memref_slice %arg7[%dma_start3A_231, %dma_start3A_232, %dma_start3A_233] : memref<8x128x8xf32, #tpu.memory_space<vmem>> -> memref<1x128x8xf32, #tpu.memory_space<vmem>>
      %dma_start3A_235 = tpu.memref_squeeze %dma_start3A_234 : memref<1x128x8xf32, #tpu.memory_space<vmem>> -> memref<128x8xf32, #tpu.memory_space<vmem>>
      %dma_start3A_236 = arith.constant 0 : i32
      %dma_start3A_237 = tpu.memref_slice %arg6[%add3A_230, %dma_start3A_236] : memref<416x128xi32, #tpu.memory_space<vmem>> -> memref<1x128xi32, #tpu.memory_space<vmem>>
      %dma_start3A_238 = tpu.memref_squeeze %dma_start3A_237 : memref<1x128xi32, #tpu.memory_space<vmem>> -> memref<128xi32, #tpu.memory_space<vmem>>
      %dma_start3A_239 = arith.constant 0 : i32
      %dma_start3A_240 = arith.constant 0 : i32
      %dma_start3A_241 = tpu.memref_slice %arg8[%dma_start3A_239, %dma_start3A_240] : memref<2176x8xf32, #tpu.memory_space<vmem_shared>> -> memref<2176x8xf32, #tpu.memory_space<vmem_shared>>
      tpu.enqueue_indirect_dma source(%dma_start3A_235 : memref<128x8xf32, #tpu.memory_space<vmem>>) target(%dma_start3A_241 : memref<2176x8xf32, #tpu.memory_space<vmem_shared>>) offsets(%dma_start3A_238 : memref<128xi32, #tpu.memory_space<vmem>>) semaphore(%arg10 : memref<!tpu.dma_semaphore, #tpu.memory_space<semaphore_mem>>) {add = true}
      %dma_wait3A_242 = arith.constant 2 : i32
      %dma_wait3A_243 = arith.constant 2 : i32
      %dma_wait3A_244 = arith.constant 0 : i32
      %dma_wait3A_245 = arith.constant 0 : i32
      %dma_wait3A_246 = tpu.memref_slice %arg7[%dma_wait3A_242, %dma_wait3A_244, %dma_wait3A_245] : memref<8x128x8xf32, #tpu.memory_space<vmem>> -> memref<1x128x8xf32, #tpu.memory_space<vmem>>
      %dma_wait3A_247 = tpu.memref_squeeze %dma_wait3A_246 : memref<1x128x8xf32, #tpu.memory_space<vmem>> -> memref<128x8xf32, #tpu.memory_space<vmem>>
      %dma_wait3A_248 = arith.constant 0 : i32
      %dma_wait3A_249 = tpu.memref_slice %arg2[%add3A_9, %add3A_54, %dma_wait3A_248] : memref<16x53248x8xf32, #tpu.memory_space<hbm>> -> memref<1x128x8xf32, #tpu.memory_space<hbm>>
      %dma_wait3A_250 = tpu.memref_squeeze %dma_wait3A_249 : memref<1x128x8xf32, #tpu.memory_space<hbm>> -> memref<128x8xf32, #tpu.memory_space<hbm>>
      %dma_wait3A_251 = tpu.memref_slice %arg9[%dma_wait3A_243] : memref<8x!tpu.dma_semaphore, #tpu.memory_space<semaphore_mem>> -> memref<1x!tpu.dma_semaphore, #tpu.memory_space<semaphore_mem>>
      %dma_wait3A_252 = tpu.memref_squeeze %dma_wait3A_251 : memref<1x!tpu.dma_semaphore, #tpu.memory_space<semaphore_mem>> -> memref<!tpu.dma_semaphore, #tpu.memory_space<semaphore_mem>>
      %dma_wait3A_253 = arith.constant 0 : i32
      %dma_wait3A_254 = arith.constant 0 : i32
      %dma_wait3A_255 = tpu.memref_slice %arg7[%dma_wait3A_242, %dma_wait3A_253, %dma_wait3A_254] : memref<8x128x8xf32, #tpu.memory_space<vmem>> -> memref<1x128x8xf32, #tpu.memory_space<vmem>>
      %dma_wait3A_256 = tpu.memref_squeeze %dma_wait3A_255 : memref<1x128x8xf32, #tpu.memory_space<vmem>> -> memref<128x8xf32, #tpu.memory_space<vmem>>
      %dma_wait3A_257 = arith.constant 0 : i32
      %dma_wait3A_258 = tpu.memref_slice %arg2[%add3A_9, %add3A_54, %dma_wait3A_257] : memref<16x53248x8xf32, #tpu.memory_space<hbm>> -> memref<1x128x8xf32, #tpu.memory_space<hbm>>
      %dma_wait3A_259 = tpu.memref_squeeze %dma_wait3A_258 : memref<1x128x8xf32, #tpu.memory_space<hbm>> -> memref<128x8xf32, #tpu.memory_space<hbm>>
      tpu.wait_dma2 semaphore(%dma_wait3A_252 : memref<!tpu.dma_semaphore, #tpu.memory_space<semaphore_mem>>) src(%dma_wait3A_259 : memref<128x8xf32, #tpu.memory_space<hbm>>) dst(%dma_wait3A_256 : memref<128x8xf32, #tpu.memory_space<vmem>>)
      %mul3A_260 = arith.constant 26 : i32
      %mul3A_261 = arith.muli %arg1, %mul3A_260 : i32
      %add3A_262 = arith.constant 0 : i32
      %add3A_263 = arith.addi %mul3A_261, %add3A_262 : i32
      %add3A_264 = arith.constant 2 : i32
      %add3A_265 = arith.addi %add3A_263, %add3A_264 : i32
      %dma_start3A_266 = arith.constant 2 : i32
      %dma_start3A_267 = arith.constant 0 : i32
      %dma_start3A_268 = arith.constant 0 : i32
      %dma_start3A_269 = tpu.memref_slice %arg7[%dma_start3A_266, %dma_start3A_267, %dma_start3A_268] : memref<8x128x8xf32, #tpu.memory_space<vmem>> -> memref<1x128x8xf32, #tpu.memory_space<vmem>>
      %dma_start3A_270 = tpu.memref_squeeze %dma_start3A_269 : memref<1x128x8xf32, #tpu.memory_space<vmem>> -> memref<128x8xf32, #tpu.memory_space<vmem>>
      %dma_start3A_271 = arith.constant 0 : i32
      %dma_start3A_272 = tpu.memref_slice %arg6[%add3A_265, %dma_start3A_271] : memref<416x128xi32, #tpu.memory_space<vmem>> -> memref<1x128xi32, #tpu.memory_space<vmem>>
      %dma_start3A_273 = tpu.memref_squeeze %dma_start3A_272 : memref<1x128xi32, #tpu.memory_space<vmem>> -> memref<128xi32, #tpu.memory_space<vmem>>
      %dma_start3A_274 = arith.constant 0 : i32
      %dma_start3A_275 = arith.constant 0 : i32
      %dma_start3A_276 = tpu.memref_slice %arg8[%dma_start3A_274, %dma_start3A_275] : memref<2176x8xf32, #tpu.memory_space<vmem_shared>> -> memref<2176x8xf32, #tpu.memory_space<vmem_shared>>
      tpu.enqueue_indirect_dma source(%dma_start3A_270 : memref<128x8xf32, #tpu.memory_space<vmem>>) target(%dma_start3A_276 : memref<2176x8xf32, #tpu.memory_space<vmem_shared>>) offsets(%dma_start3A_273 : memref<128xi32, #tpu.memory_space<vmem>>) semaphore(%arg10 : memref<!tpu.dma_semaphore, #tpu.memory_space<semaphore_mem>>) {add = true}
      %dma_wait3A_277 = arith.constant 3 : i32
      %dma_wait3A_278 = arith.constant 3 : i32
      %dma_wait3A_279 = arith.constant 0 : i32
      %dma_wait3A_280 = arith.constant 0 : i32
      %dma_wait3A_281 = tpu.memref_slice %arg7[%dma_wait3A_277, %dma_wait3A_279, %dma_wait3A_280] : memref<8x128x8xf32, #tpu.memory_space<vmem>> -> memref<1x128x8xf32, #tpu.memory_space<vmem>>
      %dma_wait3A_282 = tpu.memref_squeeze %dma_wait3A_281 : memref<1x128x8xf32, #tpu.memory_space<vmem>> -> memref<128x8xf32, #tpu.memory_space<vmem>>
      %dma_wait3A_283 = arith.constant 0 : i32
      %dma_wait3A_284 = tpu.memref_slice %arg2[%add3A_9, %add3A_74, %dma_wait3A_283] : memref<16x53248x8xf32, #tpu.memory_space<hbm>> -> memref<1x128x8xf32, #tpu.memory_space<hbm>>
      %dma_wait3A_285 = tpu.memref_squeeze %dma_wait3A_284 : memref<1x128x8xf32, #tpu.memory_space<hbm>> -> memref<128x8xf32, #tpu.memory_space<hbm>>
      %dma_wait3A_286 = tpu.memref_slice %arg9[%dma_wait3A_278] : memref<8x!tpu.dma_semaphore, #tpu.memory_space<semaphore_mem>> -> memref<1x!tpu.dma_semaphore, #tpu.memory_space<semaphore_mem>>
      %dma_wait3A_287 = tpu.memref_squeeze %dma_wait3A_286 : memref<1x!tpu.dma_semaphore, #tpu.memory_space<semaphore_mem>> -> memref<!tpu.dma_semaphore, #tpu.memory_space<semaphore_mem>>
      %dma_wait3A_288 = arith.constant 0 : i32
      %dma_wait3A_289 = arith.constant 0 : i32
      %dma_wait3A_290 = tpu.memref_slice %arg7[%dma_wait3A_277, %dma_wait3A_288, %dma_wait3A_289] : memref<8x128x8xf32, #tpu.memory_space<vmem>> -> memref<1x128x8xf32, #tpu.memory_space<vmem>>
      %dma_wait3A_291 = tpu.memref_squeeze %dma_wait3A_290 : memref<1x128x8xf32, #tpu.memory_space<vmem>> -> memref<128x8xf32, #tpu.memory_space<vmem>>
      %dma_wait3A_292 = arith.constant 0 : i32
      %dma_wait3A_293 = tpu.memref_slice %arg2[%add3A_9, %add3A_74, %dma_wait3A_292] : memref<16x53248x8xf32, #tpu.memory_space<hbm>> -> memref<1x128x8xf32, #tpu.memory_space<hbm>>
      %dma_wait3A_294 = tpu.memref_squeeze %dma_wait3A_293 : memref<1x128x8xf32, #tpu.memory_space<hbm>> -> memref<128x8xf32, #tpu.memory_space<hbm>>
      tpu.wait_dma2 semaphore(%dma_wait3A_287 : memref<!tpu.dma_semaphore, #tpu.memory_space<semaphore_mem>>) src(%dma_wait3A_294 : memref<128x8xf32, #tpu.memory_space<hbm>>) dst(%dma_wait3A_291 : memref<128x8xf32, #tpu.memory_space<vmem>>)
      %mul3A_295 = arith.constant 26 : i32
      %mul3A_296 = arith.muli %arg1, %mul3A_295 : i32
      %add3A_297 = arith.constant 0 : i32
      %add3A_298 = arith.addi %mul3A_296, %add3A_297 : i32
      %add3A_299 = arith.constant 3 : i32
      %add3A_300 = arith.addi %add3A_298, %add3A_299 : i32
      %dma_start3A_301 = arith.constant 3 : i32
      %dma_start3A_302 = arith.constant 0 : i32
      %dma_start3A_303 = arith.constant 0 : i32
      %dma_start3A_304 = tpu.memref_slice %arg7[%dma_start3A_301, %dma_start3A_302, %dma_start3A_303] : memref<8x128x8xf32, #tpu.memory_space<vmem>> -> memref<1x128x8xf32, #tpu.memory_space<vmem>>
      %dma_start3A_305 = tpu.memref_squeeze %dma_start3A_304 : memref<1x128x8xf32, #tpu.memory_space<vmem>> -> memref<128x8xf32, #tpu.memory_space<vmem>>
      %dma_start3A_306 = arith.constant 0 : i32
      %dma_start3A_307 = tpu.memref_slice %arg6[%add3A_300, %dma_start3A_306] : memref<416x128xi32, #tpu.memory_space<vmem>> -> memref<1x128xi32, #tpu.memory_space<vmem>>
      %dma_start3A_308 = tpu.memref_squeeze %dma_start3A_307 : memref<1x128xi32, #tpu.memory_space<vmem>> -> memref<128xi32, #tpu.memory_space<vmem>>
      %dma_start3A_309 = arith.constant 0 : i32
      %dma_start3A_310 = arith.constant 0 : i32
      %dma_start3A_311 = tpu.memref_slice %arg8[%dma_start3A_309, %dma_start3A_310] : memref<2176x8xf32, #tpu.memory_space<vmem_shared>> -> memref<2176x8xf32, #tpu.memory_space<vmem_shared>>
      tpu.enqueue_indirect_dma source(%dma_start3A_305 : memref<128x8xf32, #tpu.memory_space<vmem>>) target(%dma_start3A_311 : memref<2176x8xf32, #tpu.memory_space<vmem_shared>>) offsets(%dma_start3A_308 : memref<128xi32, #tpu.memory_space<vmem>>) semaphore(%arg10 : memref<!tpu.dma_semaphore, #tpu.memory_space<semaphore_mem>>) {add = true}
      %dma_wait3A_312 = arith.constant 4 : i32
      %dma_wait3A_313 = arith.constant 4 : i32
      %dma_wait3A_314 = arith.constant 0 : i32
      %dma_wait3A_315 = arith.constant 0 : i32
      %dma_wait3A_316 = tpu.memref_slice %arg7[%dma_wait3A_312, %dma_wait3A_314, %dma_wait3A_315] : memref<8x128x8xf32, #tpu.memory_space<vmem>> -> memref<1x128x8xf32, #tpu.memory_space<vmem>>
      %dma_wait3A_317 = tpu.memref_squeeze %dma_wait3A_316 : memref<1x128x8xf32, #tpu.memory_space<vmem>> -> memref<128x8xf32, #tpu.memory_space<vmem>>
      %dma_wait3A_318 = arith.constant 0 : i32
      %dma_wait3A_319 = tpu.memref_slice %arg2[%add3A_9, %add3A_94, %dma_wait3A_318] : memref<16x53248x8xf32, #tpu.memory_space<hbm>> -> memref<1x128x8xf32, #tpu.memory_space<hbm>>
      %dma_wait3A_320 = tpu.memref_squeeze %dma_wait3A_319 : memref<1x128x8xf32, #tpu.memory_space<hbm>> -> memref<128x8xf32, #tpu.memory_space<hbm>>
      %dma_wait3A_321 = tpu.memref_slice %arg9[%dma_wait3A_313] : memref<8x!tpu.dma_semaphore, #tpu.memory_space<semaphore_mem>> -> memref<1x!tpu.dma_semaphore, #tpu.memory_space<semaphore_mem>>
      %dma_wait3A_322 = tpu.memref_squeeze %dma_wait3A_321 : memref<1x!tpu.dma_semaphore, #tpu.memory_space<semaphore_mem>> -> memref<!tpu.dma_semaphore, #tpu.memory_space<semaphore_mem>>
      %dma_wait3A_323 = arith.constant 0 : i32
      %dma_wait3A_324 = arith.constant 0 : i32
      %dma_wait3A_325 = tpu.memref_slice %arg7[%dma_wait3A_312, %dma_wait3A_323, %dma_wait3A_324] : memref<8x128x8xf32, #tpu.memory_space<vmem>> -> memref<1x128x8xf32, #tpu.memory_space<vmem>>
      %dma_wait3A_326 = tpu.memref_squeeze %dma_wait3A_325 : memref<1x128x8xf32, #tpu.memory_space<vmem>> -> memref<128x8xf32, #tpu.memory_space<vmem>>
      %dma_wait3A_327 = arith.constant 0 : i32
      %dma_wait3A_328 = tpu.memref_slice %arg2[%add3A_9, %add3A_94, %dma_wait3A_327] : memref<16x53248x8xf32, #tpu.memory_space<hbm>> -> memref<1x128x8xf32, #tpu.memory_space<hbm>>
      %dma_wait3A_329 = tpu.memref_squeeze %dma_wait3A_328 : memref<1x128x8xf32, #tpu.memory_space<hbm>> -> memref<128x8xf32, #tpu.memory_space<hbm>>
      tpu.wait_dma2 semaphore(%dma_wait3A_322 : memref<!tpu.dma_semaphore, #tpu.memory_space<semaphore_mem>>) src(%dma_wait3A_329 : memref<128x8xf32, #tpu.memory_space<hbm>>) dst(%dma_wait3A_326 : memref<128x8xf32, #tpu.memory_space<vmem>>)
      %mul3A_330 = arith.constant 26 : i32
      %mul3A_331 = arith.muli %arg1, %mul3A_330 : i32
      %add3A_332 = arith.constant 0 : i32
      %add3A_333 = arith.addi %mul3A_331, %add3A_332 : i32
      %add3A_334 = arith.constant 4 : i32
      %add3A_335 = arith.addi %add3A_333, %add3A_334 : i32
      %dma_start3A_336 = arith.constant 4 : i32
      %dma_start3A_337 = arith.constant 0 : i32
      %dma_start3A_338 = arith.constant 0 : i32
      %dma_start3A_339 = tpu.memref_slice %arg7[%dma_start3A_336, %dma_start3A_337, %dma_start3A_338] : memref<8x128x8xf32, #tpu.memory_space<vmem>> -> memref<1x128x8xf32, #tpu.memory_space<vmem>>
      %dma_start3A_340 = tpu.memref_squeeze %dma_start3A_339 : memref<1x128x8xf32, #tpu.memory_space<vmem>> -> memref<128x8xf32, #tpu.memory_space<vmem>>
      %dma_start3A_341 = arith.constant 0 : i32
      %dma_start3A_342 = tpu.memref_slice %arg6[%add3A_335, %dma_start3A_341] : memref<416x128xi32, #tpu.memory_space<vmem>> -> memref<1x128xi32, #tpu.memory_space<vmem>>
      %dma_start3A_343 = tpu.memref_squeeze %dma_start3A_342 : memref<1x128xi32, #tpu.memory_space<vmem>> -> memref<128xi32, #tpu.memory_space<vmem>>
      %dma_start3A_344 = arith.constant 0 : i32
      %dma_start3A_345 = arith.constant 0 : i32
      %dma_start3A_346 = tpu.memref_slice %arg8[%dma_start3A_344, %dma_start3A_345] : memref<2176x8xf32, #tpu.memory_space<vmem_shared>> -> memref<2176x8xf32, #tpu.memory_space<vmem_shared>>
      tpu.enqueue_indirect_dma source(%dma_start3A_340 : memref<128x8xf32, #tpu.memory_space<vmem>>) target(%dma_start3A_346 : memref<2176x8xf32, #tpu.memory_space<vmem_shared>>) offsets(%dma_start3A_343 : memref<128xi32, #tpu.memory_space<vmem>>) semaphore(%arg10 : memref<!tpu.dma_semaphore, #tpu.memory_space<semaphore_mem>>) {add = true}
      %dma_wait3A_347 = arith.constant 5 : i32
      %dma_wait3A_348 = arith.constant 5 : i32
      %dma_wait3A_349 = arith.constant 0 : i32
      %dma_wait3A_350 = arith.constant 0 : i32
      %dma_wait3A_351 = tpu.memref_slice %arg7[%dma_wait3A_347, %dma_wait3A_349, %dma_wait3A_350] : memref<8x128x8xf32, #tpu.memory_space<vmem>> -> memref<1x128x8xf32, #tpu.memory_space<vmem>>
      %dma_wait3A_352 = tpu.memref_squeeze %dma_wait3A_351 : memref<1x128x8xf32, #tpu.memory_space<vmem>> -> memref<128x8xf32, #tpu.memory_space<vmem>>
      %dma_wait3A_353 = arith.constant 0 : i32
      %dma_wait3A_354 = tpu.memref_slice %arg2[%add3A_9, %add3A_114, %dma_wait3A_353] : memref<16x53248x8xf32, #tpu.memory_space<hbm>> -> memref<1x128x8xf32, #tpu.memory_space<hbm>>
      %dma_wait3A_355 = tpu.memref_squeeze %dma_wait3A_354 : memref<1x128x8xf32, #tpu.memory_space<hbm>> -> memref<128x8xf32, #tpu.memory_space<hbm>>
      %dma_wait3A_356 = tpu.memref_slice %arg9[%dma_wait3A_348] : memref<8x!tpu.dma_semaphore, #tpu.memory_space<semaphore_mem>> -> memref<1x!tpu.dma_semaphore, #tpu.memory_space<semaphore_mem>>
      %dma_wait3A_357 = tpu.memref_squeeze %dma_wait3A_356 : memref<1x!tpu.dma_semaphore, #tpu.memory_space<semaphore_mem>> -> memref<!tpu.dma_semaphore, #tpu.memory_space<semaphore_mem>>
      %dma_wait3A_358 = arith.constant 0 : i32
      %dma_wait3A_359 = arith.constant 0 : i32
      %dma_wait3A_360 = tpu.memref_slice %arg7[%dma_wait3A_347, %dma_wait3A_358, %dma_wait3A_359] : memref<8x128x8xf32, #tpu.memory_space<vmem>> -> memref<1x128x8xf32, #tpu.memory_space<vmem>>
      %dma_wait3A_361 = tpu.memref_squeeze %dma_wait3A_360 : memref<1x128x8xf32, #tpu.memory_space<vmem>> -> memref<128x8xf32, #tpu.memory_space<vmem>>
      %dma_wait3A_362 = arith.constant 0 : i32
      %dma_wait3A_363 = tpu.memref_slice %arg2[%add3A_9, %add3A_114, %dma_wait3A_362] : memref<16x53248x8xf32, #tpu.memory_space<hbm>> -> memref<1x128x8xf32, #tpu.memory_space<hbm>>
      %dma_wait3A_364 = tpu.memref_squeeze %dma_wait3A_363 : memref<1x128x8xf32, #tpu.memory_space<hbm>> -> memref<128x8xf32, #tpu.memory_space<hbm>>
      tpu.wait_dma2 semaphore(%dma_wait3A_357 : memref<!tpu.dma_semaphore, #tpu.memory_space<semaphore_mem>>) src(%dma_wait3A_364 : memref<128x8xf32, #tpu.memory_space<hbm>>) dst(%dma_wait3A_361 : memref<128x8xf32, #tpu.memory_space<vmem>>)
      %mul3A_365 = arith.constant 26 : i32
      %mul3A_366 = arith.muli %arg1, %mul3A_365 : i32
      %add3A_367 = arith.constant 0 : i32
      %add3A_368 = arith.addi %mul3A_366, %add3A_367 : i32
      %add3A_369 = arith.constant 5 : i32
      %add3A_370 = arith.addi %add3A_368, %add3A_369 : i32
      %dma_start3A_371 = arith.constant 5 : i32
      %dma_start3A_372 = arith.constant 0 : i32
      %dma_start3A_373 = arith.constant 0 : i32
      %dma_start3A_374 = tpu.memref_slice %arg7[%dma_start3A_371, %dma_start3A_372, %dma_start3A_373] : memref<8x128x8xf32, #tpu.memory_space<vmem>> -> memref<1x128x8xf32, #tpu.memory_space<vmem>>
      %dma_start3A_375 = tpu.memref_squeeze %dma_start3A_374 : memref<1x128x8xf32, #tpu.memory_space<vmem>> -> memref<128x8xf32, #tpu.memory_space<vmem>>
      %dma_start3A_376 = arith.constant 0 : i32
      %dma_start3A_377 = tpu.memref_slice %arg6[%add3A_370, %dma_start3A_376] : memref<416x128xi32, #tpu.memory_space<vmem>> -> memref<1x128xi32, #tpu.memory_space<vmem>>
      %dma_start3A_378 = tpu.memref_squeeze %dma_start3A_377 : memref<1x128xi32, #tpu.memory_space<vmem>> -> memref<128xi32, #tpu.memory_space<vmem>>
      %dma_start3A_379 = arith.constant 0 : i32
      %dma_start3A_380 = arith.constant 0 : i32
      %dma_start3A_381 = tpu.memref_slice %arg8[%dma_start3A_379, %dma_start3A_380] : memref<2176x8xf32, #tpu.memory_space<vmem_shared>> -> memref<2176x8xf32, #tpu.memory_space<vmem_shared>>
      tpu.enqueue_indirect_dma source(%dma_start3A_375 : memref<128x8xf32, #tpu.memory_space<vmem>>) target(%dma_start3A_381 : memref<2176x8xf32, #tpu.memory_space<vmem_shared>>) offsets(%dma_start3A_378 : memref<128xi32, #tpu.memory_space<vmem>>) semaphore(%arg10 : memref<!tpu.dma_semaphore, #tpu.memory_space<semaphore_mem>>) {add = true}
      %dma_wait3A_382 = arith.constant 6 : i32
      %dma_wait3A_383 = arith.constant 6 : i32
      %dma_wait3A_384 = arith.constant 0 : i32
      %dma_wait3A_385 = arith.constant 0 : i32
      %dma_wait3A_386 = tpu.memref_slice %arg7[%dma_wait3A_382, %dma_wait3A_384, %dma_wait3A_385] : memref<8x128x8xf32, #tpu.memory_space<vmem>> -> memref<1x128x8xf32, #tpu.memory_space<vmem>>
      %dma_wait3A_387 = tpu.memref_squeeze %dma_wait3A_386 : memref<1x128x8xf32, #tpu.memory_space<vmem>> -> memref<128x8xf32, #tpu.memory_space<vmem>>
      %dma_wait3A_388 = arith.constant 0 : i32
      %dma_wait3A_389 = tpu.memref_slice %arg2[%add3A_9, %add3A_134, %dma_wait3A_388] : memref<16x53248x8xf32, #tpu.memory_space<hbm>> -> memref<1x128x8xf32, #tpu.memory_space<hbm>>
      %dma_wait3A_390 = tpu.memref_squeeze %dma_wait3A_389 : memref<1x128x8xf32, #tpu.memory_space<hbm>> -> memref<128x8xf32, #tpu.memory_space<hbm>>
      %dma_wait3A_391 = tpu.memref_slice %arg9[%dma_wait3A_383] : memref<8x!tpu.dma_semaphore, #tpu.memory_space<semaphore_mem>> -> memref<1x!tpu.dma_semaphore, #tpu.memory_space<semaphore_mem>>
      %dma_wait3A_392 = tpu.memref_squeeze %dma_wait3A_391 : memref<1x!tpu.dma_semaphore, #tpu.memory_space<semaphore_mem>> -> memref<!tpu.dma_semaphore, #tpu.memory_space<semaphore_mem>>
      %dma_wait3A_393 = arith.constant 0 : i32
      %dma_wait3A_394 = arith.constant 0 : i32
      %dma_wait3A_395 = tpu.memref_slice %arg7[%dma_wait3A_382, %dma_wait3A_393, %dma_wait3A_394] : memref<8x128x8xf32, #tpu.memory_space<vmem>> -> memref<1x128x8xf32, #tpu.memory_space<vmem>>
      %dma_wait3A_396 = tpu.memref_squeeze %dma_wait3A_395 : memref<1x128x8xf32, #tpu.memory_space<vmem>> -> memref<128x8xf32, #tpu.memory_space<vmem>>
      %dma_wait3A_397 = arith.constant 0 : i32
      %dma_wait3A_398 = tpu.memref_slice %arg2[%add3A_9, %add3A_134, %dma_wait3A_397] : memref<16x53248x8xf32, #tpu.memory_space<hbm>> -> memref<1x128x8xf32, #tpu.memory_space<hbm>>
      %dma_wait3A_399 = tpu.memref_squeeze %dma_wait3A_398 : memref<1x128x8xf32, #tpu.memory_space<hbm>> -> memref<128x8xf32, #tpu.memory_space<hbm>>
      tpu.wait_dma2 semaphore(%dma_wait3A_392 : memref<!tpu.dma_semaphore, #tpu.memory_space<semaphore_mem>>) src(%dma_wait3A_399 : memref<128x8xf32, #tpu.memory_space<hbm>>) dst(%dma_wait3A_396 : memref<128x8xf32, #tpu.memory_space<vmem>>)
      %mul3A_400 = arith.constant 26 : i32
      %mul3A_401 = arith.muli %arg1, %mul3A_400 : i32
      %add3A_402 = arith.constant 0 : i32
      %add3A_403 = arith.addi %mul3A_401, %add3A_402 : i32
      %add3A_404 = arith.constant 6 : i32
      %add3A_405 = arith.addi %add3A_403, %add3A_404 : i32
      %dma_start3A_406 = arith.constant 6 : i32
      %dma_start3A_407 = arith.constant 0 : i32
      %dma_start3A_408 = arith.constant 0 : i32
      %dma_start3A_409 = tpu.memref_slice %arg7[%dma_start3A_406, %dma_start3A_407, %dma_start3A_408] : memref<8x128x8xf32, #tpu.memory_space<vmem>> -> memref<1x128x8xf32, #tpu.memory_space<vmem>>
      %dma_start3A_410 = tpu.memref_squeeze %dma_start3A_409 : memref<1x128x8xf32, #tpu.memory_space<vmem>> -> memref<128x8xf32, #tpu.memory_space<vmem>>
      %dma_start3A_411 = arith.constant 0 : i32
      %dma_start3A_412 = tpu.memref_slice %arg6[%add3A_405, %dma_start3A_411] : memref<416x128xi32, #tpu.memory_space<vmem>> -> memref<1x128xi32, #tpu.memory_space<vmem>>
      %dma_start3A_413 = tpu.memref_squeeze %dma_start3A_412 : memref<1x128xi32, #tpu.memory_space<vmem>> -> memref<128xi32, #tpu.memory_space<vmem>>
      %dma_start3A_414 = arith.constant 0 : i32
      %dma_start3A_415 = arith.constant 0 : i32
      %dma_start3A_416 = tpu.memref_slice %arg8[%dma_start3A_414, %dma_start3A_415] : memref<2176x8xf32, #tpu.memory_space<vmem_shared>> -> memref<2176x8xf32, #tpu.memory_space<vmem_shared>>
      tpu.enqueue_indirect_dma source(%dma_start3A_410 : memref<128x8xf32, #tpu.memory_space<vmem>>) target(%dma_start3A_416 : memref<2176x8xf32, #tpu.memory_space<vmem_shared>>) offsets(%dma_start3A_413 : memref<128xi32, #tpu.memory_space<vmem>>) semaphore(%arg10 : memref<!tpu.dma_semaphore, #tpu.memory_space<semaphore_mem>>) {add = true}
      %dma_wait3A_417 = arith.constant 7 : i32
      %dma_wait3A_418 = arith.constant 7 : i32
      %dma_wait3A_419 = arith.constant 0 : i32
      %dma_wait3A_420 = arith.constant 0 : i32
      %dma_wait3A_421 = tpu.memref_slice %arg7[%dma_wait3A_417, %dma_wait3A_419, %dma_wait3A_420] : memref<8x128x8xf32, #tpu.memory_space<vmem>> -> memref<1x128x8xf32, #tpu.memory_space<vmem>>
      %dma_wait3A_422 = tpu.memref_squeeze %dma_wait3A_421 : memref<1x128x8xf32, #tpu.memory_space<vmem>> -> memref<128x8xf32, #tpu.memory_space<vmem>>
      %dma_wait3A_423 = arith.constant 0 : i32
      %dma_wait3A_424 = tpu.memref_slice %arg2[%add3A_9, %add3A_154, %dma_wait3A_423] : memref<16x53248x8xf32, #tpu.memory_space<hbm>> -> memref<1x128x8xf32, #tpu.memory_space<hbm>>
      %dma_wait3A_425 = tpu.memref_squeeze %dma_wait3A_424 : memref<1x128x8xf32, #tpu.memory_space<hbm>> -> memref<128x8xf32, #tpu.memory_space<hbm>>
      %dma_wait3A_426 = tpu.memref_slice %arg9[%dma_wait3A_418] : memref<8x!tpu.dma_semaphore, #tpu.memory_space<semaphore_mem>> -> memref<1x!tpu.dma_semaphore, #tpu.memory_space<semaphore_mem>>
      %dma_wait3A_427 = tpu.memref_squeeze %dma_wait3A_426 : memref<1x!tpu.dma_semaphore, #tpu.memory_space<semaphore_mem>> -> memref<!tpu.dma_semaphore, #tpu.memory_space<semaphore_mem>>
      %dma_wait3A_428 = arith.constant 0 : i32
      %dma_wait3A_429 = arith.constant 0 : i32
      %dma_wait3A_430 = tpu.memref_slice %arg7[%dma_wait3A_417, %dma_wait3A_428, %dma_wait3A_429] : memref<8x128x8xf32, #tpu.memory_space<vmem>> -> memref<1x128x8xf32, #tpu.memory_space<vmem>>
      %dma_wait3A_431 = tpu.memref_squeeze %dma_wait3A_430 : memref<1x128x8xf32, #tpu.memory_space<vmem>> -> memref<128x8xf32, #tpu.memory_space<vmem>>
      %dma_wait3A_432 = arith.constant 0 : i32
      %dma_wait3A_433 = tpu.memref_slice %arg2[%add3A_9, %add3A_154, %dma_wait3A_432] : memref<16x53248x8xf32, #tpu.memory_space<hbm>> -> memref<1x128x8xf32, #tpu.memory_space<hbm>>
      %dma_wait3A_434 = tpu.memref_squeeze %dma_wait3A_433 : memref<1x128x8xf32, #tpu.memory_space<hbm>> -> memref<128x8xf32, #tpu.memory_space<hbm>>
      tpu.wait_dma2 semaphore(%dma_wait3A_427 : memref<!tpu.dma_semaphore, #tpu.memory_space<semaphore_mem>>) src(%dma_wait3A_434 : memref<128x8xf32, #tpu.memory_space<hbm>>) dst(%dma_wait3A_431 : memref<128x8xf32, #tpu.memory_space<vmem>>)
      %mul3A_435 = arith.constant 26 : i32
      %mul3A_436 = arith.muli %arg1, %mul3A_435 : i32
      %add3A_437 = arith.constant 0 : i32
      %add3A_438 = arith.addi %mul3A_436, %add3A_437 : i32
      %add3A_439 = arith.constant 7 : i32
      %add3A_440 = arith.addi %add3A_438, %add3A_439 : i32
      %dma_start3A_441 = arith.constant 7 : i32
      %dma_start3A_442 = arith.constant 0 : i32
      %dma_start3A_443 = arith.constant 0 : i32
      %dma_start3A_444 = tpu.memref_slice %arg7[%dma_start3A_441, %dma_start3A_442, %dma_start3A_443] : memref<8x128x8xf32, #tpu.memory_space<vmem>> -> memref<1x128x8xf32, #tpu.memory_space<vmem>>
      %dma_start3A_445 = tpu.memref_squeeze %dma_start3A_444 : memref<1x128x8xf32, #tpu.memory_space<vmem>> -> memref<128x8xf32, #tpu.memory_space<vmem>>
      %dma_start3A_446 = arith.constant 0 : i32
      %dma_start3A_447 = tpu.memref_slice %arg6[%add3A_440, %dma_start3A_446] : memref<416x128xi32, #tpu.memory_space<vmem>> -> memref<1x128xi32, #tpu.memory_space<vmem>>
      %dma_start3A_448 = tpu.memref_squeeze %dma_start3A_447 : memref<1x128xi32, #tpu.memory_space<vmem>> -> memref<128xi32, #tpu.memory_space<vmem>>
      %dma_start3A_449 = arith.constant 0 : i32
      %dma_start3A_450 = arith.constant 0 : i32
      %dma_start3A_451 = tpu.memref_slice %arg8[%dma_start3A_449, %dma_start3A_450] : memref<2176x8xf32, #tpu.memory_space<vmem_shared>> -> memref<2176x8xf32, #tpu.memory_space<vmem_shared>>
      tpu.enqueue_indirect_dma source(%dma_start3A_445 : memref<128x8xf32, #tpu.memory_space<vmem>>) target(%dma_start3A_451 : memref<2176x8xf32, #tpu.memory_space<vmem_shared>>) offsets(%dma_start3A_448 : memref<128xi32, #tpu.memory_space<vmem>>) semaphore(%arg10 : memref<!tpu.dma_semaphore, #tpu.memory_space<semaphore_mem>>) {add = true}
      %dma_wait3A_452 = arith.constant 0 : i32
      %dma_wait3A_453 = arith.constant 0 : i32
      %dma_wait3A_454 = arith.constant 0 : i32
      %dma_wait3A_455 = tpu.memref_slice %arg7[%dma_wait3A_452, %dma_wait3A_453, %dma_wait3A_454] : memref<8x128x8xf32, #tpu.memory_space<vmem>> -> memref<1x128x8xf32, #tpu.memory_space<vmem>>
      %dma_wait3A_456 = tpu.memref_squeeze %dma_wait3A_455 : memref<1x128x8xf32, #tpu.memory_space<vmem>> -> memref<128x8xf32, #tpu.memory_space<vmem>>
      %dma_wait3A_457 = arith.constant 0 : i32
      %dma_wait3A_458 = tpu.memref_slice %arg6[%add3A_195, %dma_wait3A_457] : memref<416x128xi32, #tpu.memory_space<vmem>> -> memref<1x128xi32, #tpu.memory_space<vmem>>
      %dma_wait3A_459 = tpu.memref_squeeze %dma_wait3A_458 : memref<1x128xi32, #tpu.memory_space<vmem>> -> memref<128xi32, #tpu.memory_space<vmem>>
      %dma_wait3A_460 = arith.constant 0 : i32
      %dma_wait3A_461 = arith.constant 0 : i32
      %dma_wait3A_462 = tpu.memref_slice %arg8[%dma_wait3A_460, %dma_wait3A_461] : memref<2176x8xf32, #tpu.memory_space<vmem_shared>> -> memref<2176x8xf32, #tpu.memory_space<vmem_shared>>
      tpu.wait_indirect_dma semaphore(%arg10 : memref<!tpu.dma_semaphore, #tpu.memory_space<semaphore_mem>>) src(%dma_wait3A_456 : memref<128x8xf32, #tpu.memory_space<vmem>>) dst(%dma_wait3A_462 : memref<2176x8xf32, #tpu.memory_space<vmem_shared>>)
      %dma_wait3A_463 = arith.constant 1 : i32
      %dma_wait3A_464 = arith.constant 0 : i32
      %dma_wait3A_465 = arith.constant 0 : i32
      %dma_wait3A_466 = tpu.memref_slice %arg7[%dma_wait3A_463, %dma_wait3A_464, %dma_wait3A_465] : memref<8x128x8xf32, #tpu.memory_space<vmem>> -> memref<1x128x8xf32, #tpu.memory_space<vmem>>
      %dma_wait3A_467 = tpu.memref_squeeze %dma_wait3A_466 : memref<1x128x8xf32, #tpu.memory_space<vmem>> -> memref<128x8xf32, #tpu.memory_space<vmem>>
      %dma_wait3A_468 = arith.constant 0 : i32
      %dma_wait3A_469 = tpu.memref_slice %arg6[%add3A_230, %dma_wait3A_468] : memref<416x128xi32, #tpu.memory_space<vmem>> -> memref<1x128xi32, #tpu.memory_space<vmem>>
      %dma_wait3A_470 = tpu.memref_squeeze %dma_wait3A_469 : memref<1x128xi32, #tpu.memory_space<vmem>> -> memref<128xi32, #tpu.memory_space<vmem>>
      %dma_wait3A_471 = arith.constant 0 : i32
      %dma_wait3A_472 = arith.constant 0 : i32
      %dma_wait3A_473 = tpu.memref_slice %arg8[%dma_wait3A_471, %dma_wait3A_472] : memref<2176x8xf32, #tpu.memory_space<vmem_shared>> -> memref<2176x8xf32, #tpu.memory_space<vmem_shared>>
      tpu.wait_indirect_dma semaphore(%arg10 : memref<!tpu.dma_semaphore, #tpu.memory_space<semaphore_mem>>) src(%dma_wait3A_467 : memref<128x8xf32, #tpu.memory_space<vmem>>) dst(%dma_wait3A_473 : memref<2176x8xf32, #tpu.memory_space<vmem_shared>>)
      %dma_wait3A_474 = arith.constant 2 : i32
      %dma_wait3A_475 = arith.constant 0 : i32
      %dma_wait3A_476 = arith.constant 0 : i32
      %dma_wait3A_477 = tpu.memref_slice %arg7[%dma_wait3A_474, %dma_wait3A_475, %dma_wait3A_476] : memref<8x128x8xf32, #tpu.memory_space<vmem>> -> memref<1x128x8xf32, #tpu.memory_space<vmem>>
      %dma_wait3A_478 = tpu.memref_squeeze %dma_wait3A_477 : memref<1x128x8xf32, #tpu.memory_space<vmem>> -> memref<128x8xf32, #tpu.memory_space<vmem>>
      %dma_wait3A_479 = arith.constant 0 : i32
      %dma_wait3A_480 = tpu.memref_slice %arg6[%add3A_265, %dma_wait3A_479] : memref<416x128xi32, #tpu.memory_space<vmem>> -> memref<1x128xi32, #tpu.memory_space<vmem>>
      %dma_wait3A_481 = tpu.memref_squeeze %dma_wait3A_480 : memref<1x128xi32, #tpu.memory_space<vmem>> -> memref<128xi32, #tpu.memory_space<vmem>>
      %dma_wait3A_482 = arith.constant 0 : i32
      %dma_wait3A_483 = arith.constant 0 : i32
      %dma_wait3A_484 = tpu.memref_slice %arg8[%dma_wait3A_482, %dma_wait3A_483] : memref<2176x8xf32, #tpu.memory_space<vmem_shared>> -> memref<2176x8xf32, #tpu.memory_space<vmem_shared>>
      tpu.wait_indirect_dma semaphore(%arg10 : memref<!tpu.dma_semaphore, #tpu.memory_space<semaphore_mem>>) src(%dma_wait3A_478 : memref<128x8xf32, #tpu.memory_space<vmem>>) dst(%dma_wait3A_484 : memref<2176x8xf32, #tpu.memory_space<vmem_shared>>)
      %dma_wait3A_485 = arith.constant 3 : i32
      %dma_wait3A_486 = arith.constant 0 : i32
      %dma_wait3A_487 = arith.constant 0 : i32
      %dma_wait3A_488 = tpu.memref_slice %arg7[%dma_wait3A_485, %dma_wait3A_486, %dma_wait3A_487] : memref<8x128x8xf32, #tpu.memory_space<vmem>> -> memref<1x128x8xf32, #tpu.memory_space<vmem>>
      %dma_wait3A_489 = tpu.memref_squeeze %dma_wait3A_488 : memref<1x128x8xf32, #tpu.memory_space<vmem>> -> memref<128x8xf32, #tpu.memory_space<vmem>>
      %dma_wait3A_490 = arith.constant 0 : i32
      %dma_wait3A_491 = tpu.memref_slice %arg6[%add3A_300, %dma_wait3A_490] : memref<416x128xi32, #tpu.memory_space<vmem>> -> memref<1x128xi32, #tpu.memory_space<vmem>>
      %dma_wait3A_492 = tpu.memref_squeeze %dma_wait3A_491 : memref<1x128xi32, #tpu.memory_space<vmem>> -> memref<128xi32, #tpu.memory_space<vmem>>
      %dma_wait3A_493 = arith.constant 0 : i32
      %dma_wait3A_494 = arith.constant 0 : i32
      %dma_wait3A_495 = tpu.memref_slice %arg8[%dma_wait3A_493, %dma_wait3A_494] : memref<2176x8xf32, #tpu.memory_space<vmem_shared>> -> memref<2176x8xf32, #tpu.memory_space<vmem_shared>>
      tpu.wait_indirect_dma semaphore(%arg10 : memref<!tpu.dma_semaphore, #tpu.memory_space<semaphore_mem>>) src(%dma_wait3A_489 : memref<128x8xf32, #tpu.memory_space<vmem>>) dst(%dma_wait3A_495 : memref<2176x8xf32, #tpu.memory_space<vmem_shared>>)
      %dma_wait3A_496 = arith.constant 4 : i32
      %dma_wait3A_497 = arith.constant 0 : i32
      %dma_wait3A_498 = arith.constant 0 : i32
      %dma_wait3A_499 = tpu.memref_slice %arg7[%dma_wait3A_496, %dma_wait3A_497, %dma_wait3A_498] : memref<8x128x8xf32, #tpu.memory_space<vmem>> -> memref<1x128x8xf32, #tpu.memory_space<vmem>>
      %dma_wait3A_500 = tpu.memref_squeeze %dma_wait3A_499 : memref<1x128x8xf32, #tpu.memory_space<vmem>> -> memref<128x8xf32, #tpu.memory_space<vmem>>
      %dma_wait3A_501 = arith.constant 0 : i32
      %dma_wait3A_502 = tpu.memref_slice %arg6[%add3A_335, %dma_wait3A_501] : memref<416x128xi32, #tpu.memory_space<vmem>> -> memref<1x128xi32, #tpu.memory_space<vmem>>
      %dma_wait3A_503 = tpu.memref_squeeze %dma_wait3A_502 : memref<1x128xi32, #tpu.memory_space<vmem>> -> memref<128xi32, #tpu.memory_space<vmem>>
      %dma_wait3A_504 = arith.constant 0 : i32
      %dma_wait3A_505 = arith.constant 0 : i32
      %dma_wait3A_506 = tpu.memref_slice %arg8[%dma_wait3A_504, %dma_wait3A_505] : memref<2176x8xf32, #tpu.memory_space<vmem_shared>> -> memref<2176x8xf32, #tpu.memory_space<vmem_shared>>
      tpu.wait_indirect_dma semaphore(%arg10 : memref<!tpu.dma_semaphore, #tpu.memory_space<semaphore_mem>>) src(%dma_wait3A_500 : memref<128x8xf32, #tpu.memory_space<vmem>>) dst(%dma_wait3A_506 : memref<2176x8xf32, #tpu.memory_space<vmem_shared>>)
      %dma_wait3A_507 = arith.constant 5 : i32
      %dma_wait3A_508 = arith.constant 0 : i32
      %dma_wait3A_509 = arith.constant 0 : i32
      %dma_wait3A_510 = tpu.memref_slice %arg7[%dma_wait3A_507, %dma_wait3A_508, %dma_wait3A_509] : memref<8x128x8xf32, #tpu.memory_space<vmem>> -> memref<1x128x8xf32, #tpu.memory_space<vmem>>
      %dma_wait3A_511 = tpu.memref_squeeze %dma_wait3A_510 : memref<1x128x8xf32, #tpu.memory_space<vmem>> -> memref<128x8xf32, #tpu.memory_space<vmem>>
      %dma_wait3A_512 = arith.constant 0 : i32
      %dma_wait3A_513 = tpu.memref_slice %arg6[%add3A_370, %dma_wait3A_512] : memref<416x128xi32, #tpu.memory_space<vmem>> -> memref<1x128xi32, #tpu.memory_space<vmem>>
      %dma_wait3A_514 = tpu.memref_squeeze %dma_wait3A_513 : memref<1x128xi32, #tpu.memory_space<vmem>> -> memref<128xi32, #tpu.memory_space<vmem>>
      %dma_wait3A_515 = arith.constant 0 : i32
      %dma_wait3A_516 = arith.constant 0 : i32
      %dma_wait3A_517 = tpu.memref_slice %arg8[%dma_wait3A_515, %dma_wait3A_516] : memref<2176x8xf32, #tpu.memory_space<vmem_shared>> -> memref<2176x8xf32, #tpu.memory_space<vmem_shared>>
      tpu.wait_indirect_dma semaphore(%arg10 : memref<!tpu.dma_semaphore, #tpu.memory_space<semaphore_mem>>) src(%dma_wait3A_511 : memref<128x8xf32, #tpu.memory_space<vmem>>) dst(%dma_wait3A_517 : memref<2176x8xf32, #tpu.memory_space<vmem_shared>>)
      %dma_wait3A_518 = arith.constant 6 : i32
      %dma_wait3A_519 = arith.constant 0 : i32
      %dma_wait3A_520 = arith.constant 0 : i32
      %dma_wait3A_521 = tpu.memref_slice %arg7[%dma_wait3A_518, %dma_wait3A_519, %dma_wait3A_520] : memref<8x128x8xf32, #tpu.memory_space<vmem>> -> memref<1x128x8xf32, #tpu.memory_space<vmem>>
      %dma_wait3A_522 = tpu.memref_squeeze %dma_wait3A_521 : memref<1x128x8xf32, #tpu.memory_space<vmem>> -> memref<128x8xf32, #tpu.memory_space<vmem>>
      %dma_wait3A_523 = arith.constant 0 : i32
      %dma_wait3A_524 = tpu.memref_slice %arg6[%add3A_405, %dma_wait3A_523] : memref<416x128xi32, #tpu.memory_space<vmem>> -> memref<1x128xi32, #tpu.memory_space<vmem>>
      %dma_wait3A_525 = tpu.memref_squeeze %dma_wait3A_524 : memref<1x128xi32, #tpu.memory_space<vmem>> -> memref<128xi32, #tpu.memory_space<vmem>>
      %dma_wait3A_526 = arith.constant 0 : i32
      %dma_wait3A_527 = arith.constant 0 : i32
      %dma_wait3A_528 = tpu.memref_slice %arg8[%dma_wait3A_526, %dma_wait3A_527] : memref<2176x8xf32, #tpu.memory_space<vmem_shared>> -> memref<2176x8xf32, #tpu.memory_space<vmem_shared>>
      tpu.wait_indirect_dma semaphore(%arg10 : memref<!tpu.dma_semaphore, #tpu.memory_space<semaphore_mem>>) src(%dma_wait3A_522 : memref<128x8xf32, #tpu.memory_space<vmem>>) dst(%dma_wait3A_528 : memref<2176x8xf32, #tpu.memory_space<vmem_shared>>)
      %dma_wait3A_529 = arith.constant 7 : i32
      %dma_wait3A_530 = arith.constant 0 : i32
      %dma_wait3A_531 = arith.constant 0 : i32
      %dma_wait3A_532 = tpu.memref_slice %arg7[%dma_wait3A_529, %dma_wait3A_530, %dma_wait3A_531] : memref<8x128x8xf32, #tpu.memory_space<vmem>> -> memref<1x128x8xf32, #tpu.memory_space<vmem>>
      %dma_wait3A_533 = tpu.memref_squeeze %dma_wait3A_532 : memref<1x128x8xf32, #tpu.memory_space<vmem>> -> memref<128x8xf32, #tpu.memory_space<vmem>>
      %dma_wait3A_534 = arith.constant 0 : i32
      %dma_wait3A_535 = tpu.memref_slice %arg6[%add3A_440, %dma_wait3A_534] : memref<416x128xi32, #tpu.memory_space<vmem>> -> memref<1x128xi32, #tpu.memory_space<vmem>>
      %dma_wait3A_536 = tpu.memref_squeeze %dma_wait3A_535 : memref<1x128xi32, #tpu.memory_space<vmem>> -> memref<128xi32, #tpu.memory_space<vmem>>
      %dma_wait3A_537 = arith.constant 0 : i32
      %dma_wait3A_538 = arith.constant 0 : i32
      %dma_wait3A_539 = tpu.memref_slice %arg8[%dma_wait3A_537, %dma_wait3A_538] : memref<2176x8xf32, #tpu.memory_space<vmem_shared>> -> memref<2176x8xf32, #tpu.memory_space<vmem_shared>>
      tpu.wait_indirect_dma semaphore(%arg10 : memref<!tpu.dma_semaphore, #tpu.memory_space<semaphore_mem>>) src(%dma_wait3A_533 : memref<128x8xf32, #tpu.memory_space<vmem>>) dst(%dma_wait3A_539 : memref<2176x8xf32, #tpu.memory_space<vmem_shared>>)
      %add3A_540 = arith.constant 1024 : i32
      %add3A_541 = arith.addi %mul3A_13, %add3A_540 : i32
      %dma_start3A_542 = arith.constant 0 : i32
      %dma_start3A_543 = arith.constant 0 : i32
      %dma_start3A_544 = arith.constant 0 : i32
      %dma_start3A_545 = arith.constant 0 : i32
      %dma_start3A_546 = tpu.memref_slice %arg7[%dma_start3A_542, %dma_start3A_544, %dma_start3A_545] : memref<8x128x8xf32, #tpu.memory_space<vmem>> -> memref<1x128x8xf32, #tpu.memory_space<vmem>>
      %dma_start3A_547 = tpu.memref_squeeze %dma_start3A_546 : memref<1x128x8xf32, #tpu.memory_space<vmem>> -> memref<128x8xf32, #tpu.memory_space<vmem>>
      %dma_start3A_548 = arith.constant 0 : i32
      %dma_start3A_549 = tpu.memref_slice %arg2[%add3A_9, %add3A_541, %dma_start3A_548] : memref<16x53248x8xf32, #tpu.memory_space<hbm>> -> memref<1x128x8xf32, #tpu.memory_space<hbm>>
      %dma_start3A_550 = tpu.memref_squeeze %dma_start3A_549 : memref<1x128x8xf32, #tpu.memory_space<hbm>> -> memref<128x8xf32, #tpu.memory_space<hbm>>
      %dma_start3A_551 = tpu.memref_slice %arg9[%dma_start3A_543] : memref<8x!tpu.dma_semaphore, #tpu.memory_space<semaphore_mem>> -> memref<1x!tpu.dma_semaphore, #tpu.memory_space<semaphore_mem>>
      %dma_start3A_552 = tpu.memref_squeeze %dma_start3A_551 : memref<1x!tpu.dma_semaphore, #tpu.memory_space<semaphore_mem>> -> memref<!tpu.dma_semaphore, #tpu.memory_space<semaphore_mem>>
      %dma_start3A_553 = arith.constant 0 : i32
      %dma_start3A_554 = arith.constant 0 : i32
      %dma_start3A_555 = tpu.memref_slice %arg7[%dma_start3A_542, %dma_start3A_553, %dma_start3A_554] : memref<8x128x8xf32, #tpu.memory_space<vmem>> -> memref<1x128x8xf32, #tpu.memory_space<vmem>>
      %dma_start3A_556 = tpu.memref_squeeze %dma_start3A_555 : memref<1x128x8xf32, #tpu.memory_space<vmem>> -> memref<128x8xf32, #tpu.memory_space<vmem>>
      %dma_start3A_557 = arith.constant 0 : i32
      %dma_start3A_558 = tpu.memref_slice %arg2[%add3A_9, %add3A_541, %dma_start3A_557] : memref<16x53248x8xf32, #tpu.memory_space<hbm>> -> memref<1x128x8xf32, #tpu.memory_space<hbm>>
      %dma_start3A_559 = tpu.memref_squeeze %dma_start3A_558 : memref<1x128x8xf32, #tpu.memory_space<hbm>> -> memref<128x8xf32, #tpu.memory_space<hbm>>
      tpu.enqueue_dma source(%dma_start3A_559 : memref<128x8xf32, #tpu.memory_space<hbm>>) target(%dma_start3A_556 : memref<128x8xf32, #tpu.memory_space<vmem>>) target_semaphore(%dma_start3A_552 : memref<!tpu.dma_semaphore, #tpu.memory_space<semaphore_mem>>)
      %add3A_560 = arith.constant 1152 : i32
      %add3A_561 = arith.addi %mul3A_13, %add3A_560 : i32
      %dma_start3A_562 = arith.constant 1 : i32
      %dma_start3A_563 = arith.constant 1 : i32
      %dma_start3A_564 = arith.constant 0 : i32
      %dma_start3A_565 = arith.constant 0 : i32
      %dma_start3A_566 = tpu.memref_slice %arg7[%dma_start3A_562, %dma_start3A_564, %dma_start3A_565] : memref<8x128x8xf32, #tpu.memory_space<vmem>> -> memref<1x128x8xf32, #tpu.memory_space<vmem>>
      %dma_start3A_567 = tpu.memref_squeeze %dma_start3A_566 : memref<1x128x8xf32, #tpu.memory_space<vmem>> -> memref<128x8xf32, #tpu.memory_space<vmem>>
      %dma_start3A_568 = arith.constant 0 : i32
      %dma_start3A_569 = tpu.memref_slice %arg2[%add3A_9, %add3A_561, %dma_start3A_568] : memref<16x53248x8xf32, #tpu.memory_space<hbm>> -> memref<1x128x8xf32, #tpu.memory_space<hbm>>
      %dma_start3A_570 = tpu.memref_squeeze %dma_start3A_569 : memref<1x128x8xf32, #tpu.memory_space<hbm>> -> memref<128x8xf32, #tpu.memory_space<hbm>>
      %dma_start3A_571 = tpu.memref_slice %arg9[%dma_start3A_563] : memref<8x!tpu.dma_semaphore, #tpu.memory_space<semaphore_mem>> -> memref<1x!tpu.dma_semaphore, #tpu.memory_space<semaphore_mem>>
      %dma_start3A_572 = tpu.memref_squeeze %dma_start3A_571 : memref<1x!tpu.dma_semaphore, #tpu.memory_space<semaphore_mem>> -> memref<!tpu.dma_semaphore, #tpu.memory_space<semaphore_mem>>
      %dma_start3A_573 = arith.constant 0 : i32
      %dma_start3A_574 = arith.constant 0 : i32
      %dma_start3A_575 = tpu.memref_slice %arg7[%dma_start3A_562, %dma_start3A_573, %dma_start3A_574] : memref<8x128x8xf32, #tpu.memory_space<vmem>> -> memref<1x128x8xf32, #tpu.memory_space<vmem>>
      %dma_start3A_576 = tpu.memref_squeeze %dma_start3A_575 : memref<1x128x8xf32, #tpu.memory_space<vmem>> -> memref<128x8xf32, #tpu.memory_space<vmem>>
      %dma_start3A_577 = arith.constant 0 : i32
      %dma_start3A_578 = tpu.memref_slice %arg2[%add3A_9, %add3A_561, %dma_start3A_577] : memref<16x53248x8xf32, #tpu.memory_space<hbm>> -> memref<1x128x8xf32, #tpu.memory_space<hbm>>
      %dma_start3A_579 = tpu.memref_squeeze %dma_start3A_578 : memref<1x128x8xf32, #tpu.memory_space<hbm>> -> memref<128x8xf32, #tpu.memory_space<hbm>>
      tpu.enqueue_dma source(%dma_start3A_579 : memref<128x8xf32, #tpu.memory_space<hbm>>) target(%dma_start3A_576 : memref<128x8xf32, #tpu.memory_space<vmem>>) target_semaphore(%dma_start3A_572 : memref<!tpu.dma_semaphore, #tpu.memory_space<semaphore_mem>>)
      %add3A_580 = arith.constant 1280 : i32
      %add3A_581 = arith.addi %mul3A_13, %add3A_580 : i32
      %dma_start3A_582 = arith.constant 2 : i32
      %dma_start3A_583 = arith.constant 2 : i32
      %dma_start3A_584 = arith.constant 0 : i32
      %dma_start3A_585 = arith.constant 0 : i32
      %dma_start3A_586 = tpu.memref_slice %arg7[%dma_start3A_582, %dma_start3A_584, %dma_start3A_585] : memref<8x128x8xf32, #tpu.memory_space<vmem>> -> memref<1x128x8xf32, #tpu.memory_space<vmem>>
      %dma_start3A_587 = tpu.memref_squeeze %dma_start3A_586 : memref<1x128x8xf32, #tpu.memory_space<vmem>> -> memref<128x8xf32, #tpu.memory_space<vmem>>
      %dma_start3A_588 = arith.constant 0 : i32
      %dma_start3A_589 = tpu.memref_slice %arg2[%add3A_9, %add3A_581, %dma_start3A_588] : memref<16x53248x8xf32, #tpu.memory_space<hbm>> -> memref<1x128x8xf32, #tpu.memory_space<hbm>>
      %dma_start3A_590 = tpu.memref_squeeze %dma_start3A_589 : memref<1x128x8xf32, #tpu.memory_space<hbm>> -> memref<128x8xf32, #tpu.memory_space<hbm>>
      %dma_start3A_591 = tpu.memref_slice %arg9[%dma_start3A_583] : memref<8x!tpu.dma_semaphore, #tpu.memory_space<semaphore_mem>> -> memref<1x!tpu.dma_semaphore, #tpu.memory_space<semaphore_mem>>
      %dma_start3A_592 = tpu.memref_squeeze %dma_start3A_591 : memref<1x!tpu.dma_semaphore, #tpu.memory_space<semaphore_mem>> -> memref<!tpu.dma_semaphore, #tpu.memory_space<semaphore_mem>>
      %dma_start3A_593 = arith.constant 0 : i32
      %dma_start3A_594 = arith.constant 0 : i32
      %dma_start3A_595 = tpu.memref_slice %arg7[%dma_start3A_582, %dma_start3A_593, %dma_start3A_594] : memref<8x128x8xf32, #tpu.memory_space<vmem>> -> memref<1x128x8xf32, #tpu.memory_space<vmem>>
      %dma_start3A_596 = tpu.memref_squeeze %dma_start3A_595 : memref<1x128x8xf32, #tpu.memory_space<vmem>> -> memref<128x8xf32, #tpu.memory_space<vmem>>
      %dma_start3A_597 = arith.constant 0 : i32
      %dma_start3A_598 = tpu.memref_slice %arg2[%add3A_9, %add3A_581, %dma_start3A_597] : memref<16x53248x8xf32, #tpu.memory_space<hbm>> -> memref<1x128x8xf32, #tpu.memory_space<hbm>>
      %dma_start3A_599 = tpu.memref_squeeze %dma_start3A_598 : memref<1x128x8xf32, #tpu.memory_space<hbm>> -> memref<128x8xf32, #tpu.memory_space<hbm>>
      tpu.enqueue_dma source(%dma_start3A_599 : memref<128x8xf32, #tpu.memory_space<hbm>>) target(%dma_start3A_596 : memref<128x8xf32, #tpu.memory_space<vmem>>) target_semaphore(%dma_start3A_592 : memref<!tpu.dma_semaphore, #tpu.memory_space<semaphore_mem>>)
      %add3A_600 = arith.constant 1408 : i32
      %add3A_601 = arith.addi %mul3A_13, %add3A_600 : i32
      %dma_start3A_602 = arith.constant 3 : i32
      %dma_start3A_603 = arith.constant 3 : i32
      %dma_start3A_604 = arith.constant 0 : i32
      %dma_start3A_605 = arith.constant 0 : i32
      %dma_start3A_606 = tpu.memref_slice %arg7[%dma_start3A_602, %dma_start3A_604, %dma_start3A_605] : memref<8x128x8xf32, #tpu.memory_space<vmem>> -> memref<1x128x8xf32, #tpu.memory_space<vmem>>
      %dma_start3A_607 = tpu.memref_squeeze %dma_start3A_606 : memref<1x128x8xf32, #tpu.memory_space<vmem>> -> memref<128x8xf32, #tpu.memory_space<vmem>>
      %dma_start3A_608 = arith.constant 0 : i32
      %dma_start3A_609 = tpu.memref_slice %arg2[%add3A_9, %add3A_601, %dma_start3A_608] : memref<16x53248x8xf32, #tpu.memory_space<hbm>> -> memref<1x128x8xf32, #tpu.memory_space<hbm>>
      %dma_start3A_610 = tpu.memref_squeeze %dma_start3A_609 : memref<1x128x8xf32, #tpu.memory_space<hbm>> -> memref<128x8xf32, #tpu.memory_space<hbm>>
      %dma_start3A_611 = tpu.memref_slice %arg9[%dma_start3A_603] : memref<8x!tpu.dma_semaphore, #tpu.memory_space<semaphore_mem>> -> memref<1x!tpu.dma_semaphore, #tpu.memory_space<semaphore_mem>>
      %dma_start3A_612 = tpu.memref_squeeze %dma_start3A_611 : memref<1x!tpu.dma_semaphore, #tpu.memory_space<semaphore_mem>> -> memref<!tpu.dma_semaphore, #tpu.memory_space<semaphore_mem>>
      %dma_start3A_613 = arith.constant 0 : i32
      %dma_start3A_614 = arith.constant 0 : i32
      %dma_start3A_615 = tpu.memref_slice %arg7[%dma_start3A_602, %dma_start3A_613, %dma_start3A_614] : memref<8x128x8xf32, #tpu.memory_space<vmem>> -> memref<1x128x8xf32, #tpu.memory_space<vmem>>
      %dma_start3A_616 = tpu.memref_squeeze %dma_start3A_615 : memref<1x128x8xf32, #tpu.memory_space<vmem>> -> memref<128x8xf32, #tpu.memory_space<vmem>>
      %dma_start3A_617 = arith.constant 0 : i32
      %dma_start3A_618 = tpu.memref_slice %arg2[%add3A_9, %add3A_601, %dma_start3A_617] : memref<16x53248x8xf32, #tpu.memory_space<hbm>> -> memref<1x128x8xf32, #tpu.memory_space<hbm>>
      %dma_start3A_619 = tpu.memref_squeeze %dma_start3A_618 : memref<1x128x8xf32, #tpu.memory_space<hbm>> -> memref<128x8xf32, #tpu.memory_space<hbm>>
      tpu.enqueue_dma source(%dma_start3A_619 : memref<128x8xf32, #tpu.memory_space<hbm>>) target(%dma_start3A_616 : memref<128x8xf32, #tpu.memory_space<vmem>>) target_semaphore(%dma_start3A_612 : memref<!tpu.dma_semaphore, #tpu.memory_space<semaphore_mem>>)
      %add3A_620 = arith.constant 1536 : i32
      %add3A_621 = arith.addi %mul3A_13, %add3A_620 : i32
      %dma_start3A_622 = arith.constant 4 : i32
      %dma_start3A_623 = arith.constant 4 : i32
      %dma_start3A_624 = arith.constant 0 : i32
      %dma_start3A_625 = arith.constant 0 : i32
      %dma_start3A_626 = tpu.memref_slice %arg7[%dma_start3A_622, %dma_start3A_624, %dma_start3A_625] : memref<8x128x8xf32, #tpu.memory_space<vmem>> -> memref<1x128x8xf32, #tpu.memory_space<vmem>>
      %dma_start3A_627 = tpu.memref_squeeze %dma_start3A_626 : memref<1x128x8xf32, #tpu.memory_space<vmem>> -> memref<128x8xf32, #tpu.memory_space<vmem>>
      %dma_start3A_628 = arith.constant 0 : i32
      %dma_start3A_629 = tpu.memref_slice %arg2[%add3A_9, %add3A_621, %dma_start3A_628] : memref<16x53248x8xf32, #tpu.memory_space<hbm>> -> memref<1x128x8xf32, #tpu.memory_space<hbm>>
      %dma_start3A_630 = tpu.memref_squeeze %dma_start3A_629 : memref<1x128x8xf32, #tpu.memory_space<hbm>> -> memref<128x8xf32, #tpu.memory_space<hbm>>
      %dma_start3A_631 = tpu.memref_slice %arg9[%dma_start3A_623] : memref<8x!tpu.dma_semaphore, #tpu.memory_space<semaphore_mem>> -> memref<1x!tpu.dma_semaphore, #tpu.memory_space<semaphore_mem>>
      %dma_start3A_632 = tpu.memref_squeeze %dma_start3A_631 : memref<1x!tpu.dma_semaphore, #tpu.memory_space<semaphore_mem>> -> memref<!tpu.dma_semaphore, #tpu.memory_space<semaphore_mem>>
      %dma_start3A_633 = arith.constant 0 : i32
      %dma_start3A_634 = arith.constant 0 : i32
      %dma_start3A_635 = tpu.memref_slice %arg7[%dma_start3A_622, %dma_start3A_633, %dma_start3A_634] : memref<8x128x8xf32, #tpu.memory_space<vmem>> -> memref<1x128x8xf32, #tpu.memory_space<vmem>>
      %dma_start3A_636 = tpu.memref_squeeze %dma_start3A_635 : memref<1x128x8xf32, #tpu.memory_space<vmem>> -> memref<128x8xf32, #tpu.memory_space<vmem>>
      %dma_start3A_637 = arith.constant 0 : i32
      %dma_start3A_638 = tpu.memref_slice %arg2[%add3A_9, %add3A_621, %dma_start3A_637] : memref<16x53248x8xf32, #tpu.memory_space<hbm>> -> memref<1x128x8xf32, #tpu.memory_space<hbm>>
      %dma_start3A_639 = tpu.memref_squeeze %dma_start3A_638 : memref<1x128x8xf32, #tpu.memory_space<hbm>> -> memref<128x8xf32, #tpu.memory_space<hbm>>
      tpu.enqueue_dma source(%dma_start3A_639 : memref<128x8xf32, #tpu.memory_space<hbm>>) target(%dma_start3A_636 : memref<128x8xf32, #tpu.memory_space<vmem>>) target_semaphore(%dma_start3A_632 : memref<!tpu.dma_semaphore, #tpu.memory_space<semaphore_mem>>)
      %add3A_640 = arith.constant 1664 : i32
      %add3A_641 = arith.addi %mul3A_13, %add3A_640 : i32
      %dma_start3A_642 = arith.constant 5 : i32
      %dma_start3A_643 = arith.constant 5 : i32
      %dma_start3A_644 = arith.constant 0 : i32
      %dma_start3A_645 = arith.constant 0 : i32
      %dma_start3A_646 = tpu.memref_slice %arg7[%dma_start3A_642, %dma_start3A_644, %dma_start3A_645] : memref<8x128x8xf32, #tpu.memory_space<vmem>> -> memref<1x128x8xf32, #tpu.memory_space<vmem>>
      %dma_start3A_647 = tpu.memref_squeeze %dma_start3A_646 : memref<1x128x8xf32, #tpu.memory_space<vmem>> -> memref<128x8xf32, #tpu.memory_space<vmem>>
      %dma_start3A_648 = arith.constant 0 : i32
      %dma_start3A_649 = tpu.memref_slice %arg2[%add3A_9, %add3A_641, %dma_start3A_648] : memref<16x53248x8xf32, #tpu.memory_space<hbm>> -> memref<1x128x8xf32, #tpu.memory_space<hbm>>
      %dma_start3A_650 = tpu.memref_squeeze %dma_start3A_649 : memref<1x128x8xf32, #tpu.memory_space<hbm>> -> memref<128x8xf32, #tpu.memory_space<hbm>>
      %dma_start3A_651 = tpu.memref_slice %arg9[%dma_start3A_643] : memref<8x!tpu.dma_semaphore, #tpu.memory_space<semaphore_mem>> -> memref<1x!tpu.dma_semaphore, #tpu.memory_space<semaphore_mem>>
      %dma_start3A_652 = tpu.memref_squeeze %dma_start3A_651 : memref<1x!tpu.dma_semaphore, #tpu.memory_space<semaphore_mem>> -> memref<!tpu.dma_semaphore, #tpu.memory_space<semaphore_mem>>
      %dma_start3A_653 = arith.constant 0 : i32
      %dma_start3A_654 = arith.constant 0 : i32
      %dma_start3A_655 = tpu.memref_slice %arg7[%dma_start3A_642, %dma_start3A_653, %dma_start3A_654] : memref<8x128x8xf32, #tpu.memory_space<vmem>> -> memref<1x128x8xf32, #tpu.memory_space<vmem>>
      %dma_start3A_656 = tpu.memref_squeeze %dma_start3A_655 : memref<1x128x8xf32, #tpu.memory_space<vmem>> -> memref<128x8xf32, #tpu.memory_space<vmem>>
      %dma_start3A_657 = arith.constant 0 : i32
      %dma_start3A_658 = tpu.memref_slice %arg2[%add3A_9, %add3A_641, %dma_start3A_657] : memref<16x53248x8xf32, #tpu.memory_space<hbm>> -> memref<1x128x8xf32, #tpu.memory_space<hbm>>
      %dma_start3A_659 = tpu.memref_squeeze %dma_start3A_658 : memref<1x128x8xf32, #tpu.memory_space<hbm>> -> memref<128x8xf32, #tpu.memory_space<hbm>>
      tpu.enqueue_dma source(%dma_start3A_659 : memref<128x8xf32, #tpu.memory_space<hbm>>) target(%dma_start3A_656 : memref<128x8xf32, #tpu.memory_space<vmem>>) target_semaphore(%dma_start3A_652 : memref<!tpu.dma_semaphore, #tpu.memory_space<semaphore_mem>>)
      %add3A_660 = arith.constant 1792 : i32
      %add3A_661 = arith.addi %mul3A_13, %add3A_660 : i32
      %dma_start3A_662 = arith.constant 6 : i32
      %dma_start3A_663 = arith.constant 6 : i32
      %dma_start3A_664 = arith.constant 0 : i32
      %dma_start3A_665 = arith.constant 0 : i32
      %dma_start3A_666 = tpu.memref_slice %arg7[%dma_start3A_662, %dma_start3A_664, %dma_start3A_665] : memref<8x128x8xf32, #tpu.memory_space<vmem>> -> memref<1x128x8xf32, #tpu.memory_space<vmem>>
      %dma_start3A_667 = tpu.memref_squeeze %dma_start3A_666 : memref<1x128x8xf32, #tpu.memory_space<vmem>> -> memref<128x8xf32, #tpu.memory_space<vmem>>
      %dma_start3A_668 = arith.constant 0 : i32
      %dma_start3A_669 = tpu.memref_slice %arg2[%add3A_9, %add3A_661, %dma_start3A_668] : memref<16x53248x8xf32, #tpu.memory_space<hbm>> -> memref<1x128x8xf32, #tpu.memory_space<hbm>>
      %dma_start3A_670 = tpu.memref_squeeze %dma_start3A_669 : memref<1x128x8xf32, #tpu.memory_space<hbm>> -> memref<128x8xf32, #tpu.memory_space<hbm>>
      %dma_start3A_671 = tpu.memref_slice %arg9[%dma_start3A_663] : memref<8x!tpu.dma_semaphore, #tpu.memory_space<semaphore_mem>> -> memref<1x!tpu.dma_semaphore, #tpu.memory_space<semaphore_mem>>
      %dma_start3A_672 = tpu.memref_squeeze %dma_start3A_671 : memref<1x!tpu.dma_semaphore, #tpu.memory_space<semaphore_mem>> -> memref<!tpu.dma_semaphore, #tpu.memory_space<semaphore_mem>>
      %dma_start3A_673 = arith.constant 0 : i32
      %dma_start3A_674 = arith.constant 0 : i32
      %dma_start3A_675 = tpu.memref_slice %arg7[%dma_start3A_662, %dma_start3A_673, %dma_start3A_674] : memref<8x128x8xf32, #tpu.memory_space<vmem>> -> memref<1x128x8xf32, #tpu.memory_space<vmem>>
      %dma_start3A_676 = tpu.memref_squeeze %dma_start3A_675 : memref<1x128x8xf32, #tpu.memory_space<vmem>> -> memref<128x8xf32, #tpu.memory_space<vmem>>
      %dma_start3A_677 = arith.constant 0 : i32
      %dma_start3A_678 = tpu.memref_slice %arg2[%add3A_9, %add3A_661, %dma_start3A_677] : memref<16x53248x8xf32, #tpu.memory_space<hbm>> -> memref<1x128x8xf32, #tpu.memory_space<hbm>>
      %dma_start3A_679 = tpu.memref_squeeze %dma_start3A_678 : memref<1x128x8xf32, #tpu.memory_space<hbm>> -> memref<128x8xf32, #tpu.memory_space<hbm>>
      tpu.enqueue_dma source(%dma_start3A_679 : memref<128x8xf32, #tpu.memory_space<hbm>>) target(%dma_start3A_676 : memref<128x8xf32, #tpu.memory_space<vmem>>) target_semaphore(%dma_start3A_672 : memref<!tpu.dma_semaphore, #tpu.memory_space<semaphore_mem>>)
      %add3A_680 = arith.constant 1920 : i32
      %add3A_681 = arith.addi %mul3A_13, %add3A_680 : i32
      %dma_start3A_682 = arith.constant 7 : i32
      %dma_start3A_683 = arith.constant 7 : i32
      %dma_start3A_684 = arith.constant 0 : i32
      %dma_start3A_685 = arith.constant 0 : i32
      %dma_start3A_686 = tpu.memref_slice %arg7[%dma_start3A_682, %dma_start3A_684, %dma_start3A_685] : memref<8x128x8xf32, #tpu.memory_space<vmem>> -> memref<1x128x8xf32, #tpu.memory_space<vmem>>
      %dma_start3A_687 = tpu.memref_squeeze %dma_start3A_686 : memref<1x128x8xf32, #tpu.memory_space<vmem>> -> memref<128x8xf32, #tpu.memory_space<vmem>>
      %dma_start3A_688 = arith.constant 0 : i32
      %dma_start3A_689 = tpu.memref_slice %arg2[%add3A_9, %add3A_681, %dma_start3A_688] : memref<16x53248x8xf32, #tpu.memory_space<hbm>> -> memref<1x128x8xf32, #tpu.memory_space<hbm>>
      %dma_start3A_690 = tpu.memref_squeeze %dma_start3A_689 : memref<1x128x8xf32, #tpu.memory_space<hbm>> -> memref<128x8xf32, #tpu.memory_space<hbm>>
      %dma_start3A_691 = tpu.memref_slice %arg9[%dma_start3A_683] : memref<8x!tpu.dma_semaphore, #tpu.memory_space<semaphore_mem>> -> memref<1x!tpu.dma_semaphore, #tpu.memory_space<semaphore_mem>>
      %dma_start3A_692 = tpu.memref_squeeze %dma_start3A_691 : memref<1x!tpu.dma_semaphore, #tpu.memory_space<semaphore_mem>> -> memref<!tpu.dma_semaphore, #tpu.memory_space<semaphore_mem>>
      %dma_start3A_693 = arith.constant 0 : i32
      %dma_start3A_694 = arith.constant 0 : i32
      %dma_start3A_695 = tpu.memref_slice %arg7[%dma_start3A_682, %dma_start3A_693, %dma_start3A_694] : memref<8x128x8xf32, #tpu.memory_space<vmem>> -> memref<1x128x8xf32, #tpu.memory_space<vmem>>
      %dma_start3A_696 = tpu.memref_squeeze %dma_start3A_695 : memref<1x128x8xf32, #tpu.memory_space<vmem>> -> memref<128x8xf32, #tpu.memory_space<vmem>>
      %dma_start3A_697 = arith.constant 0 : i32
      %dma_start3A_698 = tpu.memref_slice %arg2[%add3A_9, %add3A_681, %dma_start3A_697] : memref<16x53248x8xf32, #tpu.memory_space<hbm>> -> memref<1x128x8xf32, #tpu.memory_space<hbm>>
      %dma_start3A_699 = tpu.memref_squeeze %dma_start3A_698 : memref<1x128x8xf32, #tpu.memory_space<hbm>> -> memref<128x8xf32, #tpu.memory_space<hbm>>
      tpu.enqueue_dma source(%dma_start3A_699 : memref<128x8xf32, #tpu.memory_space<hbm>>) target(%dma_start3A_696 : memref<128x8xf32, #tpu.memory_space<vmem>>) target_semaphore(%dma_start3A_692 : memref<!tpu.dma_semaphore, #tpu.memory_space<semaphore_mem>>)
      %dma_wait3A_700 = arith.constant 0 : i32
      %dma_wait3A_701 = arith.constant 0 : i32
      %dma_wait3A_702 = arith.constant 0 : i32
      %dma_wait3A_703 = arith.constant 0 : i32
      %dma_wait3A_704 = tpu.memref_slice %arg7[%dma_wait3A_700, %dma_wait3A_702, %dma_wait3A_703] : memref<8x128x8xf32, #tpu.memory_space<vmem>> -> memref<1x128x8xf32, #tpu.memory_space<vmem>>
      %dma_wait3A_705 = tpu.memref_squeeze %dma_wait3A_704 : memref<1x128x8xf32, #tpu.memory_space<vmem>> -> memref<128x8xf32, #tpu.memory_space<vmem>>
      %dma_wait3A_706 = arith.constant 0 : i32
      %dma_wait3A_707 = tpu.memref_slice %arg2[%add3A_9, %add3A_541, %dma_wait3A_706] : memref<16x53248x8xf32, #tpu.memory_space<hbm>> -> memref<1x128x8xf32, #tpu.memory_space<hbm>>
      %dma_wait3A_708 = tpu.memref_squeeze %dma_wait3A_707 : memref<1x128x8xf32, #tpu.memory_space<hbm>> -> memref<128x8xf32, #tpu.memory_space<hbm>>
      %dma_wait3A_709 = tpu.memref_slice %arg9[%dma_wait3A_701] : memref<8x!tpu.dma_semaphore, #tpu.memory_space<semaphore_mem>> -> memref<1x!tpu.dma_semaphore, #tpu.memory_space<semaphore_mem>>
      %dma_wait3A_710 = tpu.memref_squeeze %dma_wait3A_709 : memref<1x!tpu.dma_semaphore, #tpu.memory_space<semaphore_mem>> -> memref<!tpu.dma_semaphore, #tpu.memory_space<semaphore_mem>>
      %dma_wait3A_711 = arith.constant 0 : i32
      %dma_wait3A_712 = arith.constant 0 : i32
      %dma_wait3A_713 = tpu.memref_slice %arg7[%dma_wait3A_700, %dma_wait3A_711, %dma_wait3A_712] : memref<8x128x8xf32, #tpu.memory_space<vmem>> -> memref<1x128x8xf32, #tpu.memory_space<vmem>>
      %dma_wait3A_714 = tpu.memref_squeeze %dma_wait3A_713 : memref<1x128x8xf32, #tpu.memory_space<vmem>> -> memref<128x8xf32, #tpu.memory_space<vmem>>
      %dma_wait3A_715 = arith.constant 0 : i32
      %dma_wait3A_716 = tpu.memref_slice %arg2[%add3A_9, %add3A_541, %dma_wait3A_715] : memref<16x53248x8xf32, #tpu.memory_space<hbm>> -> memref<1x128x8xf32, #tpu.memory_space<hbm>>
      %dma_wait3A_717 = tpu.memref_squeeze %dma_wait3A_716 : memref<1x128x8xf32, #tpu.memory_space<hbm>> -> memref<128x8xf32, #tpu.memory_space<hbm>>
      tpu.wait_dma2 semaphore(%dma_wait3A_710 : memref<!tpu.dma_semaphore, #tpu.memory_space<semaphore_mem>>) src(%dma_wait3A_717 : memref<128x8xf32, #tpu.memory_space<hbm>>) dst(%dma_wait3A_714 : memref<128x8xf32, #tpu.memory_space<vmem>>)
      %mul3A_718 = arith.constant 26 : i32
      %mul3A_719 = arith.muli %arg1, %mul3A_718 : i32
      %add3A_720 = arith.constant 8 : i32
      %add3A_721 = arith.addi %mul3A_719, %add3A_720 : i32
      %add3A_722 = arith.constant 0 : i32
      %add3A_723 = arith.addi %add3A_721, %add3A_722 : i32
      %dma_start3A_724 = arith.constant 0 : i32
      %dma_start3A_725 = arith.constant 0 : i32
      %dma_start3A_726 = arith.constant 0 : i32
      %dma_start3A_727 = tpu.memref_slice %arg7[%dma_start3A_724, %dma_start3A_725, %dma_start3A_726] : memref<8x128x8xf32, #tpu.memory_space<vmem>> -> memref<1x128x8xf32, #tpu.memory_space<vmem>>
      %dma_start3A_728 = tpu.memref_squeeze %dma_start3A_727 : memref<1x128x8xf32, #tpu.memory_space<vmem>> -> memref<128x8xf32, #tpu.memory_space<vmem>>
      %dma_start3A_729 = arith.constant 0 : i32
      %dma_start3A_730 = tpu.memref_slice %arg6[%add3A_723, %dma_start3A_729] : memref<416x128xi32, #tpu.memory_space<vmem>> -> memref<1x128xi32, #tpu.memory_space<vmem>>
      %dma_start3A_731 = tpu.memref_squeeze %dma_start3A_730 : memref<1x128xi32, #tpu.memory_space<vmem>> -> memref<128xi32, #tpu.memory_space<vmem>>
      %dma_start3A_732 = arith.constant 0 : i32
      %dma_start3A_733 = arith.constant 0 : i32
      %dma_start3A_734 = tpu.memref_slice %arg8[%dma_start3A_732, %dma_start3A_733] : memref<2176x8xf32, #tpu.memory_space<vmem_shared>> -> memref<2176x8xf32, #tpu.memory_space<vmem_shared>>
      tpu.enqueue_indirect_dma source(%dma_start3A_728 : memref<128x8xf32, #tpu.memory_space<vmem>>) target(%dma_start3A_734 : memref<2176x8xf32, #tpu.memory_space<vmem_shared>>) offsets(%dma_start3A_731 : memref<128xi32, #tpu.memory_space<vmem>>) semaphore(%arg10 : memref<!tpu.dma_semaphore, #tpu.memory_space<semaphore_mem>>) {add = true}
      %dma_wait3A_735 = arith.constant 1 : i32
      %dma_wait3A_736 = arith.constant 1 : i32
      %dma_wait3A_737 = arith.constant 0 : i32
      %dma_wait3A_738 = arith.constant 0 : i32
      %dma_wait3A_739 = tpu.memref_slice %arg7[%dma_wait3A_735, %dma_wait3A_737, %dma_wait3A_738] : memref<8x128x8xf32, #tpu.memory_space<vmem>> -> memref<1x128x8xf32, #tpu.memory_space<vmem>>
      %dma_wait3A_740 = tpu.memref_squeeze %dma_wait3A_739 : memref<1x128x8xf32, #tpu.memory_space<vmem>> -> memref<128x8xf32, #tpu.memory_space<vmem>>
      %dma_wait3A_741 = arith.constant 0 : i32
      %dma_wait3A_742 = tpu.memref_slice %arg2[%add3A_9, %add3A_561, %dma_wait3A_741] : memref<16x53248x8xf32, #tpu.memory_space<hbm>> -> memref<1x128x8xf32, #tpu.memory_space<hbm>>
      %dma_wait3A_743 = tpu.memref_squeeze %dma_wait3A_742 : memref<1x128x8xf32, #tpu.memory_space<hbm>> -> memref<128x8xf32, #tpu.memory_space<hbm>>
      %dma_wait3A_744 = tpu.memref_slice %arg9[%dma_wait3A_736] : memref<8x!tpu.dma_semaphore, #tpu.memory_space<semaphore_mem>> -> memref<1x!tpu.dma_semaphore, #tpu.memory_space<semaphore_mem>>
      %dma_wait3A_745 = tpu.memref_squeeze %dma_wait3A_744 : memref<1x!tpu.dma_semaphore, #tpu.memory_space<semaphore_mem>> -> memref<!tpu.dma_semaphore, #tpu.memory_space<semaphore_mem>>
      %dma_wait3A_746 = arith.constant 0 : i32
      %dma_wait3A_747 = arith.constant 0 : i32
      %dma_wait3A_748 = tpu.memref_slice %arg7[%dma_wait3A_735, %dma_wait3A_746, %dma_wait3A_747] : memref<8x128x8xf32, #tpu.memory_space<vmem>> -> memref<1x128x8xf32, #tpu.memory_space<vmem>>
      %dma_wait3A_749 = tpu.memref_squeeze %dma_wait3A_748 : memref<1x128x8xf32, #tpu.memory_space<vmem>> -> memref<128x8xf32, #tpu.memory_space<vmem>>
      %dma_wait3A_750 = arith.constant 0 : i32
      %dma_wait3A_751 = tpu.memref_slice %arg2[%add3A_9, %add3A_561, %dma_wait3A_750] : memref<16x53248x8xf32, #tpu.memory_space<hbm>> -> memref<1x128x8xf32, #tpu.memory_space<hbm>>
      %dma_wait3A_752 = tpu.memref_squeeze %dma_wait3A_751 : memref<1x128x8xf32, #tpu.memory_space<hbm>> -> memref<128x8xf32, #tpu.memory_space<hbm>>
      tpu.wait_dma2 semaphore(%dma_wait3A_745 : memref<!tpu.dma_semaphore, #tpu.memory_space<semaphore_mem>>) src(%dma_wait3A_752 : memref<128x8xf32, #tpu.memory_space<hbm>>) dst(%dma_wait3A_749 : memref<128x8xf32, #tpu.memory_space<vmem>>)
      %mul3A_753 = arith.constant 26 : i32
      %mul3A_754 = arith.muli %arg1, %mul3A_753 : i32
      %add3A_755 = arith.constant 8 : i32
      %add3A_756 = arith.addi %mul3A_754, %add3A_755 : i32
      %add3A_757 = arith.constant 1 : i32
      %add3A_758 = arith.addi %add3A_756, %add3A_757 : i32
      %dma_start3A_759 = arith.constant 1 : i32
      %dma_start3A_760 = arith.constant 0 : i32
      %dma_start3A_761 = arith.constant 0 : i32
      %dma_start3A_762 = tpu.memref_slice %arg7[%dma_start3A_759, %dma_start3A_760, %dma_start3A_761] : memref<8x128x8xf32, #tpu.memory_space<vmem>> -> memref<1x128x8xf32, #tpu.memory_space<vmem>>
      %dma_start3A_763 = tpu.memref_squeeze %dma_start3A_762 : memref<1x128x8xf32, #tpu.memory_space<vmem>> -> memref<128x8xf32, #tpu.memory_space<vmem>>
      %dma_start3A_764 = arith.constant 0 : i32
      %dma_start3A_765 = tpu.memref_slice %arg6[%add3A_758, %dma_start3A_764] : memref<416x128xi32, #tpu.memory_space<vmem>> -> memref<1x128xi32, #tpu.memory_space<vmem>>
      %dma_start3A_766 = tpu.memref_squeeze %dma_start3A_765 : memref<1x128xi32, #tpu.memory_space<vmem>> -> memref<128xi32, #tpu.memory_space<vmem>>
      %dma_start3A_767 = arith.constant 0 : i32
      %dma_start3A_768 = arith.constant 0 : i32
      %dma_start3A_769 = tpu.memref_slice %arg8[%dma_start3A_767, %dma_start3A_768] : memref<2176x8xf32, #tpu.memory_space<vmem_shared>> -> memref<2176x8xf32, #tpu.memory_space<vmem_shared>>
      tpu.enqueue_indirect_dma source(%dma_start3A_763 : memref<128x8xf32, #tpu.memory_space<vmem>>) target(%dma_start3A_769 : memref<2176x8xf32, #tpu.memory_space<vmem_shared>>) offsets(%dma_start3A_766 : memref<128xi32, #tpu.memory_space<vmem>>) semaphore(%arg10 : memref<!tpu.dma_semaphore, #tpu.memory_space<semaphore_mem>>) {add = true}
      %dma_wait3A_770 = arith.constant 2 : i32
      %dma_wait3A_771 = arith.constant 2 : i32
      %dma_wait3A_772 = arith.constant 0 : i32
      %dma_wait3A_773 = arith.constant 0 : i32
      %dma_wait3A_774 = tpu.memref_slice %arg7[%dma_wait3A_770, %dma_wait3A_772, %dma_wait3A_773] : memref<8x128x8xf32, #tpu.memory_space<vmem>> -> memref<1x128x8xf32, #tpu.memory_space<vmem>>
      %dma_wait3A_775 = tpu.memref_squeeze %dma_wait3A_774 : memref<1x128x8xf32, #tpu.memory_space<vmem>> -> memref<128x8xf32, #tpu.memory_space<vmem>>
      %dma_wait3A_776 = arith.constant 0 : i32
      %dma_wait3A_777 = tpu.memref_slice %arg2[%add3A_9, %add3A_581, %dma_wait3A_776] : memref<16x53248x8xf32, #tpu.memory_space<hbm>> -> memref<1x128x8xf32, #tpu.memory_space<hbm>>
      %dma_wait3A_778 = tpu.memref_squeeze %dma_wait3A_777 : memref<1x128x8xf32, #tpu.memory_space<hbm>> -> memref<128x8xf32, #tpu.memory_space<hbm>>
      %dma_wait3A_779 = tpu.memref_slice %arg9[%dma_wait3A_771] : memref<8x!tpu.dma_semaphore, #tpu.memory_space<semaphore_mem>> -> memref<1x!tpu.dma_semaphore, #tpu.memory_space<semaphore_mem>>
      %dma_wait3A_780 = tpu.memref_squeeze %dma_wait3A_779 : memref<1x!tpu.dma_semaphore, #tpu.memory_space<semaphore_mem>> -> memref<!tpu.dma_semaphore, #tpu.memory_space<semaphore_mem>>
      %dma_wait3A_781 = arith.constant 0 : i32
      %dma_wait3A_782 = arith.constant 0 : i32
      %dma_wait3A_783 = tpu.memref_slice %arg7[%dma_wait3A_770, %dma_wait3A_781, %dma_wait3A_782] : memref<8x128x8xf32, #tpu.memory_space<vmem>> -> memref<1x128x8xf32, #tpu.memory_space<vmem>>
      %dma_wait3A_784 = tpu.memref_squeeze %dma_wait3A_783 : memref<1x128x8xf32, #tpu.memory_space<vmem>> -> memref<128x8xf32, #tpu.memory_space<vmem>>
      %dma_wait3A_785 = arith.constant 0 : i32
      %dma_wait3A_786 = tpu.memref_slice %arg2[%add3A_9, %add3A_581, %dma_wait3A_785] : memref<16x53248x8xf32, #tpu.memory_space<hbm>> -> memref<1x128x8xf32, #tpu.memory_space<hbm>>
      %dma_wait3A_787 = tpu.memref_squeeze %dma_wait3A_786 : memref<1x128x8xf32, #tpu.memory_space<hbm>> -> memref<128x8xf32, #tpu.memory_space<hbm>>
      tpu.wait_dma2 semaphore(%dma_wait3A_780 : memref<!tpu.dma_semaphore, #tpu.memory_space<semaphore_mem>>) src(%dma_wait3A_787 : memref<128x8xf32, #tpu.memory_space<hbm>>) dst(%dma_wait3A_784 : memref<128x8xf32, #tpu.memory_space<vmem>>)
      %mul3A_788 = arith.constant 26 : i32
      %mul3A_789 = arith.muli %arg1, %mul3A_788 : i32
      %add3A_790 = arith.constant 8 : i32
      %add3A_791 = arith.addi %mul3A_789, %add3A_790 : i32
      %add3A_792 = arith.constant 2 : i32
      %add3A_793 = arith.addi %add3A_791, %add3A_792 : i32
      %dma_start3A_794 = arith.constant 2 : i32
      %dma_start3A_795 = arith.constant 0 : i32
      %dma_start3A_796 = arith.constant 0 : i32
      %dma_start3A_797 = tpu.memref_slice %arg7[%dma_start3A_794, %dma_start3A_795, %dma_start3A_796] : memref<8x128x8xf32, #tpu.memory_space<vmem>> -> memref<1x128x8xf32, #tpu.memory_space<vmem>>
      %dma_start3A_798 = tpu.memref_squeeze %dma_start3A_797 : memref<1x128x8xf32, #tpu.memory_space<vmem>> -> memref<128x8xf32, #tpu.memory_space<vmem>>
      %dma_start3A_799 = arith.constant 0 : i32
      %dma_start3A_800 = tpu.memref_slice %arg6[%add3A_793, %dma_start3A_799] : memref<416x128xi32, #tpu.memory_space<vmem>> -> memref<1x128xi32, #tpu.memory_space<vmem>>
      %dma_start3A_801 = tpu.memref_squeeze %dma_start3A_800 : memref<1x128xi32, #tpu.memory_space<vmem>> -> memref<128xi32, #tpu.memory_space<vmem>>
      %dma_start3A_802 = arith.constant 0 : i32
      %dma_start3A_803 = arith.constant 0 : i32
      %dma_start3A_804 = tpu.memref_slice %arg8[%dma_start3A_802, %dma_start3A_803] : memref<2176x8xf32, #tpu.memory_space<vmem_shared>> -> memref<2176x8xf32, #tpu.memory_space<vmem_shared>>
      tpu.enqueue_indirect_dma source(%dma_start3A_798 : memref<128x8xf32, #tpu.memory_space<vmem>>) target(%dma_start3A_804 : memref<2176x8xf32, #tpu.memory_space<vmem_shared>>) offsets(%dma_start3A_801 : memref<128xi32, #tpu.memory_space<vmem>>) semaphore(%arg10 : memref<!tpu.dma_semaphore, #tpu.memory_space<semaphore_mem>>) {add = true}
      %dma_wait3A_805 = arith.constant 3 : i32
      %dma_wait3A_806 = arith.constant 3 : i32
      %dma_wait3A_807 = arith.constant 0 : i32
      %dma_wait3A_808 = arith.constant 0 : i32
      %dma_wait3A_809 = tpu.memref_slice %arg7[%dma_wait3A_805, %dma_wait3A_807, %dma_wait3A_808] : memref<8x128x8xf32, #tpu.memory_space<vmem>> -> memref<1x128x8xf32, #tpu.memory_space<vmem>>
      %dma_wait3A_810 = tpu.memref_squeeze %dma_wait3A_809 : memref<1x128x8xf32, #tpu.memory_space<vmem>> -> memref<128x8xf32, #tpu.memory_space<vmem>>
      %dma_wait3A_811 = arith.constant 0 : i32
      %dma_wait3A_812 = tpu.memref_slice %arg2[%add3A_9, %add3A_601, %dma_wait3A_811] : memref<16x53248x8xf32, #tpu.memory_space<hbm>> -> memref<1x128x8xf32, #tpu.memory_space<hbm>>
      %dma_wait3A_813 = tpu.memref_squeeze %dma_wait3A_812 : memref<1x128x8xf32, #tpu.memory_space<hbm>> -> memref<128x8xf32, #tpu.memory_space<hbm>>
      %dma_wait3A_814 = tpu.memref_slice %arg9[%dma_wait3A_806] : memref<8x!tpu.dma_semaphore, #tpu.memory_space<semaphore_mem>> -> memref<1x!tpu.dma_semaphore, #tpu.memory_space<semaphore_mem>>
      %dma_wait3A_815 = tpu.memref_squeeze %dma_wait3A_814 : memref<1x!tpu.dma_semaphore, #tpu.memory_space<semaphore_mem>> -> memref<!tpu.dma_semaphore, #tpu.memory_space<semaphore_mem>>
      %dma_wait3A_816 = arith.constant 0 : i32
      %dma_wait3A_817 = arith.constant 0 : i32
      %dma_wait3A_818 = tpu.memref_slice %arg7[%dma_wait3A_805, %dma_wait3A_816, %dma_wait3A_817] : memref<8x128x8xf32, #tpu.memory_space<vmem>> -> memref<1x128x8xf32, #tpu.memory_space<vmem>>
      %dma_wait3A_819 = tpu.memref_squeeze %dma_wait3A_818 : memref<1x128x8xf32, #tpu.memory_space<vmem>> -> memref<128x8xf32, #tpu.memory_space<vmem>>
      %dma_wait3A_820 = arith.constant 0 : i32
      %dma_wait3A_821 = tpu.memref_slice %arg2[%add3A_9, %add3A_601, %dma_wait3A_820] : memref<16x53248x8xf32, #tpu.memory_space<hbm>> -> memref<1x128x8xf32, #tpu.memory_space<hbm>>
      %dma_wait3A_822 = tpu.memref_squeeze %dma_wait3A_821 : memref<1x128x8xf32, #tpu.memory_space<hbm>> -> memref<128x8xf32, #tpu.memory_space<hbm>>
      tpu.wait_dma2 semaphore(%dma_wait3A_815 : memref<!tpu.dma_semaphore, #tpu.memory_space<semaphore_mem>>) src(%dma_wait3A_822 : memref<128x8xf32, #tpu.memory_space<hbm>>) dst(%dma_wait3A_819 : memref<128x8xf32, #tpu.memory_space<vmem>>)
      %mul3A_823 = arith.constant 26 : i32
      %mul3A_824 = arith.muli %arg1, %mul3A_823 : i32
      %add3A_825 = arith.constant 8 : i32
      %add3A_826 = arith.addi %mul3A_824, %add3A_825 : i32
      %add3A_827 = arith.constant 3 : i32
      %add3A_828 = arith.addi %add3A_826, %add3A_827 : i32
      %dma_start3A_829 = arith.constant 3 : i32
      %dma_start3A_830 = arith.constant 0 : i32
      %dma_start3A_831 = arith.constant 0 : i32
      %dma_start3A_832 = tpu.memref_slice %arg7[%dma_start3A_829, %dma_start3A_830, %dma_start3A_831] : memref<8x128x8xf32, #tpu.memory_space<vmem>> -> memref<1x128x8xf32, #tpu.memory_space<vmem>>
      %dma_start3A_833 = tpu.memref_squeeze %dma_start3A_832 : memref<1x128x8xf32, #tpu.memory_space<vmem>> -> memref<128x8xf32, #tpu.memory_space<vmem>>
      %dma_start3A_834 = arith.constant 0 : i32
      %dma_start3A_835 = tpu.memref_slice %arg6[%add3A_828, %dma_start3A_834] : memref<416x128xi32, #tpu.memory_space<vmem>> -> memref<1x128xi32, #tpu.memory_space<vmem>>
      %dma_start3A_836 = tpu.memref_squeeze %dma_start3A_835 : memref<1x128xi32, #tpu.memory_space<vmem>> -> memref<128xi32, #tpu.memory_space<vmem>>
      %dma_start3A_837 = arith.constant 0 : i32
      %dma_start3A_838 = arith.constant 0 : i32
      %dma_start3A_839 = tpu.memref_slice %arg8[%dma_start3A_837, %dma_start3A_838] : memref<2176x8xf32, #tpu.memory_space<vmem_shared>> -> memref<2176x8xf32, #tpu.memory_space<vmem_shared>>
      tpu.enqueue_indirect_dma source(%dma_start3A_833 : memref<128x8xf32, #tpu.memory_space<vmem>>) target(%dma_start3A_839 : memref<2176x8xf32, #tpu.memory_space<vmem_shared>>) offsets(%dma_start3A_836 : memref<128xi32, #tpu.memory_space<vmem>>) semaphore(%arg10 : memref<!tpu.dma_semaphore, #tpu.memory_space<semaphore_mem>>) {add = true}
      %dma_wait3A_840 = arith.constant 4 : i32
      %dma_wait3A_841 = arith.constant 4 : i32
      %dma_wait3A_842 = arith.constant 0 : i32
      %dma_wait3A_843 = arith.constant 0 : i32
      %dma_wait3A_844 = tpu.memref_slice %arg7[%dma_wait3A_840, %dma_wait3A_842, %dma_wait3A_843] : memref<8x128x8xf32, #tpu.memory_space<vmem>> -> memref<1x128x8xf32, #tpu.memory_space<vmem>>
      %dma_wait3A_845 = tpu.memref_squeeze %dma_wait3A_844 : memref<1x128x8xf32, #tpu.memory_space<vmem>> -> memref<128x8xf32, #tpu.memory_space<vmem>>
      %dma_wait3A_846 = arith.constant 0 : i32
      %dma_wait3A_847 = tpu.memref_slice %arg2[%add3A_9, %add3A_621, %dma_wait3A_846] : memref<16x53248x8xf32, #tpu.memory_space<hbm>> -> memref<1x128x8xf32, #tpu.memory_space<hbm>>
      %dma_wait3A_848 = tpu.memref_squeeze %dma_wait3A_847 : memref<1x128x8xf32, #tpu.memory_space<hbm>> -> memref<128x8xf32, #tpu.memory_space<hbm>>
      %dma_wait3A_849 = tpu.memref_slice %arg9[%dma_wait3A_841] : memref<8x!tpu.dma_semaphore, #tpu.memory_space<semaphore_mem>> -> memref<1x!tpu.dma_semaphore, #tpu.memory_space<semaphore_mem>>
      %dma_wait3A_850 = tpu.memref_squeeze %dma_wait3A_849 : memref<1x!tpu.dma_semaphore, #tpu.memory_space<semaphore_mem>> -> memref<!tpu.dma_semaphore, #tpu.memory_space<semaphore_mem>>
      %dma_wait3A_851 = arith.constant 0 : i32
      %dma_wait3A_852 = arith.constant 0 : i32
      %dma_wait3A_853 = tpu.memref_slice %arg7[%dma_wait3A_840, %dma_wait3A_851, %dma_wait3A_852] : memref<8x128x8xf32, #tpu.memory_space<vmem>> -> memref<1x128x8xf32, #tpu.memory_space<vmem>>
      %dma_wait3A_854 = tpu.memref_squeeze %dma_wait3A_853 : memref<1x128x8xf32, #tpu.memory_space<vmem>> -> memref<128x8xf32, #tpu.memory_space<vmem>>
      %dma_wait3A_855 = arith.constant 0 : i32
      %dma_wait3A_856 = tpu.memref_slice %arg2[%add3A_9, %add3A_621, %dma_wait3A_855] : memref<16x53248x8xf32, #tpu.memory_space<hbm>> -> memref<1x128x8xf32, #tpu.memory_space<hbm>>
      %dma_wait3A_857 = tpu.memref_squeeze %dma_wait3A_856 : memref<1x128x8xf32, #tpu.memory_space<hbm>> -> memref<128x8xf32, #tpu.memory_space<hbm>>
      tpu.wait_dma2 semaphore(%dma_wait3A_850 : memref<!tpu.dma_semaphore, #tpu.memory_space<semaphore_mem>>) src(%dma_wait3A_857 : memref<128x8xf32, #tpu.memory_space<hbm>>) dst(%dma_wait3A_854 : memref<128x8xf32, #tpu.memory_space<vmem>>)
      %mul3A_858 = arith.constant 26 : i32
      %mul3A_859 = arith.muli %arg1, %mul3A_858 : i32
      %add3A_860 = arith.constant 8 : i32
      %add3A_861 = arith.addi %mul3A_859, %add3A_860 : i32
      %add3A_862 = arith.constant 4 : i32
      %add3A_863 = arith.addi %add3A_861, %add3A_862 : i32
      %dma_start3A_864 = arith.constant 4 : i32
      %dma_start3A_865 = arith.constant 0 : i32
      %dma_start3A_866 = arith.constant 0 : i32
      %dma_start3A_867 = tpu.memref_slice %arg7[%dma_start3A_864, %dma_start3A_865, %dma_start3A_866] : memref<8x128x8xf32, #tpu.memory_space<vmem>> -> memref<1x128x8xf32, #tpu.memory_space<vmem>>
      %dma_start3A_868 = tpu.memref_squeeze %dma_start3A_867 : memref<1x128x8xf32, #tpu.memory_space<vmem>> -> memref<128x8xf32, #tpu.memory_space<vmem>>
      %dma_start3A_869 = arith.constant 0 : i32
      %dma_start3A_870 = tpu.memref_slice %arg6[%add3A_863, %dma_start3A_869] : memref<416x128xi32, #tpu.memory_space<vmem>> -> memref<1x128xi32, #tpu.memory_space<vmem>>
      %dma_start3A_871 = tpu.memref_squeeze %dma_start3A_870 : memref<1x128xi32, #tpu.memory_space<vmem>> -> memref<128xi32, #tpu.memory_space<vmem>>
      %dma_start3A_872 = arith.constant 0 : i32
      %dma_start3A_873 = arith.constant 0 : i32
      %dma_start3A_874 = tpu.memref_slice %arg8[%dma_start3A_872, %dma_start3A_873] : memref<2176x8xf32, #tpu.memory_space<vmem_shared>> -> memref<2176x8xf32, #tpu.memory_space<vmem_shared>>
      tpu.enqueue_indirect_dma source(%dma_start3A_868 : memref<128x8xf32, #tpu.memory_space<vmem>>) target(%dma_start3A_874 : memref<2176x8xf32, #tpu.memory_space<vmem_shared>>) offsets(%dma_start3A_871 : memref<128xi32, #tpu.memory_space<vmem>>) semaphore(%arg10 : memref<!tpu.dma_semaphore, #tpu.memory_space<semaphore_mem>>) {add = true}
      %dma_wait3A_875 = arith.constant 5 : i32
      %dma_wait3A_876 = arith.constant 5 : i32
      %dma_wait3A_877 = arith.constant 0 : i32
      %dma_wait3A_878 = arith.constant 0 : i32
      %dma_wait3A_879 = tpu.memref_slice %arg7[%dma_wait3A_875, %dma_wait3A_877, %dma_wait3A_878] : memref<8x128x8xf32, #tpu.memory_space<vmem>> -> memref<1x128x8xf32, #tpu.memory_space<vmem>>
      %dma_wait3A_880 = tpu.memref_squeeze %dma_wait3A_879 : memref<1x128x8xf32, #tpu.memory_space<vmem>> -> memref<128x8xf32, #tpu.memory_space<vmem>>
      %dma_wait3A_881 = arith.constant 0 : i32
      %dma_wait3A_882 = tpu.memref_slice %arg2[%add3A_9, %add3A_641, %dma_wait3A_881] : memref<16x53248x8xf32, #tpu.memory_space<hbm>> -> memref<1x128x8xf32, #tpu.memory_space<hbm>>
      %dma_wait3A_883 = tpu.memref_squeeze %dma_wait3A_882 : memref<1x128x8xf32, #tpu.memory_space<hbm>> -> memref<128x8xf32, #tpu.memory_space<hbm>>
      %dma_wait3A_884 = tpu.memref_slice %arg9[%dma_wait3A_876] : memref<8x!tpu.dma_semaphore, #tpu.memory_space<semaphore_mem>> -> memref<1x!tpu.dma_semaphore, #tpu.memory_space<semaphore_mem>>
      %dma_wait3A_885 = tpu.memref_squeeze %dma_wait3A_884 : memref<1x!tpu.dma_semaphore, #tpu.memory_space<semaphore_mem>> -> memref<!tpu.dma_semaphore, #tpu.memory_space<semaphore_mem>>
      %dma_wait3A_886 = arith.constant 0 : i32
      %dma_wait3A_887 = arith.constant 0 : i32
      %dma_wait3A_888 = tpu.memref_slice %arg7[%dma_wait3A_875, %dma_wait3A_886, %dma_wait3A_887] : memref<8x128x8xf32, #tpu.memory_space<vmem>> -> memref<1x128x8xf32, #tpu.memory_space<vmem>>
      %dma_wait3A_889 = tpu.memref_squeeze %dma_wait3A_888 : memref<1x128x8xf32, #tpu.memory_space<vmem>> -> memref<128x8xf32, #tpu.memory_space<vmem>>
      %dma_wait3A_890 = arith.constant 0 : i32
      %dma_wait3A_891 = tpu.memref_slice %arg2[%add3A_9, %add3A_641, %dma_wait3A_890] : memref<16x53248x8xf32, #tpu.memory_space<hbm>> -> memref<1x128x8xf32, #tpu.memory_space<hbm>>
      %dma_wait3A_892 = tpu.memref_squeeze %dma_wait3A_891 : memref<1x128x8xf32, #tpu.memory_space<hbm>> -> memref<128x8xf32, #tpu.memory_space<hbm>>
      tpu.wait_dma2 semaphore(%dma_wait3A_885 : memref<!tpu.dma_semaphore, #tpu.memory_space<semaphore_mem>>) src(%dma_wait3A_892 : memref<128x8xf32, #tpu.memory_space<hbm>>) dst(%dma_wait3A_889 : memref<128x8xf32, #tpu.memory_space<vmem>>)
      %mul3A_893 = arith.constant 26 : i32
      %mul3A_894 = arith.muli %arg1, %mul3A_893 : i32
      %add3A_895 = arith.constant 8 : i32
      %add3A_896 = arith.addi %mul3A_894, %add3A_895 : i32
      %add3A_897 = arith.constant 5 : i32
      %add3A_898 = arith.addi %add3A_896, %add3A_897 : i32
      %dma_start3A_899 = arith.constant 5 : i32
      %dma_start3A_900 = arith.constant 0 : i32
      %dma_start3A_901 = arith.constant 0 : i32
      %dma_start3A_902 = tpu.memref_slice %arg7[%dma_start3A_899, %dma_start3A_900, %dma_start3A_901] : memref<8x128x8xf32, #tpu.memory_space<vmem>> -> memref<1x128x8xf32, #tpu.memory_space<vmem>>
      %dma_start3A_903 = tpu.memref_squeeze %dma_start3A_902 : memref<1x128x8xf32, #tpu.memory_space<vmem>> -> memref<128x8xf32, #tpu.memory_space<vmem>>
      %dma_start3A_904 = arith.constant 0 : i32
      %dma_start3A_905 = tpu.memref_slice %arg6[%add3A_898, %dma_start3A_904] : memref<416x128xi32, #tpu.memory_space<vmem>> -> memref<1x128xi32, #tpu.memory_space<vmem>>
      %dma_start3A_906 = tpu.memref_squeeze %dma_start3A_905 : memref<1x128xi32, #tpu.memory_space<vmem>> -> memref<128xi32, #tpu.memory_space<vmem>>
      %dma_start3A_907 = arith.constant 0 : i32
      %dma_start3A_908 = arith.constant 0 : i32
      %dma_start3A_909 = tpu.memref_slice %arg8[%dma_start3A_907, %dma_start3A_908] : memref<2176x8xf32, #tpu.memory_space<vmem_shared>> -> memref<2176x8xf32, #tpu.memory_space<vmem_shared>>
      tpu.enqueue_indirect_dma source(%dma_start3A_903 : memref<128x8xf32, #tpu.memory_space<vmem>>) target(%dma_start3A_909 : memref<2176x8xf32, #tpu.memory_space<vmem_shared>>) offsets(%dma_start3A_906 : memref<128xi32, #tpu.memory_space<vmem>>) semaphore(%arg10 : memref<!tpu.dma_semaphore, #tpu.memory_space<semaphore_mem>>) {add = true}
      %dma_wait3A_910 = arith.constant 6 : i32
      %dma_wait3A_911 = arith.constant 6 : i32
      %dma_wait3A_912 = arith.constant 0 : i32
      %dma_wait3A_913 = arith.constant 0 : i32
      %dma_wait3A_914 = tpu.memref_slice %arg7[%dma_wait3A_910, %dma_wait3A_912, %dma_wait3A_913] : memref<8x128x8xf32, #tpu.memory_space<vmem>> -> memref<1x128x8xf32, #tpu.memory_space<vmem>>
      %dma_wait3A_915 = tpu.memref_squeeze %dma_wait3A_914 : memref<1x128x8xf32, #tpu.memory_space<vmem>> -> memref<128x8xf32, #tpu.memory_space<vmem>>
      %dma_wait3A_916 = arith.constant 0 : i32
      %dma_wait3A_917 = tpu.memref_slice %arg2[%add3A_9, %add3A_661, %dma_wait3A_916] : memref<16x53248x8xf32, #tpu.memory_space<hbm>> -> memref<1x128x8xf32, #tpu.memory_space<hbm>>
      %dma_wait3A_918 = tpu.memref_squeeze %dma_wait3A_917 : memref<1x128x8xf32, #tpu.memory_space<hbm>> -> memref<128x8xf32, #tpu.memory_space<hbm>>
      %dma_wait3A_919 = tpu.memref_slice %arg9[%dma_wait3A_911] : memref<8x!tpu.dma_semaphore, #tpu.memory_space<semaphore_mem>> -> memref<1x!tpu.dma_semaphore, #tpu.memory_space<semaphore_mem>>
      %dma_wait3A_920 = tpu.memref_squeeze %dma_wait3A_919 : memref<1x!tpu.dma_semaphore, #tpu.memory_space<semaphore_mem>> -> memref<!tpu.dma_semaphore, #tpu.memory_space<semaphore_mem>>
      %dma_wait3A_921 = arith.constant 0 : i32
      %dma_wait3A_922 = arith.constant 0 : i32
      %dma_wait3A_923 = tpu.memref_slice %arg7[%dma_wait3A_910, %dma_wait3A_921, %dma_wait3A_922] : memref<8x128x8xf32, #tpu.memory_space<vmem>> -> memref<1x128x8xf32, #tpu.memory_space<vmem>>
      %dma_wait3A_924 = tpu.memref_squeeze %dma_wait3A_923 : memref<1x128x8xf32, #tpu.memory_space<vmem>> -> memref<128x8xf32, #tpu.memory_space<vmem>>
      %dma_wait3A_925 = arith.constant 0 : i32
      %dma_wait3A_926 = tpu.memref_slice %arg2[%add3A_9, %add3A_661, %dma_wait3A_925] : memref<16x53248x8xf32, #tpu.memory_space<hbm>> -> memref<1x128x8xf32, #tpu.memory_space<hbm>>
      %dma_wait3A_927 = tpu.memref_squeeze %dma_wait3A_926 : memref<1x128x8xf32, #tpu.memory_space<hbm>> -> memref<128x8xf32, #tpu.memory_space<hbm>>
      tpu.wait_dma2 semaphore(%dma_wait3A_920 : memref<!tpu.dma_semaphore, #tpu.memory_space<semaphore_mem>>) src(%dma_wait3A_927 : memref<128x8xf32, #tpu.memory_space<hbm>>) dst(%dma_wait3A_924 : memref<128x8xf32, #tpu.memory_space<vmem>>)
      %mul3A_928 = arith.constant 26 : i32
      %mul3A_929 = arith.muli %arg1, %mul3A_928 : i32
      %add3A_930 = arith.constant 8 : i32
      %add3A_931 = arith.addi %mul3A_929, %add3A_930 : i32
      %add3A_932 = arith.constant 6 : i32
      %add3A_933 = arith.addi %add3A_931, %add3A_932 : i32
      %dma_start3A_934 = arith.constant 6 : i32
      %dma_start3A_935 = arith.constant 0 : i32
      %dma_start3A_936 = arith.constant 0 : i32
      %dma_start3A_937 = tpu.memref_slice %arg7[%dma_start3A_934, %dma_start3A_935, %dma_start3A_936] : memref<8x128x8xf32, #tpu.memory_space<vmem>> -> memref<1x128x8xf32, #tpu.memory_space<vmem>>
      %dma_start3A_938 = tpu.memref_squeeze %dma_start3A_937 : memref<1x128x8xf32, #tpu.memory_space<vmem>> -> memref<128x8xf32, #tpu.memory_space<vmem>>
      %dma_start3A_939 = arith.constant 0 : i32
      %dma_start3A_940 = tpu.memref_slice %arg6[%add3A_933, %dma_start3A_939] : memref<416x128xi32, #tpu.memory_space<vmem>> -> memref<1x128xi32, #tpu.memory_space<vmem>>
      %dma_start3A_941 = tpu.memref_squeeze %dma_start3A_940 : memref<1x128xi32, #tpu.memory_space<vmem>> -> memref<128xi32, #tpu.memory_space<vmem>>
      %dma_start3A_942 = arith.constant 0 : i32
      %dma_start3A_943 = arith.constant 0 : i32
      %dma_start3A_944 = tpu.memref_slice %arg8[%dma_start3A_942, %dma_start3A_943] : memref<2176x8xf32, #tpu.memory_space<vmem_shared>> -> memref<2176x8xf32, #tpu.memory_space<vmem_shared>>
      tpu.enqueue_indirect_dma source(%dma_start3A_938 : memref<128x8xf32, #tpu.memory_space<vmem>>) target(%dma_start3A_944 : memref<2176x8xf32, #tpu.memory_space<vmem_shared>>) offsets(%dma_start3A_941 : memref<128xi32, #tpu.memory_space<vmem>>) semaphore(%arg10 : memref<!tpu.dma_semaphore, #tpu.memory_space<semaphore_mem>>) {add = true}
      %dma_wait3A_945 = arith.constant 7 : i32
      %dma_wait3A_946 = arith.constant 7 : i32
      %dma_wait3A_947 = arith.constant 0 : i32
      %dma_wait3A_948 = arith.constant 0 : i32
      %dma_wait3A_949 = tpu.memref_slice %arg7[%dma_wait3A_945, %dma_wait3A_947, %dma_wait3A_948] : memref<8x128x8xf32, #tpu.memory_space<vmem>> -> memref<1x128x8xf32, #tpu.memory_space<vmem>>
      %dma_wait3A_950 = tpu.memref_squeeze %dma_wait3A_949 : memref<1x128x8xf32, #tpu.memory_space<vmem>> -> memref<128x8xf32, #tpu.memory_space<vmem>>
      %dma_wait3A_951 = arith.constant 0 : i32
      %dma_wait3A_952 = tpu.memref_slice %arg2[%add3A_9, %add3A_681, %dma_wait3A_951] : memref<16x53248x8xf32, #tpu.memory_space<hbm>> -> memref<1x128x8xf32, #tpu.memory_space<hbm>>
      %dma_wait3A_953 = tpu.memref_squeeze %dma_wait3A_952 : memref<1x128x8xf32, #tpu.memory_space<hbm>> -> memref<128x8xf32, #tpu.memory_space<hbm>>
      %dma_wait3A_954 = tpu.memref_slice %arg9[%dma_wait3A_946] : memref<8x!tpu.dma_semaphore, #tpu.memory_space<semaphore_mem>> -> memref<1x!tpu.dma_semaphore, #tpu.memory_space<semaphore_mem>>
      %dma_wait3A_955 = tpu.memref_squeeze %dma_wait3A_954 : memref<1x!tpu.dma_semaphore, #tpu.memory_space<semaphore_mem>> -> memref<!tpu.dma_semaphore, #tpu.memory_space<semaphore_mem>>
      %dma_wait3A_956 = arith.constant 0 : i32
      %dma_wait3A_957 = arith.constant 0 : i32
      %dma_wait3A_958 = tpu.memref_slice %arg7[%dma_wait3A_945, %dma_wait3A_956, %dma_wait3A_957] : memref<8x128x8xf32, #tpu.memory_space<vmem>> -> memref<1x128x8xf32, #tpu.memory_space<vmem>>
      %dma_wait3A_959 = tpu.memref_squeeze %dma_wait3A_958 : memref<1x128x8xf32, #tpu.memory_space<vmem>> -> memref<128x8xf32, #tpu.memory_space<vmem>>
      %dma_wait3A_960 = arith.constant 0 : i32
      %dma_wait3A_961 = tpu.memref_slice %arg2[%add3A_9, %add3A_681, %dma_wait3A_960] : memref<16x53248x8xf32, #tpu.memory_space<hbm>> -> memref<1x128x8xf32, #tpu.memory_space<hbm>>
      %dma_wait3A_962 = tpu.memref_squeeze %dma_wait3A_961 : memref<1x128x8xf32, #tpu.memory_space<hbm>> -> memref<128x8xf32, #tpu.memory_space<hbm>>
      tpu.wait_dma2 semaphore(%dma_wait3A_955 : memref<!tpu.dma_semaphore, #tpu.memory_space<semaphore_mem>>) src(%dma_wait3A_962 : memref<128x8xf32, #tpu.memory_space<hbm>>) dst(%dma_wait3A_959 : memref<128x8xf32, #tpu.memory_space<vmem>>)
      %mul3A_963 = arith.constant 26 : i32
      %mul3A_964 = arith.muli %arg1, %mul3A_963 : i32
      %add3A_965 = arith.constant 8 : i32
      %add3A_966 = arith.addi %mul3A_964, %add3A_965 : i32
      %add3A_967 = arith.constant 7 : i32
      %add3A_968 = arith.addi %add3A_966, %add3A_967 : i32
      %dma_start3A_969 = arith.constant 7 : i32
      %dma_start3A_970 = arith.constant 0 : i32
      %dma_start3A_971 = arith.constant 0 : i32
      %dma_start3A_972 = tpu.memref_slice %arg7[%dma_start3A_969, %dma_start3A_970, %dma_start3A_971] : memref<8x128x8xf32, #tpu.memory_space<vmem>> -> memref<1x128x8xf32, #tpu.memory_space<vmem>>
      %dma_start3A_973 = tpu.memref_squeeze %dma_start3A_972 : memref<1x128x8xf32, #tpu.memory_space<vmem>> -> memref<128x8xf32, #tpu.memory_space<vmem>>
      %dma_start3A_974 = arith.constant 0 : i32
      %dma_start3A_975 = tpu.memref_slice %arg6[%add3A_968, %dma_start3A_974] : memref<416x128xi32, #tpu.memory_space<vmem>> -> memref<1x128xi32, #tpu.memory_space<vmem>>
      %dma_start3A_976 = tpu.memref_squeeze %dma_start3A_975 : memref<1x128xi32, #tpu.memory_space<vmem>> -> memref<128xi32, #tpu.memory_space<vmem>>
      %dma_start3A_977 = arith.constant 0 : i32
      %dma_start3A_978 = arith.constant 0 : i32
      %dma_start3A_979 = tpu.memref_slice %arg8[%dma_start3A_977, %dma_start3A_978] : memref<2176x8xf32, #tpu.memory_space<vmem_shared>> -> memref<2176x8xf32, #tpu.memory_space<vmem_shared>>
      tpu.enqueue_indirect_dma source(%dma_start3A_973 : memref<128x8xf32, #tpu.memory_space<vmem>>) target(%dma_start3A_979 : memref<2176x8xf32, #tpu.memory_space<vmem_shared>>) offsets(%dma_start3A_976 : memref<128xi32, #tpu.memory_space<vmem>>) semaphore(%arg10 : memref<!tpu.dma_semaphore, #tpu.memory_space<semaphore_mem>>) {add = true}
      %dma_wait3A_980 = arith.constant 0 : i32
      %dma_wait3A_981 = arith.constant 0 : i32
      %dma_wait3A_982 = arith.constant 0 : i32
      %dma_wait3A_983 = tpu.memref_slice %arg7[%dma_wait3A_980, %dma_wait3A_981, %dma_wait3A_982] : memref<8x128x8xf32, #tpu.memory_space<vmem>> -> memref<1x128x8xf32, #tpu.memory_space<vmem>>
      %dma_wait3A_984 = tpu.memref_squeeze %dma_wait3A_983 : memref<1x128x8xf32, #tpu.memory_space<vmem>> -> memref<128x8xf32, #tpu.memory_space<vmem>>
      %dma_wait3A_985 = arith.constant 0 : i32
      %dma_wait3A_986 = tpu.memref_slice %arg6[%add3A_723, %dma_wait3A_985] : memref<416x128xi32, #tpu.memory_space<vmem>> -> memref<1x128xi32, #tpu.memory_space<vmem>>
      %dma_wait3A_987 = tpu.memref_squeeze %dma_wait3A_986 : memref<1x128xi32, #tpu.memory_space<vmem>> -> memref<128xi32, #tpu.memory_space<vmem>>
      %dma_wait3A_988 = arith.constant 0 : i32
      %dma_wait3A_989 = arith.constant 0 : i32
      %dma_wait3A_990 = tpu.memref_slice %arg8[%dma_wait3A_988, %dma_wait3A_989] : memref<2176x8xf32, #tpu.memory_space<vmem_shared>> -> memref<2176x8xf32, #tpu.memory_space<vmem_shared>>
      tpu.wait_indirect_dma semaphore(%arg10 : memref<!tpu.dma_semaphore, #tpu.memory_space<semaphore_mem>>) src(%dma_wait3A_984 : memref<128x8xf32, #tpu.memory_space<vmem>>) dst(%dma_wait3A_990 : memref<2176x8xf32, #tpu.memory_space<vmem_shared>>)
      %dma_wait3A_991 = arith.constant 1 : i32
      %dma_wait3A_992 = arith.constant 0 : i32
      %dma_wait3A_993 = arith.constant 0 : i32
      %dma_wait3A_994 = tpu.memref_slice %arg7[%dma_wait3A_991, %dma_wait3A_992, %dma_wait3A_993] : memref<8x128x8xf32, #tpu.memory_space<vmem>> -> memref<1x128x8xf32, #tpu.memory_space<vmem>>
      %dma_wait3A_995 = tpu.memref_squeeze %dma_wait3A_994 : memref<1x128x8xf32, #tpu.memory_space<vmem>> -> memref<128x8xf32, #tpu.memory_space<vmem>>
      %dma_wait3A_996 = arith.constant 0 : i32
      %dma_wait3A_997 = tpu.memref_slice %arg6[%add3A_758, %dma_wait3A_996] : memref<416x128xi32, #tpu.memory_space<vmem>> -> memref<1x128xi32, #tpu.memory_space<vmem>>
      %dma_wait3A_998 = tpu.memref_squeeze %dma_wait3A_997 : memref<1x128xi32, #tpu.memory_space<vmem>> -> memref<128xi32, #tpu.memory_space<vmem>>
      %dma_wait3A_999 = arith.constant 0 : i32
      %dma_wait3A_1000 = arith.constant 0 : i32
      %dma_wait3A_1001 = tpu.memref_slice %arg8[%dma_wait3A_999, %dma_wait3A_1000] : memref<2176x8xf32, #tpu.memory_space<vmem_shared>> -> memref<2176x8xf32, #tpu.memory_space<vmem_shared>>
      tpu.wait_indirect_dma semaphore(%arg10 : memref<!tpu.dma_semaphore, #tpu.memory_space<semaphore_mem>>) src(%dma_wait3A_995 : memref<128x8xf32, #tpu.memory_space<vmem>>) dst(%dma_wait3A_1001 : memref<2176x8xf32, #tpu.memory_space<vmem_shared>>)
      %dma_wait3A_1002 = arith.constant 2 : i32
      %dma_wait3A_1003 = arith.constant 0 : i32
      %dma_wait3A_1004 = arith.constant 0 : i32
      %dma_wait3A_1005 = tpu.memref_slice %arg7[%dma_wait3A_1002, %dma_wait3A_1003, %dma_wait3A_1004] : memref<8x128x8xf32, #tpu.memory_space<vmem>> -> memref<1x128x8xf32, #tpu.memory_space<vmem>>
      %dma_wait3A_1006 = tpu.memref_squeeze %dma_wait3A_1005 : memref<1x128x8xf32, #tpu.memory_space<vmem>> -> memref<128x8xf32, #tpu.memory_space<vmem>>
      %dma_wait3A_1007 = arith.constant 0 : i32
      %dma_wait3A_1008 = tpu.memref_slice %arg6[%add3A_793, %dma_wait3A_1007] : memref<416x128xi32, #tpu.memory_space<vmem>> -> memref<1x128xi32, #tpu.memory_space<vmem>>
      %dma_wait3A_1009 = tpu.memref_squeeze %dma_wait3A_1008 : memref<1x128xi32, #tpu.memory_space<vmem>> -> memref<128xi32, #tpu.memory_space<vmem>>
      %dma_wait3A_1010 = arith.constant 0 : i32
      %dma_wait3A_1011 = arith.constant 0 : i32
      %dma_wait3A_1012 = tpu.memref_slice %arg8[%dma_wait3A_1010, %dma_wait3A_1011] : memref<2176x8xf32, #tpu.memory_space<vmem_shared>> -> memref<2176x8xf32, #tpu.memory_space<vmem_shared>>
      tpu.wait_indirect_dma semaphore(%arg10 : memref<!tpu.dma_semaphore, #tpu.memory_space<semaphore_mem>>) src(%dma_wait3A_1006 : memref<128x8xf32, #tpu.memory_space<vmem>>) dst(%dma_wait3A_1012 : memref<2176x8xf32, #tpu.memory_space<vmem_shared>>)
      %dma_wait3A_1013 = arith.constant 3 : i32
      %dma_wait3A_1014 = arith.constant 0 : i32
      %dma_wait3A_1015 = arith.constant 0 : i32
      %dma_wait3A_1016 = tpu.memref_slice %arg7[%dma_wait3A_1013, %dma_wait3A_1014, %dma_wait3A_1015] : memref<8x128x8xf32, #tpu.memory_space<vmem>> -> memref<1x128x8xf32, #tpu.memory_space<vmem>>
      %dma_wait3A_1017 = tpu.memref_squeeze %dma_wait3A_1016 : memref<1x128x8xf32, #tpu.memory_space<vmem>> -> memref<128x8xf32, #tpu.memory_space<vmem>>
      %dma_wait3A_1018 = arith.constant 0 : i32
      %dma_wait3A_1019 = tpu.memref_slice %arg6[%add3A_828, %dma_wait3A_1018] : memref<416x128xi32, #tpu.memory_space<vmem>> -> memref<1x128xi32, #tpu.memory_space<vmem>>
      %dma_wait3A_1020 = tpu.memref_squeeze %dma_wait3A_1019 : memref<1x128xi32, #tpu.memory_space<vmem>> -> memref<128xi32, #tpu.memory_space<vmem>>
      %dma_wait3A_1021 = arith.constant 0 : i32
      %dma_wait3A_1022 = arith.constant 0 : i32
      %dma_wait3A_1023 = tpu.memref_slice %arg8[%dma_wait3A_1021, %dma_wait3A_1022] : memref<2176x8xf32, #tpu.memory_space<vmem_shared>> -> memref<2176x8xf32, #tpu.memory_space<vmem_shared>>
      tpu.wait_indirect_dma semaphore(%arg10 : memref<!tpu.dma_semaphore, #tpu.memory_space<semaphore_mem>>) src(%dma_wait3A_1017 : memref<128x8xf32, #tpu.memory_space<vmem>>) dst(%dma_wait3A_1023 : memref<2176x8xf32, #tpu.memory_space<vmem_shared>>)
      %dma_wait3A_1024 = arith.constant 4 : i32
      %dma_wait3A_1025 = arith.constant 0 : i32
      %dma_wait3A_1026 = arith.constant 0 : i32
      %dma_wait3A_1027 = tpu.memref_slice %arg7[%dma_wait3A_1024, %dma_wait3A_1025, %dma_wait3A_1026] : memref<8x128x8xf32, #tpu.memory_space<vmem>> -> memref<1x128x8xf32, #tpu.memory_space<vmem>>
      %dma_wait3A_1028 = tpu.memref_squeeze %dma_wait3A_1027 : memref<1x128x8xf32, #tpu.memory_space<vmem>> -> memref<128x8xf32, #tpu.memory_space<vmem>>
      %dma_wait3A_1029 = arith.constant 0 : i32
      %dma_wait3A_1030 = tpu.memref_slice %arg6[%add3A_863, %dma_wait3A_1029] : memref<416x128xi32, #tpu.memory_space<vmem>> -> memref<1x128xi32, #tpu.memory_space<vmem>>
      %dma_wait3A_1031 = tpu.memref_squeeze %dma_wait3A_1030 : memref<1x128xi32, #tpu.memory_space<vmem>> -> memref<128xi32, #tpu.memory_space<vmem>>
      %dma_wait3A_1032 = arith.constant 0 : i32
      %dma_wait3A_1033 = arith.constant 0 : i32
      %dma_wait3A_1034 = tpu.memref_slice %arg8[%dma_wait3A_1032, %dma_wait3A_1033] : memref<2176x8xf32, #tpu.memory_space<vmem_shared>> -> memref<2176x8xf32, #tpu.memory_space<vmem_shared>>
      tpu.wait_indirect_dma semaphore(%arg10 : memref<!tpu.dma_semaphore, #tpu.memory_space<semaphore_mem>>) src(%dma_wait3A_1028 : memref<128x8xf32, #tpu.memory_space<vmem>>) dst(%dma_wait3A_1034 : memref<2176x8xf32, #tpu.memory_space<vmem_shared>>)
      %dma_wait3A_1035 = arith.constant 5 : i32
      %dma_wait3A_1036 = arith.constant 0 : i32
      %dma_wait3A_1037 = arith.constant 0 : i32
      %dma_wait3A_1038 = tpu.memref_slice %arg7[%dma_wait3A_1035, %dma_wait3A_1036, %dma_wait3A_1037] : memref<8x128x8xf32, #tpu.memory_space<vmem>> -> memref<1x128x8xf32, #tpu.memory_space<vmem>>
      %dma_wait3A_1039 = tpu.memref_squeeze %dma_wait3A_1038 : memref<1x128x8xf32, #tpu.memory_space<vmem>> -> memref<128x8xf32, #tpu.memory_space<vmem>>
      %dma_wait3A_1040 = arith.constant 0 : i32
      %dma_wait3A_1041 = tpu.memref_slice %arg6[%add3A_898, %dma_wait3A_1040] : memref<416x128xi32, #tpu.memory_space<vmem>> -> memref<1x128xi32, #tpu.memory_space<vmem>>
      %dma_wait3A_1042 = tpu.memref_squeeze %dma_wait3A_1041 : memref<1x128xi32, #tpu.memory_space<vmem>> -> memref<128xi32, #tpu.memory_space<vmem>>
      %dma_wait3A_1043 = arith.constant 0 : i32
      %dma_wait3A_1044 = arith.constant 0 : i32
      %dma_wait3A_1045 = tpu.memref_slice %arg8[%dma_wait3A_1043, %dma_wait3A_1044] : memref<2176x8xf32, #tpu.memory_space<vmem_shared>> -> memref<2176x8xf32, #tpu.memory_space<vmem_shared>>
      tpu.wait_indirect_dma semaphore(%arg10 : memref<!tpu.dma_semaphore, #tpu.memory_space<semaphore_mem>>) src(%dma_wait3A_1039 : memref<128x8xf32, #tpu.memory_space<vmem>>) dst(%dma_wait3A_1045 : memref<2176x8xf32, #tpu.memory_space<vmem_shared>>)
      %dma_wait3A_1046 = arith.constant 6 : i32
      %dma_wait3A_1047 = arith.constant 0 : i32
      %dma_wait3A_1048 = arith.constant 0 : i32
      %dma_wait3A_1049 = tpu.memref_slice %arg7[%dma_wait3A_1046, %dma_wait3A_1047, %dma_wait3A_1048] : memref<8x128x8xf32, #tpu.memory_space<vmem>> -> memref<1x128x8xf32, #tpu.memory_space<vmem>>
      %dma_wait3A_1050 = tpu.memref_squeeze %dma_wait3A_1049 : memref<1x128x8xf32, #tpu.memory_space<vmem>> -> memref<128x8xf32, #tpu.memory_space<vmem>>
      %dma_wait3A_1051 = arith.constant 0 : i32
      %dma_wait3A_1052 = tpu.memref_slice %arg6[%add3A_933, %dma_wait3A_1051] : memref<416x128xi32, #tpu.memory_space<vmem>> -> memref<1x128xi32, #tpu.memory_space<vmem>>
      %dma_wait3A_1053 = tpu.memref_squeeze %dma_wait3A_1052 : memref<1x128xi32, #tpu.memory_space<vmem>> -> memref<128xi32, #tpu.memory_space<vmem>>
      %dma_wait3A_1054 = arith.constant 0 : i32
      %dma_wait3A_1055 = arith.constant 0 : i32
      %dma_wait3A_1056 = tpu.memref_slice %arg8[%dma_wait3A_1054, %dma_wait3A_1055] : memref<2176x8xf32, #tpu.memory_space<vmem_shared>> -> memref<2176x8xf32, #tpu.memory_space<vmem_shared>>
      tpu.wait_indirect_dma semaphore(%arg10 : memref<!tpu.dma_semaphore, #tpu.memory_space<semaphore_mem>>) src(%dma_wait3A_1050 : memref<128x8xf32, #tpu.memory_space<vmem>>) dst(%dma_wait3A_1056 : memref<2176x8xf32, #tpu.memory_space<vmem_shared>>)
      %dma_wait3A_1057 = arith.constant 7 : i32
      %dma_wait3A_1058 = arith.constant 0 : i32
      %dma_wait3A_1059 = arith.constant 0 : i32
      %dma_wait3A_1060 = tpu.memref_slice %arg7[%dma_wait3A_1057, %dma_wait3A_1058, %dma_wait3A_1059] : memref<8x128x8xf32, #tpu.memory_space<vmem>> -> memref<1x128x8xf32, #tpu.memory_space<vmem>>
      %dma_wait3A_1061 = tpu.memref_squeeze %dma_wait3A_1060 : memref<1x128x8xf32, #tpu.memory_space<vmem>> -> memref<128x8xf32, #tpu.memory_space<vmem>>
      %dma_wait3A_1062 = arith.constant 0 : i32
      %dma_wait3A_1063 = tpu.memref_slice %arg6[%add3A_968, %dma_wait3A_1062] : memref<416x128xi32, #tpu.memory_space<vmem>> -> memref<1x128xi32, #tpu.memory_space<vmem>>
      %dma_wait3A_1064 = tpu.memref_squeeze %dma_wait3A_1063 : memref<1x128xi32, #tpu.memory_space<vmem>> -> memref<128xi32, #tpu.memory_space<vmem>>
      %dma_wait3A_1065 = arith.constant 0 : i32
      %dma_wait3A_1066 = arith.constant 0 : i32
      %dma_wait3A_1067 = tpu.memref_slice %arg8[%dma_wait3A_1065, %dma_wait3A_1066] : memref<2176x8xf32, #tpu.memory_space<vmem_shared>> -> memref<2176x8xf32, #tpu.memory_space<vmem_shared>>
      tpu.wait_indirect_dma semaphore(%arg10 : memref<!tpu.dma_semaphore, #tpu.memory_space<semaphore_mem>>) src(%dma_wait3A_1061 : memref<128x8xf32, #tpu.memory_space<vmem>>) dst(%dma_wait3A_1067 : memref<2176x8xf32, #tpu.memory_space<vmem_shared>>)
      %add3A_1068 = arith.constant 2048 : i32
      %add3A_1069 = arith.addi %mul3A_13, %add3A_1068 : i32
      %dma_start3A_1070 = arith.constant 0 : i32
      %dma_start3A_1071 = arith.constant 0 : i32
      %dma_start3A_1072 = arith.constant 0 : i32
      %dma_start3A_1073 = arith.constant 0 : i32
      %dma_start3A_1074 = tpu.memref_slice %arg7[%dma_start3A_1070, %dma_start3A_1072, %dma_start3A_1073] : memref<8x128x8xf32, #tpu.memory_space<vmem>> -> memref<1x128x8xf32, #tpu.memory_space<vmem>>
      %dma_start3A_1075 = tpu.memref_squeeze %dma_start3A_1074 : memref<1x128x8xf32, #tpu.memory_space<vmem>> -> memref<128x8xf32, #tpu.memory_space<vmem>>
      %dma_start3A_1076 = arith.constant 0 : i32
      %dma_start3A_1077 = tpu.memref_slice %arg2[%add3A_9, %add3A_1069, %dma_start3A_1076] : memref<16x53248x8xf32, #tpu.memory_space<hbm>> -> memref<1x128x8xf32, #tpu.memory_space<hbm>>
      %dma_start3A_1078 = tpu.memref_squeeze %dma_start3A_1077 : memref<1x128x8xf32, #tpu.memory_space<hbm>> -> memref<128x8xf32, #tpu.memory_space<hbm>>
      %dma_start3A_1079 = tpu.memref_slice %arg9[%dma_start3A_1071] : memref<8x!tpu.dma_semaphore, #tpu.memory_space<semaphore_mem>> -> memref<1x!tpu.dma_semaphore, #tpu.memory_space<semaphore_mem>>
      %dma_start3A_1080 = tpu.memref_squeeze %dma_start3A_1079 : memref<1x!tpu.dma_semaphore, #tpu.memory_space<semaphore_mem>> -> memref<!tpu.dma_semaphore, #tpu.memory_space<semaphore_mem>>
      %dma_start3A_1081 = arith.constant 0 : i32
      %dma_start3A_1082 = arith.constant 0 : i32
      %dma_start3A_1083 = tpu.memref_slice %arg7[%dma_start3A_1070, %dma_start3A_1081, %dma_start3A_1082] : memref<8x128x8xf32, #tpu.memory_space<vmem>> -> memref<1x128x8xf32, #tpu.memory_space<vmem>>
      %dma_start3A_1084 = tpu.memref_squeeze %dma_start3A_1083 : memref<1x128x8xf32, #tpu.memory_space<vmem>> -> memref<128x8xf32, #tpu.memory_space<vmem>>
      %dma_start3A_1085 = arith.constant 0 : i32
      %dma_start3A_1086 = tpu.memref_slice %arg2[%add3A_9, %add3A_1069, %dma_start3A_1085] : memref<16x53248x8xf32, #tpu.memory_space<hbm>> -> memref<1x128x8xf32, #tpu.memory_space<hbm>>
      %dma_start3A_1087 = tpu.memref_squeeze %dma_start3A_1086 : memref<1x128x8xf32, #tpu.memory_space<hbm>> -> memref<128x8xf32, #tpu.memory_space<hbm>>
      tpu.enqueue_dma source(%dma_start3A_1087 : memref<128x8xf32, #tpu.memory_space<hbm>>) target(%dma_start3A_1084 : memref<128x8xf32, #tpu.memory_space<vmem>>) target_semaphore(%dma_start3A_1080 : memref<!tpu.dma_semaphore, #tpu.memory_space<semaphore_mem>>)
      %add3A_1088 = arith.constant 2176 : i32
      %add3A_1089 = arith.addi %mul3A_13, %add3A_1088 : i32
      %dma_start3A_1090 = arith.constant 1 : i32
      %dma_start3A_1091 = arith.constant 1 : i32
      %dma_start3A_1092 = arith.constant 0 : i32
      %dma_start3A_1093 = arith.constant 0 : i32
      %dma_start3A_1094 = tpu.memref_slice %arg7[%dma_start3A_1090, %dma_start3A_1092, %dma_start3A_1093] : memref<8x128x8xf32, #tpu.memory_space<vmem>> -> memref<1x128x8xf32, #tpu.memory_space<vmem>>
      %dma_start3A_1095 = tpu.memref_squeeze %dma_start3A_1094 : memref<1x128x8xf32, #tpu.memory_space<vmem>> -> memref<128x8xf32, #tpu.memory_space<vmem>>
      %dma_start3A_1096 = arith.constant 0 : i32
      %dma_start3A_1097 = tpu.memref_slice %arg2[%add3A_9, %add3A_1089, %dma_start3A_1096] : memref<16x53248x8xf32, #tpu.memory_space<hbm>> -> memref<1x128x8xf32, #tpu.memory_space<hbm>>
      %dma_start3A_1098 = tpu.memref_squeeze %dma_start3A_1097 : memref<1x128x8xf32, #tpu.memory_space<hbm>> -> memref<128x8xf32, #tpu.memory_space<hbm>>
      %dma_start3A_1099 = tpu.memref_slice %arg9[%dma_start3A_1091] : memref<8x!tpu.dma_semaphore, #tpu.memory_space<semaphore_mem>> -> memref<1x!tpu.dma_semaphore, #tpu.memory_space<semaphore_mem>>
      %dma_start3A_1100 = tpu.memref_squeeze %dma_start3A_1099 : memref<1x!tpu.dma_semaphore, #tpu.memory_space<semaphore_mem>> -> memref<!tpu.dma_semaphore, #tpu.memory_space<semaphore_mem>>
      %dma_start3A_1101 = arith.constant 0 : i32
      %dma_start3A_1102 = arith.constant 0 : i32
      %dma_start3A_1103 = tpu.memref_slice %arg7[%dma_start3A_1090, %dma_start3A_1101, %dma_start3A_1102] : memref<8x128x8xf32, #tpu.memory_space<vmem>> -> memref<1x128x8xf32, #tpu.memory_space<vmem>>
      %dma_start3A_1104 = tpu.memref_squeeze %dma_start3A_1103 : memref<1x128x8xf32, #tpu.memory_space<vmem>> -> memref<128x8xf32, #tpu.memory_space<vmem>>
      %dma_start3A_1105 = arith.constant 0 : i32
      %dma_start3A_1106 = tpu.memref_slice %arg2[%add3A_9, %add3A_1089, %dma_start3A_1105] : memref<16x53248x8xf32, #tpu.memory_space<hbm>> -> memref<1x128x8xf32, #tpu.memory_space<hbm>>
      %dma_start3A_1107 = tpu.memref_squeeze %dma_start3A_1106 : memref<1x128x8xf32, #tpu.memory_space<hbm>> -> memref<128x8xf32, #tpu.memory_space<hbm>>
      tpu.enqueue_dma source(%dma_start3A_1107 : memref<128x8xf32, #tpu.memory_space<hbm>>) target(%dma_start3A_1104 : memref<128x8xf32, #tpu.memory_space<vmem>>) target_semaphore(%dma_start3A_1100 : memref<!tpu.dma_semaphore, #tpu.memory_space<semaphore_mem>>)
      %add3A_1108 = arith.constant 2304 : i32
      %add3A_1109 = arith.addi %mul3A_13, %add3A_1108 : i32
      %dma_start3A_1110 = arith.constant 2 : i32
      %dma_start3A_1111 = arith.constant 2 : i32
      %dma_start3A_1112 = arith.constant 0 : i32
      %dma_start3A_1113 = arith.constant 0 : i32
      %dma_start3A_1114 = tpu.memref_slice %arg7[%dma_start3A_1110, %dma_start3A_1112, %dma_start3A_1113] : memref<8x128x8xf32, #tpu.memory_space<vmem>> -> memref<1x128x8xf32, #tpu.memory_space<vmem>>
      %dma_start3A_1115 = tpu.memref_squeeze %dma_start3A_1114 : memref<1x128x8xf32, #tpu.memory_space<vmem>> -> memref<128x8xf32, #tpu.memory_space<vmem>>
      %dma_start3A_1116 = arith.constant 0 : i32
      %dma_start3A_1117 = tpu.memref_slice %arg2[%add3A_9, %add3A_1109, %dma_start3A_1116] : memref<16x53248x8xf32, #tpu.memory_space<hbm>> -> memref<1x128x8xf32, #tpu.memory_space<hbm>>
      %dma_start3A_1118 = tpu.memref_squeeze %dma_start3A_1117 : memref<1x128x8xf32, #tpu.memory_space<hbm>> -> memref<128x8xf32, #tpu.memory_space<hbm>>
      %dma_start3A_1119 = tpu.memref_slice %arg9[%dma_start3A_1111] : memref<8x!tpu.dma_semaphore, #tpu.memory_space<semaphore_mem>> -> memref<1x!tpu.dma_semaphore, #tpu.memory_space<semaphore_mem>>
      %dma_start3A_1120 = tpu.memref_squeeze %dma_start3A_1119 : memref<1x!tpu.dma_semaphore, #tpu.memory_space<semaphore_mem>> -> memref<!tpu.dma_semaphore, #tpu.memory_space<semaphore_mem>>
      %dma_start3A_1121 = arith.constant 0 : i32
      %dma_start3A_1122 = arith.constant 0 : i32
      %dma_start3A_1123 = tpu.memref_slice %arg7[%dma_start3A_1110, %dma_start3A_1121, %dma_start3A_1122] : memref<8x128x8xf32, #tpu.memory_space<vmem>> -> memref<1x128x8xf32, #tpu.memory_space<vmem>>
      %dma_start3A_1124 = tpu.memref_squeeze %dma_start3A_1123 : memref<1x128x8xf32, #tpu.memory_space<vmem>> -> memref<128x8xf32, #tpu.memory_space<vmem>>
      %dma_start3A_1125 = arith.constant 0 : i32
      %dma_start3A_1126 = tpu.memref_slice %arg2[%add3A_9, %add3A_1109, %dma_start3A_1125] : memref<16x53248x8xf32, #tpu.memory_space<hbm>> -> memref<1x128x8xf32, #tpu.memory_space<hbm>>
      %dma_start3A_1127 = tpu.memref_squeeze %dma_start3A_1126 : memref<1x128x8xf32, #tpu.memory_space<hbm>> -> memref<128x8xf32, #tpu.memory_space<hbm>>
      tpu.enqueue_dma source(%dma_start3A_1127 : memref<128x8xf32, #tpu.memory_space<hbm>>) target(%dma_start3A_1124 : memref<128x8xf32, #tpu.memory_space<vmem>>) target_semaphore(%dma_start3A_1120 : memref<!tpu.dma_semaphore, #tpu.memory_space<semaphore_mem>>)
      %add3A_1128 = arith.constant 2432 : i32
      %add3A_1129 = arith.addi %mul3A_13, %add3A_1128 : i32
      %dma_start3A_1130 = arith.constant 3 : i32
      %dma_start3A_1131 = arith.constant 3 : i32
      %dma_start3A_1132 = arith.constant 0 : i32
      %dma_start3A_1133 = arith.constant 0 : i32
      %dma_start3A_1134 = tpu.memref_slice %arg7[%dma_start3A_1130, %dma_start3A_1132, %dma_start3A_1133] : memref<8x128x8xf32, #tpu.memory_space<vmem>> -> memref<1x128x8xf32, #tpu.memory_space<vmem>>
      %dma_start3A_1135 = tpu.memref_squeeze %dma_start3A_1134 : memref<1x128x8xf32, #tpu.memory_space<vmem>> -> memref<128x8xf32, #tpu.memory_space<vmem>>
      %dma_start3A_1136 = arith.constant 0 : i32
      %dma_start3A_1137 = tpu.memref_slice %arg2[%add3A_9, %add3A_1129, %dma_start3A_1136] : memref<16x53248x8xf32, #tpu.memory_space<hbm>> -> memref<1x128x8xf32, #tpu.memory_space<hbm>>
      %dma_start3A_1138 = tpu.memref_squeeze %dma_start3A_1137 : memref<1x128x8xf32, #tpu.memory_space<hbm>> -> memref<128x8xf32, #tpu.memory_space<hbm>>
      %dma_start3A_1139 = tpu.memref_slice %arg9[%dma_start3A_1131] : memref<8x!tpu.dma_semaphore, #tpu.memory_space<semaphore_mem>> -> memref<1x!tpu.dma_semaphore, #tpu.memory_space<semaphore_mem>>
      %dma_start3A_1140 = tpu.memref_squeeze %dma_start3A_1139 : memref<1x!tpu.dma_semaphore, #tpu.memory_space<semaphore_mem>> -> memref<!tpu.dma_semaphore, #tpu.memory_space<semaphore_mem>>
      %dma_start3A_1141 = arith.constant 0 : i32
      %dma_start3A_1142 = arith.constant 0 : i32
      %dma_start3A_1143 = tpu.memref_slice %arg7[%dma_start3A_1130, %dma_start3A_1141, %dma_start3A_1142] : memref<8x128x8xf32, #tpu.memory_space<vmem>> -> memref<1x128x8xf32, #tpu.memory_space<vmem>>
      %dma_start3A_1144 = tpu.memref_squeeze %dma_start3A_1143 : memref<1x128x8xf32, #tpu.memory_space<vmem>> -> memref<128x8xf32, #tpu.memory_space<vmem>>
      %dma_start3A_1145 = arith.constant 0 : i32
      %dma_start3A_1146 = tpu.memref_slice %arg2[%add3A_9, %add3A_1129, %dma_start3A_1145] : memref<16x53248x8xf32, #tpu.memory_space<hbm>> -> memref<1x128x8xf32, #tpu.memory_space<hbm>>
      %dma_start3A_1147 = tpu.memref_squeeze %dma_start3A_1146 : memref<1x128x8xf32, #tpu.memory_space<hbm>> -> memref<128x8xf32, #tpu.memory_space<hbm>>
      tpu.enqueue_dma source(%dma_start3A_1147 : memref<128x8xf32, #tpu.memory_space<hbm>>) target(%dma_start3A_1144 : memref<128x8xf32, #tpu.memory_space<vmem>>) target_semaphore(%dma_start3A_1140 : memref<!tpu.dma_semaphore, #tpu.memory_space<semaphore_mem>>)
      %add3A_1148 = arith.constant 2560 : i32
      %add3A_1149 = arith.addi %mul3A_13, %add3A_1148 : i32
      %dma_start3A_1150 = arith.constant 4 : i32
      %dma_start3A_1151 = arith.constant 4 : i32
      %dma_start3A_1152 = arith.constant 0 : i32
      %dma_start3A_1153 = arith.constant 0 : i32
      %dma_start3A_1154 = tpu.memref_slice %arg7[%dma_start3A_1150, %dma_start3A_1152, %dma_start3A_1153] : memref<8x128x8xf32, #tpu.memory_space<vmem>> -> memref<1x128x8xf32, #tpu.memory_space<vmem>>
      %dma_start3A_1155 = tpu.memref_squeeze %dma_start3A_1154 : memref<1x128x8xf32, #tpu.memory_space<vmem>> -> memref<128x8xf32, #tpu.memory_space<vmem>>
      %dma_start3A_1156 = arith.constant 0 : i32
      %dma_start3A_1157 = tpu.memref_slice %arg2[%add3A_9, %add3A_1149, %dma_start3A_1156] : memref<16x53248x8xf32, #tpu.memory_space<hbm>> -> memref<1x128x8xf32, #tpu.memory_space<hbm>>
      %dma_start3A_1158 = tpu.memref_squeeze %dma_start3A_1157 : memref<1x128x8xf32, #tpu.memory_space<hbm>> -> memref<128x8xf32, #tpu.memory_space<hbm>>
      %dma_start3A_1159 = tpu.memref_slice %arg9[%dma_start3A_1151] : memref<8x!tpu.dma_semaphore, #tpu.memory_space<semaphore_mem>> -> memref<1x!tpu.dma_semaphore, #tpu.memory_space<semaphore_mem>>
      %dma_start3A_1160 = tpu.memref_squeeze %dma_start3A_1159 : memref<1x!tpu.dma_semaphore, #tpu.memory_space<semaphore_mem>> -> memref<!tpu.dma_semaphore, #tpu.memory_space<semaphore_mem>>
      %dma_start3A_1161 = arith.constant 0 : i32
      %dma_start3A_1162 = arith.constant 0 : i32
      %dma_start3A_1163 = tpu.memref_slice %arg7[%dma_start3A_1150, %dma_start3A_1161, %dma_start3A_1162] : memref<8x128x8xf32, #tpu.memory_space<vmem>> -> memref<1x128x8xf32, #tpu.memory_space<vmem>>
      %dma_start3A_1164 = tpu.memref_squeeze %dma_start3A_1163 : memref<1x128x8xf32, #tpu.memory_space<vmem>> -> memref<128x8xf32, #tpu.memory_space<vmem>>
      %dma_start3A_1165 = arith.constant 0 : i32
      %dma_start3A_1166 = tpu.memref_slice %arg2[%add3A_9, %add3A_1149, %dma_start3A_1165] : memref<16x53248x8xf32, #tpu.memory_space<hbm>> -> memref<1x128x8xf32, #tpu.memory_space<hbm>>
      %dma_start3A_1167 = tpu.memref_squeeze %dma_start3A_1166 : memref<1x128x8xf32, #tpu.memory_space<hbm>> -> memref<128x8xf32, #tpu.memory_space<hbm>>
      tpu.enqueue_dma source(%dma_start3A_1167 : memref<128x8xf32, #tpu.memory_space<hbm>>) target(%dma_start3A_1164 : memref<128x8xf32, #tpu.memory_space<vmem>>) target_semaphore(%dma_start3A_1160 : memref<!tpu.dma_semaphore, #tpu.memory_space<semaphore_mem>>)
      %add3A_1168 = arith.constant 2688 : i32
      %add3A_1169 = arith.addi %mul3A_13, %add3A_1168 : i32
      %dma_start3A_1170 = arith.constant 5 : i32
      %dma_start3A_1171 = arith.constant 5 : i32
      %dma_start3A_1172 = arith.constant 0 : i32
      %dma_start3A_1173 = arith.constant 0 : i32
      %dma_start3A_1174 = tpu.memref_slice %arg7[%dma_start3A_1170, %dma_start3A_1172, %dma_start3A_1173] : memref<8x128x8xf32, #tpu.memory_space<vmem>> -> memref<1x128x8xf32, #tpu.memory_space<vmem>>
      %dma_start3A_1175 = tpu.memref_squeeze %dma_start3A_1174 : memref<1x128x8xf32, #tpu.memory_space<vmem>> -> memref<128x8xf32, #tpu.memory_space<vmem>>
      %dma_start3A_1176 = arith.constant 0 : i32
      %dma_start3A_1177 = tpu.memref_slice %arg2[%add3A_9, %add3A_1169, %dma_start3A_1176] : memref<16x53248x8xf32, #tpu.memory_space<hbm>> -> memref<1x128x8xf32, #tpu.memory_space<hbm>>
      %dma_start3A_1178 = tpu.memref_squeeze %dma_start3A_1177 : memref<1x128x8xf32, #tpu.memory_space<hbm>> -> memref<128x8xf32, #tpu.memory_space<hbm>>
      %dma_start3A_1179 = tpu.memref_slice %arg9[%dma_start3A_1171] : memref<8x!tpu.dma_semaphore, #tpu.memory_space<semaphore_mem>> -> memref<1x!tpu.dma_semaphore, #tpu.memory_space<semaphore_mem>>
      %dma_start3A_1180 = tpu.memref_squeeze %dma_start3A_1179 : memref<1x!tpu.dma_semaphore, #tpu.memory_space<semaphore_mem>> -> memref<!tpu.dma_semaphore, #tpu.memory_space<semaphore_mem>>
      %dma_start3A_1181 = arith.constant 0 : i32
      %dma_start3A_1182 = arith.constant 0 : i32
      %dma_start3A_1183 = tpu.memref_slice %arg7[%dma_start3A_1170, %dma_start3A_1181, %dma_start3A_1182] : memref<8x128x8xf32, #tpu.memory_space<vmem>> -> memref<1x128x8xf32, #tpu.memory_space<vmem>>
      %dma_start3A_1184 = tpu.memref_squeeze %dma_start3A_1183 : memref<1x128x8xf32, #tpu.memory_space<vmem>> -> memref<128x8xf32, #tpu.memory_space<vmem>>
      %dma_start3A_1185 = arith.constant 0 : i32
      %dma_start3A_1186 = tpu.memref_slice %arg2[%add3A_9, %add3A_1169, %dma_start3A_1185] : memref<16x53248x8xf32, #tpu.memory_space<hbm>> -> memref<1x128x8xf32, #tpu.memory_space<hbm>>
      %dma_start3A_1187 = tpu.memref_squeeze %dma_start3A_1186 : memref<1x128x8xf32, #tpu.memory_space<hbm>> -> memref<128x8xf32, #tpu.memory_space<hbm>>
      tpu.enqueue_dma source(%dma_start3A_1187 : memref<128x8xf32, #tpu.memory_space<hbm>>) target(%dma_start3A_1184 : memref<128x8xf32, #tpu.memory_space<vmem>>) target_semaphore(%dma_start3A_1180 : memref<!tpu.dma_semaphore, #tpu.memory_space<semaphore_mem>>)
      %add3A_1188 = arith.constant 2816 : i32
      %add3A_1189 = arith.addi %mul3A_13, %add3A_1188 : i32
      %dma_start3A_1190 = arith.constant 6 : i32
      %dma_start3A_1191 = arith.constant 6 : i32
      %dma_start3A_1192 = arith.constant 0 : i32
      %dma_start3A_1193 = arith.constant 0 : i32
      %dma_start3A_1194 = tpu.memref_slice %arg7[%dma_start3A_1190, %dma_start3A_1192, %dma_start3A_1193] : memref<8x128x8xf32, #tpu.memory_space<vmem>> -> memref<1x128x8xf32, #tpu.memory_space<vmem>>
      %dma_start3A_1195 = tpu.memref_squeeze %dma_start3A_1194 : memref<1x128x8xf32, #tpu.memory_space<vmem>> -> memref<128x8xf32, #tpu.memory_space<vmem>>
      %dma_start3A_1196 = arith.constant 0 : i32
      %dma_start3A_1197 = tpu.memref_slice %arg2[%add3A_9, %add3A_1189, %dma_start3A_1196] : memref<16x53248x8xf32, #tpu.memory_space<hbm>> -> memref<1x128x8xf32, #tpu.memory_space<hbm>>
      %dma_start3A_1198 = tpu.memref_squeeze %dma_start3A_1197 : memref<1x128x8xf32, #tpu.memory_space<hbm>> -> memref<128x8xf32, #tpu.memory_space<hbm>>
      %dma_start3A_1199 = tpu.memref_slice %arg9[%dma_start3A_1191] : memref<8x!tpu.dma_semaphore, #tpu.memory_space<semaphore_mem>> -> memref<1x!tpu.dma_semaphore, #tpu.memory_space<semaphore_mem>>
      %dma_start3A_1200 = tpu.memref_squeeze %dma_start3A_1199 : memref<1x!tpu.dma_semaphore, #tpu.memory_space<semaphore_mem>> -> memref<!tpu.dma_semaphore, #tpu.memory_space<semaphore_mem>>
      %dma_start3A_1201 = arith.constant 0 : i32
      %dma_start3A_1202 = arith.constant 0 : i32
      %dma_start3A_1203 = tpu.memref_slice %arg7[%dma_start3A_1190, %dma_start3A_1201, %dma_start3A_1202] : memref<8x128x8xf32, #tpu.memory_space<vmem>> -> memref<1x128x8xf32, #tpu.memory_space<vmem>>
      %dma_start3A_1204 = tpu.memref_squeeze %dma_start3A_1203 : memref<1x128x8xf32, #tpu.memory_space<vmem>> -> memref<128x8xf32, #tpu.memory_space<vmem>>
      %dma_start3A_1205 = arith.constant 0 : i32
      %dma_start3A_1206 = tpu.memref_slice %arg2[%add3A_9, %add3A_1189, %dma_start3A_1205] : memref<16x53248x8xf32, #tpu.memory_space<hbm>> -> memref<1x128x8xf32, #tpu.memory_space<hbm>>
      %dma_start3A_1207 = tpu.memref_squeeze %dma_start3A_1206 : memref<1x128x8xf32, #tpu.memory_space<hbm>> -> memref<128x8xf32, #tpu.memory_space<hbm>>
      tpu.enqueue_dma source(%dma_start3A_1207 : memref<128x8xf32, #tpu.memory_space<hbm>>) target(%dma_start3A_1204 : memref<128x8xf32, #tpu.memory_space<vmem>>) target_semaphore(%dma_start3A_1200 : memref<!tpu.dma_semaphore, #tpu.memory_space<semaphore_mem>>)
      %add3A_1208 = arith.constant 2944 : i32
      %add3A_1209 = arith.addi %mul3A_13, %add3A_1208 : i32
      %dma_start3A_1210 = arith.constant 7 : i32
      %dma_start3A_1211 = arith.constant 7 : i32
      %dma_start3A_1212 = arith.constant 0 : i32
      %dma_start3A_1213 = arith.constant 0 : i32
      %dma_start3A_1214 = tpu.memref_slice %arg7[%dma_start3A_1210, %dma_start3A_1212, %dma_start3A_1213] : memref<8x128x8xf32, #tpu.memory_space<vmem>> -> memref<1x128x8xf32, #tpu.memory_space<vmem>>
      %dma_start3A_1215 = tpu.memref_squeeze %dma_start3A_1214 : memref<1x128x8xf32, #tpu.memory_space<vmem>> -> memref<128x8xf32, #tpu.memory_space<vmem>>
      %dma_start3A_1216 = arith.constant 0 : i32
      %dma_start3A_1217 = tpu.memref_slice %arg2[%add3A_9, %add3A_1209, %dma_start3A_1216] : memref<16x53248x8xf32, #tpu.memory_space<hbm>> -> memref<1x128x8xf32, #tpu.memory_space<hbm>>
      %dma_start3A_1218 = tpu.memref_squeeze %dma_start3A_1217 : memref<1x128x8xf32, #tpu.memory_space<hbm>> -> memref<128x8xf32, #tpu.memory_space<hbm>>
      %dma_start3A_1219 = tpu.memref_slice %arg9[%dma_start3A_1211] : memref<8x!tpu.dma_semaphore, #tpu.memory_space<semaphore_mem>> -> memref<1x!tpu.dma_semaphore, #tpu.memory_space<semaphore_mem>>
      %dma_start3A_1220 = tpu.memref_squeeze %dma_start3A_1219 : memref<1x!tpu.dma_semaphore, #tpu.memory_space<semaphore_mem>> -> memref<!tpu.dma_semaphore, #tpu.memory_space<semaphore_mem>>
      %dma_start3A_1221 = arith.constant 0 : i32
      %dma_start3A_1222 = arith.constant 0 : i32
      %dma_start3A_1223 = tpu.memref_slice %arg7[%dma_start3A_1210, %dma_start3A_1221, %dma_start3A_1222] : memref<8x128x8xf32, #tpu.memory_space<vmem>> -> memref<1x128x8xf32, #tpu.memory_space<vmem>>
      %dma_start3A_1224 = tpu.memref_squeeze %dma_start3A_1223 : memref<1x128x8xf32, #tpu.memory_space<vmem>> -> memref<128x8xf32, #tpu.memory_space<vmem>>
      %dma_start3A_1225 = arith.constant 0 : i32
      %dma_start3A_1226 = tpu.memref_slice %arg2[%add3A_9, %add3A_1209, %dma_start3A_1225] : memref<16x53248x8xf32, #tpu.memory_space<hbm>> -> memref<1x128x8xf32, #tpu.memory_space<hbm>>
      %dma_start3A_1227 = tpu.memref_squeeze %dma_start3A_1226 : memref<1x128x8xf32, #tpu.memory_space<hbm>> -> memref<128x8xf32, #tpu.memory_space<hbm>>
      tpu.enqueue_dma source(%dma_start3A_1227 : memref<128x8xf32, #tpu.memory_space<hbm>>) target(%dma_start3A_1224 : memref<128x8xf32, #tpu.memory_space<vmem>>) target_semaphore(%dma_start3A_1220 : memref<!tpu.dma_semaphore, #tpu.memory_space<semaphore_mem>>)
      %dma_wait3A_1228 = arith.constant 0 : i32
      %dma_wait3A_1229 = arith.constant 0 : i32
      %dma_wait3A_1230 = arith.constant 0 : i32
      %dma_wait3A_1231 = arith.constant 0 : i32
      %dma_wait3A_1232 = tpu.memref_slice %arg7[%dma_wait3A_1228, %dma_wait3A_1230, %dma_wait3A_1231] : memref<8x128x8xf32, #tpu.memory_space<vmem>> -> memref<1x128x8xf32, #tpu.memory_space<vmem>>
      %dma_wait3A_1233 = tpu.memref_squeeze %dma_wait3A_1232 : memref<1x128x8xf32, #tpu.memory_space<vmem>> -> memref<128x8xf32, #tpu.memory_space<vmem>>
      %dma_wait3A_1234 = arith.constant 0 : i32
      %dma_wait3A_1235 = tpu.memref_slice %arg2[%add3A_9, %add3A_1069, %dma_wait3A_1234] : memref<16x53248x8xf32, #tpu.memory_space<hbm>> -> memref<1x128x8xf32, #tpu.memory_space<hbm>>
      %dma_wait3A_1236 = tpu.memref_squeeze %dma_wait3A_1235 : memref<1x128x8xf32, #tpu.memory_space<hbm>> -> memref<128x8xf32, #tpu.memory_space<hbm>>
      %dma_wait3A_1237 = tpu.memref_slice %arg9[%dma_wait3A_1229] : memref<8x!tpu.dma_semaphore, #tpu.memory_space<semaphore_mem>> -> memref<1x!tpu.dma_semaphore, #tpu.memory_space<semaphore_mem>>
      %dma_wait3A_1238 = tpu.memref_squeeze %dma_wait3A_1237 : memref<1x!tpu.dma_semaphore, #tpu.memory_space<semaphore_mem>> -> memref<!tpu.dma_semaphore, #tpu.memory_space<semaphore_mem>>
      %dma_wait3A_1239 = arith.constant 0 : i32
      %dma_wait3A_1240 = arith.constant 0 : i32
      %dma_wait3A_1241 = tpu.memref_slice %arg7[%dma_wait3A_1228, %dma_wait3A_1239, %dma_wait3A_1240] : memref<8x128x8xf32, #tpu.memory_space<vmem>> -> memref<1x128x8xf32, #tpu.memory_space<vmem>>
      %dma_wait3A_1242 = tpu.memref_squeeze %dma_wait3A_1241 : memref<1x128x8xf32, #tpu.memory_space<vmem>> -> memref<128x8xf32, #tpu.memory_space<vmem>>
      %dma_wait3A_1243 = arith.constant 0 : i32
      %dma_wait3A_1244 = tpu.memref_slice %arg2[%add3A_9, %add3A_1069, %dma_wait3A_1243] : memref<16x53248x8xf32, #tpu.memory_space<hbm>> -> memref<1x128x8xf32, #tpu.memory_space<hbm>>
      %dma_wait3A_1245 = tpu.memref_squeeze %dma_wait3A_1244 : memref<1x128x8xf32, #tpu.memory_space<hbm>> -> memref<128x8xf32, #tpu.memory_space<hbm>>
      tpu.wait_dma2 semaphore(%dma_wait3A_1238 : memref<!tpu.dma_semaphore, #tpu.memory_space<semaphore_mem>>) src(%dma_wait3A_1245 : memref<128x8xf32, #tpu.memory_space<hbm>>) dst(%dma_wait3A_1242 : memref<128x8xf32, #tpu.memory_space<vmem>>)
      %mul3A_1246 = arith.constant 26 : i32
      %mul3A_1247 = arith.muli %arg1, %mul3A_1246 : i32
      %add3A_1248 = arith.constant 16 : i32
      %add3A_1249 = arith.addi %mul3A_1247, %add3A_1248 : i32
      %add3A_1250 = arith.constant 0 : i32
      %add3A_1251 = arith.addi %add3A_1249, %add3A_1250 : i32
      %dma_start3A_1252 = arith.constant 0 : i32
      %dma_start3A_1253 = arith.constant 0 : i32
      %dma_start3A_1254 = arith.constant 0 : i32
      %dma_start3A_1255 = tpu.memref_slice %arg7[%dma_start3A_1252, %dma_start3A_1253, %dma_start3A_1254] : memref<8x128x8xf32, #tpu.memory_space<vmem>> -> memref<1x128x8xf32, #tpu.memory_space<vmem>>
      %dma_start3A_1256 = tpu.memref_squeeze %dma_start3A_1255 : memref<1x128x8xf32, #tpu.memory_space<vmem>> -> memref<128x8xf32, #tpu.memory_space<vmem>>
      %dma_start3A_1257 = arith.constant 0 : i32
      %dma_start3A_1258 = tpu.memref_slice %arg6[%add3A_1251, %dma_start3A_1257] : memref<416x128xi32, #tpu.memory_space<vmem>> -> memref<1x128xi32, #tpu.memory_space<vmem>>
      %dma_start3A_1259 = tpu.memref_squeeze %dma_start3A_1258 : memref<1x128xi32, #tpu.memory_space<vmem>> -> memref<128xi32, #tpu.memory_space<vmem>>
      %dma_start3A_1260 = arith.constant 0 : i32
      %dma_start3A_1261 = arith.constant 0 : i32
      %dma_start3A_1262 = tpu.memref_slice %arg8[%dma_start3A_1260, %dma_start3A_1261] : memref<2176x8xf32, #tpu.memory_space<vmem_shared>> -> memref<2176x8xf32, #tpu.memory_space<vmem_shared>>
      tpu.enqueue_indirect_dma source(%dma_start3A_1256 : memref<128x8xf32, #tpu.memory_space<vmem>>) target(%dma_start3A_1262 : memref<2176x8xf32, #tpu.memory_space<vmem_shared>>) offsets(%dma_start3A_1259 : memref<128xi32, #tpu.memory_space<vmem>>) semaphore(%arg10 : memref<!tpu.dma_semaphore, #tpu.memory_space<semaphore_mem>>) {add = true}
      %dma_wait3A_1263 = arith.constant 1 : i32
      %dma_wait3A_1264 = arith.constant 1 : i32
      %dma_wait3A_1265 = arith.constant 0 : i32
      %dma_wait3A_1266 = arith.constant 0 : i32
      %dma_wait3A_1267 = tpu.memref_slice %arg7[%dma_wait3A_1263, %dma_wait3A_1265, %dma_wait3A_1266] : memref<8x128x8xf32, #tpu.memory_space<vmem>> -> memref<1x128x8xf32, #tpu.memory_space<vmem>>
      %dma_wait3A_1268 = tpu.memref_squeeze %dma_wait3A_1267 : memref<1x128x8xf32, #tpu.memory_space<vmem>> -> memref<128x8xf32, #tpu.memory_space<vmem>>
      %dma_wait3A_1269 = arith.constant 0 : i32
      %dma_wait3A_1270 = tpu.memref_slice %arg2[%add3A_9, %add3A_1089, %dma_wait3A_1269] : memref<16x53248x8xf32, #tpu.memory_space<hbm>> -> memref<1x128x8xf32, #tpu.memory_space<hbm>>
      %dma_wait3A_1271 = tpu.memref_squeeze %dma_wait3A_1270 : memref<1x128x8xf32, #tpu.memory_space<hbm>> -> memref<128x8xf32, #tpu.memory_space<hbm>>
      %dma_wait3A_1272 = tpu.memref_slice %arg9[%dma_wait3A_1264] : memref<8x!tpu.dma_semaphore, #tpu.memory_space<semaphore_mem>> -> memref<1x!tpu.dma_semaphore, #tpu.memory_space<semaphore_mem>>
      %dma_wait3A_1273 = tpu.memref_squeeze %dma_wait3A_1272 : memref<1x!tpu.dma_semaphore, #tpu.memory_space<semaphore_mem>> -> memref<!tpu.dma_semaphore, #tpu.memory_space<semaphore_mem>>
      %dma_wait3A_1274 = arith.constant 0 : i32
      %dma_wait3A_1275 = arith.constant 0 : i32
      %dma_wait3A_1276 = tpu.memref_slice %arg7[%dma_wait3A_1263, %dma_wait3A_1274, %dma_wait3A_1275] : memref<8x128x8xf32, #tpu.memory_space<vmem>> -> memref<1x128x8xf32, #tpu.memory_space<vmem>>
      %dma_wait3A_1277 = tpu.memref_squeeze %dma_wait3A_1276 : memref<1x128x8xf32, #tpu.memory_space<vmem>> -> memref<128x8xf32, #tpu.memory_space<vmem>>
      %dma_wait3A_1278 = arith.constant 0 : i32
      %dma_wait3A_1279 = tpu.memref_slice %arg2[%add3A_9, %add3A_1089, %dma_wait3A_1278] : memref<16x53248x8xf32, #tpu.memory_space<hbm>> -> memref<1x128x8xf32, #tpu.memory_space<hbm>>
      %dma_wait3A_1280 = tpu.memref_squeeze %dma_wait3A_1279 : memref<1x128x8xf32, #tpu.memory_space<hbm>> -> memref<128x8xf32, #tpu.memory_space<hbm>>
      tpu.wait_dma2 semaphore(%dma_wait3A_1273 : memref<!tpu.dma_semaphore, #tpu.memory_space<semaphore_mem>>) src(%dma_wait3A_1280 : memref<128x8xf32, #tpu.memory_space<hbm>>) dst(%dma_wait3A_1277 : memref<128x8xf32, #tpu.memory_space<vmem>>)
      %mul3A_1281 = arith.constant 26 : i32
      %mul3A_1282 = arith.muli %arg1, %mul3A_1281 : i32
      %add3A_1283 = arith.constant 16 : i32
      %add3A_1284 = arith.addi %mul3A_1282, %add3A_1283 : i32
      %add3A_1285 = arith.constant 1 : i32
      %add3A_1286 = arith.addi %add3A_1284, %add3A_1285 : i32
      %dma_start3A_1287 = arith.constant 1 : i32
      %dma_start3A_1288 = arith.constant 0 : i32
      %dma_start3A_1289 = arith.constant 0 : i32
      %dma_start3A_1290 = tpu.memref_slice %arg7[%dma_start3A_1287, %dma_start3A_1288, %dma_start3A_1289] : memref<8x128x8xf32, #tpu.memory_space<vmem>> -> memref<1x128x8xf32, #tpu.memory_space<vmem>>
      %dma_start3A_1291 = tpu.memref_squeeze %dma_start3A_1290 : memref<1x128x8xf32, #tpu.memory_space<vmem>> -> memref<128x8xf32, #tpu.memory_space<vmem>>
      %dma_start3A_1292 = arith.constant 0 : i32
      %dma_start3A_1293 = tpu.memref_slice %arg6[%add3A_1286, %dma_start3A_1292] : memref<416x128xi32, #tpu.memory_space<vmem>> -> memref<1x128xi32, #tpu.memory_space<vmem>>
      %dma_start3A_1294 = tpu.memref_squeeze %dma_start3A_1293 : memref<1x128xi32, #tpu.memory_space<vmem>> -> memref<128xi32, #tpu.memory_space<vmem>>
      %dma_start3A_1295 = arith.constant 0 : i32
      %dma_start3A_1296 = arith.constant 0 : i32
      %dma_start3A_1297 = tpu.memref_slice %arg8[%dma_start3A_1295, %dma_start3A_1296] : memref<2176x8xf32, #tpu.memory_space<vmem_shared>> -> memref<2176x8xf32, #tpu.memory_space<vmem_shared>>
      tpu.enqueue_indirect_dma source(%dma_start3A_1291 : memref<128x8xf32, #tpu.memory_space<vmem>>) target(%dma_start3A_1297 : memref<2176x8xf32, #tpu.memory_space<vmem_shared>>) offsets(%dma_start3A_1294 : memref<128xi32, #tpu.memory_space<vmem>>) semaphore(%arg10 : memref<!tpu.dma_semaphore, #tpu.memory_space<semaphore_mem>>) {add = true}
      %dma_wait3A_1298 = arith.constant 2 : i32
      %dma_wait3A_1299 = arith.constant 2 : i32
      %dma_wait3A_1300 = arith.constant 0 : i32
      %dma_wait3A_1301 = arith.constant 0 : i32
      %dma_wait3A_1302 = tpu.memref_slice %arg7[%dma_wait3A_1298, %dma_wait3A_1300, %dma_wait3A_1301] : memref<8x128x8xf32, #tpu.memory_space<vmem>> -> memref<1x128x8xf32, #tpu.memory_space<vmem>>
      %dma_wait3A_1303 = tpu.memref_squeeze %dma_wait3A_1302 : memref<1x128x8xf32, #tpu.memory_space<vmem>> -> memref<128x8xf32, #tpu.memory_space<vmem>>
      %dma_wait3A_1304 = arith.constant 0 : i32
      %dma_wait3A_1305 = tpu.memref_slice %arg2[%add3A_9, %add3A_1109, %dma_wait3A_1304] : memref<16x53248x8xf32, #tpu.memory_space<hbm>> -> memref<1x128x8xf32, #tpu.memory_space<hbm>>
      %dma_wait3A_1306 = tpu.memref_squeeze %dma_wait3A_1305 : memref<1x128x8xf32, #tpu.memory_space<hbm>> -> memref<128x8xf32, #tpu.memory_space<hbm>>
      %dma_wait3A_1307 = tpu.memref_slice %arg9[%dma_wait3A_1299] : memref<8x!tpu.dma_semaphore, #tpu.memory_space<semaphore_mem>> -> memref<1x!tpu.dma_semaphore, #tpu.memory_space<semaphore_mem>>
      %dma_wait3A_1308 = tpu.memref_squeeze %dma_wait3A_1307 : memref<1x!tpu.dma_semaphore, #tpu.memory_space<semaphore_mem>> -> memref<!tpu.dma_semaphore, #tpu.memory_space<semaphore_mem>>
      %dma_wait3A_1309 = arith.constant 0 : i32
      %dma_wait3A_1310 = arith.constant 0 : i32
      %dma_wait3A_1311 = tpu.memref_slice %arg7[%dma_wait3A_1298, %dma_wait3A_1309, %dma_wait3A_1310] : memref<8x128x8xf32, #tpu.memory_space<vmem>> -> memref<1x128x8xf32, #tpu.memory_space<vmem>>
      %dma_wait3A_1312 = tpu.memref_squeeze %dma_wait3A_1311 : memref<1x128x8xf32, #tpu.memory_space<vmem>> -> memref<128x8xf32, #tpu.memory_space<vmem>>
      %dma_wait3A_1313 = arith.constant 0 : i32
      %dma_wait3A_1314 = tpu.memref_slice %arg2[%add3A_9, %add3A_1109, %dma_wait3A_1313] : memref<16x53248x8xf32, #tpu.memory_space<hbm>> -> memref<1x128x8xf32, #tpu.memory_space<hbm>>
      %dma_wait3A_1315 = tpu.memref_squeeze %dma_wait3A_1314 : memref<1x128x8xf32, #tpu.memory_space<hbm>> -> memref<128x8xf32, #tpu.memory_space<hbm>>
      tpu.wait_dma2 semaphore(%dma_wait3A_1308 : memref<!tpu.dma_semaphore, #tpu.memory_space<semaphore_mem>>) src(%dma_wait3A_1315 : memref<128x8xf32, #tpu.memory_space<hbm>>) dst(%dma_wait3A_1312 : memref<128x8xf32, #tpu.memory_space<vmem>>)
      %mul3A_1316 = arith.constant 26 : i32
      %mul3A_1317 = arith.muli %arg1, %mul3A_1316 : i32
      %add3A_1318 = arith.constant 16 : i32
      %add3A_1319 = arith.addi %mul3A_1317, %add3A_1318 : i32
      %add3A_1320 = arith.constant 2 : i32
      %add3A_1321 = arith.addi %add3A_1319, %add3A_1320 : i32
      %dma_start3A_1322 = arith.constant 2 : i32
      %dma_start3A_1323 = arith.constant 0 : i32
      %dma_start3A_1324 = arith.constant 0 : i32
      %dma_start3A_1325 = tpu.memref_slice %arg7[%dma_start3A_1322, %dma_start3A_1323, %dma_start3A_1324] : memref<8x128x8xf32, #tpu.memory_space<vmem>> -> memref<1x128x8xf32, #tpu.memory_space<vmem>>
      %dma_start3A_1326 = tpu.memref_squeeze %dma_start3A_1325 : memref<1x128x8xf32, #tpu.memory_space<vmem>> -> memref<128x8xf32, #tpu.memory_space<vmem>>
      %dma_start3A_1327 = arith.constant 0 : i32
      %dma_start3A_1328 = tpu.memref_slice %arg6[%add3A_1321, %dma_start3A_1327] : memref<416x128xi32, #tpu.memory_space<vmem>> -> memref<1x128xi32, #tpu.memory_space<vmem>>
      %dma_start3A_1329 = tpu.memref_squeeze %dma_start3A_1328 : memref<1x128xi32, #tpu.memory_space<vmem>> -> memref<128xi32, #tpu.memory_space<vmem>>
      %dma_start3A_1330 = arith.constant 0 : i32
      %dma_start3A_1331 = arith.constant 0 : i32
      %dma_start3A_1332 = tpu.memref_slice %arg8[%dma_start3A_1330, %dma_start3A_1331] : memref<2176x8xf32, #tpu.memory_space<vmem_shared>> -> memref<2176x8xf32, #tpu.memory_space<vmem_shared>>
      tpu.enqueue_indirect_dma source(%dma_start3A_1326 : memref<128x8xf32, #tpu.memory_space<vmem>>) target(%dma_start3A_1332 : memref<2176x8xf32, #tpu.memory_space<vmem_shared>>) offsets(%dma_start3A_1329 : memref<128xi32, #tpu.memory_space<vmem>>) semaphore(%arg10 : memref<!tpu.dma_semaphore, #tpu.memory_space<semaphore_mem>>) {add = true}
      %dma_wait3A_1333 = arith.constant 3 : i32
      %dma_wait3A_1334 = arith.constant 3 : i32
      %dma_wait3A_1335 = arith.constant 0 : i32
      %dma_wait3A_1336 = arith.constant 0 : i32
      %dma_wait3A_1337 = tpu.memref_slice %arg7[%dma_wait3A_1333, %dma_wait3A_1335, %dma_wait3A_1336] : memref<8x128x8xf32, #tpu.memory_space<vmem>> -> memref<1x128x8xf32, #tpu.memory_space<vmem>>
      %dma_wait3A_1338 = tpu.memref_squeeze %dma_wait3A_1337 : memref<1x128x8xf32, #tpu.memory_space<vmem>> -> memref<128x8xf32, #tpu.memory_space<vmem>>
      %dma_wait3A_1339 = arith.constant 0 : i32
      %dma_wait3A_1340 = tpu.memref_slice %arg2[%add3A_9, %add3A_1129, %dma_wait3A_1339] : memref<16x53248x8xf32, #tpu.memory_space<hbm>> -> memref<1x128x8xf32, #tpu.memory_space<hbm>>
      %dma_wait3A_1341 = tpu.memref_squeeze %dma_wait3A_1340 : memref<1x128x8xf32, #tpu.memory_space<hbm>> -> memref<128x8xf32, #tpu.memory_space<hbm>>
      %dma_wait3A_1342 = tpu.memref_slice %arg9[%dma_wait3A_1334] : memref<8x!tpu.dma_semaphore, #tpu.memory_space<semaphore_mem>> -> memref<1x!tpu.dma_semaphore, #tpu.memory_space<semaphore_mem>>
      %dma_wait3A_1343 = tpu.memref_squeeze %dma_wait3A_1342 : memref<1x!tpu.dma_semaphore, #tpu.memory_space<semaphore_mem>> -> memref<!tpu.dma_semaphore, #tpu.memory_space<semaphore_mem>>
      %dma_wait3A_1344 = arith.constant 0 : i32
      %dma_wait3A_1345 = arith.constant 0 : i32
      %dma_wait3A_1346 = tpu.memref_slice %arg7[%dma_wait3A_1333, %dma_wait3A_1344, %dma_wait3A_1345] : memref<8x128x8xf32, #tpu.memory_space<vmem>> -> memref<1x128x8xf32, #tpu.memory_space<vmem>>
      %dma_wait3A_1347 = tpu.memref_squeeze %dma_wait3A_1346 : memref<1x128x8xf32, #tpu.memory_space<vmem>> -> memref<128x8xf32, #tpu.memory_space<vmem>>
      %dma_wait3A_1348 = arith.constant 0 : i32
      %dma_wait3A_1349 = tpu.memref_slice %arg2[%add3A_9, %add3A_1129, %dma_wait3A_1348] : memref<16x53248x8xf32, #tpu.memory_space<hbm>> -> memref<1x128x8xf32, #tpu.memory_space<hbm>>
      %dma_wait3A_1350 = tpu.memref_squeeze %dma_wait3A_1349 : memref<1x128x8xf32, #tpu.memory_space<hbm>> -> memref<128x8xf32, #tpu.memory_space<hbm>>
      tpu.wait_dma2 semaphore(%dma_wait3A_1343 : memref<!tpu.dma_semaphore, #tpu.memory_space<semaphore_mem>>) src(%dma_wait3A_1350 : memref<128x8xf32, #tpu.memory_space<hbm>>) dst(%dma_wait3A_1347 : memref<128x8xf32, #tpu.memory_space<vmem>>)
      %mul3A_1351 = arith.constant 26 : i32
      %mul3A_1352 = arith.muli %arg1, %mul3A_1351 : i32
      %add3A_1353 = arith.constant 16 : i32
      %add3A_1354 = arith.addi %mul3A_1352, %add3A_1353 : i32
      %add3A_1355 = arith.constant 3 : i32
      %add3A_1356 = arith.addi %add3A_1354, %add3A_1355 : i32
      %dma_start3A_1357 = arith.constant 3 : i32
      %dma_start3A_1358 = arith.constant 0 : i32
      %dma_start3A_1359 = arith.constant 0 : i32
      %dma_start3A_1360 = tpu.memref_slice %arg7[%dma_start3A_1357, %dma_start3A_1358, %dma_start3A_1359] : memref<8x128x8xf32, #tpu.memory_space<vmem>> -> memref<1x128x8xf32, #tpu.memory_space<vmem>>
      %dma_start3A_1361 = tpu.memref_squeeze %dma_start3A_1360 : memref<1x128x8xf32, #tpu.memory_space<vmem>> -> memref<128x8xf32, #tpu.memory_space<vmem>>
      %dma_start3A_1362 = arith.constant 0 : i32
      %dma_start3A_1363 = tpu.memref_slice %arg6[%add3A_1356, %dma_start3A_1362] : memref<416x128xi32, #tpu.memory_space<vmem>> -> memref<1x128xi32, #tpu.memory_space<vmem>>
      %dma_start3A_1364 = tpu.memref_squeeze %dma_start3A_1363 : memref<1x128xi32, #tpu.memory_space<vmem>> -> memref<128xi32, #tpu.memory_space<vmem>>
      %dma_start3A_1365 = arith.constant 0 : i32
      %dma_start3A_1366 = arith.constant 0 : i32
      %dma_start3A_1367 = tpu.memref_slice %arg8[%dma_start3A_1365, %dma_start3A_1366] : memref<2176x8xf32, #tpu.memory_space<vmem_shared>> -> memref<2176x8xf32, #tpu.memory_space<vmem_shared>>
      tpu.enqueue_indirect_dma source(%dma_start3A_1361 : memref<128x8xf32, #tpu.memory_space<vmem>>) target(%dma_start3A_1367 : memref<2176x8xf32, #tpu.memory_space<vmem_shared>>) offsets(%dma_start3A_1364 : memref<128xi32, #tpu.memory_space<vmem>>) semaphore(%arg10 : memref<!tpu.dma_semaphore, #tpu.memory_space<semaphore_mem>>) {add = true}
      %dma_wait3A_1368 = arith.constant 4 : i32
      %dma_wait3A_1369 = arith.constant 4 : i32
      %dma_wait3A_1370 = arith.constant 0 : i32
      %dma_wait3A_1371 = arith.constant 0 : i32
      %dma_wait3A_1372 = tpu.memref_slice %arg7[%dma_wait3A_1368, %dma_wait3A_1370, %dma_wait3A_1371] : memref<8x128x8xf32, #tpu.memory_space<vmem>> -> memref<1x128x8xf32, #tpu.memory_space<vmem>>
      %dma_wait3A_1373 = tpu.memref_squeeze %dma_wait3A_1372 : memref<1x128x8xf32, #tpu.memory_space<vmem>> -> memref<128x8xf32, #tpu.memory_space<vmem>>
      %dma_wait3A_1374 = arith.constant 0 : i32
      %dma_wait3A_1375 = tpu.memref_slice %arg2[%add3A_9, %add3A_1149, %dma_wait3A_1374] : memref<16x53248x8xf32, #tpu.memory_space<hbm>> -> memref<1x128x8xf32, #tpu.memory_space<hbm>>
      %dma_wait3A_1376 = tpu.memref_squeeze %dma_wait3A_1375 : memref<1x128x8xf32, #tpu.memory_space<hbm>> -> memref<128x8xf32, #tpu.memory_space<hbm>>
      %dma_wait3A_1377 = tpu.memref_slice %arg9[%dma_wait3A_1369] : memref<8x!tpu.dma_semaphore, #tpu.memory_space<semaphore_mem>> -> memref<1x!tpu.dma_semaphore, #tpu.memory_space<semaphore_mem>>
      %dma_wait3A_1378 = tpu.memref_squeeze %dma_wait3A_1377 : memref<1x!tpu.dma_semaphore, #tpu.memory_space<semaphore_mem>> -> memref<!tpu.dma_semaphore, #tpu.memory_space<semaphore_mem>>
      %dma_wait3A_1379 = arith.constant 0 : i32
      %dma_wait3A_1380 = arith.constant 0 : i32
      %dma_wait3A_1381 = tpu.memref_slice %arg7[%dma_wait3A_1368, %dma_wait3A_1379, %dma_wait3A_1380] : memref<8x128x8xf32, #tpu.memory_space<vmem>> -> memref<1x128x8xf32, #tpu.memory_space<vmem>>
      %dma_wait3A_1382 = tpu.memref_squeeze %dma_wait3A_1381 : memref<1x128x8xf32, #tpu.memory_space<vmem>> -> memref<128x8xf32, #tpu.memory_space<vmem>>
      %dma_wait3A_1383 = arith.constant 0 : i32
      %dma_wait3A_1384 = tpu.memref_slice %arg2[%add3A_9, %add3A_1149, %dma_wait3A_1383] : memref<16x53248x8xf32, #tpu.memory_space<hbm>> -> memref<1x128x8xf32, #tpu.memory_space<hbm>>
      %dma_wait3A_1385 = tpu.memref_squeeze %dma_wait3A_1384 : memref<1x128x8xf32, #tpu.memory_space<hbm>> -> memref<128x8xf32, #tpu.memory_space<hbm>>
      tpu.wait_dma2 semaphore(%dma_wait3A_1378 : memref<!tpu.dma_semaphore, #tpu.memory_space<semaphore_mem>>) src(%dma_wait3A_1385 : memref<128x8xf32, #tpu.memory_space<hbm>>) dst(%dma_wait3A_1382 : memref<128x8xf32, #tpu.memory_space<vmem>>)
      %mul3A_1386 = arith.constant 26 : i32
      %mul3A_1387 = arith.muli %arg1, %mul3A_1386 : i32
      %add3A_1388 = arith.constant 16 : i32
      %add3A_1389 = arith.addi %mul3A_1387, %add3A_1388 : i32
      %add3A_1390 = arith.constant 4 : i32
      %add3A_1391 = arith.addi %add3A_1389, %add3A_1390 : i32
      %dma_start3A_1392 = arith.constant 4 : i32
      %dma_start3A_1393 = arith.constant 0 : i32
      %dma_start3A_1394 = arith.constant 0 : i32
      %dma_start3A_1395 = tpu.memref_slice %arg7[%dma_start3A_1392, %dma_start3A_1393, %dma_start3A_1394] : memref<8x128x8xf32, #tpu.memory_space<vmem>> -> memref<1x128x8xf32, #tpu.memory_space<vmem>>
      %dma_start3A_1396 = tpu.memref_squeeze %dma_start3A_1395 : memref<1x128x8xf32, #tpu.memory_space<vmem>> -> memref<128x8xf32, #tpu.memory_space<vmem>>
      %dma_start3A_1397 = arith.constant 0 : i32
      %dma_start3A_1398 = tpu.memref_slice %arg6[%add3A_1391, %dma_start3A_1397] : memref<416x128xi32, #tpu.memory_space<vmem>> -> memref<1x128xi32, #tpu.memory_space<vmem>>
      %dma_start3A_1399 = tpu.memref_squeeze %dma_start3A_1398 : memref<1x128xi32, #tpu.memory_space<vmem>> -> memref<128xi32, #tpu.memory_space<vmem>>
      %dma_start3A_1400 = arith.constant 0 : i32
      %dma_start3A_1401 = arith.constant 0 : i32
      %dma_start3A_1402 = tpu.memref_slice %arg8[%dma_start3A_1400, %dma_start3A_1401] : memref<2176x8xf32, #tpu.memory_space<vmem_shared>> -> memref<2176x8xf32, #tpu.memory_space<vmem_shared>>
      tpu.enqueue_indirect_dma source(%dma_start3A_1396 : memref<128x8xf32, #tpu.memory_space<vmem>>) target(%dma_start3A_1402 : memref<2176x8xf32, #tpu.memory_space<vmem_shared>>) offsets(%dma_start3A_1399 : memref<128xi32, #tpu.memory_space<vmem>>) semaphore(%arg10 : memref<!tpu.dma_semaphore, #tpu.memory_space<semaphore_mem>>) {add = true}
      %dma_wait3A_1403 = arith.constant 5 : i32
      %dma_wait3A_1404 = arith.constant 5 : i32
      %dma_wait3A_1405 = arith.constant 0 : i32
      %dma_wait3A_1406 = arith.constant 0 : i32
      %dma_wait3A_1407 = tpu.memref_slice %arg7[%dma_wait3A_1403, %dma_wait3A_1405, %dma_wait3A_1406] : memref<8x128x8xf32, #tpu.memory_space<vmem>> -> memref<1x128x8xf32, #tpu.memory_space<vmem>>
      %dma_wait3A_1408 = tpu.memref_squeeze %dma_wait3A_1407 : memref<1x128x8xf32, #tpu.memory_space<vmem>> -> memref<128x8xf32, #tpu.memory_space<vmem>>
      %dma_wait3A_1409 = arith.constant 0 : i32
      %dma_wait3A_1410 = tpu.memref_slice %arg2[%add3A_9, %add3A_1169, %dma_wait3A_1409] : memref<16x53248x8xf32, #tpu.memory_space<hbm>> -> memref<1x128x8xf32, #tpu.memory_space<hbm>>
      %dma_wait3A_1411 = tpu.memref_squeeze %dma_wait3A_1410 : memref<1x128x8xf32, #tpu.memory_space<hbm>> -> memref<128x8xf32, #tpu.memory_space<hbm>>
      %dma_wait3A_1412 = tpu.memref_slice %arg9[%dma_wait3A_1404] : memref<8x!tpu.dma_semaphore, #tpu.memory_space<semaphore_mem>> -> memref<1x!tpu.dma_semaphore, #tpu.memory_space<semaphore_mem>>
      %dma_wait3A_1413 = tpu.memref_squeeze %dma_wait3A_1412 : memref<1x!tpu.dma_semaphore, #tpu.memory_space<semaphore_mem>> -> memref<!tpu.dma_semaphore, #tpu.memory_space<semaphore_mem>>
      %dma_wait3A_1414 = arith.constant 0 : i32
      %dma_wait3A_1415 = arith.constant 0 : i32
      %dma_wait3A_1416 = tpu.memref_slice %arg7[%dma_wait3A_1403, %dma_wait3A_1414, %dma_wait3A_1415] : memref<8x128x8xf32, #tpu.memory_space<vmem>> -> memref<1x128x8xf32, #tpu.memory_space<vmem>>
      %dma_wait3A_1417 = tpu.memref_squeeze %dma_wait3A_1416 : memref<1x128x8xf32, #tpu.memory_space<vmem>> -> memref<128x8xf32, #tpu.memory_space<vmem>>
      %dma_wait3A_1418 = arith.constant 0 : i32
      %dma_wait3A_1419 = tpu.memref_slice %arg2[%add3A_9, %add3A_1169, %dma_wait3A_1418] : memref<16x53248x8xf32, #tpu.memory_space<hbm>> -> memref<1x128x8xf32, #tpu.memory_space<hbm>>
      %dma_wait3A_1420 = tpu.memref_squeeze %dma_wait3A_1419 : memref<1x128x8xf32, #tpu.memory_space<hbm>> -> memref<128x8xf32, #tpu.memory_space<hbm>>
      tpu.wait_dma2 semaphore(%dma_wait3A_1413 : memref<!tpu.dma_semaphore, #tpu.memory_space<semaphore_mem>>) src(%dma_wait3A_1420 : memref<128x8xf32, #tpu.memory_space<hbm>>) dst(%dma_wait3A_1417 : memref<128x8xf32, #tpu.memory_space<vmem>>)
      %mul3A_1421 = arith.constant 26 : i32
      %mul3A_1422 = arith.muli %arg1, %mul3A_1421 : i32
      %add3A_1423 = arith.constant 16 : i32
      %add3A_1424 = arith.addi %mul3A_1422, %add3A_1423 : i32
      %add3A_1425 = arith.constant 5 : i32
      %add3A_1426 = arith.addi %add3A_1424, %add3A_1425 : i32
      %dma_start3A_1427 = arith.constant 5 : i32
      %dma_start3A_1428 = arith.constant 0 : i32
      %dma_start3A_1429 = arith.constant 0 : i32
      %dma_start3A_1430 = tpu.memref_slice %arg7[%dma_start3A_1427, %dma_start3A_1428, %dma_start3A_1429] : memref<8x128x8xf32, #tpu.memory_space<vmem>> -> memref<1x128x8xf32, #tpu.memory_space<vmem>>
      %dma_start3A_1431 = tpu.memref_squeeze %dma_start3A_1430 : memref<1x128x8xf32, #tpu.memory_space<vmem>> -> memref<128x8xf32, #tpu.memory_space<vmem>>
      %dma_start3A_1432 = arith.constant 0 : i32
      %dma_start3A_1433 = tpu.memref_slice %arg6[%add3A_1426, %dma_start3A_1432] : memref<416x128xi32, #tpu.memory_space<vmem>> -> memref<1x128xi32, #tpu.memory_space<vmem>>
      %dma_start3A_1434 = tpu.memref_squeeze %dma_start3A_1433 : memref<1x128xi32, #tpu.memory_space<vmem>> -> memref<128xi32, #tpu.memory_space<vmem>>
      %dma_start3A_1435 = arith.constant 0 : i32
      %dma_start3A_1436 = arith.constant 0 : i32
      %dma_start3A_1437 = tpu.memref_slice %arg8[%dma_start3A_1435, %dma_start3A_1436] : memref<2176x8xf32, #tpu.memory_space<vmem_shared>> -> memref<2176x8xf32, #tpu.memory_space<vmem_shared>>
      tpu.enqueue_indirect_dma source(%dma_start3A_1431 : memref<128x8xf32, #tpu.memory_space<vmem>>) target(%dma_start3A_1437 : memref<2176x8xf32, #tpu.memory_space<vmem_shared>>) offsets(%dma_start3A_1434 : memref<128xi32, #tpu.memory_space<vmem>>) semaphore(%arg10 : memref<!tpu.dma_semaphore, #tpu.memory_space<semaphore_mem>>) {add = true}
      %dma_wait3A_1438 = arith.constant 6 : i32
      %dma_wait3A_1439 = arith.constant 6 : i32
      %dma_wait3A_1440 = arith.constant 0 : i32
      %dma_wait3A_1441 = arith.constant 0 : i32
      %dma_wait3A_1442 = tpu.memref_slice %arg7[%dma_wait3A_1438, %dma_wait3A_1440, %dma_wait3A_1441] : memref<8x128x8xf32, #tpu.memory_space<vmem>> -> memref<1x128x8xf32, #tpu.memory_space<vmem>>
      %dma_wait3A_1443 = tpu.memref_squeeze %dma_wait3A_1442 : memref<1x128x8xf32, #tpu.memory_space<vmem>> -> memref<128x8xf32, #tpu.memory_space<vmem>>
      %dma_wait3A_1444 = arith.constant 0 : i32
      %dma_wait3A_1445 = tpu.memref_slice %arg2[%add3A_9, %add3A_1189, %dma_wait3A_1444] : memref<16x53248x8xf32, #tpu.memory_space<hbm>> -> memref<1x128x8xf32, #tpu.memory_space<hbm>>
      %dma_wait3A_1446 = tpu.memref_squeeze %dma_wait3A_1445 : memref<1x128x8xf32, #tpu.memory_space<hbm>> -> memref<128x8xf32, #tpu.memory_space<hbm>>
      %dma_wait3A_1447 = tpu.memref_slice %arg9[%dma_wait3A_1439] : memref<8x!tpu.dma_semaphore, #tpu.memory_space<semaphore_mem>> -> memref<1x!tpu.dma_semaphore, #tpu.memory_space<semaphore_mem>>
      %dma_wait3A_1448 = tpu.memref_squeeze %dma_wait3A_1447 : memref<1x!tpu.dma_semaphore, #tpu.memory_space<semaphore_mem>> -> memref<!tpu.dma_semaphore, #tpu.memory_space<semaphore_mem>>
      %dma_wait3A_1449 = arith.constant 0 : i32
      %dma_wait3A_1450 = arith.constant 0 : i32
      %dma_wait3A_1451 = tpu.memref_slice %arg7[%dma_wait3A_1438, %dma_wait3A_1449, %dma_wait3A_1450] : memref<8x128x8xf32, #tpu.memory_space<vmem>> -> memref<1x128x8xf32, #tpu.memory_space<vmem>>
      %dma_wait3A_1452 = tpu.memref_squeeze %dma_wait3A_1451 : memref<1x128x8xf32, #tpu.memory_space<vmem>> -> memref<128x8xf32, #tpu.memory_space<vmem>>
      %dma_wait3A_1453 = arith.constant 0 : i32
      %dma_wait3A_1454 = tpu.memref_slice %arg2[%add3A_9, %add3A_1189, %dma_wait3A_1453] : memref<16x53248x8xf32, #tpu.memory_space<hbm>> -> memref<1x128x8xf32, #tpu.memory_space<hbm>>
      %dma_wait3A_1455 = tpu.memref_squeeze %dma_wait3A_1454 : memref<1x128x8xf32, #tpu.memory_space<hbm>> -> memref<128x8xf32, #tpu.memory_space<hbm>>
      tpu.wait_dma2 semaphore(%dma_wait3A_1448 : memref<!tpu.dma_semaphore, #tpu.memory_space<semaphore_mem>>) src(%dma_wait3A_1455 : memref<128x8xf32, #tpu.memory_space<hbm>>) dst(%dma_wait3A_1452 : memref<128x8xf32, #tpu.memory_space<vmem>>)
      %mul3A_1456 = arith.constant 26 : i32
      %mul3A_1457 = arith.muli %arg1, %mul3A_1456 : i32
      %add3A_1458 = arith.constant 16 : i32
      %add3A_1459 = arith.addi %mul3A_1457, %add3A_1458 : i32
      %add3A_1460 = arith.constant 6 : i32
      %add3A_1461 = arith.addi %add3A_1459, %add3A_1460 : i32
      %dma_start3A_1462 = arith.constant 6 : i32
      %dma_start3A_1463 = arith.constant 0 : i32
      %dma_start3A_1464 = arith.constant 0 : i32
      %dma_start3A_1465 = tpu.memref_slice %arg7[%dma_start3A_1462, %dma_start3A_1463, %dma_start3A_1464] : memref<8x128x8xf32, #tpu.memory_space<vmem>> -> memref<1x128x8xf32, #tpu.memory_space<vmem>>
      %dma_start3A_1466 = tpu.memref_squeeze %dma_start3A_1465 : memref<1x128x8xf32, #tpu.memory_space<vmem>> -> memref<128x8xf32, #tpu.memory_space<vmem>>
      %dma_start3A_1467 = arith.constant 0 : i32
      %dma_start3A_1468 = tpu.memref_slice %arg6[%add3A_1461, %dma_start3A_1467] : memref<416x128xi32, #tpu.memory_space<vmem>> -> memref<1x128xi32, #tpu.memory_space<vmem>>
      %dma_start3A_1469 = tpu.memref_squeeze %dma_start3A_1468 : memref<1x128xi32, #tpu.memory_space<vmem>> -> memref<128xi32, #tpu.memory_space<vmem>>
      %dma_start3A_1470 = arith.constant 0 : i32
      %dma_start3A_1471 = arith.constant 0 : i32
      %dma_start3A_1472 = tpu.memref_slice %arg8[%dma_start3A_1470, %dma_start3A_1471] : memref<2176x8xf32, #tpu.memory_space<vmem_shared>> -> memref<2176x8xf32, #tpu.memory_space<vmem_shared>>
      tpu.enqueue_indirect_dma source(%dma_start3A_1466 : memref<128x8xf32, #tpu.memory_space<vmem>>) target(%dma_start3A_1472 : memref<2176x8xf32, #tpu.memory_space<vmem_shared>>) offsets(%dma_start3A_1469 : memref<128xi32, #tpu.memory_space<vmem>>) semaphore(%arg10 : memref<!tpu.dma_semaphore, #tpu.memory_space<semaphore_mem>>) {add = true}
      %dma_wait3A_1473 = arith.constant 7 : i32
      %dma_wait3A_1474 = arith.constant 7 : i32
      %dma_wait3A_1475 = arith.constant 0 : i32
      %dma_wait3A_1476 = arith.constant 0 : i32
      %dma_wait3A_1477 = tpu.memref_slice %arg7[%dma_wait3A_1473, %dma_wait3A_1475, %dma_wait3A_1476] : memref<8x128x8xf32, #tpu.memory_space<vmem>> -> memref<1x128x8xf32, #tpu.memory_space<vmem>>
      %dma_wait3A_1478 = tpu.memref_squeeze %dma_wait3A_1477 : memref<1x128x8xf32, #tpu.memory_space<vmem>> -> memref<128x8xf32, #tpu.memory_space<vmem>>
      %dma_wait3A_1479 = arith.constant 0 : i32
      %dma_wait3A_1480 = tpu.memref_slice %arg2[%add3A_9, %add3A_1209, %dma_wait3A_1479] : memref<16x53248x8xf32, #tpu.memory_space<hbm>> -> memref<1x128x8xf32, #tpu.memory_space<hbm>>
      %dma_wait3A_1481 = tpu.memref_squeeze %dma_wait3A_1480 : memref<1x128x8xf32, #tpu.memory_space<hbm>> -> memref<128x8xf32, #tpu.memory_space<hbm>>
      %dma_wait3A_1482 = tpu.memref_slice %arg9[%dma_wait3A_1474] : memref<8x!tpu.dma_semaphore, #tpu.memory_space<semaphore_mem>> -> memref<1x!tpu.dma_semaphore, #tpu.memory_space<semaphore_mem>>
      %dma_wait3A_1483 = tpu.memref_squeeze %dma_wait3A_1482 : memref<1x!tpu.dma_semaphore, #tpu.memory_space<semaphore_mem>> -> memref<!tpu.dma_semaphore, #tpu.memory_space<semaphore_mem>>
      %dma_wait3A_1484 = arith.constant 0 : i32
      %dma_wait3A_1485 = arith.constant 0 : i32
      %dma_wait3A_1486 = tpu.memref_slice %arg7[%dma_wait3A_1473, %dma_wait3A_1484, %dma_wait3A_1485] : memref<8x128x8xf32, #tpu.memory_space<vmem>> -> memref<1x128x8xf32, #tpu.memory_space<vmem>>
      %dma_wait3A_1487 = tpu.memref_squeeze %dma_wait3A_1486 : memref<1x128x8xf32, #tpu.memory_space<vmem>> -> memref<128x8xf32, #tpu.memory_space<vmem>>
      %dma_wait3A_1488 = arith.constant 0 : i32
      %dma_wait3A_1489 = tpu.memref_slice %arg2[%add3A_9, %add3A_1209, %dma_wait3A_1488] : memref<16x53248x8xf32, #tpu.memory_space<hbm>> -> memref<1x128x8xf32, #tpu.memory_space<hbm>>
      %dma_wait3A_1490 = tpu.memref_squeeze %dma_wait3A_1489 : memref<1x128x8xf32, #tpu.memory_space<hbm>> -> memref<128x8xf32, #tpu.memory_space<hbm>>
      tpu.wait_dma2 semaphore(%dma_wait3A_1483 : memref<!tpu.dma_semaphore, #tpu.memory_space<semaphore_mem>>) src(%dma_wait3A_1490 : memref<128x8xf32, #tpu.memory_space<hbm>>) dst(%dma_wait3A_1487 : memref<128x8xf32, #tpu.memory_space<vmem>>)
      %mul3A_1491 = arith.constant 26 : i32
      %mul3A_1492 = arith.muli %arg1, %mul3A_1491 : i32
      %add3A_1493 = arith.constant 16 : i32
      %add3A_1494 = arith.addi %mul3A_1492, %add3A_1493 : i32
      %add3A_1495 = arith.constant 7 : i32
      %add3A_1496 = arith.addi %add3A_1494, %add3A_1495 : i32
      %dma_start3A_1497 = arith.constant 7 : i32
      %dma_start3A_1498 = arith.constant 0 : i32
      %dma_start3A_1499 = arith.constant 0 : i32
      %dma_start3A_1500 = tpu.memref_slice %arg7[%dma_start3A_1497, %dma_start3A_1498, %dma_start3A_1499] : memref<8x128x8xf32, #tpu.memory_space<vmem>> -> memref<1x128x8xf32, #tpu.memory_space<vmem>>
      %dma_start3A_1501 = tpu.memref_squeeze %dma_start3A_1500 : memref<1x128x8xf32, #tpu.memory_space<vmem>> -> memref<128x8xf32, #tpu.memory_space<vmem>>
      %dma_start3A_1502 = arith.constant 0 : i32
      %dma_start3A_1503 = tpu.memref_slice %arg6[%add3A_1496, %dma_start3A_1502] : memref<416x128xi32, #tpu.memory_space<vmem>> -> memref<1x128xi32, #tpu.memory_space<vmem>>
      %dma_start3A_1504 = tpu.memref_squeeze %dma_start3A_1503 : memref<1x128xi32, #tpu.memory_space<vmem>> -> memref<128xi32, #tpu.memory_space<vmem>>
      %dma_start3A_1505 = arith.constant 0 : i32
      %dma_start3A_1506 = arith.constant 0 : i32
      %dma_start3A_1507 = tpu.memref_slice %arg8[%dma_start3A_1505, %dma_start3A_1506] : memref<2176x8xf32, #tpu.memory_space<vmem_shared>> -> memref<2176x8xf32, #tpu.memory_space<vmem_shared>>
      tpu.enqueue_indirect_dma source(%dma_start3A_1501 : memref<128x8xf32, #tpu.memory_space<vmem>>) target(%dma_start3A_1507 : memref<2176x8xf32, #tpu.memory_space<vmem_shared>>) offsets(%dma_start3A_1504 : memref<128xi32, #tpu.memory_space<vmem>>) semaphore(%arg10 : memref<!tpu.dma_semaphore, #tpu.memory_space<semaphore_mem>>) {add = true}
      %dma_wait3A_1508 = arith.constant 0 : i32
      %dma_wait3A_1509 = arith.constant 0 : i32
      %dma_wait3A_1510 = arith.constant 0 : i32
      %dma_wait3A_1511 = tpu.memref_slice %arg7[%dma_wait3A_1508, %dma_wait3A_1509, %dma_wait3A_1510] : memref<8x128x8xf32, #tpu.memory_space<vmem>> -> memref<1x128x8xf32, #tpu.memory_space<vmem>>
      %dma_wait3A_1512 = tpu.memref_squeeze %dma_wait3A_1511 : memref<1x128x8xf32, #tpu.memory_space<vmem>> -> memref<128x8xf32, #tpu.memory_space<vmem>>
      %dma_wait3A_1513 = arith.constant 0 : i32
      %dma_wait3A_1514 = tpu.memref_slice %arg6[%add3A_1251, %dma_wait3A_1513] : memref<416x128xi32, #tpu.memory_space<vmem>> -> memref<1x128xi32, #tpu.memory_space<vmem>>
      %dma_wait3A_1515 = tpu.memref_squeeze %dma_wait3A_1514 : memref<1x128xi32, #tpu.memory_space<vmem>> -> memref<128xi32, #tpu.memory_space<vmem>>
      %dma_wait3A_1516 = arith.constant 0 : i32
      %dma_wait3A_1517 = arith.constant 0 : i32
      %dma_wait3A_1518 = tpu.memref_slice %arg8[%dma_wait3A_1516, %dma_wait3A_1517] : memref<2176x8xf32, #tpu.memory_space<vmem_shared>> -> memref<2176x8xf32, #tpu.memory_space<vmem_shared>>
      tpu.wait_indirect_dma semaphore(%arg10 : memref<!tpu.dma_semaphore, #tpu.memory_space<semaphore_mem>>) src(%dma_wait3A_1512 : memref<128x8xf32, #tpu.memory_space<vmem>>) dst(%dma_wait3A_1518 : memref<2176x8xf32, #tpu.memory_space<vmem_shared>>)
      %dma_wait3A_1519 = arith.constant 1 : i32
      %dma_wait3A_1520 = arith.constant 0 : i32
      %dma_wait3A_1521 = arith.constant 0 : i32
      %dma_wait3A_1522 = tpu.memref_slice %arg7[%dma_wait3A_1519, %dma_wait3A_1520, %dma_wait3A_1521] : memref<8x128x8xf32, #tpu.memory_space<vmem>> -> memref<1x128x8xf32, #tpu.memory_space<vmem>>
      %dma_wait3A_1523 = tpu.memref_squeeze %dma_wait3A_1522 : memref<1x128x8xf32, #tpu.memory_space<vmem>> -> memref<128x8xf32, #tpu.memory_space<vmem>>
      %dma_wait3A_1524 = arith.constant 0 : i32
      %dma_wait3A_1525 = tpu.memref_slice %arg6[%add3A_1286, %dma_wait3A_1524] : memref<416x128xi32, #tpu.memory_space<vmem>> -> memref<1x128xi32, #tpu.memory_space<vmem>>
      %dma_wait3A_1526 = tpu.memref_squeeze %dma_wait3A_1525 : memref<1x128xi32, #tpu.memory_space<vmem>> -> memref<128xi32, #tpu.memory_space<vmem>>
      %dma_wait3A_1527 = arith.constant 0 : i32
      %dma_wait3A_1528 = arith.constant 0 : i32
      %dma_wait3A_1529 = tpu.memref_slice %arg8[%dma_wait3A_1527, %dma_wait3A_1528] : memref<2176x8xf32, #tpu.memory_space<vmem_shared>> -> memref<2176x8xf32, #tpu.memory_space<vmem_shared>>
      tpu.wait_indirect_dma semaphore(%arg10 : memref<!tpu.dma_semaphore, #tpu.memory_space<semaphore_mem>>) src(%dma_wait3A_1523 : memref<128x8xf32, #tpu.memory_space<vmem>>) dst(%dma_wait3A_1529 : memref<2176x8xf32, #tpu.memory_space<vmem_shared>>)
      %dma_wait3A_1530 = arith.constant 2 : i32
      %dma_wait3A_1531 = arith.constant 0 : i32
      %dma_wait3A_1532 = arith.constant 0 : i32
      %dma_wait3A_1533 = tpu.memref_slice %arg7[%dma_wait3A_1530, %dma_wait3A_1531, %dma_wait3A_1532] : memref<8x128x8xf32, #tpu.memory_space<vmem>> -> memref<1x128x8xf32, #tpu.memory_space<vmem>>
      %dma_wait3A_1534 = tpu.memref_squeeze %dma_wait3A_1533 : memref<1x128x8xf32, #tpu.memory_space<vmem>> -> memref<128x8xf32, #tpu.memory_space<vmem>>
      %dma_wait3A_1535 = arith.constant 0 : i32
      %dma_wait3A_1536 = tpu.memref_slice %arg6[%add3A_1321, %dma_wait3A_1535] : memref<416x128xi32, #tpu.memory_space<vmem>> -> memref<1x128xi32, #tpu.memory_space<vmem>>
      %dma_wait3A_1537 = tpu.memref_squeeze %dma_wait3A_1536 : memref<1x128xi32, #tpu.memory_space<vmem>> -> memref<128xi32, #tpu.memory_space<vmem>>
      %dma_wait3A_1538 = arith.constant 0 : i32
      %dma_wait3A_1539 = arith.constant 0 : i32
      %dma_wait3A_1540 = tpu.memref_slice %arg8[%dma_wait3A_1538, %dma_wait3A_1539] : memref<2176x8xf32, #tpu.memory_space<vmem_shared>> -> memref<2176x8xf32, #tpu.memory_space<vmem_shared>>
      tpu.wait_indirect_dma semaphore(%arg10 : memref<!tpu.dma_semaphore, #tpu.memory_space<semaphore_mem>>) src(%dma_wait3A_1534 : memref<128x8xf32, #tpu.memory_space<vmem>>) dst(%dma_wait3A_1540 : memref<2176x8xf32, #tpu.memory_space<vmem_shared>>)
      %dma_wait3A_1541 = arith.constant 3 : i32
      %dma_wait3A_1542 = arith.constant 0 : i32
      %dma_wait3A_1543 = arith.constant 0 : i32
      %dma_wait3A_1544 = tpu.memref_slice %arg7[%dma_wait3A_1541, %dma_wait3A_1542, %dma_wait3A_1543] : memref<8x128x8xf32, #tpu.memory_space<vmem>> -> memref<1x128x8xf32, #tpu.memory_space<vmem>>
      %dma_wait3A_1545 = tpu.memref_squeeze %dma_wait3A_1544 : memref<1x128x8xf32, #tpu.memory_space<vmem>> -> memref<128x8xf32, #tpu.memory_space<vmem>>
      %dma_wait3A_1546 = arith.constant 0 : i32
      %dma_wait3A_1547 = tpu.memref_slice %arg6[%add3A_1356, %dma_wait3A_1546] : memref<416x128xi32, #tpu.memory_space<vmem>> -> memref<1x128xi32, #tpu.memory_space<vmem>>
      %dma_wait3A_1548 = tpu.memref_squeeze %dma_wait3A_1547 : memref<1x128xi32, #tpu.memory_space<vmem>> -> memref<128xi32, #tpu.memory_space<vmem>>
      %dma_wait3A_1549 = arith.constant 0 : i32
      %dma_wait3A_1550 = arith.constant 0 : i32
      %dma_wait3A_1551 = tpu.memref_slice %arg8[%dma_wait3A_1549, %dma_wait3A_1550] : memref<2176x8xf32, #tpu.memory_space<vmem_shared>> -> memref<2176x8xf32, #tpu.memory_space<vmem_shared>>
      tpu.wait_indirect_dma semaphore(%arg10 : memref<!tpu.dma_semaphore, #tpu.memory_space<semaphore_mem>>) src(%dma_wait3A_1545 : memref<128x8xf32, #tpu.memory_space<vmem>>) dst(%dma_wait3A_1551 : memref<2176x8xf32, #tpu.memory_space<vmem_shared>>)
      %dma_wait3A_1552 = arith.constant 4 : i32
      %dma_wait3A_1553 = arith.constant 0 : i32
      %dma_wait3A_1554 = arith.constant 0 : i32
      %dma_wait3A_1555 = tpu.memref_slice %arg7[%dma_wait3A_1552, %dma_wait3A_1553, %dma_wait3A_1554] : memref<8x128x8xf32, #tpu.memory_space<vmem>> -> memref<1x128x8xf32, #tpu.memory_space<vmem>>
      %dma_wait3A_1556 = tpu.memref_squeeze %dma_wait3A_1555 : memref<1x128x8xf32, #tpu.memory_space<vmem>> -> memref<128x8xf32, #tpu.memory_space<vmem>>
      %dma_wait3A_1557 = arith.constant 0 : i32
      %dma_wait3A_1558 = tpu.memref_slice %arg6[%add3A_1391, %dma_wait3A_1557] : memref<416x128xi32, #tpu.memory_space<vmem>> -> memref<1x128xi32, #tpu.memory_space<vmem>>
      %dma_wait3A_1559 = tpu.memref_squeeze %dma_wait3A_1558 : memref<1x128xi32, #tpu.memory_space<vmem>> -> memref<128xi32, #tpu.memory_space<vmem>>
      %dma_wait3A_1560 = arith.constant 0 : i32
      %dma_wait3A_1561 = arith.constant 0 : i32
      %dma_wait3A_1562 = tpu.memref_slice %arg8[%dma_wait3A_1560, %dma_wait3A_1561] : memref<2176x8xf32, #tpu.memory_space<vmem_shared>> -> memref<2176x8xf32, #tpu.memory_space<vmem_shared>>
      tpu.wait_indirect_dma semaphore(%arg10 : memref<!tpu.dma_semaphore, #tpu.memory_space<semaphore_mem>>) src(%dma_wait3A_1556 : memref<128x8xf32, #tpu.memory_space<vmem>>) dst(%dma_wait3A_1562 : memref<2176x8xf32, #tpu.memory_space<vmem_shared>>)
      %dma_wait3A_1563 = arith.constant 5 : i32
      %dma_wait3A_1564 = arith.constant 0 : i32
      %dma_wait3A_1565 = arith.constant 0 : i32
      %dma_wait3A_1566 = tpu.memref_slice %arg7[%dma_wait3A_1563, %dma_wait3A_1564, %dma_wait3A_1565] : memref<8x128x8xf32, #tpu.memory_space<vmem>> -> memref<1x128x8xf32, #tpu.memory_space<vmem>>
      %dma_wait3A_1567 = tpu.memref_squeeze %dma_wait3A_1566 : memref<1x128x8xf32, #tpu.memory_space<vmem>> -> memref<128x8xf32, #tpu.memory_space<vmem>>
      %dma_wait3A_1568 = arith.constant 0 : i32
      %dma_wait3A_1569 = tpu.memref_slice %arg6[%add3A_1426, %dma_wait3A_1568] : memref<416x128xi32, #tpu.memory_space<vmem>> -> memref<1x128xi32, #tpu.memory_space<vmem>>
      %dma_wait3A_1570 = tpu.memref_squeeze %dma_wait3A_1569 : memref<1x128xi32, #tpu.memory_space<vmem>> -> memref<128xi32, #tpu.memory_space<vmem>>
      %dma_wait3A_1571 = arith.constant 0 : i32
      %dma_wait3A_1572 = arith.constant 0 : i32
      %dma_wait3A_1573 = tpu.memref_slice %arg8[%dma_wait3A_1571, %dma_wait3A_1572] : memref<2176x8xf32, #tpu.memory_space<vmem_shared>> -> memref<2176x8xf32, #tpu.memory_space<vmem_shared>>
      tpu.wait_indirect_dma semaphore(%arg10 : memref<!tpu.dma_semaphore, #tpu.memory_space<semaphore_mem>>) src(%dma_wait3A_1567 : memref<128x8xf32, #tpu.memory_space<vmem>>) dst(%dma_wait3A_1573 : memref<2176x8xf32, #tpu.memory_space<vmem_shared>>)
      %dma_wait3A_1574 = arith.constant 6 : i32
      %dma_wait3A_1575 = arith.constant 0 : i32
      %dma_wait3A_1576 = arith.constant 0 : i32
      %dma_wait3A_1577 = tpu.memref_slice %arg7[%dma_wait3A_1574, %dma_wait3A_1575, %dma_wait3A_1576] : memref<8x128x8xf32, #tpu.memory_space<vmem>> -> memref<1x128x8xf32, #tpu.memory_space<vmem>>
      %dma_wait3A_1578 = tpu.memref_squeeze %dma_wait3A_1577 : memref<1x128x8xf32, #tpu.memory_space<vmem>> -> memref<128x8xf32, #tpu.memory_space<vmem>>
      %dma_wait3A_1579 = arith.constant 0 : i32
      %dma_wait3A_1580 = tpu.memref_slice %arg6[%add3A_1461, %dma_wait3A_1579] : memref<416x128xi32, #tpu.memory_space<vmem>> -> memref<1x128xi32, #tpu.memory_space<vmem>>
      %dma_wait3A_1581 = tpu.memref_squeeze %dma_wait3A_1580 : memref<1x128xi32, #tpu.memory_space<vmem>> -> memref<128xi32, #tpu.memory_space<vmem>>
      %dma_wait3A_1582 = arith.constant 0 : i32
      %dma_wait3A_1583 = arith.constant 0 : i32
      %dma_wait3A_1584 = tpu.memref_slice %arg8[%dma_wait3A_1582, %dma_wait3A_1583] : memref<2176x8xf32, #tpu.memory_space<vmem_shared>> -> memref<2176x8xf32, #tpu.memory_space<vmem_shared>>
      tpu.wait_indirect_dma semaphore(%arg10 : memref<!tpu.dma_semaphore, #tpu.memory_space<semaphore_mem>>) src(%dma_wait3A_1578 : memref<128x8xf32, #tpu.memory_space<vmem>>) dst(%dma_wait3A_1584 : memref<2176x8xf32, #tpu.memory_space<vmem_shared>>)
      %dma_wait3A_1585 = arith.constant 7 : i32
      %dma_wait3A_1586 = arith.constant 0 : i32
      %dma_wait3A_1587 = arith.constant 0 : i32
      %dma_wait3A_1588 = tpu.memref_slice %arg7[%dma_wait3A_1585, %dma_wait3A_1586, %dma_wait3A_1587] : memref<8x128x8xf32, #tpu.memory_space<vmem>> -> memref<1x128x8xf32, #tpu.memory_space<vmem>>
      %dma_wait3A_1589 = tpu.memref_squeeze %dma_wait3A_1588 : memref<1x128x8xf32, #tpu.memory_space<vmem>> -> memref<128x8xf32, #tpu.memory_space<vmem>>
      %dma_wait3A_1590 = arith.constant 0 : i32
      %dma_wait3A_1591 = tpu.memref_slice %arg6[%add3A_1496, %dma_wait3A_1590] : memref<416x128xi32, #tpu.memory_space<vmem>> -> memref<1x128xi32, #tpu.memory_space<vmem>>
      %dma_wait3A_1592 = tpu.memref_squeeze %dma_wait3A_1591 : memref<1x128xi32, #tpu.memory_space<vmem>> -> memref<128xi32, #tpu.memory_space<vmem>>
      %dma_wait3A_1593 = arith.constant 0 : i32
      %dma_wait3A_1594 = arith.constant 0 : i32
      %dma_wait3A_1595 = tpu.memref_slice %arg8[%dma_wait3A_1593, %dma_wait3A_1594] : memref<2176x8xf32, #tpu.memory_space<vmem_shared>> -> memref<2176x8xf32, #tpu.memory_space<vmem_shared>>
      tpu.wait_indirect_dma semaphore(%arg10 : memref<!tpu.dma_semaphore, #tpu.memory_space<semaphore_mem>>) src(%dma_wait3A_1589 : memref<128x8xf32, #tpu.memory_space<vmem>>) dst(%dma_wait3A_1595 : memref<2176x8xf32, #tpu.memory_space<vmem_shared>>)
      %add3A_1596 = arith.constant 3072 : i32
      %add3A_1597 = arith.addi %mul3A_13, %add3A_1596 : i32
      %dma_start3A_1598 = arith.constant 0 : i32
      %dma_start3A_1599 = arith.constant 0 : i32
      %dma_start3A_1600 = arith.constant 0 : i32
      %dma_start3A_1601 = arith.constant 0 : i32
      %dma_start3A_1602 = tpu.memref_slice %arg7[%dma_start3A_1598, %dma_start3A_1600, %dma_start3A_1601] : memref<8x128x8xf32, #tpu.memory_space<vmem>> -> memref<1x128x8xf32, #tpu.memory_space<vmem>>
      %dma_start3A_1603 = tpu.memref_squeeze %dma_start3A_1602 : memref<1x128x8xf32, #tpu.memory_space<vmem>> -> memref<128x8xf32, #tpu.memory_space<vmem>>
      %dma_start3A_1604 = arith.constant 0 : i32
      %dma_start3A_1605 = tpu.memref_slice %arg2[%add3A_9, %add3A_1597, %dma_start3A_1604] : memref<16x53248x8xf32, #tpu.memory_space<hbm>> -> memref<1x128x8xf32, #tpu.memory_space<hbm>>
      %dma_start3A_1606 = tpu.memref_squeeze %dma_start3A_1605 : memref<1x128x8xf32, #tpu.memory_space<hbm>> -> memref<128x8xf32, #tpu.memory_space<hbm>>
      %dma_start3A_1607 = tpu.memref_slice %arg9[%dma_start3A_1599] : memref<8x!tpu.dma_semaphore, #tpu.memory_space<semaphore_mem>> -> memref<1x!tpu.dma_semaphore, #tpu.memory_space<semaphore_mem>>
      %dma_start3A_1608 = tpu.memref_squeeze %dma_start3A_1607 : memref<1x!tpu.dma_semaphore, #tpu.memory_space<semaphore_mem>> -> memref<!tpu.dma_semaphore, #tpu.memory_space<semaphore_mem>>
      %dma_start3A_1609 = arith.constant 0 : i32
      %dma_start3A_1610 = arith.constant 0 : i32
      %dma_start3A_1611 = tpu.memref_slice %arg7[%dma_start3A_1598, %dma_start3A_1609, %dma_start3A_1610] : memref<8x128x8xf32, #tpu.memory_space<vmem>> -> memref<1x128x8xf32, #tpu.memory_space<vmem>>
      %dma_start3A_1612 = tpu.memref_squeeze %dma_start3A_1611 : memref<1x128x8xf32, #tpu.memory_space<vmem>> -> memref<128x8xf32, #tpu.memory_space<vmem>>
      %dma_start3A_1613 = arith.constant 0 : i32
      %dma_start3A_1614 = tpu.memref_slice %arg2[%add3A_9, %add3A_1597, %dma_start3A_1613] : memref<16x53248x8xf32, #tpu.memory_space<hbm>> -> memref<1x128x8xf32, #tpu.memory_space<hbm>>
      %dma_start3A_1615 = tpu.memref_squeeze %dma_start3A_1614 : memref<1x128x8xf32, #tpu.memory_space<hbm>> -> memref<128x8xf32, #tpu.memory_space<hbm>>
      tpu.enqueue_dma source(%dma_start3A_1615 : memref<128x8xf32, #tpu.memory_space<hbm>>) target(%dma_start3A_1612 : memref<128x8xf32, #tpu.memory_space<vmem>>) target_semaphore(%dma_start3A_1608 : memref<!tpu.dma_semaphore, #tpu.memory_space<semaphore_mem>>)
      %add3A_1616 = arith.constant 3200 : i32
      %add3A_1617 = arith.addi %mul3A_13, %add3A_1616 : i32
      %dma_start3A_1618 = arith.constant 1 : i32
      %dma_start3A_1619 = arith.constant 1 : i32
      %dma_start3A_1620 = arith.constant 0 : i32
      %dma_start3A_1621 = arith.constant 0 : i32
      %dma_start3A_1622 = tpu.memref_slice %arg7[%dma_start3A_1618, %dma_start3A_1620, %dma_start3A_1621] : memref<8x128x8xf32, #tpu.memory_space<vmem>> -> memref<1x128x8xf32, #tpu.memory_space<vmem>>
      %dma_start3A_1623 = tpu.memref_squeeze %dma_start3A_1622 : memref<1x128x8xf32, #tpu.memory_space<vmem>> -> memref<128x8xf32, #tpu.memory_space<vmem>>
      %dma_start3A_1624 = arith.constant 0 : i32
      %dma_start3A_1625 = tpu.memref_slice %arg2[%add3A_9, %add3A_1617, %dma_start3A_1624] : memref<16x53248x8xf32, #tpu.memory_space<hbm>> -> memref<1x128x8xf32, #tpu.memory_space<hbm>>
      %dma_start3A_1626 = tpu.memref_squeeze %dma_start3A_1625 : memref<1x128x8xf32, #tpu.memory_space<hbm>> -> memref<128x8xf32, #tpu.memory_space<hbm>>
      %dma_start3A_1627 = tpu.memref_slice %arg9[%dma_start3A_1619] : memref<8x!tpu.dma_semaphore, #tpu.memory_space<semaphore_mem>> -> memref<1x!tpu.dma_semaphore, #tpu.memory_space<semaphore_mem>>
      %dma_start3A_1628 = tpu.memref_squeeze %dma_start3A_1627 : memref<1x!tpu.dma_semaphore, #tpu.memory_space<semaphore_mem>> -> memref<!tpu.dma_semaphore, #tpu.memory_space<semaphore_mem>>
      %dma_start3A_1629 = arith.constant 0 : i32
      %dma_start3A_1630 = arith.constant 0 : i32
      %dma_start3A_1631 = tpu.memref_slice %arg7[%dma_start3A_1618, %dma_start3A_1629, %dma_start3A_1630] : memref<8x128x8xf32, #tpu.memory_space<vmem>> -> memref<1x128x8xf32, #tpu.memory_space<vmem>>
      %dma_start3A_1632 = tpu.memref_squeeze %dma_start3A_1631 : memref<1x128x8xf32, #tpu.memory_space<vmem>> -> memref<128x8xf32, #tpu.memory_space<vmem>>
      %dma_start3A_1633 = arith.constant 0 : i32
      %dma_start3A_1634 = tpu.memref_slice %arg2[%add3A_9, %add3A_1617, %dma_start3A_1633] : memref<16x53248x8xf32, #tpu.memory_space<hbm>> -> memref<1x128x8xf32, #tpu.memory_space<hbm>>
      %dma_start3A_1635 = tpu.memref_squeeze %dma_start3A_1634 : memref<1x128x8xf32, #tpu.memory_space<hbm>> -> memref<128x8xf32, #tpu.memory_space<hbm>>
      tpu.enqueue_dma source(%dma_start3A_1635 : memref<128x8xf32, #tpu.memory_space<hbm>>) target(%dma_start3A_1632 : memref<128x8xf32, #tpu.memory_space<vmem>>) target_semaphore(%dma_start3A_1628 : memref<!tpu.dma_semaphore, #tpu.memory_space<semaphore_mem>>)
      %dma_wait3A_1636 = arith.constant 0 : i32
      %dma_wait3A_1637 = arith.constant 0 : i32
      %dma_wait3A_1638 = arith.constant 0 : i32
      %dma_wait3A_1639 = arith.constant 0 : i32
      %dma_wait3A_1640 = tpu.memref_slice %arg7[%dma_wait3A_1636, %dma_wait3A_1638, %dma_wait3A_1639] : memref<8x128x8xf32, #tpu.memory_space<vmem>> -> memref<1x128x8xf32, #tpu.memory_space<vmem>>
      %dma_wait3A_1641 = tpu.memref_squeeze %dma_wait3A_1640 : memref<1x128x8xf32, #tpu.memory_space<vmem>> -> memref<128x8xf32, #tpu.memory_space<vmem>>
      %dma_wait3A_1642 = arith.constant 0 : i32
      %dma_wait3A_1643 = tpu.memref_slice %arg2[%add3A_9, %add3A_1597, %dma_wait3A_1642] : memref<16x53248x8xf32, #tpu.memory_space<hbm>> -> memref<1x128x8xf32, #tpu.memory_space<hbm>>
      %dma_wait3A_1644 = tpu.memref_squeeze %dma_wait3A_1643 : memref<1x128x8xf32, #tpu.memory_space<hbm>> -> memref<128x8xf32, #tpu.memory_space<hbm>>
      %dma_wait3A_1645 = tpu.memref_slice %arg9[%dma_wait3A_1637] : memref<8x!tpu.dma_semaphore, #tpu.memory_space<semaphore_mem>> -> memref<1x!tpu.dma_semaphore, #tpu.memory_space<semaphore_mem>>
      %dma_wait3A_1646 = tpu.memref_squeeze %dma_wait3A_1645 : memref<1x!tpu.dma_semaphore, #tpu.memory_space<semaphore_mem>> -> memref<!tpu.dma_semaphore, #tpu.memory_space<semaphore_mem>>
      %dma_wait3A_1647 = arith.constant 0 : i32
      %dma_wait3A_1648 = arith.constant 0 : i32
      %dma_wait3A_1649 = tpu.memref_slice %arg7[%dma_wait3A_1636, %dma_wait3A_1647, %dma_wait3A_1648] : memref<8x128x8xf32, #tpu.memory_space<vmem>> -> memref<1x128x8xf32, #tpu.memory_space<vmem>>
      %dma_wait3A_1650 = tpu.memref_squeeze %dma_wait3A_1649 : memref<1x128x8xf32, #tpu.memory_space<vmem>> -> memref<128x8xf32, #tpu.memory_space<vmem>>
      %dma_wait3A_1651 = arith.constant 0 : i32
      %dma_wait3A_1652 = tpu.memref_slice %arg2[%add3A_9, %add3A_1597, %dma_wait3A_1651] : memref<16x53248x8xf32, #tpu.memory_space<hbm>> -> memref<1x128x8xf32, #tpu.memory_space<hbm>>
      %dma_wait3A_1653 = tpu.memref_squeeze %dma_wait3A_1652 : memref<1x128x8xf32, #tpu.memory_space<hbm>> -> memref<128x8xf32, #tpu.memory_space<hbm>>
      tpu.wait_dma2 semaphore(%dma_wait3A_1646 : memref<!tpu.dma_semaphore, #tpu.memory_space<semaphore_mem>>) src(%dma_wait3A_1653 : memref<128x8xf32, #tpu.memory_space<hbm>>) dst(%dma_wait3A_1650 : memref<128x8xf32, #tpu.memory_space<vmem>>)
      %mul3A_1654 = arith.constant 26 : i32
      %mul3A_1655 = arith.muli %arg1, %mul3A_1654 : i32
      %add3A_1656 = arith.constant 24 : i32
      %add3A_1657 = arith.addi %mul3A_1655, %add3A_1656 : i32
      %add3A_1658 = arith.constant 0 : i32
      %add3A_1659 = arith.addi %add3A_1657, %add3A_1658 : i32
      %dma_start3A_1660 = arith.constant 0 : i32
      %dma_start3A_1661 = arith.constant 0 : i32
      %dma_start3A_1662 = arith.constant 0 : i32
      %dma_start3A_1663 = tpu.memref_slice %arg7[%dma_start3A_1660, %dma_start3A_1661, %dma_start3A_1662] : memref<8x128x8xf32, #tpu.memory_space<vmem>> -> memref<1x128x8xf32, #tpu.memory_space<vmem>>
      %dma_start3A_1664 = tpu.memref_squeeze %dma_start3A_1663 : memref<1x128x8xf32, #tpu.memory_space<vmem>> -> memref<128x8xf32, #tpu.memory_space<vmem>>
      %dma_start3A_1665 = arith.constant 0 : i32
      %dma_start3A_1666 = tpu.memref_slice %arg6[%add3A_1659, %dma_start3A_1665] : memref<416x128xi32, #tpu.memory_space<vmem>> -> memref<1x128xi32, #tpu.memory_space<vmem>>
      %dma_start3A_1667 = tpu.memref_squeeze %dma_start3A_1666 : memref<1x128xi32, #tpu.memory_space<vmem>> -> memref<128xi32, #tpu.memory_space<vmem>>
      %dma_start3A_1668 = arith.constant 0 : i32
      %dma_start3A_1669 = arith.constant 0 : i32
      %dma_start3A_1670 = tpu.memref_slice %arg8[%dma_start3A_1668, %dma_start3A_1669] : memref<2176x8xf32, #tpu.memory_space<vmem_shared>> -> memref<2176x8xf32, #tpu.memory_space<vmem_shared>>
      tpu.enqueue_indirect_dma source(%dma_start3A_1664 : memref<128x8xf32, #tpu.memory_space<vmem>>) target(%dma_start3A_1670 : memref<2176x8xf32, #tpu.memory_space<vmem_shared>>) offsets(%dma_start3A_1667 : memref<128xi32, #tpu.memory_space<vmem>>) semaphore(%arg10 : memref<!tpu.dma_semaphore, #tpu.memory_space<semaphore_mem>>) {add = true}
      %dma_wait3A_1671 = arith.constant 1 : i32
      %dma_wait3A_1672 = arith.constant 1 : i32
      %dma_wait3A_1673 = arith.constant 0 : i32
      %dma_wait3A_1674 = arith.constant 0 : i32
      %dma_wait3A_1675 = tpu.memref_slice %arg7[%dma_wait3A_1671, %dma_wait3A_1673, %dma_wait3A_1674] : memref<8x128x8xf32, #tpu.memory_space<vmem>> -> memref<1x128x8xf32, #tpu.memory_space<vmem>>
      %dma_wait3A_1676 = tpu.memref_squeeze %dma_wait3A_1675 : memref<1x128x8xf32, #tpu.memory_space<vmem>> -> memref<128x8xf32, #tpu.memory_space<vmem>>
      %dma_wait3A_1677 = arith.constant 0 : i32
      %dma_wait3A_1678 = tpu.memref_slice %arg2[%add3A_9, %add3A_1617, %dma_wait3A_1677] : memref<16x53248x8xf32, #tpu.memory_space<hbm>> -> memref<1x128x8xf32, #tpu.memory_space<hbm>>
      %dma_wait3A_1679 = tpu.memref_squeeze %dma_wait3A_1678 : memref<1x128x8xf32, #tpu.memory_space<hbm>> -> memref<128x8xf32, #tpu.memory_space<hbm>>
      %dma_wait3A_1680 = tpu.memref_slice %arg9[%dma_wait3A_1672] : memref<8x!tpu.dma_semaphore, #tpu.memory_space<semaphore_mem>> -> memref<1x!tpu.dma_semaphore, #tpu.memory_space<semaphore_mem>>
      %dma_wait3A_1681 = tpu.memref_squeeze %dma_wait3A_1680 : memref<1x!tpu.dma_semaphore, #tpu.memory_space<semaphore_mem>> -> memref<!tpu.dma_semaphore, #tpu.memory_space<semaphore_mem>>
      %dma_wait3A_1682 = arith.constant 0 : i32
      %dma_wait3A_1683 = arith.constant 0 : i32
      %dma_wait3A_1684 = tpu.memref_slice %arg7[%dma_wait3A_1671, %dma_wait3A_1682, %dma_wait3A_1683] : memref<8x128x8xf32, #tpu.memory_space<vmem>> -> memref<1x128x8xf32, #tpu.memory_space<vmem>>
      %dma_wait3A_1685 = tpu.memref_squeeze %dma_wait3A_1684 : memref<1x128x8xf32, #tpu.memory_space<vmem>> -> memref<128x8xf32, #tpu.memory_space<vmem>>
      %dma_wait3A_1686 = arith.constant 0 : i32
      %dma_wait3A_1687 = tpu.memref_slice %arg2[%add3A_9, %add3A_1617, %dma_wait3A_1686] : memref<16x53248x8xf32, #tpu.memory_space<hbm>> -> memref<1x128x8xf32, #tpu.memory_space<hbm>>
      %dma_wait3A_1688 = tpu.memref_squeeze %dma_wait3A_1687 : memref<1x128x8xf32, #tpu.memory_space<hbm>> -> memref<128x8xf32, #tpu.memory_space<hbm>>
      tpu.wait_dma2 semaphore(%dma_wait3A_1681 : memref<!tpu.dma_semaphore, #tpu.memory_space<semaphore_mem>>) src(%dma_wait3A_1688 : memref<128x8xf32, #tpu.memory_space<hbm>>) dst(%dma_wait3A_1685 : memref<128x8xf32, #tpu.memory_space<vmem>>)
      %mul3A_1689 = arith.constant 26 : i32
      %mul3A_1690 = arith.muli %arg1, %mul3A_1689 : i32
      %add3A_1691 = arith.constant 24 : i32
      %add3A_1692 = arith.addi %mul3A_1690, %add3A_1691 : i32
      %add3A_1693 = arith.constant 1 : i32
      %add3A_1694 = arith.addi %add3A_1692, %add3A_1693 : i32
      %dma_start3A_1695 = arith.constant 1 : i32
      %dma_start3A_1696 = arith.constant 0 : i32
      %dma_start3A_1697 = arith.constant 0 : i32
      %dma_start3A_1698 = tpu.memref_slice %arg7[%dma_start3A_1695, %dma_start3A_1696, %dma_start3A_1697] : memref<8x128x8xf32, #tpu.memory_space<vmem>> -> memref<1x128x8xf32, #tpu.memory_space<vmem>>
      %dma_start3A_1699 = tpu.memref_squeeze %dma_start3A_1698 : memref<1x128x8xf32, #tpu.memory_space<vmem>> -> memref<128x8xf32, #tpu.memory_space<vmem>>
      %dma_start3A_1700 = arith.constant 0 : i32
      %dma_start3A_1701 = tpu.memref_slice %arg6[%add3A_1694, %dma_start3A_1700] : memref<416x128xi32, #tpu.memory_space<vmem>> -> memref<1x128xi32, #tpu.memory_space<vmem>>
      %dma_start3A_1702 = tpu.memref_squeeze %dma_start3A_1701 : memref<1x128xi32, #tpu.memory_space<vmem>> -> memref<128xi32, #tpu.memory_space<vmem>>
      %dma_start3A_1703 = arith.constant 0 : i32
      %dma_start3A_1704 = arith.constant 0 : i32
      %dma_start3A_1705 = tpu.memref_slice %arg8[%dma_start3A_1703, %dma_start3A_1704] : memref<2176x8xf32, #tpu.memory_space<vmem_shared>> -> memref<2176x8xf32, #tpu.memory_space<vmem_shared>>
      tpu.enqueue_indirect_dma source(%dma_start3A_1699 : memref<128x8xf32, #tpu.memory_space<vmem>>) target(%dma_start3A_1705 : memref<2176x8xf32, #tpu.memory_space<vmem_shared>>) offsets(%dma_start3A_1702 : memref<128xi32, #tpu.memory_space<vmem>>) semaphore(%arg10 : memref<!tpu.dma_semaphore, #tpu.memory_space<semaphore_mem>>) {add = true}
      %dma_wait3A_1706 = arith.constant 0 : i32
      %dma_wait3A_1707 = arith.constant 0 : i32
      %dma_wait3A_1708 = arith.constant 0 : i32
      %dma_wait3A_1709 = tpu.memref_slice %arg7[%dma_wait3A_1706, %dma_wait3A_1707, %dma_wait3A_1708] : memref<8x128x8xf32, #tpu.memory_space<vmem>> -> memref<1x128x8xf32, #tpu.memory_space<vmem>>
      %dma_wait3A_1710 = tpu.memref_squeeze %dma_wait3A_1709 : memref<1x128x8xf32, #tpu.memory_space<vmem>> -> memref<128x8xf32, #tpu.memory_space<vmem>>
      %dma_wait3A_1711 = arith.constant 0 : i32
      %dma_wait3A_1712 = tpu.memref_slice %arg6[%add3A_1659, %dma_wait3A_1711] : memref<416x128xi32, #tpu.memory_space<vmem>> -> memref<1x128xi32, #tpu.memory_space<vmem>>
      %dma_wait3A_1713 = tpu.memref_squeeze %dma_wait3A_1712 : memref<1x128xi32, #tpu.memory_space<vmem>> -> memref<128xi32, #tpu.memory_space<vmem>>
      %dma_wait3A_1714 = arith.constant 0 : i32
      %dma_wait3A_1715 = arith.constant 0 : i32
      %dma_wait3A_1716 = tpu.memref_slice %arg8[%dma_wait3A_1714, %dma_wait3A_1715] : memref<2176x8xf32, #tpu.memory_space<vmem_shared>> -> memref<2176x8xf32, #tpu.memory_space<vmem_shared>>
      tpu.wait_indirect_dma semaphore(%arg10 : memref<!tpu.dma_semaphore, #tpu.memory_space<semaphore_mem>>) src(%dma_wait3A_1710 : memref<128x8xf32, #tpu.memory_space<vmem>>) dst(%dma_wait3A_1716 : memref<2176x8xf32, #tpu.memory_space<vmem_shared>>)
      %dma_wait3A_1717 = arith.constant 1 : i32
      %dma_wait3A_1718 = arith.constant 0 : i32
      %dma_wait3A_1719 = arith.constant 0 : i32
      %dma_wait3A_1720 = tpu.memref_slice %arg7[%dma_wait3A_1717, %dma_wait3A_1718, %dma_wait3A_1719] : memref<8x128x8xf32, #tpu.memory_space<vmem>> -> memref<1x128x8xf32, #tpu.memory_space<vmem>>
      %dma_wait3A_1721 = tpu.memref_squeeze %dma_wait3A_1720 : memref<1x128x8xf32, #tpu.memory_space<vmem>> -> memref<128x8xf32, #tpu.memory_space<vmem>>
      %dma_wait3A_1722 = arith.constant 0 : i32
      %dma_wait3A_1723 = tpu.memref_slice %arg6[%add3A_1694, %dma_wait3A_1722] : memref<416x128xi32, #tpu.memory_space<vmem>> -> memref<1x128xi32, #tpu.memory_space<vmem>>
      %dma_wait3A_1724 = tpu.memref_squeeze %dma_wait3A_1723 : memref<1x128xi32, #tpu.memory_space<vmem>> -> memref<128xi32, #tpu.memory_space<vmem>>
      %dma_wait3A_1725 = arith.constant 0 : i32
      %dma_wait3A_1726 = arith.constant 0 : i32
      %dma_wait3A_1727 = tpu.memref_slice %arg8[%dma_wait3A_1725, %dma_wait3A_1726] : memref<2176x8xf32, #tpu.memory_space<vmem_shared>> -> memref<2176x8xf32, #tpu.memory_space<vmem_shared>>
      tpu.wait_indirect_dma semaphore(%arg10 : memref<!tpu.dma_semaphore, #tpu.memory_space<semaphore_mem>>) src(%dma_wait3A_1721 : memref<128x8xf32, #tpu.memory_space<vmem>>) dst(%dma_wait3A_1727 : memref<2176x8xf32, #tpu.memory_space<vmem_shared>>)
      %barrier3A_1728 = arith.constant 0 : index
      tpu.barrier barrier_id(%barrier3A_1728)
      %mul3A_1729 = arith.constant 128 : i32
      %mul3A_1730 = arith.muli %arg1, %mul3A_1729 : i32
      %mul3A_1731 = arith.constant 128 : i32
      %mul3A_1732 = arith.muli %arg1, %mul3A_1731 : i32
      "tpu.region"() ({
        %run_scoped3A = tpu.sem_alloc : memref<!tpu.dma_semaphore, #tpu.memory_space<semaphore_mem>>
        %dma_start3A_1734 = arith.constant 0 : i32
        %dma_start3A_1735 = tpu.memref_slice %arg5[%add3A_9, %mul3A_1732, %dma_start3A_1734] : memref<16x2048x8xf32, #tpu.memory_space<hbm>> -> memref<1x128x8xf32, #tpu.memory_space<hbm>>
        %dma_start3A_1736 = tpu.memref_squeeze %dma_start3A_1735 : memref<1x128x8xf32, #tpu.memory_space<hbm>> -> memref<128x8xf32, #tpu.memory_space<hbm>>
        %dma_start3A_1737 = arith.constant 0 : i32
        %dma_start3A_1738 = tpu.memref_slice %arg8[%mul3A_1730, %dma_start3A_1737] : memref<2176x8xf32, #tpu.memory_space<vmem_shared>> -> memref<128x8xf32, #tpu.memory_space<vmem_shared>>
        tpu.enqueue_dma source(%dma_start3A_1738 : memref<128x8xf32, #tpu.memory_space<vmem_shared>>) target(%dma_start3A_1736 : memref<128x8xf32, #tpu.memory_space<hbm>>) target_semaphore(%run_scoped3A : memref<!tpu.dma_semaphore, #tpu.memory_space<semaphore_mem>>)
        %dma_wait3A_1739 = arith.constant 0 : i32
        %dma_wait3A_1740 = tpu.memref_slice %arg5[%add3A_9, %mul3A_1732, %dma_wait3A_1739] : memref<16x2048x8xf32, #tpu.memory_space<hbm>> -> memref<1x128x8xf32, #tpu.memory_space<hbm>>
        %dma_wait3A_1741 = tpu.memref_squeeze %dma_wait3A_1740 : memref<1x128x8xf32, #tpu.memory_space<hbm>> -> memref<128x8xf32, #tpu.memory_space<hbm>>
        %dma_wait3A_1742 = arith.constant 0 : i32
        %dma_wait3A_1743 = tpu.memref_slice %arg8[%mul3A_1730, %dma_wait3A_1742] : memref<2176x8xf32, #tpu.memory_space<vmem_shared>> -> memref<128x8xf32, #tpu.memory_space<vmem_shared>>
        tpu.wait_dma2 semaphore(%run_scoped3A : memref<!tpu.dma_semaphore, #tpu.memory_space<semaphore_mem>>) src(%dma_wait3A_1743 : memref<128x8xf32, #tpu.memory_space<vmem_shared>>) dst(%dma_wait3A_1741 : memref<128x8xf32, #tpu.memory_space<hbm>>)
        tpu.yield
      }) : () -> ()
      %barrier3A_1733 = arith.constant 0 : index
      tpu.barrier barrier_id(%barrier3A_1733)
    }
    %scan3A_3 = arith.constant 8 : i32
    return
  }
}

module attributes {stable_mosaic.version = 14 : i64} {
  func.func @_passA_body(%arg0: i32, %arg1: memref<16x400x8xf32, #tpu.memory_space<vmem>>, %arg2: memref<16x400x8xf32, #tpu.memory_space<vmem>>, %arg3: memref<1x128xf32, #tpu.memory_space<vmem>>, %arg4: memref<128x128xf32, #tpu.memory_space<vmem>>, %arg5: memref<128x128xf32, #tpu.memory_space<vmem>>, %arg6: memref<1x128xf32, #tpu.memory_space<vmem>>, %arg7: memref<400x128xf32, #tpu.memory_space<vmem>>, %arg8: memref<1x128xf32, #tpu.memory_space<vmem>>, %arg9: memref<1x128xf32, #tpu.memory_space<vmem>>) attributes {dimension_semantics = [#tpu.dimension_semantics<arbitrary>], iteration_bounds = array<i64: 125>, scalar_prefetch = 0 : i64, scratch_operands = 0 : i64, tpu.core_type = #tpu.core_type<tc>, window_params = [{transform_indices = @transform_0, window_bounds = array<i64: 16, 400, 8>}, {transform_indices = @transform_1, window_bounds = array<i64: 16, 400, 8>}, {pipeline_mode = #tpu.pipeline_mode<synchronous>, transform_indices = @transform_2, window_bounds = array<i64: 1, 128>}, {pipeline_mode = #tpu.pipeline_mode<synchronous>, transform_indices = @transform_3, window_bounds = array<i64: 128, 128>}, {pipeline_mode = #tpu.pipeline_mode<synchronous>, transform_indices = @transform_4, window_bounds = array<i64: 128, 128>}, {pipeline_mode = #tpu.pipeline_mode<synchronous>, transform_indices = @transform_5, window_bounds = array<i64: 1, 128>}, {transform_indices = @transform_6, window_bounds = array<i64: 400, 128>}, {pipeline_mode = #tpu.pipeline_mode<synchronous>, transform_indices = @transform_7, window_bounds = array<i64: 1, 128>}, {pipeline_mode = #tpu.pipeline_mode<synchronous>, transform_indices = @transform_8, window_bounds = array<i64: 1, 128>}]} {
    %get3A = arith.constant 0 : index
    %get3A_0 = arith.constant 0 : index
    %get3A_1 = arith.constant 0 : index
    %get3A_2 = vector.load %arg1[%get3A, %get3A_0, %get3A_1] : memref<16x400x8xf32, #tpu.memory_space<vmem>>, vector<1x400x8xf32>
    %get3A_3 = vector.shape_cast %get3A_2 : vector<1x400x8xf32> to vector<400x8xf32>
    %get3A_4 = arith.constant 1 : index
    %get3A_5 = arith.constant 0 : index
    %get3A_6 = arith.constant 0 : index
    %get3A_7 = vector.load %arg1[%get3A_4, %get3A_5, %get3A_6] : memref<16x400x8xf32, #tpu.memory_space<vmem>>, vector<1x400x8xf32>
    %get3A_8 = vector.shape_cast %get3A_7 : vector<1x400x8xf32> to vector<400x8xf32>
    %get3A_9 = arith.constant 2 : index
    %get3A_10 = arith.constant 0 : index
    %get3A_11 = arith.constant 0 : index
    %get3A_12 = vector.load %arg1[%get3A_9, %get3A_10, %get3A_11] : memref<16x400x8xf32, #tpu.memory_space<vmem>>, vector<1x400x8xf32>
    %get3A_13 = vector.shape_cast %get3A_12 : vector<1x400x8xf32> to vector<400x8xf32>
    %get3A_14 = arith.constant 3 : index
    %get3A_15 = arith.constant 0 : index
    %get3A_16 = arith.constant 0 : index
    %get3A_17 = vector.load %arg1[%get3A_14, %get3A_15, %get3A_16] : memref<16x400x8xf32, #tpu.memory_space<vmem>>, vector<1x400x8xf32>
    %get3A_18 = vector.shape_cast %get3A_17 : vector<1x400x8xf32> to vector<400x8xf32>
    %get3A_19 = arith.constant 4 : index
    %get3A_20 = arith.constant 0 : index
    %get3A_21 = arith.constant 0 : index
    %get3A_22 = vector.load %arg1[%get3A_19, %get3A_20, %get3A_21] : memref<16x400x8xf32, #tpu.memory_space<vmem>>, vector<1x400x8xf32>
    %get3A_23 = vector.shape_cast %get3A_22 : vector<1x400x8xf32> to vector<400x8xf32>
    %get3A_24 = arith.constant 5 : index
    %get3A_25 = arith.constant 0 : index
    %get3A_26 = arith.constant 0 : index
    %get3A_27 = vector.load %arg1[%get3A_24, %get3A_25, %get3A_26] : memref<16x400x8xf32, #tpu.memory_space<vmem>>, vector<1x400x8xf32>
    %get3A_28 = vector.shape_cast %get3A_27 : vector<1x400x8xf32> to vector<400x8xf32>
    %get3A_29 = arith.constant 6 : index
    %get3A_30 = arith.constant 0 : index
    %get3A_31 = arith.constant 0 : index
    %get3A_32 = vector.load %arg1[%get3A_29, %get3A_30, %get3A_31] : memref<16x400x8xf32, #tpu.memory_space<vmem>>, vector<1x400x8xf32>
    %get3A_33 = vector.shape_cast %get3A_32 : vector<1x400x8xf32> to vector<400x8xf32>
    %get3A_34 = arith.constant 7 : index
    %get3A_35 = arith.constant 0 : index
    %get3A_36 = arith.constant 0 : index
    %get3A_37 = vector.load %arg1[%get3A_34, %get3A_35, %get3A_36] : memref<16x400x8xf32, #tpu.memory_space<vmem>>, vector<1x400x8xf32>
    %get3A_38 = vector.shape_cast %get3A_37 : vector<1x400x8xf32> to vector<400x8xf32>
    %get3A_39 = arith.constant 8 : index
    %get3A_40 = arith.constant 0 : index
    %get3A_41 = arith.constant 0 : index
    %get3A_42 = vector.load %arg1[%get3A_39, %get3A_40, %get3A_41] : memref<16x400x8xf32, #tpu.memory_space<vmem>>, vector<1x400x8xf32>
    %get3A_43 = vector.shape_cast %get3A_42 : vector<1x400x8xf32> to vector<400x8xf32>
    %get3A_44 = arith.constant 9 : index
    %get3A_45 = arith.constant 0 : index
    %get3A_46 = arith.constant 0 : index
    %get3A_47 = vector.load %arg1[%get3A_44, %get3A_45, %get3A_46] : memref<16x400x8xf32, #tpu.memory_space<vmem>>, vector<1x400x8xf32>
    %get3A_48 = vector.shape_cast %get3A_47 : vector<1x400x8xf32> to vector<400x8xf32>
    %get3A_49 = arith.constant 10 : index
    %get3A_50 = arith.constant 0 : index
    %get3A_51 = arith.constant 0 : index
    %get3A_52 = vector.load %arg1[%get3A_49, %get3A_50, %get3A_51] : memref<16x400x8xf32, #tpu.memory_space<vmem>>, vector<1x400x8xf32>
    %get3A_53 = vector.shape_cast %get3A_52 : vector<1x400x8xf32> to vector<400x8xf32>
    %get3A_54 = arith.constant 11 : index
    %get3A_55 = arith.constant 0 : index
    %get3A_56 = arith.constant 0 : index
    %get3A_57 = vector.load %arg1[%get3A_54, %get3A_55, %get3A_56] : memref<16x400x8xf32, #tpu.memory_space<vmem>>, vector<1x400x8xf32>
    %get3A_58 = vector.shape_cast %get3A_57 : vector<1x400x8xf32> to vector<400x8xf32>
    %get3A_59 = arith.constant 12 : index
    %get3A_60 = arith.constant 0 : index
    %get3A_61 = arith.constant 0 : index
    %get3A_62 = vector.load %arg1[%get3A_59, %get3A_60, %get3A_61] : memref<16x400x8xf32, #tpu.memory_space<vmem>>, vector<1x400x8xf32>
    %get3A_63 = vector.shape_cast %get3A_62 : vector<1x400x8xf32> to vector<400x8xf32>
    %get3A_64 = arith.constant 13 : index
    %get3A_65 = arith.constant 0 : index
    %get3A_66 = arith.constant 0 : index
    %get3A_67 = vector.load %arg1[%get3A_64, %get3A_65, %get3A_66] : memref<16x400x8xf32, #tpu.memory_space<vmem>>, vector<1x400x8xf32>
    %get3A_68 = vector.shape_cast %get3A_67 : vector<1x400x8xf32> to vector<400x8xf32>
    %get3A_69 = arith.constant 14 : index
    %get3A_70 = arith.constant 0 : index
    %get3A_71 = arith.constant 0 : index
    %get3A_72 = vector.load %arg1[%get3A_69, %get3A_70, %get3A_71] : memref<16x400x8xf32, #tpu.memory_space<vmem>>, vector<1x400x8xf32>
    %get3A_73 = vector.shape_cast %get3A_72 : vector<1x400x8xf32> to vector<400x8xf32>
    %get3A_74 = arith.constant 15 : index
    %get3A_75 = arith.constant 0 : index
    %get3A_76 = arith.constant 0 : index
    %get3A_77 = vector.load %arg1[%get3A_74, %get3A_75, %get3A_76] : memref<16x400x8xf32, #tpu.memory_space<vmem>>, vector<1x400x8xf32>
    %get3A_78 = vector.shape_cast %get3A_77 : vector<1x400x8xf32> to vector<400x8xf32>
    %concatenate3A = tpu.concatenate %get3A_3, %get3A_8, %get3A_13, %get3A_18, %get3A_23, %get3A_28, %get3A_33, %get3A_38, %get3A_43, %get3A_48, %get3A_53, %get3A_58, %get3A_63, %get3A_68, %get3A_73, %get3A_78 in 1 : vector<400x8xf32>, vector<400x8xf32>, vector<400x8xf32>, vector<400x8xf32>, vector<400x8xf32>, vector<400x8xf32>, vector<400x8xf32>, vector<400x8xf32>, vector<400x8xf32>, vector<400x8xf32>, vector<400x8xf32>, vector<400x8xf32>, vector<400x8xf32>, vector<400x8xf32>, vector<400x8xf32>, vector<400x8xf32> -> vector<400x128xf32>
    %get3A_79 = arith.constant 0 : index
    %get3A_80 = arith.constant 0 : index
    %get3A_81 = arith.constant 0 : index
    %get3A_82 = vector.load %arg2[%get3A_79, %get3A_80, %get3A_81] : memref<16x400x8xf32, #tpu.memory_space<vmem>>, vector<1x400x8xf32>
    %get3A_83 = vector.shape_cast %get3A_82 : vector<1x400x8xf32> to vector<400x8xf32>
    %get3A_84 = arith.constant 1 : index
    %get3A_85 = arith.constant 0 : index
    %get3A_86 = arith.constant 0 : index
    %get3A_87 = vector.load %arg2[%get3A_84, %get3A_85, %get3A_86] : memref<16x400x8xf32, #tpu.memory_space<vmem>>, vector<1x400x8xf32>
    %get3A_88 = vector.shape_cast %get3A_87 : vector<1x400x8xf32> to vector<400x8xf32>
    %get3A_89 = arith.constant 2 : index
    %get3A_90 = arith.constant 0 : index
    %get3A_91 = arith.constant 0 : index
    %get3A_92 = vector.load %arg2[%get3A_89, %get3A_90, %get3A_91] : memref<16x400x8xf32, #tpu.memory_space<vmem>>, vector<1x400x8xf32>
    %get3A_93 = vector.shape_cast %get3A_92 : vector<1x400x8xf32> to vector<400x8xf32>
    %get3A_94 = arith.constant 3 : index
    %get3A_95 = arith.constant 0 : index
    %get3A_96 = arith.constant 0 : index
    %get3A_97 = vector.load %arg2[%get3A_94, %get3A_95, %get3A_96] : memref<16x400x8xf32, #tpu.memory_space<vmem>>, vector<1x400x8xf32>
    %get3A_98 = vector.shape_cast %get3A_97 : vector<1x400x8xf32> to vector<400x8xf32>
    %get3A_99 = arith.constant 4 : index
    %get3A_100 = arith.constant 0 : index
    %get3A_101 = arith.constant 0 : index
    %get3A_102 = vector.load %arg2[%get3A_99, %get3A_100, %get3A_101] : memref<16x400x8xf32, #tpu.memory_space<vmem>>, vector<1x400x8xf32>
    %get3A_103 = vector.shape_cast %get3A_102 : vector<1x400x8xf32> to vector<400x8xf32>
    %get3A_104 = arith.constant 5 : index
    %get3A_105 = arith.constant 0 : index
    %get3A_106 = arith.constant 0 : index
    %get3A_107 = vector.load %arg2[%get3A_104, %get3A_105, %get3A_106] : memref<16x400x8xf32, #tpu.memory_space<vmem>>, vector<1x400x8xf32>
    %get3A_108 = vector.shape_cast %get3A_107 : vector<1x400x8xf32> to vector<400x8xf32>
    %get3A_109 = arith.constant 6 : index
    %get3A_110 = arith.constant 0 : index
    %get3A_111 = arith.constant 0 : index
    %get3A_112 = vector.load %arg2[%get3A_109, %get3A_110, %get3A_111] : memref<16x400x8xf32, #tpu.memory_space<vmem>>, vector<1x400x8xf32>
    %get3A_113 = vector.shape_cast %get3A_112 : vector<1x400x8xf32> to vector<400x8xf32>
    %get3A_114 = arith.constant 7 : index
    %get3A_115 = arith.constant 0 : index
    %get3A_116 = arith.constant 0 : index
    %get3A_117 = vector.load %arg2[%get3A_114, %get3A_115, %get3A_116] : memref<16x400x8xf32, #tpu.memory_space<vmem>>, vector<1x400x8xf32>
    %get3A_118 = vector.shape_cast %get3A_117 : vector<1x400x8xf32> to vector<400x8xf32>
    %get3A_119 = arith.constant 8 : index
    %get3A_120 = arith.constant 0 : index
    %get3A_121 = arith.constant 0 : index
    %get3A_122 = vector.load %arg2[%get3A_119, %get3A_120, %get3A_121] : memref<16x400x8xf32, #tpu.memory_space<vmem>>, vector<1x400x8xf32>
    %get3A_123 = vector.shape_cast %get3A_122 : vector<1x400x8xf32> to vector<400x8xf32>
    %get3A_124 = arith.constant 9 : index
    %get3A_125 = arith.constant 0 : index
    %get3A_126 = arith.constant 0 : index
    %get3A_127 = vector.load %arg2[%get3A_124, %get3A_125, %get3A_126] : memref<16x400x8xf32, #tpu.memory_space<vmem>>, vector<1x400x8xf32>
    %get3A_128 = vector.shape_cast %get3A_127 : vector<1x400x8xf32> to vector<400x8xf32>
    %get3A_129 = arith.constant 10 : index
    %get3A_130 = arith.constant 0 : index
    %get3A_131 = arith.constant 0 : index
    %get3A_132 = vector.load %arg2[%get3A_129, %get3A_130, %get3A_131] : memref<16x400x8xf32, #tpu.memory_space<vmem>>, vector<1x400x8xf32>
    %get3A_133 = vector.shape_cast %get3A_132 : vector<1x400x8xf32> to vector<400x8xf32>
    %get3A_134 = arith.constant 11 : index
    %get3A_135 = arith.constant 0 : index
    %get3A_136 = arith.constant 0 : index
    %get3A_137 = vector.load %arg2[%get3A_134, %get3A_135, %get3A_136] : memref<16x400x8xf32, #tpu.memory_space<vmem>>, vector<1x400x8xf32>
    %get3A_138 = vector.shape_cast %get3A_137 : vector<1x400x8xf32> to vector<400x8xf32>
    %get3A_139 = arith.constant 12 : index
    %get3A_140 = arith.constant 0 : index
    %get3A_141 = arith.constant 0 : index
    %get3A_142 = vector.load %arg2[%get3A_139, %get3A_140, %get3A_141] : memref<16x400x8xf32, #tpu.memory_space<vmem>>, vector<1x400x8xf32>
    %get3A_143 = vector.shape_cast %get3A_142 : vector<1x400x8xf32> to vector<400x8xf32>
    %get3A_144 = arith.constant 13 : index
    %get3A_145 = arith.constant 0 : index
    %get3A_146 = arith.constant 0 : index
    %get3A_147 = vector.load %arg2[%get3A_144, %get3A_145, %get3A_146] : memref<16x400x8xf32, #tpu.memory_space<vmem>>, vector<1x400x8xf32>
    %get3A_148 = vector.shape_cast %get3A_147 : vector<1x400x8xf32> to vector<400x8xf32>
    %get3A_149 = arith.constant 14 : index
    %get3A_150 = arith.constant 0 : index
    %get3A_151 = arith.constant 0 : index
    %get3A_152 = vector.load %arg2[%get3A_149, %get3A_150, %get3A_151] : memref<16x400x8xf32, #tpu.memory_space<vmem>>, vector<1x400x8xf32>
    %get3A_153 = vector.shape_cast %get3A_152 : vector<1x400x8xf32> to vector<400x8xf32>
    %get3A_154 = arith.constant 15 : index
    %get3A_155 = arith.constant 0 : index
    %get3A_156 = arith.constant 0 : index
    %get3A_157 = vector.load %arg2[%get3A_154, %get3A_155, %get3A_156] : memref<16x400x8xf32, #tpu.memory_space<vmem>>, vector<1x400x8xf32>
    %get3A_158 = vector.shape_cast %get3A_157 : vector<1x400x8xf32> to vector<400x8xf32>
    %concatenate3A_159 = tpu.concatenate %get3A_83, %get3A_88, %get3A_93, %get3A_98, %get3A_103, %get3A_108, %get3A_113, %get3A_118, %get3A_123, %get3A_128, %get3A_133, %get3A_138, %get3A_143, %get3A_148, %get3A_153, %get3A_158 in 1 : vector<400x8xf32>, vector<400x8xf32>, vector<400x8xf32>, vector<400x8xf32>, vector<400x8xf32>, vector<400x8xf32>, vector<400x8xf32>, vector<400x8xf32>, vector<400x8xf32>, vector<400x8xf32>, vector<400x8xf32>, vector<400x8xf32>, vector<400x8xf32>, vector<400x8xf32>, vector<400x8xf32>, vector<400x8xf32> -> vector<400x128xf32>
    %iota3A = tpu.iota {dimensions = array<i32: 0>} : vector<400x1xi32>
    %eq3A = arith.constant 0 : i32
    %eq3A_160 = vector.broadcast %eq3A : i32 to vector<400x1xi32>
    %eq3A_161 = arith.cmpi eq, %iota3A, %eq3A_160 : vector<400x1xi32>
    %eq3A_162 = arith.constant 0 : i32
    %eq3A_163 = arith.cmpi eq, %arg0, %eq3A_162 : i32
    %and3A = vector.broadcast %eq3A_163 : i1 to vector<400x1xi1>
    %and3A_164 = arith.andi %eq3A_161, %and3A : vector<400x1xi1>
    %jit3A = arith.constant 2.816000e+03 : f32
    %jit3A_165 = arith.constant 0.000000e+00 : f32
    %broadcast_in_dim3A = vector.broadcast %jit3A : f32 to vector<400x1xf32>
    %broadcast_in_dim3A_166 = vector.broadcast %jit3A_165 : f32 to vector<400x1xf32>
    %select_n3A = arith.select %and3A_164, %broadcast_in_dim3A, %broadcast_in_dim3A_166 : vector<400x1xi1>, vector<400x1xf32>
    %mul3A = vector.broadcast %select_n3A : vector<400x1xf32> to vector<400x128xf32>
    %mul3A_167 = arith.mulf %mul3A, %concatenate3A : vector<400x128xf32>
    %sub3A = arith.subf %concatenate3A_159, %mul3A_167 : vector<400x128xf32>
    %add3A = arith.addf %concatenate3A, %sub3A : vector<400x128xf32>
    %get3A_168 = arith.constant 0 : index
    %get3A_169 = arith.constant 0 : index
    %get3A_170 = vector.load %arg4[%get3A_168, %get3A_169] : memref<128x128xf32, #tpu.memory_space<vmem>>, vector<128x128xf32>
    %dot_general3A = arith.constant dense<0.000000e+00> : vector<400x128xf32>
    %dot_general3A_171 = tpu.matmul %add3A, %get3A_170, %dot_general3A {dimension_numbers = #tpu.dot_dimension_numbers<[1], [0], [0], [1], [0, 0, 1, 1], [], []>, transpose_lhs_hint = false} : vector<400x128xf32>, vector<128x128xf32>, vector<400x128xf32> -> vector<400x128xf32>
    %get3A_172 = arith.constant 0 : index
    %get3A_173 = arith.constant 0 : index
    %get3A_174 = vector.load %arg3[%get3A_172, %get3A_173] : memref<1x128xf32, #tpu.memory_space<vmem>>, vector<1x128xf32>
    %add3A_175 = vector.broadcast %get3A_174 : vector<1x128xf32> to vector<400x128xf32>
    %add3A_176 = arith.addf %dot_general3A_171, %add3A_175 : vector<400x128xf32>
    %max3A = arith.constant 0.000000e+00 : f32
    %max3A_177 = vector.broadcast %max3A : f32 to vector<400x128xf32>
    %max3A_178 = arith.maximumf %add3A_176, %max3A_177 : vector<400x128xf32>
    %get3A_179 = arith.constant 0 : index
    %get3A_180 = arith.constant 0 : index
    %get3A_181 = vector.load %arg5[%get3A_179, %get3A_180] : memref<128x128xf32, #tpu.memory_space<vmem>>, vector<128x128xf32>
    %dot_general3A_182 = arith.constant dense<0.000000e+00> : vector<400x128xf32>
    %dot_general3A_183 = tpu.matmul %max3A_178, %get3A_181, %dot_general3A_182 {dimension_numbers = #tpu.dot_dimension_numbers<[1], [0], [0], [1], [0, 0, 1, 1], [], []>, transpose_lhs_hint = false} : vector<400x128xf32>, vector<128x128xf32>, vector<400x128xf32> -> vector<400x128xf32>
    %get3A_184 = arith.constant 0 : index
    %get3A_185 = arith.constant 0 : index
    %get3A_186 = vector.load %arg6[%get3A_184, %get3A_185] : memref<1x128xf32, #tpu.memory_space<vmem>>, vector<1x128xf32>
    %add3A_187 = vector.broadcast %get3A_186 : vector<1x128xf32> to vector<400x128xf32>
    %add3A_188 = arith.addf %dot_general3A_183, %add3A_187 : vector<400x128xf32>
    %max3A_189 = arith.constant 0.000000e+00 : f32
    %max3A_190 = vector.broadcast %max3A_189 : f32 to vector<400x128xf32>
    %max3A_191 = arith.maximumf %add3A_188, %max3A_190 : vector<400x128xf32>
    %swap3A = arith.constant 0 : index
    %swap3A_192 = arith.constant 0 : index
    %swap3A_193 = vector.load %arg7[%swap3A, %swap3A_192] : memref<400x128xf32, #tpu.memory_space<vmem>>, vector<400x128xf32>
    tpu.vector_store %arg7[%swap3A, %swap3A_192], %max3A_191 {strides = array<i32>} : memref<400x128xf32, #tpu.memory_space<vmem>>, vector<400x128xf32>,
    %eq3A_194 = arith.constant 0 : i32
    %eq3A_195 = arith.cmpi eq, %arg0, %eq3A_194 : i32
    %convert_element_type3A = arith.extui %eq3A_195 : i1 to i32
    %cond3A = arith.constant 0 : i32
    %cond3A_196 = arith.cmpi ne, %convert_element_type3A, %cond3A : i32
    scf.if %cond3A_196 {
      %broadcast_in_dim3A_217 = arith.constant 0.000000e+00 : f32
      %broadcast_in_dim3A_218 = vector.broadcast %broadcast_in_dim3A_217 : f32 to vector<1x128xf32>
      %swap3A_219 = arith.constant 0 : index
      %swap3A_220 = arith.constant 0 : index
      %swap3A_221 = vector.load %arg8[%swap3A_219, %swap3A_220] : memref<1x128xf32, #tpu.memory_space<vmem>>, vector<1x128xf32>
      tpu.vector_store %arg8[%swap3A_219, %swap3A_220], %broadcast_in_dim3A_218 {strides = array<i32>} : memref<1x128xf32, #tpu.memory_space<vmem>>, vector<1x128xf32>,
      %broadcast_in_dim3A_222 = arith.constant 0.000000e+00 : f32
      %broadcast_in_dim3A_223 = vector.broadcast %broadcast_in_dim3A_222 : f32 to vector<1x128xf32>
      %swap3A_224 = arith.constant 0 : index
      %swap3A_225 = arith.constant 0 : index
      %swap3A_226 = vector.load %arg9[%swap3A_224, %swap3A_225] : memref<1x128xf32, #tpu.memory_space<vmem>>, vector<1x128xf32>
      tpu.vector_store %arg9[%swap3A_224, %swap3A_225], %broadcast_in_dim3A_223 {strides = array<i32>} : memref<1x128xf32, #tpu.memory_space<vmem>>, vector<1x128xf32>,
    } else {
    }
    %get3A_197 = arith.constant 0 : index
    %get3A_198 = arith.constant 0 : index
    %get3A_199 = vector.load %arg8[%get3A_197, %get3A_198] : memref<1x128xf32, #tpu.memory_space<vmem>>, vector<1x128xf32>
    %reduce_sum3A = arith.constant dense<0.000000e+00> : vector<128xf32>
    %reduce_sum3A_200 = vector.multi_reduction <add>, %max3A_191, %reduce_sum3A [0] : vector<400x128xf32> to vector<128xf32>
    %broadcast_in_dim3A_201 = vector.shape_cast %reduce_sum3A_200 : vector<128xf32> to vector<1x128xf32>
    %add3A_202 = arith.addf %get3A_199, %broadcast_in_dim3A_201 : vector<1x128xf32>
    %swap3A_203 = arith.constant 0 : index
    %swap3A_204 = arith.constant 0 : index
    %swap3A_205 = vector.load %arg8[%swap3A_203, %swap3A_204] : memref<1x128xf32, #tpu.memory_space<vmem>>, vector<1x128xf32>
    tpu.vector_store %arg8[%swap3A_203, %swap3A_204], %add3A_202 {strides = array<i32>} : memref<1x128xf32, #tpu.memory_space<vmem>>, vector<1x128xf32>,
    %get3A_206 = arith.constant 0 : index
    %get3A_207 = arith.constant 0 : index
    %get3A_208 = vector.load %arg9[%get3A_206, %get3A_207] : memref<1x128xf32, #tpu.memory_space<vmem>>, vector<1x128xf32>
    %mul3A_209 = arith.mulf %max3A_191, %max3A_191 : vector<400x128xf32>
    %reduce_sum3A_210 = arith.constant dense<0.000000e+00> : vector<128xf32>
    %reduce_sum3A_211 = vector.multi_reduction <add>, %mul3A_209, %reduce_sum3A_210 [0] : vector<400x128xf32> to vector<128xf32>
    %broadcast_in_dim3A_212 = vector.shape_cast %reduce_sum3A_211 : vector<128xf32> to vector<1x128xf32>
    %add3A_213 = arith.addf %get3A_208, %broadcast_in_dim3A_212 : vector<1x128xf32>
    %swap3A_214 = arith.constant 0 : index
    %swap3A_215 = arith.constant 0 : index
    %swap3A_216 = vector.load %arg9[%swap3A_214, %swap3A_215] : memref<1x128xf32, #tpu.memory_space<vmem>>, vector<1x128xf32>
    tpu.vector_store %arg9[%swap3A_214, %swap3A_215], %add3A_213 {strides = array<i32>} : memref<1x128xf32, #tpu.memory_space<vmem>>, vector<1x128xf32>,
    return
  }
  func.func @transform_0(%arg0: i32) -> (i32, i32, i32) {
    %c0_i32 = arith.constant 0 : i32
    %c0_i32_0 = arith.constant 0 : i32
    %c0_i32_1 = arith.constant 0 : i32
    return %c0_i32, %arg0, %c0_i32_0 : i32, i32, i32
  }
  func.func @transform_1(%arg0: i32) -> (i32, i32, i32) {
    %c0_i32 = arith.constant 0 : i32
    %c0_i32_0 = arith.constant 0 : i32
    %c0_i32_1 = arith.constant 0 : i32
    return %c0_i32, %arg0, %c0_i32_0 : i32, i32, i32
  }
  func.func @transform_2(%arg0: i32) -> (i32, i32) {
    %c0_i32 = arith.constant 0 : i32
    %c0_i32_0 = arith.constant 0 : i32
    %c0_i32_1 = arith.constant 0 : i32
    return %c0_i32, %c0_i32_0 : i32, i32
  }
  func.func @transform_3(%arg0: i32) -> (i32, i32) {
    %c0_i32 = arith.constant 0 : i32
    %c0_i32_0 = arith.constant 0 : i32
    %c0_i32_1 = arith.constant 0 : i32
    return %c0_i32, %c0_i32_0 : i32, i32
  }
  func.func @transform_4(%arg0: i32) -> (i32, i32) {
    %c0_i32 = arith.constant 0 : i32
    %c0_i32_0 = arith.constant 0 : i32
    %c0_i32_1 = arith.constant 0 : i32
    return %c0_i32, %c0_i32_0 : i32, i32
  }
  func.func @transform_5(%arg0: i32) -> (i32, i32) {
    %c0_i32 = arith.constant 0 : i32
    %c0_i32_0 = arith.constant 0 : i32
    %c0_i32_1 = arith.constant 0 : i32
    return %c0_i32, %c0_i32_0 : i32, i32
  }
  func.func @transform_6(%arg0: i32) -> (i32, i32) {
    %c0_i32 = arith.constant 0 : i32
    %c0_i32_0 = arith.constant 0 : i32
    return %arg0, %c0_i32 : i32, i32
  }
  func.func @transform_7(%arg0: i32) -> (i32, i32) {
    %c0_i32 = arith.constant 0 : i32
    %c0_i32_0 = arith.constant 0 : i32
    %c0_i32_1 = arith.constant 0 : i32
    return %c0_i32, %c0_i32_0 : i32, i32
  }
  func.func @transform_8(%arg0: i32) -> (i32, i32) {
    %c0_i32 = arith.constant 0 : i32
    %c0_i32_0 = arith.constant 0 : i32
    %c0_i32_1 = arith.constant 0 : i32
    return %c0_i32, %c0_i32_0 : i32, i32
  }
}

module attributes {stable_mosaic.version = 14 : i64} {
  func.func @_passBaff_body(%arg0: i32, %arg1: memref<400x128xf32, #tpu.memory_space<vmem>>, %arg2: memref<1x128xf32, #tpu.memory_space<vmem>>, %arg3: memref<1x128xf32, #tpu.memory_space<vmem>>, %arg4: memref<1x128xf32, #tpu.memory_space<vmem>>, %arg5: memref<1x128xf32, #tpu.memory_space<vmem>>, %arg6: memref<16x400x8xf32, #tpu.memory_space<vmem>>) attributes {dimension_semantics = [#tpu.dimension_semantics<arbitrary>], iteration_bounds = array<i64: 125>, scalar_prefetch = 0 : i64, scratch_operands = 0 : i64, tpu.core_type = #tpu.core_type<tc>, window_params = [{transform_indices = @transform_0, window_bounds = array<i64: 400, 128>}, {pipeline_mode = #tpu.pipeline_mode<synchronous>, transform_indices = @transform_1, window_bounds = array<i64: 1, 128>}, {pipeline_mode = #tpu.pipeline_mode<synchronous>, transform_indices = @transform_2, window_bounds = array<i64: 1, 128>}, {pipeline_mode = #tpu.pipeline_mode<synchronous>, transform_indices = @transform_3, window_bounds = array<i64: 1, 128>}, {pipeline_mode = #tpu.pipeline_mode<synchronous>, transform_indices = @transform_4, window_bounds = array<i64: 1, 128>}, {transform_indices = @transform_5, window_bounds = array<i64: 16, 400, 8>}]} {
    %get3A = arith.constant 0 : index
    %get3A_0 = arith.constant 0 : index
    %get3A_1 = vector.load %arg2[%get3A, %get3A_0] : memref<1x128xf32, #tpu.memory_space<vmem>>, vector<1x128xf32>
    %get3A_2 = arith.constant 0 : index
    %get3A_3 = arith.constant 0 : index
    %get3A_4 = vector.load %arg3[%get3A_2, %get3A_3] : memref<1x128xf32, #tpu.memory_space<vmem>>, vector<1x128xf32>
    %get3A_5 = arith.constant 0 : index
    %get3A_6 = arith.constant 0 : index
    %get3A_7 = vector.load %arg4[%get3A_5, %get3A_6] : memref<1x128xf32, #tpu.memory_space<vmem>>, vector<1x128xf32>
    %get3A_8 = arith.constant 0 : index
    %get3A_9 = arith.constant 0 : index
    %get3A_10 = vector.load %arg5[%get3A_8, %get3A_9] : memref<1x128xf32, #tpu.memory_space<vmem>>, vector<1x128xf32>
    %mul3A = arith.constant 2.000000e-05 : f32
    %mul3A_11 = vector.broadcast %mul3A : f32 to vector<1x128xf32>
    %mul3A_12 = arith.mulf %get3A_1, %mul3A_11 : vector<1x128xf32>
    %mul3A_13 = arith.constant 2.000000e-05 : f32
    %mul3A_14 = vector.broadcast %mul3A_13 : f32 to vector<1x128xf32>
    %mul3A_15 = arith.mulf %get3A_4, %mul3A_14 : vector<1x128xf32>
    %mul3A_16 = arith.mulf %mul3A_12, %mul3A_12 : vector<1x128xf32>
    %sub3A = arith.subf %mul3A_15, %mul3A_16 : vector<1x128xf32>
    %add3A = arith.constant 9.99999974E-6 : f32
    %add3A_17 = vector.broadcast %add3A : f32 to vector<1x128xf32>
    %add3A_18 = arith.addf %sub3A, %add3A_17 : vector<1x128xf32>
    %sqrt3A = math.sqrt %add3A_18 : vector<1x128xf32>
    %div3A = arith.divf %get3A_7, %sqrt3A : vector<1x128xf32>
    %mul3A_19 = arith.mulf %mul3A_12, %div3A : vector<1x128xf32>
    %sub3A_20 = arith.subf %get3A_10, %mul3A_19 : vector<1x128xf32>
    %get3A_21 = arith.constant 0 : index
    %get3A_22 = arith.constant 0 : index
    %get3A_23 = vector.load %arg1[%get3A_21, %get3A_22] : memref<400x128xf32, #tpu.memory_space<vmem>>, vector<400x128xf32>
    %mul3A_24 = vector.broadcast %div3A : vector<1x128xf32> to vector<400x128xf32>
    %mul3A_25 = arith.mulf %get3A_23, %mul3A_24 : vector<400x128xf32>
    %add3A_26 = vector.broadcast %sub3A_20 : vector<1x128xf32> to vector<400x128xf32>
    %add3A_27 = arith.addf %mul3A_25, %add3A_26 : vector<400x128xf32>
    %slice3A = vector.extract_strided_slice %add3A_27 {offsets = [0, 0], sizes = [400, 8], strides = [1, 1]} : vector<400x128xf32> to vector<400x8xf32>
    %swap3A = arith.constant 0 : index
    %swap3A_28 = arith.constant 0 : index
    %swap3A_29 = arith.constant 0 : index
    %swap3A_30 = vector.load %arg6[%swap3A, %swap3A_28, %swap3A_29] : memref<16x400x8xf32, #tpu.memory_space<vmem>>, vector<1x400x8xf32>
    %swap3A_31 = vector.shape_cast %swap3A_30 : vector<1x400x8xf32> to vector<400x8xf32>
    %swap3A_32 = vector.shape_cast %slice3A : vector<400x8xf32> to vector<1x400x8xf32>
    tpu.vector_store %arg6[%swap3A, %swap3A_28, %swap3A_29], %swap3A_32 {strides = array<i32>} : memref<16x400x8xf32, #tpu.memory_space<vmem>>, vector<1x400x8xf32>,
    %slice3A_33 = vector.extract_strided_slice %add3A_27 {offsets = [0, 8], sizes = [400, 8], strides = [1, 1]} : vector<400x128xf32> to vector<400x8xf32>
    %swap3A_34 = arith.constant 1 : index
    %swap3A_35 = arith.constant 0 : index
    %swap3A_36 = arith.constant 0 : index
    %swap3A_37 = vector.load %arg6[%swap3A_34, %swap3A_35, %swap3A_36] : memref<16x400x8xf32, #tpu.memory_space<vmem>>, vector<1x400x8xf32>
    %swap3A_38 = vector.shape_cast %swap3A_37 : vector<1x400x8xf32> to vector<400x8xf32>
    %swap3A_39 = vector.shape_cast %slice3A_33 : vector<400x8xf32> to vector<1x400x8xf32>
    tpu.vector_store %arg6[%swap3A_34, %swap3A_35, %swap3A_36], %swap3A_39 {strides = array<i32>} : memref<16x400x8xf32, #tpu.memory_space<vmem>>, vector<1x400x8xf32>,
    %slice3A_40 = vector.extract_strided_slice %add3A_27 {offsets = [0, 16], sizes = [400, 8], strides = [1, 1]} : vector<400x128xf32> to vector<400x8xf32>
    %swap3A_41 = arith.constant 2 : index
    %swap3A_42 = arith.constant 0 : index
    %swap3A_43 = arith.constant 0 : index
    %swap3A_44 = vector.load %arg6[%swap3A_41, %swap3A_42, %swap3A_43] : memref<16x400x8xf32, #tpu.memory_space<vmem>>, vector<1x400x8xf32>
    %swap3A_45 = vector.shape_cast %swap3A_44 : vector<1x400x8xf32> to vector<400x8xf32>
    %swap3A_46 = vector.shape_cast %slice3A_40 : vector<400x8xf32> to vector<1x400x8xf32>
    tpu.vector_store %arg6[%swap3A_41, %swap3A_42, %swap3A_43], %swap3A_46 {strides = array<i32>} : memref<16x400x8xf32, #tpu.memory_space<vmem>>, vector<1x400x8xf32>,
    %slice3A_47 = vector.extract_strided_slice %add3A_27 {offsets = [0, 24], sizes = [400, 8], strides = [1, 1]} : vector<400x128xf32> to vector<400x8xf32>
    %swap3A_48 = arith.constant 3 : index
    %swap3A_49 = arith.constant 0 : index
    %swap3A_50 = arith.constant 0 : index
    %swap3A_51 = vector.load %arg6[%swap3A_48, %swap3A_49, %swap3A_50] : memref<16x400x8xf32, #tpu.memory_space<vmem>>, vector<1x400x8xf32>
    %swap3A_52 = vector.shape_cast %swap3A_51 : vector<1x400x8xf32> to vector<400x8xf32>
    %swap3A_53 = vector.shape_cast %slice3A_47 : vector<400x8xf32> to vector<1x400x8xf32>
    tpu.vector_store %arg6[%swap3A_48, %swap3A_49, %swap3A_50], %swap3A_53 {strides = array<i32>} : memref<16x400x8xf32, #tpu.memory_space<vmem>>, vector<1x400x8xf32>,
    %slice3A_54 = vector.extract_strided_slice %add3A_27 {offsets = [0, 32], sizes = [400, 8], strides = [1, 1]} : vector<400x128xf32> to vector<400x8xf32>
    %swap3A_55 = arith.constant 4 : index
    %swap3A_56 = arith.constant 0 : index
    %swap3A_57 = arith.constant 0 : index
    %swap3A_58 = vector.load %arg6[%swap3A_55, %swap3A_56, %swap3A_57] : memref<16x400x8xf32, #tpu.memory_space<vmem>>, vector<1x400x8xf32>
    %swap3A_59 = vector.shape_cast %swap3A_58 : vector<1x400x8xf32> to vector<400x8xf32>
    %swap3A_60 = vector.shape_cast %slice3A_54 : vector<400x8xf32> to vector<1x400x8xf32>
    tpu.vector_store %arg6[%swap3A_55, %swap3A_56, %swap3A_57], %swap3A_60 {strides = array<i32>} : memref<16x400x8xf32, #tpu.memory_space<vmem>>, vector<1x400x8xf32>,
    %slice3A_61 = vector.extract_strided_slice %add3A_27 {offsets = [0, 40], sizes = [400, 8], strides = [1, 1]} : vector<400x128xf32> to vector<400x8xf32>
    %swap3A_62 = arith.constant 5 : index
    %swap3A_63 = arith.constant 0 : index
    %swap3A_64 = arith.constant 0 : index
    %swap3A_65 = vector.load %arg6[%swap3A_62, %swap3A_63, %swap3A_64] : memref<16x400x8xf32, #tpu.memory_space<vmem>>, vector<1x400x8xf32>
    %swap3A_66 = vector.shape_cast %swap3A_65 : vector<1x400x8xf32> to vector<400x8xf32>
    %swap3A_67 = vector.shape_cast %slice3A_61 : vector<400x8xf32> to vector<1x400x8xf32>
    tpu.vector_store %arg6[%swap3A_62, %swap3A_63, %swap3A_64], %swap3A_67 {strides = array<i32>} : memref<16x400x8xf32, #tpu.memory_space<vmem>>, vector<1x400x8xf32>,
    %slice3A_68 = vector.extract_strided_slice %add3A_27 {offsets = [0, 48], sizes = [400, 8], strides = [1, 1]} : vector<400x128xf32> to vector<400x8xf32>
    %swap3A_69 = arith.constant 6 : index
    %swap3A_70 = arith.constant 0 : index
    %swap3A_71 = arith.constant 0 : index
    %swap3A_72 = vector.load %arg6[%swap3A_69, %swap3A_70, %swap3A_71] : memref<16x400x8xf32, #tpu.memory_space<vmem>>, vector<1x400x8xf32>
    %swap3A_73 = vector.shape_cast %swap3A_72 : vector<1x400x8xf32> to vector<400x8xf32>
    %swap3A_74 = vector.shape_cast %slice3A_68 : vector<400x8xf32> to vector<1x400x8xf32>
    tpu.vector_store %arg6[%swap3A_69, %swap3A_70, %swap3A_71], %swap3A_74 {strides = array<i32>} : memref<16x400x8xf32, #tpu.memory_space<vmem>>, vector<1x400x8xf32>,
    %slice3A_75 = vector.extract_strided_slice %add3A_27 {offsets = [0, 56], sizes = [400, 8], strides = [1, 1]} : vector<400x128xf32> to vector<400x8xf32>
    %swap3A_76 = arith.constant 7 : index
    %swap3A_77 = arith.constant 0 : index
    %swap3A_78 = arith.constant 0 : index
    %swap3A_79 = vector.load %arg6[%swap3A_76, %swap3A_77, %swap3A_78] : memref<16x400x8xf32, #tpu.memory_space<vmem>>, vector<1x400x8xf32>
    %swap3A_80 = vector.shape_cast %swap3A_79 : vector<1x400x8xf32> to vector<400x8xf32>
    %swap3A_81 = vector.shape_cast %slice3A_75 : vector<400x8xf32> to vector<1x400x8xf32>
    tpu.vector_store %arg6[%swap3A_76, %swap3A_77, %swap3A_78], %swap3A_81 {strides = array<i32>} : memref<16x400x8xf32, #tpu.memory_space<vmem>>, vector<1x400x8xf32>,
    %slice3A_82 = vector.extract_strided_slice %add3A_27 {offsets = [0, 64], sizes = [400, 8], strides = [1, 1]} : vector<400x128xf32> to vector<400x8xf32>
    %swap3A_83 = arith.constant 8 : index
    %swap3A_84 = arith.constant 0 : index
    %swap3A_85 = arith.constant 0 : index
    %swap3A_86 = vector.load %arg6[%swap3A_83, %swap3A_84, %swap3A_85] : memref<16x400x8xf32, #tpu.memory_space<vmem>>, vector<1x400x8xf32>
    %swap3A_87 = vector.shape_cast %swap3A_86 : vector<1x400x8xf32> to vector<400x8xf32>
    %swap3A_88 = vector.shape_cast %slice3A_82 : vector<400x8xf32> to vector<1x400x8xf32>
    tpu.vector_store %arg6[%swap3A_83, %swap3A_84, %swap3A_85], %swap3A_88 {strides = array<i32>} : memref<16x400x8xf32, #tpu.memory_space<vmem>>, vector<1x400x8xf32>,
    %slice3A_89 = vector.extract_strided_slice %add3A_27 {offsets = [0, 72], sizes = [400, 8], strides = [1, 1]} : vector<400x128xf32> to vector<400x8xf32>
    %swap3A_90 = arith.constant 9 : index
    %swap3A_91 = arith.constant 0 : index
    %swap3A_92 = arith.constant 0 : index
    %swap3A_93 = vector.load %arg6[%swap3A_90, %swap3A_91, %swap3A_92] : memref<16x400x8xf32, #tpu.memory_space<vmem>>, vector<1x400x8xf32>
    %swap3A_94 = vector.shape_cast %swap3A_93 : vector<1x400x8xf32> to vector<400x8xf32>
    %swap3A_95 = vector.shape_cast %slice3A_89 : vector<400x8xf32> to vector<1x400x8xf32>
    tpu.vector_store %arg6[%swap3A_90, %swap3A_91, %swap3A_92], %swap3A_95 {strides = array<i32>} : memref<16x400x8xf32, #tpu.memory_space<vmem>>, vector<1x400x8xf32>,
    %slice3A_96 = vector.extract_strided_slice %add3A_27 {offsets = [0, 80], sizes = [400, 8], strides = [1, 1]} : vector<400x128xf32> to vector<400x8xf32>
    %swap3A_97 = arith.constant 10 : index
    %swap3A_98 = arith.constant 0 : index
    %swap3A_99 = arith.constant 0 : index
    %swap3A_100 = vector.load %arg6[%swap3A_97, %swap3A_98, %swap3A_99] : memref<16x400x8xf32, #tpu.memory_space<vmem>>, vector<1x400x8xf32>
    %swap3A_101 = vector.shape_cast %swap3A_100 : vector<1x400x8xf32> to vector<400x8xf32>
    %swap3A_102 = vector.shape_cast %slice3A_96 : vector<400x8xf32> to vector<1x400x8xf32>
    tpu.vector_store %arg6[%swap3A_97, %swap3A_98, %swap3A_99], %swap3A_102 {strides = array<i32>} : memref<16x400x8xf32, #tpu.memory_space<vmem>>, vector<1x400x8xf32>,
    %slice3A_103 = vector.extract_strided_slice %add3A_27 {offsets = [0, 88], sizes = [400, 8], strides = [1, 1]} : vector<400x128xf32> to vector<400x8xf32>
    %swap3A_104 = arith.constant 11 : index
    %swap3A_105 = arith.constant 0 : index
    %swap3A_106 = arith.constant 0 : index
    %swap3A_107 = vector.load %arg6[%swap3A_104, %swap3A_105, %swap3A_106] : memref<16x400x8xf32, #tpu.memory_space<vmem>>, vector<1x400x8xf32>
    %swap3A_108 = vector.shape_cast %swap3A_107 : vector<1x400x8xf32> to vector<400x8xf32>
    %swap3A_109 = vector.shape_cast %slice3A_103 : vector<400x8xf32> to vector<1x400x8xf32>
    tpu.vector_store %arg6[%swap3A_104, %swap3A_105, %swap3A_106], %swap3A_109 {strides = array<i32>} : memref<16x400x8xf32, #tpu.memory_space<vmem>>, vector<1x400x8xf32>,
    %slice3A_110 = vector.extract_strided_slice %add3A_27 {offsets = [0, 96], sizes = [400, 8], strides = [1, 1]} : vector<400x128xf32> to vector<400x8xf32>
    %swap3A_111 = arith.constant 12 : index
    %swap3A_112 = arith.constant 0 : index
    %swap3A_113 = arith.constant 0 : index
    %swap3A_114 = vector.load %arg6[%swap3A_111, %swap3A_112, %swap3A_113] : memref<16x400x8xf32, #tpu.memory_space<vmem>>, vector<1x400x8xf32>
    %swap3A_115 = vector.shape_cast %swap3A_114 : vector<1x400x8xf32> to vector<400x8xf32>
    %swap3A_116 = vector.shape_cast %slice3A_110 : vector<400x8xf32> to vector<1x400x8xf32>
    tpu.vector_store %arg6[%swap3A_111, %swap3A_112, %swap3A_113], %swap3A_116 {strides = array<i32>} : memref<16x400x8xf32, #tpu.memory_space<vmem>>, vector<1x400x8xf32>,
    %slice3A_117 = vector.extract_strided_slice %add3A_27 {offsets = [0, 104], sizes = [400, 8], strides = [1, 1]} : vector<400x128xf32> to vector<400x8xf32>
    %swap3A_118 = arith.constant 13 : index
    %swap3A_119 = arith.constant 0 : index
    %swap3A_120 = arith.constant 0 : index
    %swap3A_121 = vector.load %arg6[%swap3A_118, %swap3A_119, %swap3A_120] : memref<16x400x8xf32, #tpu.memory_space<vmem>>, vector<1x400x8xf32>
    %swap3A_122 = vector.shape_cast %swap3A_121 : vector<1x400x8xf32> to vector<400x8xf32>
    %swap3A_123 = vector.shape_cast %slice3A_117 : vector<400x8xf32> to vector<1x400x8xf32>
    tpu.vector_store %arg6[%swap3A_118, %swap3A_119, %swap3A_120], %swap3A_123 {strides = array<i32>} : memref<16x400x8xf32, #tpu.memory_space<vmem>>, vector<1x400x8xf32>,
    %slice3A_124 = vector.extract_strided_slice %add3A_27 {offsets = [0, 112], sizes = [400, 8], strides = [1, 1]} : vector<400x128xf32> to vector<400x8xf32>
    %swap3A_125 = arith.constant 14 : index
    %swap3A_126 = arith.constant 0 : index
    %swap3A_127 = arith.constant 0 : index
    %swap3A_128 = vector.load %arg6[%swap3A_125, %swap3A_126, %swap3A_127] : memref<16x400x8xf32, #tpu.memory_space<vmem>>, vector<1x400x8xf32>
    %swap3A_129 = vector.shape_cast %swap3A_128 : vector<1x400x8xf32> to vector<400x8xf32>
    %swap3A_130 = vector.shape_cast %slice3A_124 : vector<400x8xf32> to vector<1x400x8xf32>
    tpu.vector_store %arg6[%swap3A_125, %swap3A_126, %swap3A_127], %swap3A_130 {strides = array<i32>} : memref<16x400x8xf32, #tpu.memory_space<vmem>>, vector<1x400x8xf32>,
    %slice3A_131 = vector.extract_strided_slice %add3A_27 {offsets = [0, 120], sizes = [400, 8], strides = [1, 1]} : vector<400x128xf32> to vector<400x8xf32>
    %swap3A_132 = arith.constant 15 : index
    %swap3A_133 = arith.constant 0 : index
    %swap3A_134 = arith.constant 0 : index
    %swap3A_135 = vector.load %arg6[%swap3A_132, %swap3A_133, %swap3A_134] : memref<16x400x8xf32, #tpu.memory_space<vmem>>, vector<1x400x8xf32>
    %swap3A_136 = vector.shape_cast %swap3A_135 : vector<1x400x8xf32> to vector<400x8xf32>
    %swap3A_137 = vector.shape_cast %slice3A_131 : vector<400x8xf32> to vector<1x400x8xf32>
    tpu.vector_store %arg6[%swap3A_132, %swap3A_133, %swap3A_134], %swap3A_137 {strides = array<i32>} : memref<16x400x8xf32, #tpu.memory_space<vmem>>, vector<1x400x8xf32>,
    return
  }
  func.func @transform_0(%arg0: i32) -> (i32, i32) {
    %c0_i32 = arith.constant 0 : i32
    %c0_i32_0 = arith.constant 0 : i32
    return %arg0, %c0_i32 : i32, i32
  }
  func.func @transform_1(%arg0: i32) -> (i32, i32) {
    %c0_i32 = arith.constant 0 : i32
    %c0_i32_0 = arith.constant 0 : i32
    %c0_i32_1 = arith.constant 0 : i32
    return %c0_i32, %c0_i32_0 : i32, i32
  }
  func.func @transform_2(%arg0: i32) -> (i32, i32) {
    %c0_i32 = arith.constant 0 : i32
    %c0_i32_0 = arith.constant 0 : i32
    %c0_i32_1 = arith.constant 0 : i32
    return %c0_i32, %c0_i32_0 : i32, i32
  }
  func.func @transform_3(%arg0: i32) -> (i32, i32) {
    %c0_i32 = arith.constant 0 : i32
    %c0_i32_0 = arith.constant 0 : i32
    %c0_i32_1 = arith.constant 0 : i32
    return %c0_i32, %c0_i32_0 : i32, i32
  }
  func.func @transform_4(%arg0: i32) -> (i32, i32) {
    %c0_i32 = arith.constant 0 : i32
    %c0_i32_0 = arith.constant 0 : i32
    %c0_i32_1 = arith.constant 0 : i32
    return %c0_i32, %c0_i32_0 : i32, i32
  }
  func.func @transform_5(%arg0: i32) -> (i32, i32, i32) {
    %c0_i32 = arith.constant 0 : i32
    %c0_i32_0 = arith.constant 0 : i32
    %c0_i32_1 = arith.constant 0 : i32
    return %c0_i32, %arg0, %c0_i32_0 : i32, i32, i32
  }
}

module attributes {stable_mosaic.version = 14 : i64} {
  func.func @_branch_body(%arg0: i32, %arg1: memref<4096x256xf32, #tpu.memory_space<vmem>>, %arg2: memref<256x128xf32, #tpu.memory_space<vmem>>, %arg3: memref<1x128xf32, #tpu.memory_space<vmem>>, %arg4: memref<1x128xf32, #tpu.memory_space<vmem>>, %arg5: memref<1x128xf32, #tpu.memory_space<vmem>>, %arg6: memref<4096x128xf32, #tpu.memory_space<vmem>>) attributes {dimension_semantics = [#tpu.dimension_semantics<arbitrary>], iteration_bounds = array<i64: 1>, scalar_prefetch = 0 : i64, scratch_operands = 0 : i64, tpu.core_type = #tpu.core_type<tc>, window_params = [{pipeline_mode = #tpu.pipeline_mode<synchronous>, transform_indices = @transform_0, window_bounds = array<i64: 4096, 256>}, {pipeline_mode = #tpu.pipeline_mode<synchronous>, transform_indices = @transform_1, window_bounds = array<i64: 256, 128>}, {pipeline_mode = #tpu.pipeline_mode<synchronous>, transform_indices = @transform_2, window_bounds = array<i64: 1, 128>}, {pipeline_mode = #tpu.pipeline_mode<synchronous>, transform_indices = @transform_3, window_bounds = array<i64: 1, 128>}, {pipeline_mode = #tpu.pipeline_mode<synchronous>, transform_indices = @transform_4, window_bounds = array<i64: 1, 128>}, {pipeline_mode = #tpu.pipeline_mode<synchronous>, transform_indices = @transform_5, window_bounds = array<i64: 4096, 128>}]} {
    %get3A = arith.constant 0 : index
    %get3A_0 = arith.constant 0 : index
    %get3A_1 = vector.load %arg1[%get3A, %get3A_0] : memref<4096x256xf32, #tpu.memory_space<vmem>>, vector<4096x256xf32>
    %get3A_2 = arith.constant 0 : index
    %get3A_3 = arith.constant 0 : index
    %get3A_4 = vector.load %arg2[%get3A_2, %get3A_3] : memref<256x128xf32, #tpu.memory_space<vmem>>, vector<256x128xf32>
    %dot_general3A = arith.constant dense<0.000000e+00> : vector<4096x128xf32>
    %dot_general3A_5 = tpu.matmul %get3A_1, %get3A_4, %dot_general3A {dimension_numbers = #tpu.dot_dimension_numbers<[1], [0], [0], [1], [0, 0, 1, 1], [], []>, transpose_lhs_hint = false} : vector<4096x256xf32>, vector<256x128xf32>, vector<4096x128xf32> -> vector<4096x128xf32>
    %get3A_6 = arith.constant 0 : index
    %get3A_7 = arith.constant 0 : index
    %get3A_8 = vector.load %arg3[%get3A_6, %get3A_7] : memref<1x128xf32, #tpu.memory_space<vmem>>, vector<1x128xf32>
    %add3A = vector.broadcast %get3A_8 : vector<1x128xf32> to vector<4096x128xf32>
    %add3A_9 = arith.addf %dot_general3A_5, %add3A : vector<4096x128xf32>
    %max3A = arith.constant 0.000000e+00 : f32
    %max3A_10 = vector.broadcast %max3A : f32 to vector<4096x128xf32>
    %max3A_11 = arith.maximumf %add3A_9, %max3A_10 : vector<4096x128xf32>
    %reduce_sum3A = arith.constant dense<0.000000e+00> : vector<128xf32>
    %reduce_sum3A_12 = vector.multi_reduction <add>, %max3A_11, %reduce_sum3A [0] : vector<4096x128xf32> to vector<128xf32>
    %broadcast_in_dim3A = vector.shape_cast %reduce_sum3A_12 : vector<128xf32> to vector<1x128xf32>
    %div3A = arith.constant 4.096000e+03 : f32
    %div3A_13 = vector.broadcast %div3A : f32 to vector<1x128xf32>
    %div3A_14 = arith.divf %broadcast_in_dim3A, %div3A_13 : vector<1x128xf32>
    %mul3A = arith.mulf %max3A_11, %max3A_11 : vector<4096x128xf32>
    %reduce_sum3A_15 = arith.constant dense<0.000000e+00> : vector<128xf32>
    %reduce_sum3A_16 = vector.multi_reduction <add>, %mul3A, %reduce_sum3A_15 [0] : vector<4096x128xf32> to vector<128xf32>
    %broadcast_in_dim3A_17 = vector.shape_cast %reduce_sum3A_16 : vector<128xf32> to vector<1x128xf32>
    %div3A_18 = arith.constant 4.096000e+03 : f32
    %div3A_19 = vector.broadcast %div3A_18 : f32 to vector<1x128xf32>
    %div3A_20 = arith.divf %broadcast_in_dim3A_17, %div3A_19 : vector<1x128xf32>
    %mul3A_21 = arith.mulf %div3A_14, %div3A_14 : vector<1x128xf32>
    %sub3A = arith.subf %div3A_20, %mul3A_21 : vector<1x128xf32>
    %sub3A_22 = vector.broadcast %div3A_14 : vector<1x128xf32> to vector<4096x128xf32>
    %sub3A_23 = arith.subf %max3A_11, %sub3A_22 : vector<4096x128xf32>
    %add3A_24 = arith.constant 9.99999974E-6 : f32
    %add3A_25 = vector.broadcast %add3A_24 : f32 to vector<1x128xf32>
    %add3A_26 = arith.addf %sub3A, %add3A_25 : vector<1x128xf32>
    %sqrt3A = math.sqrt %add3A_26 : vector<1x128xf32>
    %div3A_27 = vector.broadcast %sqrt3A : vector<1x128xf32> to vector<4096x128xf32>
    %div3A_28 = arith.divf %sub3A_23, %div3A_27 : vector<4096x128xf32>
    %get3A_29 = arith.constant 0 : index
    %get3A_30 = arith.constant 0 : index
    %get3A_31 = vector.load %arg4[%get3A_29, %get3A_30] : memref<1x128xf32, #tpu.memory_space<vmem>>, vector<1x128xf32>
    %mul3A_32 = vector.broadcast %get3A_31 : vector<1x128xf32> to vector<4096x128xf32>
    %mul3A_33 = arith.mulf %div3A_28, %mul3A_32 : vector<4096x128xf32>
    %get3A_34 = arith.constant 0 : index
    %get3A_35 = arith.constant 0 : index
    %get3A_36 = vector.load %arg5[%get3A_34, %get3A_35] : memref<1x128xf32, #tpu.memory_space<vmem>>, vector<1x128xf32>
    %add3A_37 = vector.broadcast %get3A_36 : vector<1x128xf32> to vector<4096x128xf32>
    %add3A_38 = arith.addf %mul3A_33, %add3A_37 : vector<4096x128xf32>
    %swap3A = arith.constant 0 : index
    %swap3A_39 = arith.constant 0 : index
    %swap3A_40 = vector.load %arg6[%swap3A, %swap3A_39] : memref<4096x128xf32, #tpu.memory_space<vmem>>, vector<4096x128xf32>
    tpu.vector_store %arg6[%swap3A, %swap3A_39], %add3A_38 {strides = array<i32>} : memref<4096x128xf32, #tpu.memory_space<vmem>>, vector<4096x128xf32>,
    return
  }
  func.func @transform_0(%arg0: i32) -> (i32, i32) {
    %c0_i32 = arith.constant 0 : i32
    %c0_i32_0 = arith.constant 0 : i32
    %c0_i32_1 = arith.constant 0 : i32
    return %c0_i32, %c0_i32_0 : i32, i32
  }
  func.func @transform_1(%arg0: i32) -> (i32, i32) {
    %c0_i32 = arith.constant 0 : i32
    %c0_i32_0 = arith.constant 0 : i32
    %c0_i32_1 = arith.constant 0 : i32
    return %c0_i32, %c0_i32_0 : i32, i32
  }
  func.func @transform_2(%arg0: i32) -> (i32, i32) {
    %c0_i32 = arith.constant 0 : i32
    %c0_i32_0 = arith.constant 0 : i32
    %c0_i32_1 = arith.constant 0 : i32
    return %c0_i32, %c0_i32_0 : i32, i32
  }
  func.func @transform_3(%arg0: i32) -> (i32, i32) {
    %c0_i32 = arith.constant 0 : i32
    %c0_i32_0 = arith.constant 0 : i32
    %c0_i32_1 = arith.constant 0 : i32
    return %c0_i32, %c0_i32_0 : i32, i32
  }
  func.func @transform_4(%arg0: i32) -> (i32, i32) {
    %c0_i32 = arith.constant 0 : i32
    %c0_i32_0 = arith.constant 0 : i32
    %c0_i32_1 = arith.constant 0 : i32
    return %c0_i32, %c0_i32_0 : i32, i32
  }
  func.func @transform_5(%arg0: i32) -> (i32, i32) {
    %c0_i32 = arith.constant 0 : i32
    %c0_i32_0 = arith.constant 0 : i32
    %c0_i32_1 = arith.constant 0 : i32
    return %c0_i32, %c0_i32_0 : i32, i32
  }
}

module attributes {stable_mosaic.version = 14 : i64} {
  func.func @_final_body(%arg0: i32, %arg1: memref<16x2048x8xf32, #tpu.memory_space<vmem>>, %arg2: memref<128x128xf32, #tpu.memory_space<vmem>>, %arg3: memref<1x128xf32, #tpu.memory_space<vmem>>, %arg4: memref<2048x128xf32, #tpu.memory_space<vmem>>) attributes {dimension_semantics = [#tpu.dimension_semantics<arbitrary>], iteration_bounds = array<i64: 1>, scalar_prefetch = 0 : i64, scratch_operands = 0 : i64, tpu.core_type = #tpu.core_type<tc>, window_params = [{pipeline_mode = #tpu.pipeline_mode<synchronous>, transform_indices = @transform_0, window_bounds = array<i64: 16, 2048, 8>}, {pipeline_mode = #tpu.pipeline_mode<synchronous>, transform_indices = @transform_1, window_bounds = array<i64: 128, 128>}, {pipeline_mode = #tpu.pipeline_mode<synchronous>, transform_indices = @transform_2, window_bounds = array<i64: 1, 128>}, {pipeline_mode = #tpu.pipeline_mode<synchronous>, transform_indices = @transform_3, window_bounds = array<i64: 2048, 128>}]} {
    %get3A = arith.constant 0 : index
    %get3A_0 = arith.constant 0 : index
    %get3A_1 = arith.constant 0 : index
    %get3A_2 = vector.load %arg1[%get3A, %get3A_0, %get3A_1] : memref<16x2048x8xf32, #tpu.memory_space<vmem>>, vector<1x2048x8xf32>
    %get3A_3 = vector.shape_cast %get3A_2 : vector<1x2048x8xf32> to vector<2048x8xf32>
    %get3A_4 = arith.constant 1 : index
    %get3A_5 = arith.constant 0 : index
    %get3A_6 = arith.constant 0 : index
    %get3A_7 = vector.load %arg1[%get3A_4, %get3A_5, %get3A_6] : memref<16x2048x8xf32, #tpu.memory_space<vmem>>, vector<1x2048x8xf32>
    %get3A_8 = vector.shape_cast %get3A_7 : vector<1x2048x8xf32> to vector<2048x8xf32>
    %get3A_9 = arith.constant 2 : index
    %get3A_10 = arith.constant 0 : index
    %get3A_11 = arith.constant 0 : index
    %get3A_12 = vector.load %arg1[%get3A_9, %get3A_10, %get3A_11] : memref<16x2048x8xf32, #tpu.memory_space<vmem>>, vector<1x2048x8xf32>
    %get3A_13 = vector.shape_cast %get3A_12 : vector<1x2048x8xf32> to vector<2048x8xf32>
    %get3A_14 = arith.constant 3 : index
    %get3A_15 = arith.constant 0 : index
    %get3A_16 = arith.constant 0 : index
    %get3A_17 = vector.load %arg1[%get3A_14, %get3A_15, %get3A_16] : memref<16x2048x8xf32, #tpu.memory_space<vmem>>, vector<1x2048x8xf32>
    %get3A_18 = vector.shape_cast %get3A_17 : vector<1x2048x8xf32> to vector<2048x8xf32>
    %get3A_19 = arith.constant 4 : index
    %get3A_20 = arith.constant 0 : index
    %get3A_21 = arith.constant 0 : index
    %get3A_22 = vector.load %arg1[%get3A_19, %get3A_20, %get3A_21] : memref<16x2048x8xf32, #tpu.memory_space<vmem>>, vector<1x2048x8xf32>
    %get3A_23 = vector.shape_cast %get3A_22 : vector<1x2048x8xf32> to vector<2048x8xf32>
    %get3A_24 = arith.constant 5 : index
    %get3A_25 = arith.constant 0 : index
    %get3A_26 = arith.constant 0 : index
    %get3A_27 = vector.load %arg1[%get3A_24, %get3A_25, %get3A_26] : memref<16x2048x8xf32, #tpu.memory_space<vmem>>, vector<1x2048x8xf32>
    %get3A_28 = vector.shape_cast %get3A_27 : vector<1x2048x8xf32> to vector<2048x8xf32>
    %get3A_29 = arith.constant 6 : index
    %get3A_30 = arith.constant 0 : index
    %get3A_31 = arith.constant 0 : index
    %get3A_32 = vector.load %arg1[%get3A_29, %get3A_30, %get3A_31] : memref<16x2048x8xf32, #tpu.memory_space<vmem>>, vector<1x2048x8xf32>
    %get3A_33 = vector.shape_cast %get3A_32 : vector<1x2048x8xf32> to vector<2048x8xf32>
    %get3A_34 = arith.constant 7 : index
    %get3A_35 = arith.constant 0 : index
    %get3A_36 = arith.constant 0 : index
    %get3A_37 = vector.load %arg1[%get3A_34, %get3A_35, %get3A_36] : memref<16x2048x8xf32, #tpu.memory_space<vmem>>, vector<1x2048x8xf32>
    %get3A_38 = vector.shape_cast %get3A_37 : vector<1x2048x8xf32> to vector<2048x8xf32>
    %get3A_39 = arith.constant 8 : index
    %get3A_40 = arith.constant 0 : index
    %get3A_41 = arith.constant 0 : index
    %get3A_42 = vector.load %arg1[%get3A_39, %get3A_40, %get3A_41] : memref<16x2048x8xf32, #tpu.memory_space<vmem>>, vector<1x2048x8xf32>
    %get3A_43 = vector.shape_cast %get3A_42 : vector<1x2048x8xf32> to vector<2048x8xf32>
    %get3A_44 = arith.constant 9 : index
    %get3A_45 = arith.constant 0 : index
    %get3A_46 = arith.constant 0 : index
    %get3A_47 = vector.load %arg1[%get3A_44, %get3A_45, %get3A_46] : memref<16x2048x8xf32, #tpu.memory_space<vmem>>, vector<1x2048x8xf32>
    %get3A_48 = vector.shape_cast %get3A_47 : vector<1x2048x8xf32> to vector<2048x8xf32>
    %get3A_49 = arith.constant 10 : index
    %get3A_50 = arith.constant 0 : index
    %get3A_51 = arith.constant 0 : index
    %get3A_52 = vector.load %arg1[%get3A_49, %get3A_50, %get3A_51] : memref<16x2048x8xf32, #tpu.memory_space<vmem>>, vector<1x2048x8xf32>
    %get3A_53 = vector.shape_cast %get3A_52 : vector<1x2048x8xf32> to vector<2048x8xf32>
    %get3A_54 = arith.constant 11 : index
    %get3A_55 = arith.constant 0 : index
    %get3A_56 = arith.constant 0 : index
    %get3A_57 = vector.load %arg1[%get3A_54, %get3A_55, %get3A_56] : memref<16x2048x8xf32, #tpu.memory_space<vmem>>, vector<1x2048x8xf32>
    %get3A_58 = vector.shape_cast %get3A_57 : vector<1x2048x8xf32> to vector<2048x8xf32>
    %get3A_59 = arith.constant 12 : index
    %get3A_60 = arith.constant 0 : index
    %get3A_61 = arith.constant 0 : index
    %get3A_62 = vector.load %arg1[%get3A_59, %get3A_60, %get3A_61] : memref<16x2048x8xf32, #tpu.memory_space<vmem>>, vector<1x2048x8xf32>
    %get3A_63 = vector.shape_cast %get3A_62 : vector<1x2048x8xf32> to vector<2048x8xf32>
    %get3A_64 = arith.constant 13 : index
    %get3A_65 = arith.constant 0 : index
    %get3A_66 = arith.constant 0 : index
    %get3A_67 = vector.load %arg1[%get3A_64, %get3A_65, %get3A_66] : memref<16x2048x8xf32, #tpu.memory_space<vmem>>, vector<1x2048x8xf32>
    %get3A_68 = vector.shape_cast %get3A_67 : vector<1x2048x8xf32> to vector<2048x8xf32>
    %get3A_69 = arith.constant 14 : index
    %get3A_70 = arith.constant 0 : index
    %get3A_71 = arith.constant 0 : index
    %get3A_72 = vector.load %arg1[%get3A_69, %get3A_70, %get3A_71] : memref<16x2048x8xf32, #tpu.memory_space<vmem>>, vector<1x2048x8xf32>
    %get3A_73 = vector.shape_cast %get3A_72 : vector<1x2048x8xf32> to vector<2048x8xf32>
    %get3A_74 = arith.constant 15 : index
    %get3A_75 = arith.constant 0 : index
    %get3A_76 = arith.constant 0 : index
    %get3A_77 = vector.load %arg1[%get3A_74, %get3A_75, %get3A_76] : memref<16x2048x8xf32, #tpu.memory_space<vmem>>, vector<1x2048x8xf32>
    %get3A_78 = vector.shape_cast %get3A_77 : vector<1x2048x8xf32> to vector<2048x8xf32>
    %concatenate3A = tpu.concatenate %get3A_3, %get3A_8, %get3A_13, %get3A_18, %get3A_23, %get3A_28, %get3A_33, %get3A_38, %get3A_43, %get3A_48, %get3A_53, %get3A_58, %get3A_63, %get3A_68, %get3A_73, %get3A_78 in 1 : vector<2048x8xf32>, vector<2048x8xf32>, vector<2048x8xf32>, vector<2048x8xf32>, vector<2048x8xf32>, vector<2048x8xf32>, vector<2048x8xf32>, vector<2048x8xf32>, vector<2048x8xf32>, vector<2048x8xf32>, vector<2048x8xf32>, vector<2048x8xf32>, vector<2048x8xf32>, vector<2048x8xf32>, vector<2048x8xf32>, vector<2048x8xf32> -> vector<2048x128xf32>
    %get3A_79 = arith.constant 0 : index
    %get3A_80 = arith.constant 0 : index
    %get3A_81 = vector.load %arg2[%get3A_79, %get3A_80] : memref<128x128xf32, #tpu.memory_space<vmem>>, vector<128x128xf32>
    %dot_general3A = arith.constant dense<0.000000e+00> : vector<2048x128xf32>
    %dot_general3A_82 = tpu.matmul %concatenate3A, %get3A_81, %dot_general3A {dimension_numbers = #tpu.dot_dimension_numbers<[1], [0], [0], [1], [0, 0, 1, 1], [], []>, transpose_lhs_hint = false} : vector<2048x128xf32>, vector<128x128xf32>, vector<2048x128xf32> -> vector<2048x128xf32>
    %get3A_83 = arith.constant 0 : index
    %get3A_84 = arith.constant 0 : index
    %get3A_85 = vector.load %arg3[%get3A_83, %get3A_84] : memref<1x128xf32, #tpu.memory_space<vmem>>, vector<1x128xf32>
    %add3A = vector.broadcast %get3A_85 : vector<1x128xf32> to vector<2048x128xf32>
    %add3A_86 = arith.addf %dot_general3A_82, %add3A : vector<2048x128xf32>
    %max3A = arith.constant 0.000000e+00 : f32
    %max3A_87 = vector.broadcast %max3A : f32 to vector<2048x128xf32>
    %max3A_88 = arith.maximumf %add3A_86, %max3A_87 : vector<2048x128xf32>
    %swap3A = arith.constant 0 : index
    %swap3A_89 = arith.constant 0 : index
    %swap3A_90 = vector.load %arg4[%swap3A, %swap3A_89] : memref<2048x128xf32, #tpu.memory_space<vmem>>, vector<2048x128xf32>
    tpu.vector_store %arg4[%swap3A, %swap3A_89], %max3A_88 {strides = array<i32>} : memref<2048x128xf32, #tpu.memory_space<vmem>>, vector<2048x128xf32>,
    return
  }
  func.func @transform_0(%arg0: i32) -> (i32, i32, i32) {
    %c0_i32 = arith.constant 0 : i32
    %c0_i32_0 = arith.constant 0 : i32
    %c0_i32_1 = arith.constant 0 : i32
    %c0_i32_2 = arith.constant 0 : i32
    return %c0_i32, %c0_i32_0, %c0_i32_1 : i32, i32, i32
  }
  func.func @transform_1(%arg0: i32) -> (i32, i32) {
    %c0_i32 = arith.constant 0 : i32
    %c0_i32_0 = arith.constant 0 : i32
    %c0_i32_1 = arith.constant 0 : i32
    return %c0_i32, %c0_i32_0 : i32, i32
  }
  func.func @transform_2(%arg0: i32) -> (i32, i32) {
    %c0_i32 = arith.constant 0 : i32
    %c0_i32_0 = arith.constant 0 : i32
    %c0_i32_1 = arith.constant 0 : i32
    return %c0_i32, %c0_i32_0 : i32, i32
  }
  func.func @transform_3(%arg0: i32) -> (i32, i32) {
    %c0_i32 = arith.constant 0 : i32
    %c0_i32_0 = arith.constant 0 : i32
    %c0_i32_1 = arith.constant 0 : i32
    return %c0_i32, %c0_i32_0 : i32, i32
  }
}

</mosaic_0001>

<sc_bundles>
// kernel: closed_call.12.cloned.1.call-start
scs
__scs_entry_jumppad:
0x0: {  	(pc) =	sbr.rel $0x88, $3  }
0x1: {  	(tag) =	ssettag $0x0;
	lr =	simm.s32 $0x1  }
0x2: {  	[smem:$0x3F80] =	sst lr;
	_ =	strace $0xD0000000  }
0x3: {  	_ = 	snop  }
0x4: {  	_ = 	snop  }
0x5: {  	_ = 	snop  }
0x6: {  	_ = 	snop  }
0x7: {  	_ = 	snop  }
__scs_overlays_trampoline_lowered:
0x8: {  	[smem:$0x3F8F] =	sst s0  }
0x9: {  	[smem:$0x3F90] =	sst s1  }
0xa: {  	[smem:$0x3F91] =	sst s2  }
0xb: {  	[smem:$0x3F92] =	sst s3  }
0xc: {  	[smem:$0x3F93] =	sst s4  }
0xd: {  	[smem:$0x3F94] =	sst s5  }
0xe: {  	[smem:$0x3F95] =	sst s6  }
0xf: {  	[smem:$0x3F96] =	sst s7  }
0x10: {  	[smem:$0x3F97] =	sst s8  }
0x11: {  	[smem:$0x3F98] =	sst s9;
	s0 =	simm.s32 @!p0 $0x0  }
0x12: {  	s1 =	sld [smem:$0x3F7E];
	s0 =	simm.s32 @p0 $0x1  }
0x13: {  	[smem:$0x3F99] =	sst s0;
	s0 =	simm.s32 @!p1 $0x0  }
0x14: {  	s2 =	sld [smem:$0x3F7D];
	s0 =	simm.s32 @p1 $0x1  }
0x15: {  	[smem:$0x3F9A] =	sst s0;
	s0 =	simm.s32 @!p2 $0x0  }
0x16: {  	s3 =	sld [smem:$0x3FDB];
	s0 =	simm.s32 @p2 $0x1  }
0x17: {  	s4 =	simm.s32 $0x1BF5;
	[smem:$0x3F9C] =	sst s0  }
0x18: {  	s0 =	sld [smem:$0x3F7F];
	_ =	swait.ge [sflag:s4], $0x0  }
0x19: {  	s7 =	sld [smem:$0x3F80]  }
0x1a: {  	s8 =	sadd.s32 $0xFFFFE003, lr  }
0x1b: {  	s9 =	sadd.s32 $0xFFFFFEF7, lr;
	s5 =	simm.s32 $0xFFFFFFFF;
	p2 =	slt.u32 s8, $0xFFFFF086  }
0x1c: {  	p1 =	slt.u32 s9, $0xF7A;
	s5 =	simm.s32 @!p2 $0x0  }
0x1d: {  	s5 =	simm.s32 @p1 $0x1;
	p0 =	seq.s32 s7, s2  }
0x1e: {  	s7 =	smul.u32 @!p0 $0xF7A, s2;
	p2 =	seq.s32 @!p0 s5, $0x0  }
0x1f: {  	s9 =	smul.u32 $0xF7A, s1;
	s8 =	simm.s32 @!p0 $0x1BF5;
	p2 =	por !p2, p0  }
0x20: {  	[sflag:s8] =	ssyncset.s32 @!p0 $0xFFFFF086;
	s6 =	sadd.s32 @!p0 s3, s7;
	s7 =	simm.s32 @!p0 $0x108  }
0x21: {  	s3 =	sadd.s32 s3, s9;
	s6 =	sadd.s32 @!p0 $0x88, s6;
	s7 =	simm.s32 @p2 $0x1082  }
0x22: {  	[simem:s7], [sflag:s8] =	dma.local @!p0 [hbm:s6], $0xF7A  }
0x23: {  	s9 =	sor.u32 $0xD0000000, s2;
	s6 =	simm.s32 $0x108;
	_ =	swait.ge @!p0 [sflag:s8], $0x0  }
0x24: {  	s3 =	sadd.s32 $0x88, s3;
	s6 =	simm.s32 @!p1 $0x1082;
	[sflag:s4] =	ssyncset.s32 $0xFFFFF086  }
0x25: {  	[simem:s6], [sflag:s4] =	dma.local [hbm:s3], $0xF7A  }
0x26: {  	[smem:$0x3F80] =	sst s1;
	(tag) =	ssettag s2;
	_ =	strace s9  }
0x27: {  	s1 =	sld [smem:$0x3F90]  }
0x28: {  	s2 =	sld [smem:$0x3F91]  }
0x29: {  	s4 =	sld [smem:$0x3F93]  }
0x2a: {  	p0 =	seq.s32 s5, $0x0;
	s5 =	sld [smem:$0x3F94]  }
0x2b: {  	s6 =	sld [smem:$0x3F95]  }
0x2c: {  	s7 =	sld [smem:$0x3F96]  }
0x2d: {  	s3 =	simm.s32 $0x108;
	s8 =	sld [smem:$0x3F97]  }
0x2e: {  	s3 =	simm.s32 @!p0 $0x1082;
	s9 =	sld [smem:$0x3F98]  }
0x2f: {  	lr =	sadd.s32 s0, s3;
	s0 =	sld [smem:$0x3F8F]  }
0x30: {  	s3 =	sld [smem:$0x3F92]  }
0x31: {  	[smem:$0x3F9B] =	sst s10  }
0x32: {  	s10 =	sld [smem:$0x3F99];
	_ =	sdelay $0x3  }
0x33: {  	p0 =	seq.s32 s10, $0x1;
	s10 =	sld [smem:$0x3F9B];
	_ =	sdelay $0x3  }
0x34: {  	[smem:$0x3F9B] =	sst s10  }
0x35: {  	s10 =	sld [smem:$0x3F9A];
	_ =	sdelay $0x3  }
0x36: {  	p1 =	seq.s32 s10, $0x1;
	s10 =	sld [smem:$0x3F9B];
	_ =	sdelay $0x3  }
0x37: {  	[smem:$0x3F9B] =	sst s10  }
0x38: {  	s10 =	sld [smem:$0x3F9C]  }
0x39: {  	_ = 	snop;
	(pc) =	sbr.ind lr, $3  }
0x3a: {  	_ = 	snop  }
0x3b: {  	_ = 	snop  }
0x3c: {  	p2 =	seq.s32 s10, $0x1;
	s10 =	sld [smem:$0x3F9B]  }
0x3d: {  	_ =	shalt  }
0x3e: {  	_ =	shalt  }
0x3f: {  	_ =	shalt  }
0x40: {  	_ =	shalt  }
0x41: {  	_ =	shalt  }
0x42: {  	_ =	shalt  }
0x43: {  	_ =	shalt  }
0x44: {  	_ =	shalt  }
0x45: {  	_ =	shalt  }
0x46: {  	_ =	shalt  }
0x47: {  	_ =	shalt  }
0x48: {  	_ =	shalt  }
0x49: {  	_ =	shalt  }
0x4a: {  	_ =	shalt  }
0x4b: {  	_ =	shalt  }
0x4c: {  	_ =	shalt  }
0x4d: {  	_ =	shalt  }
0x4e: {  	_ =	shalt  }
0x4f: {  	_ =	shalt  }
0x50: {  	_ =	shalt  }
0x51: {  	_ =	shalt  }
0x52: {  	_ =	shalt  }
0x53: {  	_ =	shalt  }
0x54: {  	_ =	shalt  }
0x55: {  	_ =	shalt  }
0x56: {  	_ =	shalt  }
0x57: {  	_ =	shalt  }
0x58: {  	_ =	shalt  }
0x59: {  	_ =	shalt  }
0x5a: {  	_ =	shalt  }
0x5b: {  	_ =	shalt  }
0x5c: {  	_ =	shalt  }
0x5d: {  	_ =	shalt  }
0x5e: {  	_ =	shalt  }
0x5f: {  	_ =	shalt  }
0x60: {  	_ =	shalt  }
0x61: {  	_ =	shalt  }
0x62: {  	_ =	shalt  }
0x63: {  	_ =	shalt  }
0x64: {  	_ =	shalt  }
0x65: {  	_ =	shalt  }
0x66: {  	_ =	shalt  }
0x67: {  	_ =	shalt  }
0x68: {  	_ =	shalt  }
0x69: {  	_ =	shalt  }
0x6a: {  	_ =	shalt  }
0x6b: {  	_ =	shalt  }
0x6c: {  	_ =	shalt  }
0x6d: {  	_ =	shalt  }
0x6e: {  	_ =	shalt  }
0x6f: {  	_ =	shalt  }
0x70: {  	_ =	shalt  }
0x71: {  	_ =	shalt  }
0x72: {  	_ =	shalt  }
0x73: {  	_ =	shalt  }
0x74: {  	_ =	shalt  }
0x75: {  	_ =	shalt  }
0x76: {  	_ =	shalt  }
0x77: {  	_ =	shalt  }
0x78: {  	_ =	shalt  }
0x79: {  	_ =	shalt  }
0x7a: {  	_ =	shalt  }
0x7b: {  	_ =	shalt  }
0x7c: {  	_ =	shalt  }
0x7d: {  	_ =	shalt  }
0x7e: {  	_ =	shalt  }
0x7f: {  	_ =	shalt  }
0x80: {  	_ =	shalt  }
0x81: {  	_ =	shalt  }
0x82: {  	_ =	shalt  }
0x83: {  	_ =	shalt  }
0x84: {  	_ =	shalt  }
0x85: {  	_ =	shalt  }
0x86: {  	_ =	shalt  }
0x87: {  	_ =	shalt  }
.Lfunc_end0:
.L_simem_size_0:
called_computation_lowered:
.L_overlay_start_0:
0x88: {  	s2 =	sld [smem:$0x3FD9]  }
0x89: {  	s3 =	sld [smem:$0x3FFE];
	_ =	sdelay $0x1  }
0x8a: {  	s1 =	srdreg.scid  }
0x8b: {  	s0 =	sand.u32 $0x1, s1  }
0x8c: {  	s14 =	sshll.u32 s0, $0xA;
	s2 =	sadd.s32 s3, s2  }
0x8d: {  	s2 =	sadd.s32 s2, s14  }
0x8e: {  	[smem:$0x3FA7] =	sst s2  }
0x8f: {  	_ = 	snop  }
0x90: {  	s2 =	sld [smem:$0x3FD0];
	_ =	sdelay $0x2  }
0x91: {  	s15 =	simm.s32 $0xA;
	s4 =	simm.s32 $0x10  }
0x92: {  	[smem:s4], [sflag:s15] =	dma.local [hbm:s2], $0x1  }
0x93: {  	_ =	swait.eq [sflag:s15], $0x1  }
0x94: {  	[sflag:s15] =	ssyncset.done $0x0  }
0x95: {  	[sflag:s15] =	ssyncadd.s32 $0xFFFFFFFF  }
0x96: {  	s16 =	sld [smem:$0x11];
	(tm) =	ssettm $0x1  }
0x97: {  	s17 =	sld [smem:$0x3FFB];
	_ =	sdelay $0x3  }
0x98: {  	_ =	strace s17  }
0x99: {  	s3 =	sld [smem:$0x3FFC];
	_ =	sdelay $0x3  }
0x9a: {  	_ =	strace s3  }
0x9b: {  	s3 =	sld [smem:$0x3FFD];
	_ =	sdelay $0x3  }
0x9c: {  	_ =	strace s3  }
0x9d: {  	_ =	strace $0x8FFFFFFF  }
0x9e: {  	s18 =	sld [smem:$0x3FDB];
	_ =	sdelay $0x1  }
0x9f: {  	s19 =	simm.s32 $_scs_section_size  }
0xa0: {  	s5 =	simm.s32 $_size__tile_overlayer_lowered;
	s6 =	simm.s32 $_tile_overlayer_lowered  }
0xa1: {  	s22 =	simm.s32 $0x1BFF;
	s21 =	sshll.u32 s6, $0x1;
	s3 =	sadd.s32 s19, s18  }
0xa2: {  	s7 =	simm.s32 $0x0;
	s20 =	sshll.u32 s5, $0x1;
	s5 =	sadd.s32 s21, s3  }
0xa3: {  	[timem:s7], [sflag:s22] =	dma.local [hbm:s5], s20  }
0xa4: {  	_ =	swait.ge [sflag:s22], s20  }
0xa5: {  	s4 =	ssub.s32 $0x0, s20;
	[sflag:s22] =	ssyncset.done $0x0  }
0xa6: {  	[sflag:s22] =	ssyncadd.s32 s4;
	_ =	sdelay $0x1  }
0xa7: {  	s23 =	simm.s32 $0x1B8B  }
0xa8: {  	_ =	swait.ge [sflag:s23], $0x1  }
0xa9: {  	[sflag:s23] =	ssyncset.done $0x0  }
0xaa: {  	s25 =	simm.s32 $0x1B8E;
	s24 =	sld [smem:$0x3FFE];
	[sflag:s23] =	ssyncadd.s32 $0xFFFFFFFF  }
0xab: {  	s26 =	simm.s32 $execute0_lowered;
	[smem:$0x3FD2] =	sst s25  }
0xac: {  	s5 =	sshll.u32 s26, $0x1;
	_ =	strace $0x80000049;
	[dreg:$0x1] =	wrdreg $0xFFFFFFFF  }
0xad: {  	s28 =	simm.s32 $_size_execute0_lowered;
	s3 =	sadd.s32 s3, s5;
	[dreg:$0x0] =	wrdreg $0x0  }
0xae: {  	s5 =	sshll.u32 s28, $0x1;
	[dreg:$0x2] =	wrdreg s3  }
0xaf: {  	[dreg:$0x3] =	wrdreg s5  }
0xb0: {  	[dreg:$0x4] =	wrdreg $0xC0  }
0xb1: {  	_ =	task [dreg:s7], $0x5FFFF  }
0xb2: {  	[dreg:$0x1] =	wrdreg $0xFFFFFFFF  }
0xb3: {  	[dreg:$0x0] =	wrdreg $0x60  }
0xb4: {  	[dreg:$0x2] =	wrdreg s24  }
0xb5: {  	[dreg:$0x3] =	wrdreg s16  }
0xb6: {  	[dreg:$0x4] =	wrdreg $0x1A8000  }
0xb7: {  	[dreg:$0x5] =	wrdreg $0x9  }
0xb8: {  	_ =	task.clear_ibuf [dreg:s7], $0x6FFFF;
	_ =	strace $0x90000049  }
0xb9: {  	s29 =	simm.s32 $0x9;
	_ =	strace $0x8000004B  }
0xba: {  	_ =	swait.ge [sflag:s29], $0x1  }
0xbb: {  	[sflag:s29] =	ssyncadd.s32 $0xFFFFFFFF  }
0xbc: {  	_ =	strace $0x9000004B  }
0xbd: {  	_ =	sfence  }
0xbe: {  	s30 =	sld [smem:$0x0];
	_ =	sdelay $0x2  }
0xbf: {  	s31 =	sshll.u32 s1, $0xD;
	s1 =	sshrl.u32 s1, $0x2  }
0xc0: {  	s3 =	sand.u32 $0x4000, s31;
	s1 =	sadd.s32 s1, s30  }
0xc1: {  	s0 =	sor.u32 s3, s0;
	s1 =	sshll.u32 s1, $0x11  }
0xc2: {  	s0 =	sor.u32 s1, s0  }
0xc3: {  	s0 =	sadd.s32 $0x8F2B, s0  }
0xc4: {  	[sflag:s0] =	ssyncadd.remote.s32 $0x1  }
0xc5: {  	_ =	sfence.sel $0xFFFF  }
0xc6: {  	[dreg:$0x0] =	wrdreg $0xFFFFFFFF;
	(pc) =	sbr.abs _section_cstart, $3  }
0xc7: {  	[dreg:$0x1] =	wrdreg $0xFFFFFFFF  }
0xc8: {  	_ =	task.clear_ibuf [dreg:s7], $0x2FFFF;
	_ =	strace $0x9FFFFFFF  }
0xc9: {  	(tm) =	ssettm $0x7FFFFFFF  }
tec
execute0_lowered:
.L_overlay_start_1:
0x0: {  	(tag) =	ssettag $0x1  }
0x1: {  	s0 =	rddreg [dreg:$0x0]  }
0x2: {  	s3 =	rddreg [dreg:$0x2]  }
0x3: {  	s2 =	simm.s32 $0x0;
	s11 =	stileid.u32;
	s1 =	srdreg.scid  }
0x4: {  	s10 =	simm.s32 $0xA;
	s14 =	simm.s32 $0x80;
	s15 =	simm.s32 $0x18800  }
0x5: {  	s16 =	simm.s32 $0x18C00;
	s17 =	simm.s32 $0x19000;
	s18 =	simm.s32 $0x19400  }
0x6: {  	s19 =	simm.s32 $0x19800;
	s20 =	simm.s32 $0x19C00;
	s21 =	simm.s32 $0x1A000  }
0x7: {  	s28 =	simm.s32 $0x4;
	s29 =	simm.s32 $0x5;
	s22 =	smul.u32 $0x1880, s11  }
0x8: {  	s30 =	simm.s32 $0x6;
	s31 =	simm.s32 $0x7;
	s6 =	smul.u32 $0xC360, s11  }
0x9: {  	[smem:$0x7FF] =	sst s2;
	s1 =	sand.u32 $0x1, s1;
	s7 =	smul.u32 $0xC35, s11  }
0xa: {  	s5 =	sadd.s32 $0xD4EE00, s0;
	s9 =	smul.u32 $0x186A0, s11;
	s26 =	sshll.u32 s11, $0x6  }
0xb: {  	p0 =	sgt.u32 s11, $0x7;
	_ =	strace $0x8000004A;
	s4 =	smul.u32 $0x61A8, s1  }
0xc: {  	s1 =	ssub.s32 $0x2, s1;
	s12 =	sor.u32 $0x1C0A, s26;
	s26 =	simm.s32 $0x3  }
0xd: {  	s2 =	sadd.s32 s22, s0;
	s8 =	sshrl.u32 s1, $0x1;
	s24 =	sshrl.u32 s6, $0x2  }
0xe: {  	s25 =	sshrl.u32 s9, $0x2;
	s22 =	simm.s32 $0x1A400;
	s23 =	sadd.s32 $0xD36600, s2  }
0xf: {  	s0 =	sadd.s32 s4, s0;
	s2 =	sadd.s32 $0xD1DE00, s2;
	[dreg:$0x4] =	wrdreg s23  }
0x10: {  	s1 =	ssub.s32 s1, s8;
	v0 =	vmov s4;
	s4 =	simm.s32 $0x0;
	[dreg:$0x5] =	wrdreg s2  }
0x11: {  	s0 =	sadd.s32 s7, s0;
	s2 =	sadd.s32 s24, s3;
	s1 =	smax.u32 s1, $0x1  }
0x12: {  	s23 =	simm.s32 $0x1;
	s8 =	sadd.s32 $0xE1EE00, s0;
	s0 =	sadd.s32 s25, s3  }
0x13: {  	[dreg:$0x6] =	wrdreg s1;
	s13 =	sshrl.u32 s2, $0x3;
	s25 =	simm.s32 $0x2  }
0x14: {  	s1 =	simm.s32 $0x9;
	s24 =	sshrl.u32 @!p0 s0, $0x3;
	s0 =	simm.s32 $0x8  }
.LBB2_1:
0x15: {  	[dreg:$0x7] =	wrdreg s4  }
0x16: {  	s2 =	simm.s32 $0x0;
	s9 =	rddreg [dreg:$0x4]  }
0x17: {  	[tilespmem:s2], [sflag:$0xA] =	stream.linear.gather [hbm4b:s9+s2], $0xC400, $0x38;
	[tilespmem:$0x1D8D8] =	vst v63  }
0x18: {  	_ =	swait.ge [sflag:s10], $0xC400  }
0x19: {  	[sflag:s10] =	ssyncset.done $0x0  }
0x1a: {  	s6 =	simm.s32 $0xC400;
	s11 =	rddreg [dreg:$0x5];
	[sflag:s10] =	ssyncadd.s32 $0xFFFF3C00  }
0x1b: {  	[tilespmem:s6], [sflag:$0xA] =	stream.linear.gather [hbm4b:s11+s2], $0xC400, $0x38;
	[tilespmem:$0x1D8D8] =	vst v63  }
0x1c: {  	_ =	swait.ge [sflag:s10], $0xC400  }
0x1d: {  	[sflag:s10] =	ssyncset.done $0x0  }
0x1e: {  	s4 =	simm.s32 $0x0;
	[sflag:s10] =	ssyncadd.s32 $0xFFFF3C00  }
0x1f: {  	v2 =	vld [tilespmem:s4+$0xC400]  }
0x20: {  	v3 =	vld [tilespmem:s4+$0xC410]  }
0x21: {  	v5 =	vld [tilespmem:s4+$0xC420]  }
0x22: {  	v4 =	vld [tilespmem:s4+$0xC430]  }
0x23: {  	v1 =	vld [tilespmem:s4+$0xC440]  }
0x24: {  	v6 =	vsub.s32 v2, v0;
	v2 =	vld [tilespmem:s4+$0xC450]  }
0x25: {  	s6 =	simm.s32 $0x200;
	v7 =	vsub.s32 v3, v0;
	v3 =	vld [tilespmem:s4+$0xC460];
	v6 =	vmin.u32 v6, $0x61A8  }
.LBB2_2:
0x26: {  	s2 =	sshra.s32 s6, $0x2;
	p1 =	seq.s32 s6, $0x30E00;
	[tilespmem:s4+$0xC400] =	vst v6;
	v6 =	vmin.u32 v7, $0x61A8;
	v5 =	vsub.s32 v5, v0;
	v7 =	vld [tilespmem:s4+$0xC470]  }
0x27: {  	v8 =	vld [tilespmem:s2+$0xC400];
	[tilespmem:s4+$0xC410] =	vst v6;
	v5 =	vmin.u32 v5, $0x61A8;
	v4 =	vsub.s32 v4, v0  }
0x28: {  	v9 =	vld [tilespmem:s2+$0xC410];
	[tilespmem:s4+$0xC420] =	vst v5;
	v4 =	vmin.u32 v4, $0x61A8;
	v1 =	vsub.s32 v1, v0  }
.Ltmp0:
0x29: {  	v5 =	vld [tilespmem:s2+$0xC420];
	[tilespmem:s4+$0xC430] =	vst v4;
	v1 =	vmin.u32 v1, $0x61A8;
	v2 =	vsub.s32 v2, v0;
	(pc) =	sbr.rel @!p1 .LBB2_2-.Ltmp0, $4  }
0x2a: {  	v4 =	vld [tilespmem:s2+$0xC430];
	[tilespmem:s4+$0xC440] =	vst v1;
	v2 =	vmin.u32 v2, $0x61A8;
	v3 =	vsub.s32 v3, v0  }
0x2b: {  	v1 =	vld [tilespmem:s2+$0xC440];
	[tilespmem:s4+$0xC450] =	vst v2;
	v3 =	vmin.u32 v3, $0x61A8;
	v6 =	vsub.s32 v7, v0  }
0x2c: {  	v7 =	vsub.s32 v8, v0;
	v2 =	vld [tilespmem:s2+$0xC450];
	[tilespmem:s4+$0xC460] =	vst v3;
	v8 =	vmin.u32 v6, $0x61A8  }
0x2d: {  	s6 =	sadd.s32 $0x200, s6;
	v6 =	vmin.u32 v7, $0x61A8;
	v7 =	vsub.s32 v9, v0;
	v3 =	vld [tilespmem:s2+$0xC460];
	[tilespmem:s4+$0xC470] =	vst v8;
	s4 =	smov.u32 s2  }
0x2e: {  	[tilespmem:s4+$0xC400] =	vst v6;
	v62 =	vmin.u32 v7, $0x61A8;
	v5 =	vsub.s32 v5, v0;
	v63 =	vld [tilespmem:s4+$0xC470]  }
0x2f: {  	[tilespmem:s4+$0xC410] =	vst v62;
	v5 =	vmin.u32 v5, $0x61A8;
	v4 =	vsub.s32 v4, v0  }
0x30: {  	[tilespmem:s4+$0xC420] =	vst v5;
	v4 =	vmin.u32 v4, $0x61A8;
	v1 =	vsub.s32 v1, v0  }
0x31: {  	[tilespmem:s4+$0xC430] =	vst v4;
	v1 =	vmin.u32 v1, $0x61A8;
	v2 =	vsub.s32 v2, v0  }
0x32: {  	[tilespmem:s4+$0xC440] =	vst v1;
	v1 =	vmin.u32 v2, $0x61A8;
	v2 =	vsub.s32 v3, v0  }
0x33: {  	[tilespmem:s4+$0xC450] =	vst v1;
	v1 =	vmin.u32 v2, $0x61A8;
	v2 =	vsub.s32 v63, v0  }
0x34: {  	[tilespmem:s4+$0xC460] =	vst v1;
	v1 =	vmin.u32 v2, $0x61A8  }
0x35: {  	[tilespmem:s4+$0xC470] =	vst v1;
	s4 =	simm.s32 $0x0  }
.LBB2_4:
0x36: {  	s2 =	rddreg [dreg:$0x1]  }
0x37: {  	[spmem:s13], [sflag:s12] =	dma.local [hbm:s2], $0x61B  }
0x38: {  	_ =	swait.ge [sflag:s10], $0x61B  }
0x39: {  	s9 =	smul.u32 $0xD000, s4;
	[sflag:s10] =	ssyncset.done $0x0  }
0x3a: {  	[sflag:s10] =	ssyncadd.s32 $0xFFFFF9E5  }
0x3b: {  	s11 =	simm.s32 $0x0;
	s6 =	sadd.s32 s5, s9;
	[bflag:$0x0] =	sbarrier.arrive $0xFFFF  }
0x3c: {  	[tilespmem:s15], [sflag:$0x1] =	stream.indirect.gather [hbm4b:s6+s14], $0x8, s11, s14, $0xb8;
	[tilespmem:$0x1D8D8] =	vst v63  }
0x3d: {  	s7 =	simm.s32 $0x80  }
0x3e: {  	[tilespmem:s16], [sflag:$0x2] =	stream.indirect.gather [hbm4b:s6+s14], $0x8, s7, s14, $0xb8;
	[tilespmem:$0x1D8D8] =	vst v63  }
0x3f: {  	s9 =	simm.s32 $0x100  }
0x40: {  	[tilespmem:s17], [sflag:$0x3] =	stream.indirect.gather [hbm4b:s6+s14], $0x8, s9, s14, $0xb8;
	[tilespmem:$0x1D8D8] =	vst v63  }
0x41: {  	s11 =	simm.s32 $0x180  }
0x42: {  	[tilespmem:s18], [sflag:$0x4] =	stream.indirect.gather [hbm4b:s6+s14], $0x8, s11, s14, $0xb8;
	[tilespmem:$0x1D8D8] =	vst v63  }
0x43: {  	s7 =	simm.s32 $0x200  }
0x44: {  	[tilespmem:s19], [sflag:$0x5] =	stream.indirect.gather [hbm4b:s6+s14], $0x8, s7, s14, $0xb8;
	[tilespmem:$0x1D8D8] =	vst v63  }
0x45: {  	s9 =	simm.s32 $0x280  }
0x46: {  	[tilespmem:s20], [sflag:$0x6] =	stream.indirect.gather [hbm4b:s6+s14], $0x8, s9, s14, $0xb8;
	[tilespmem:$0x1D8D8] =	vst v63  }
0x47: {  	s11 =	simm.s32 $0x300  }
0x48: {  	[tilespmem:s21], [sflag:$0x7] =	stream.indirect.gather [hbm4b:s6+s14], $0x8, s11, s14, $0xb8;
	[tilespmem:$0x1D8D8] =	vst v63  }
0x49: {  	s7 =	simm.s32 $0x380  }
0x4a: {  	[tilespmem:s22], [sflag:$0x8] =	stream.indirect.gather [hbm4b:s6+s14], $0x8, s7, s14, $0xb8;
	[tilespmem:$0x1D8D8] =	vst v63  }
0x4b: {  	_ =	swait.ge [sflag:s23], $0x400  }
0x4c: {  	[sflag:s23] =	ssyncset.done $0x0  }
0x4d: {  	s9 =	simm.s32 $0xC400;
	[sflag:s23] =	ssyncadd.s32 $0xFFFFFC00  }
0x4e: {  	[spmem:s3] =	stream.indirect.scatter.add.f32 [tilespmem:s15], [sflag:$0x9], $0x8, s9, s14, $0xb8;
	[tilespmem:$0x1D8D8] =	vst v63  }
0x4f: {  	_ =	swait.ge [sflag:s25], $0x400  }
0x50: {  	[sflag:s25] =	ssyncset.done $0x0  }
0x51: {  	s11 =	simm.s32 $0xC480;
	[sflag:s25] =	ssyncadd.s32 $0xFFFFFC00  }
0x52: {  	[spmem:s3] =	stream.indirect.scatter.add.f32 [tilespmem:s16], [sflag:$0x9], $0x8, s11, s14, $0xb8;
	[tilespmem:$0x1D8D8] =	vst v63  }
0x53: {  	_ =	swait.ge [sflag:s26], $0x400  }
0x54: {  	[sflag:s26] =	ssyncset.done $0x0  }
0x55: {  	s7 =	simm.s32 $0xC500;
	[sflag:s26] =	ssyncadd.s32 $0xFFFFFC00  }
0x56: {  	[spmem:s3] =	stream.indirect.scatter.add.f32 [tilespmem:s17], [sflag:$0x9], $0x8, s7, s14, $0xb8;
	[tilespmem:$0x1D8D8] =	vst v63  }
0x57: {  	_ =	swait.ge [sflag:s28], $0x400  }
0x58: {  	[sflag:s28] =	ssyncset.done $0x0  }
0x59: {  	s9 =	simm.s32 $0xC580;
	[sflag:s28] =	ssyncadd.s32 $0xFFFFFC00  }
0x5a: {  	[spmem:s3] =	stream.indirect.scatter.add.f32 [tilespmem:s18], [sflag:$0x9], $0x8, s9, s14, $0xb8;
	[tilespmem:$0x1D8D8] =	vst v63  }
0x5b: {  	_ =	swait.ge [sflag:s29], $0x400  }
0x5c: {  	[sflag:s29] =	ssyncset.done $0x0  }
0x5d: {  	s11 =	simm.s32 $0xC600;
	[sflag:s29] =	ssyncadd.s32 $0xFFFFFC00  }
0x5e: {  	[spmem:s3] =	stream.indirect.scatter.add.f32 [tilespmem:s19], [sflag:$0x9], $0x8, s11, s14, $0xb8;
	[tilespmem:$0x1D8D8] =	vst v63  }
0x5f: {  	_ =	swait.ge [sflag:s30], $0x400  }
0x60: {  	[sflag:s30] =	ssyncset.done $0x0  }
0x61: {  	s7 =	simm.s32 $0xC680;
	[sflag:s30] =	ssyncadd.s32 $0xFFFFFC00  }
0x62: {  	[spmem:s3] =	stream.indirect.scatter.add.f32 [tilespmem:s20], [sflag:$0x9], $0x8, s7, s14, $0xb8;
	[tilespmem:$0x1D8D8] =	vst v63  }
0x63: {  	_ =	swait.ge [sflag:s31], $0x400  }
0x64: {  	[sflag:s31] =	ssyncset.done $0x0  }
0x65: {  	s9 =	simm.s32 $0xC700;
	[sflag:s31] =	ssyncadd.s32 $0xFFFFFC00  }
0x66: {  	[spmem:s3] =	stream.indirect.scatter.add.f32 [tilespmem:s21], [sflag:$0x9], $0x8, s9, s14, $0xb8;
	[tilespmem:$0x1D8D8] =	vst v63  }
0x67: {  	_ =	swait.ge [sflag:s0], $0x400  }
0x68: {  	[sflag:s0] =	ssyncset.done $0x0  }
0x69: {  	s11 =	simm.s32 $0xC780;
	[sflag:s0] =	ssyncadd.s32 $0xFFFFFC00  }
0x6a: {  	[spmem:s3] =	stream.indirect.scatter.add.f32 [tilespmem:s22], [sflag:$0x9], $0x8, s11, s14, $0xb8;
	[tilespmem:$0x1D8D8] =	vst v63  }
0x6b: {  	_ =	swait.ge [sflag:s1], $0x400  }
0x6c: {  	[sflag:s1] =	ssyncset.done $0x0  }
0x6d: {  	[sflag:s1] =	ssyncadd.s32 $0xFFFFFC00  }
0x6e: {  	_ =	swait.ge [sflag:s1], $0x400  }
0x6f: {  	[sflag:s1] =	ssyncset.done $0x0  }
0x70: {  	[sflag:s1] =	ssyncadd.s32 $0xFFFFFC00  }
0x71: {  	_ =	swait.ge [sflag:s1], $0x400  }
0x72: {  	[sflag:s1] =	ssyncset.done $0x0  }
0x73: {  	[sflag:s1] =	ssyncadd.s32 $0xFFFFFC00  }
0x74: {  	_ =	swait.ge [sflag:s1], $0x400  }
0x75: {  	[sflag:s1] =	ssyncset.done $0x0  }
0x76: {  	[sflag:s1] =	ssyncadd.s32 $0xFFFFFC00  }
0x77: {  	_ =	swait.ge [sflag:s1], $0x400  }
0x78: {  	[sflag:s1] =	ssyncset.done $0x0  }
0x79: {  	[sflag:s1] =	ssyncadd.s32 $0xFFFFFC00  }
0x7a: {  	_ =	swait.ge [sflag:s1], $0x400  }
0x7b: {  	[sflag:s1] =	ssyncset.done $0x0  }
0x7c: {  	[sflag:s1] =	ssyncadd.s32 $0xFFFFFC00  }
0x7d: {  	_ =	swait.ge [sflag:s1], $0x400  }
0x7e: {  	[sflag:s1] =	ssyncset.done $0x0  }
0x7f: {  	[sflag:s1] =	ssyncadd.s32 $0xFFFFFC00  }
0x80: {  	_ =	swait.ge [sflag:s1], $0x400  }
0x81: {  	s7 =	simm.s32 $0x1000;
	s9 =	simm.s32 $0x2000;
	[sflag:s1] =	ssyncset.done $0x0  }
.LBB2_5:
0x82: {  	s11 =	sshra.s32 s7, $0x2  }
0x83: {  	[sflag:s1] =	ssyncadd.s32 $0xFFFFFC00;
	s7 =	smov.u32 s9;
	s2 =	sadd.s32 $0x1000, s9  }
0x84: {  	[tilespmem:s15], [sflag:$0x1] =	stream.indirect.gather [hbm4b:s6+s14], $0x8, s11, s14, $0xb8;
	[tilespmem:$0x1D8D8] =	vst v63  }
0x85: {  	p1 =	sne.s32 s9, $0x30000;
	s9 =	sadd.s32 $0x80, s11  }
0x86: {  	[tilespmem:s16], [sflag:$0x2] =	stream.indirect.gather [hbm4b:s6+s14], $0x8, s9, s14, $0xb8;
	[tilespmem:$0x1D8D8] =	vst v63  }
0x87: {  	s9 =	sadd.s32 $0x100, s11  }
0x88: {  	[tilespmem:s17], [sflag:$0x3] =	stream.indirect.gather [hbm4b:s6+s14], $0x8, s9, s14, $0xb8;
	[tilespmem:$0x1D8D8] =	vst v63  }
0x89: {  	s9 =	sadd.s32 $0x180, s11  }
0x8a: {  	[tilespmem:s18], [sflag:$0x4] =	stream.indirect.gather [hbm4b:s6+s14], $0x8, s9, s14, $0xb8;
	[tilespmem:$0x1D8D8] =	vst v63  }
0x8b: {  	s9 =	sadd.s32 $0x200, s11  }
0x8c: {  	[tilespmem:s19], [sflag:$0x5] =	stream.indirect.gather [hbm4b:s6+s14], $0x8, s9, s14, $0xb8;
	[tilespmem:$0x1D8D8] =	vst v63  }
0x8d: {  	s9 =	sadd.s32 $0x280, s11  }
0x8e: {  	[tilespmem:s20], [sflag:$0x6] =	stream.indirect.gather [hbm4b:s6+s14], $0x8, s9, s14, $0xb8;
	[tilespmem:$0x1D8D8] =	vst v63  }
0x8f: {  	s9 =	sadd.s32 $0x300, s11  }
0x90: {  	[tilespmem:s21], [sflag:$0x7] =	stream.indirect.gather [hbm4b:s6+s14], $0x8, s9, s14, $0xb8;
	[tilespmem:$0x1D8D8] =	vst v63  }
0x91: {  	s9 =	sadd.s32 $0x380, s11  }
0x92: {  	[tilespmem:s22], [sflag:$0x8] =	stream.indirect.gather [hbm4b:s6+s14], $0x8, s9, s14, $0xb8;
	[tilespmem:$0x1D8D8] =	vst v63  }
0x93: {  	_ =	swait.ge [sflag:s23], $0x400  }
0x94: {  	[sflag:s23] =	ssyncset.done $0x0  }
0x95: {  	s9 =	sadd.s32 $0xC400, s11;
	[sflag:s23] =	ssyncadd.s32 $0xFFFFFC00  }
0x96: {  	[spmem:s3] =	stream.indirect.scatter.add.f32 [tilespmem:s15], [sflag:$0x9], $0x8, s9, s14, $0xb8;
	[tilespmem:$0x1D8D8] =	vst v63  }
0x97: {  	_ =	swait.ge [sflag:s25], $0x400  }
0x98: {  	[sflag:s25] =	ssyncset.done $0x0  }
0x99: {  	s9 =	sadd.s32 $0xC480, s11;
	[sflag:s25] =	ssyncadd.s32 $0xFFFFFC00  }
0x9a: {  	[spmem:s3] =	stream.indirect.scatter.add.f32 [tilespmem:s16], [sflag:$0x9], $0x8, s9, s14, $0xb8;
	[tilespmem:$0x1D8D8] =	vst v63  }
0x9b: {  	_ =	swait.ge [sflag:s26], $0x400  }
0x9c: {  	[sflag:s26] =	ssyncset.done $0x0  }
0x9d: {  	s9 =	sadd.s32 $0xC500, s11;
	[sflag:s26] =	ssyncadd.s32 $0xFFFFFC00  }
0x9e: {  	[spmem:s3] =	stream.indirect.scatter.add.f32 [tilespmem:s17], [sflag:$0x9], $0x8, s9, s14, $0xb8;
	[tilespmem:$0x1D8D8] =	vst v63  }
0x9f: {  	_ =	swait.ge [sflag:s28], $0x400  }
0xa0: {  	[sflag:s28] =	ssyncset.done $0x0  }
0xa1: {  	s9 =	sadd.s32 $0xC580, s11;
	[sflag:s28] =	ssyncadd.s32 $0xFFFFFC00  }
0xa2: {  	[spmem:s3] =	stream.indirect.scatter.add.f32 [tilespmem:s18], [sflag:$0x9], $0x8, s9, s14, $0xb8;
	[tilespmem:$0x1D8D8] =	vst v63  }
0xa3: {  	_ =	swait.ge [sflag:s29], $0x400  }
0xa4: {  	[sflag:s29] =	ssyncset.done $0x0  }
0xa5: {  	s9 =	sadd.s32 $0xC600, s11;
	[sflag:s29] =	ssyncadd.s32 $0xFFFFFC00  }
0xa6: {  	[spmem:s3] =	stream.indirect.scatter.add.f32 [tilespmem:s19], [sflag:$0x9], $0x8, s9, s14, $0xb8;
	[tilespmem:$0x1D8D8] =	vst v63  }
0xa7: {  	_ =	swait.ge [sflag:s30], $0x400  }
0xa8: {  	[sflag:s30] =	ssyncset.done $0x0  }
0xa9: {  	s9 =	sadd.s32 $0xC680, s11;
	[sflag:s30] =	ssyncadd.s32 $0xFFFFFC00  }
0xaa: {  	[spmem:s3] =	stream.indirect.scatter.add.f32 [tilespmem:s20], [sflag:$0x9], $0x8, s9, s14, $0xb8;
	[tilespmem:$0x1D8D8] =	vst v63  }
0xab: {  	_ =	swait.ge [sflag:s31], $0x400  }
0xac: {  	[sflag:s31] =	ssyncset.done $0x0  }
0xad: {  	s9 =	sadd.s32 $0xC700, s11;
	[sflag:s31] =	ssyncadd.s32 $0xFFFFFC00  }
0xae: {  	[spmem:s3] =	stream.indirect.scatter.add.f32 [tilespmem:s21], [sflag:$0x9], $0x8, s9, s14, $0xb8;
	[tilespmem:$0x1D8D8] =	vst v63  }
0xaf: {  	_ =	swait.ge [sflag:s0], $0x400  }
0xb0: {  	[sflag:s0] =	ssyncset.done $0x0  }
0xb1: {  	s9 =	sadd.s32 $0xC780, s11;
	[sflag:s0] =	ssyncadd.s32 $0xFFFFFC00  }
0xb2: {  	[spmem:s3] =	stream.indirect.scatter.add.f32 [tilespmem:s22], [sflag:$0x9], $0x8, s9, s14, $0xb8;
	[tilespmem:$0x1D8D8] =	vst v63  }
0xb3: {  	_ =	swait.ge [sflag:s1], $0x400  }
0xb4: {  	[sflag:s1] =	ssyncset.done $0x0  }
0xb5: {  	[sflag:s1] =	ssyncadd.s32 $0xFFFFFC00  }
0xb6: {  	_ =	swait.ge [sflag:s1], $0x400  }
0xb7: {  	[sflag:s1] =	ssyncset.done $0x0  }
0xb8: {  	[sflag:s1] =	ssyncadd.s32 $0xFFFFFC00  }
0xb9: {  	_ =	swait.ge [sflag:s1], $0x400  }
0xba: {  	[sflag:s1] =	ssyncset.done $0x0  }
0xbb: {  	[sflag:s1] =	ssyncadd.s32 $0xFFFFFC00  }
0xbc: {  	_ =	swait.ge [sflag:s1], $0x400  }
0xbd: {  	[sflag:s1] =	ssyncset.done $0x0  }
0xbe: {  	[sflag:s1] =	ssyncadd.s32 $0xFFFFFC00  }
0xbf: {  	_ =	swait.ge [sflag:s1], $0x400  }
0xc0: {  	[sflag:s1] =	ssyncset.done $0x0  }
0xc1: {  	[sflag:s1] =	ssyncadd.s32 $0xFFFFFC00  }
0xc2: {  	_ =	swait.ge [sflag:s1], $0x400  }
0xc3: {  	[sflag:s1] =	ssyncset.done $0x0  }
0xc4: {  	[sflag:s1] =	ssyncadd.s32 $0xFFFFFC00  }
.Ltmp1:
0xc5: {  	_ =	swait.ge [sflag:s1], $0x400;
	(pc) =	sbr.rel @p1 .LBB2_5-.Ltmp1, $4  }
0xc6: {  	[sflag:s1] =	ssyncset.done $0x0  }
0xc7: {  	[sflag:s1] =	ssyncadd.s32 $0xFFFFFC00  }
0xc8: {  	_ =	swait.ge [sflag:s1], $0x400  }
0xc9: {  	s9 =	smov.u32 s2;
	[sflag:s1] =	ssyncset.done $0x0  }
0xca: {  	s2 =	sshra.s32 s7, $0x2;
	[sflag:s1] =	ssyncadd.s32 $0xFFFFFC00  }
0xcb: {  	[tilespmem:s15], [sflag:$0x1] =	stream.indirect.gather [hbm4b:s6+s14], $0x8, s2, s14, $0xb8;
	[tilespmem:$0x1D8D8] =	vst v63  }
0xcc: {  	s7 =	sadd.s32 $0x80, s2  }
0xcd: {  	[tilespmem:s16], [sflag:$0x2] =	stream.indirect.gather [hbm4b:s6+s14], $0x8, s7, s14, $0xb8;
	[tilespmem:$0x1D8D8] =	vst v63  }
0xce: {  	s11 =	sadd.s32 $0x100, s2  }
0xcf: {  	[tilespmem:s17], [sflag:$0x3] =	stream.indirect.gather [hbm4b:s6+s14], $0x8, s11, s14, $0xb8;
	[tilespmem:$0x1D8D8] =	vst v63  }
0xd0: {  	s9 =	sadd.s32 $0x180, s2  }
0xd1: {  	[tilespmem:s18], [sflag:$0x4] =	stream.indirect.gather [hbm4b:s6+s14], $0x8, s9, s14, $0xb8;
	[tilespmem:$0x1D8D8] =	vst v63  }
0xd2: {  	s11 =	sadd.s32 $0x200, s2  }
0xd3: {  	[tilespmem:s19], [sflag:$0x5] =	stream.indirect.gather [hbm4b:s6+s14], $0x8, s11, s14, $0xb8;
	[tilespmem:$0x1D8D8] =	vst v63  }
0xd4: {  	s9 =	sadd.s32 $0x280, s2  }
0xd5: {  	[tilespmem:s20], [sflag:$0x6] =	stream.indirect.gather [hbm4b:s6+s14], $0x8, s9, s14, $0xb8;
	[tilespmem:$0x1D8D8] =	vst v63  }
0xd6: {  	s11 =	sadd.s32 $0x300, s2  }
0xd7: {  	[tilespmem:s21], [sflag:$0x7] =	stream.indirect.gather [hbm4b:s6+s14], $0x8, s11, s14, $0xb8;
	[tilespmem:$0x1D8D8] =	vst v63  }
0xd8: {  	s9 =	sadd.s32 $0x380, s2  }
0xd9: {  	[tilespmem:s22], [sflag:$0x8] =	stream.indirect.gather [hbm4b:s6+s14], $0x8, s9, s14, $0xb8;
	[tilespmem:$0x1D8D8] =	vst v63  }
0xda: {  	_ =	swait.ge [sflag:s23], $0x400  }
0xdb: {  	[sflag:s23] =	ssyncset.done $0x0  }
0xdc: {  	s11 =	sadd.s32 $0xC400, s2;
	[sflag:s23] =	ssyncadd.s32 $0xFFFFFC00  }
0xdd: {  	[spmem:s3] =	stream.indirect.scatter.add.f32 [tilespmem:s15], [sflag:$0x9], $0x8, s11, s14, $0xb8;
	[tilespmem:$0x1D8D8] =	vst v63  }
0xde: {  	_ =	swait.ge [sflag:s25], $0x400  }
0xdf: {  	[sflag:s25] =	ssyncset.done $0x0  }
0xe0: {  	s7 =	sadd.s32 $0xC480, s2;
	[sflag:s25] =	ssyncadd.s32 $0xFFFFFC00  }
0xe1: {  	[spmem:s3] =	stream.indirect.scatter.add.f32 [tilespmem:s16], [sflag:$0x9], $0x8, s7, s14, $0xb8;
	[tilespmem:$0x1D8D8] =	vst v63  }
0xe2: {  	_ =	swait.ge [sflag:s26], $0x400  }
0xe3: {  	[sflag:s26] =	ssyncset.done $0x0  }
0xe4: {  	s9 =	sadd.s32 $0xC500, s2;
	[sflag:s26] =	ssyncadd.s32 $0xFFFFFC00  }
0xe5: {  	[spmem:s3] =	stream.indirect.scatter.add.f32 [tilespmem:s17], [sflag:$0x9], $0x8, s9, s14, $0xb8;
	[tilespmem:$0x1D8D8] =	vst v63  }
0xe6: {  	_ =	swait.ge [sflag:s28], $0x400  }
0xe7: {  	[sflag:s28] =	ssyncset.done $0x0  }
0xe8: {  	s11 =	sadd.s32 $0xC580, s2;
	[sflag:s28] =	ssyncadd.s32 $0xFFFFFC00  }
0xe9: {  	[spmem:s3] =	stream.indirect.scatter.add.f32 [tilespmem:s18], [sflag:$0x9], $0x8, s11, s14, $0xb8;
	[tilespmem:$0x1D8D8] =	vst v63  }
0xea: {  	_ =	swait.ge [sflag:s29], $0x400  }
0xeb: {  	[sflag:s29] =	ssyncset.done $0x0  }
0xec: {  	s7 =	sadd.s32 $0xC600, s2;
	[sflag:s29] =	ssyncadd.s32 $0xFFFFFC00  }
0xed: {  	[spmem:s3] =	stream.indirect.scatter.add.f32 [tilespmem:s19], [sflag:$0x9], $0x8, s7, s14, $0xb8;
	[tilespmem:$0x1D8D8] =	vst v63  }
0xee: {  	_ =	swait.ge [sflag:s30], $0x400  }
0xef: {  	[sflag:s30] =	ssyncset.done $0x0  }
0xf0: {  	s9 =	sadd.s32 $0xC680, s2;
	[sflag:s30] =	ssyncadd.s32 $0xFFFFFC00  }
0xf1: {  	[spmem:s3] =	stream.indirect.scatter.add.f32 [tilespmem:s20], [sflag:$0x9], $0x8, s9, s14, $0xb8;
	[tilespmem:$0x1D8D8] =	vst v63  }
0xf2: {  	_ =	swait.ge [sflag:s31], $0x400  }
0xf3: {  	[sflag:s31] =	ssyncset.done $0x0  }
0xf4: {  	s11 =	sadd.s32 $0xC700, s2;
	[sflag:s31] =	ssyncadd.s32 $0xFFFFFC00  }
0xf5: {  	[spmem:s3] =	stream.indirect.scatter.add.f32 [tilespmem:s21], [sflag:$0x9], $0x8, s11, s14, $0xb8;
	[tilespmem:$0x1D8D8] =	vst v63  }
0xf6: {  	_ =	swait.ge [sflag:s0], $0x400  }
0xf7: {  	[sflag:s0] =	ssyncset.done $0x0  }
0xf8: {  	s2 =	sadd.s32 $0xC780, s2;
	[sflag:s0] =	ssyncadd.s32 $0xFFFFFC00  }
0xf9: {  	[spmem:s3] =	stream.indirect.scatter.add.f32 [tilespmem:s22], [sflag:$0x9], $0x8, s2, s14, $0xb8;
	[tilespmem:$0x1D8D8] =	vst v63  }
0xfa: {  	_ =	swait.ge [sflag:s1], $0x400  }
0xfb: {  	[sflag:s1] =	ssyncset.done $0x0  }
0xfc: {  	[sflag:s1] =	ssyncadd.s32 $0xFFFFFC00  }
0xfd: {  	_ =	swait.ge [sflag:s1], $0x400  }
0xfe: {  	[sflag:s1] =	ssyncset.done $0x0  }
0xff: {  	[sflag:s1] =	ssyncadd.s32 $0xFFFFFC00  }
0x100: {  	_ =	swait.ge [sflag:s1], $0x400  }
0x101: {  	[sflag:s1] =	ssyncset.done $0x0  }
0x102: {  	[sflag:s1] =	ssyncadd.s32 $0xFFFFFC00  }
0x103: {  	_ =	swait.ge [sflag:s1], $0x400  }
0x104: {  	[sflag:s1] =	ssyncset.done $0x0  }
0x105: {  	[sflag:s1] =	ssyncadd.s32 $0xFFFFFC00  }
0x106: {  	_ =	swait.ge [sflag:s1], $0x400  }
0x107: {  	[sflag:s1] =	ssyncset.done $0x0  }
0x108: {  	[sflag:s1] =	ssyncadd.s32 $0xFFFFFC00  }
0x109: {  	_ =	swait.ge [sflag:s1], $0x400  }
0x10a: {  	[sflag:s1] =	ssyncset.done $0x0  }
0x10b: {  	[sflag:s1] =	ssyncadd.s32 $0xFFFFFC00  }
0x10c: {  	_ =	swait.ge [sflag:s1], $0x400  }
0x10d: {  	[sflag:s1] =	ssyncset.done $0x0  }
0x10e: {  	[sflag:s1] =	ssyncadd.s32 $0xFFFFFC00  }
0x10f: {  	_ =	swait.ge [sflag:s1], $0x400  }
0x110: {  	s2 =	smul.u32 @!p0 $0xC350, s4;
	[sflag:s1] =	ssyncset.done $0x0  }
0x111: {  	[sflag:s1] =	ssyncadd.s32 $0xFFFFFC00  }
0x112: {  	s4 =	sadd.s32 $0x1, s4;
	s2 =	sadd.s32 @!p0 s2, s8;
	[bflag:$0x0] =	sbarrier.arrive $0xFFFF  }
0x113: {  	[hbm:s2], [sflag:s12] =	dma.local @!p0 [spmem:s24], $0xC35  }
0x114: {  	p1 =	sne.s32 s4, $0x10;
	s2 =	simm.s32 @!p0 $0xA  }
.Ltmp2:
0x115: {  	_ =	swait.ge @!p0 [sflag:s2], $0xC35;
	(pc) =	sbr.rel @p1 .LBB2_4-.Ltmp2, $3  }
0x116: {  	[sflag:s2] =	ssyncset.done @!p0 $0x0  }
0x117: {  	[sflag:s2] =	ssyncadd.s32 @!p0 $0xFFFFF3CB  }
0x118: {  	[bflag:$0x0] =	sbarrier.arrive $0xFFFF;
	_ =	sdelay $0x1  }
0x119: {  	s4 =	rddreg [dreg:$0x7]  }
0x11a: {  	s2 =	rddreg [dreg:$0x6];
	s4 =	sadd.s32 $0x1, s4  }
0x11b: {  	p1 =	sne.s32 s4, s2  }
.Ltmp3:
0x11c: {  	_ = 	snop;
	(pc) =	sbr.rel @p1 .LBB2_1-.Ltmp3, $1  }
0x11d: {  	_ =	sdelay $0x3  }
0x11e: {  	_ =	sfence.sel $0x180000  }
0x11f: {  	[bflag:$0x0] =	sbarrier.arrive $0xFFFF  }
0x120: {  	_ =	strace $0x9000004A  }
0x121: {  	s0 =	stileid.u32;
	[bflag:$0x2] =	sbarrier.arrive $0xFFFF  }
0x122: {  	p0 =	sne.s32 s0, $0x0;
	s0 =	rddreg [dreg:$0x3]  }
0x123: {  	s0 =	sadd.s32 @!p0 $0x100000, s0  }
0x124: {  	[sflag:s0] =	ssyncadd.tile.s32 @!p0 $0x1;
	_ =	shalt  }
.Lfunc_end2:
_tile_overlayer_lowered:
.L_overlay_start_2:
0x125: {  	(tag) =	ssettag $0x2  }
0x126: {  	s0 =	rddreg [dreg:$0x0];
	s2 =	stileid.u32  }
0x127: {  	s1 =	rddreg [dreg:$0x1];
	p0 =	sne.s32 s2, $0x0  }
0x128: {  	s3 =	rddreg [dreg:$0x2];
	[bflag:$0x3] =	sbarrier.arrive $0xFFFF;
	s2 =	simm.s32 @!p0 $0x1C0A  }
0x129: {  	[timem:s3], [sflag:s2] =	dma.local @!p0 [hbm:s0], s1  }
0x12a: {  	s0 =	simm.s32 @!p0 $0xA  }
0x12b: {  	_ =	swait.ge @!p0 [sflag:s0], s1  }
0x12c: {  	s1 =	ssub.s32 @!p0 $0x0, s1;
	[sflag:s0] =	ssyncset.done @!p0 $0x0  }
0x12d: {  	[sflag:s0] =	ssyncadd.s32 @!p0 s1  }
0x12e: {  	[bflag:$0x3] =	sbarrier.arrive $0xFFFF  }
0x12f: {  	_ =	shalt  }

// kernel: kernel.6.cloned.1.call-start
scs
__scs_entry_jumppad:
0x0: {  	(pc) =	sbr.rel $0x88, $3  }
0x1: {  	(tag) =	ssettag $0x0;
	lr =	simm.s32 $0x1  }
0x2: {  	[smem:$0x3F80] =	sst lr;
	_ =	strace $0xD0000000  }
0x3: {  	_ = 	snop  }
0x4: {  	_ = 	snop  }
0x5: {  	_ = 	snop  }
0x6: {  	_ = 	snop  }
0x7: {  	_ = 	snop  }
__scs_overlays_trampoline_lowered:
0x8: {  	[smem:$0x3F8F] =	sst s0  }
0x9: {  	[smem:$0x3F90] =	sst s1  }
0xa: {  	[smem:$0x3F91] =	sst s2  }
0xb: {  	[smem:$0x3F92] =	sst s3  }
0xc: {  	[smem:$0x3F93] =	sst s4  }
0xd: {  	[smem:$0x3F94] =	sst s5  }
0xe: {  	[smem:$0x3F95] =	sst s6  }
0xf: {  	[smem:$0x3F96] =	sst s7  }
0x10: {  	[smem:$0x3F97] =	sst s8  }
0x11: {  	[smem:$0x3F98] =	sst s9;
	s0 =	simm.s32 @!p0 $0x0  }
0x12: {  	s1 =	sld [smem:$0x3F7E];
	s0 =	simm.s32 @p0 $0x1  }
0x13: {  	[smem:$0x3F99] =	sst s0;
	s0 =	simm.s32 @!p1 $0x0  }
0x14: {  	s2 =	sld [smem:$0x3F7D];
	s0 =	simm.s32 @p1 $0x1  }
0x15: {  	[smem:$0x3F9A] =	sst s0;
	s0 =	simm.s32 @!p2 $0x0  }
0x16: {  	s3 =	sld [smem:$0x3FDB];
	s0 =	simm.s32 @p2 $0x1  }
0x17: {  	s4 =	simm.s32 $0x1BF5;
	[smem:$0x3F9C] =	sst s0  }
0x18: {  	s0 =	sld [smem:$0x3F7F];
	_ =	swait.ge [sflag:s4], $0x0  }
0x19: {  	s7 =	sld [smem:$0x3F80]  }
0x1a: {  	s8 =	sadd.s32 $0xFFFFE003, lr  }
0x1b: {  	s9 =	sadd.s32 $0xFFFFFEF7, lr;
	s5 =	simm.s32 $0xFFFFFFFF;
	p2 =	slt.u32 s8, $0xFFFFF086  }
0x1c: {  	p1 =	slt.u32 s9, $0xF7A;
	s5 =	simm.s32 @!p2 $0x0  }
0x1d: {  	s5 =	simm.s32 @p1 $0x1;
	p0 =	seq.s32 s7, s2  }
0x1e: {  	s7 =	smul.u32 @!p0 $0xF7A, s2;
	p2 =	seq.s32 @!p0 s5, $0x0  }
0x1f: {  	s9 =	smul.u32 $0xF7A, s1;
	s8 =	simm.s32 @!p0 $0x1BF5;
	p2 =	por !p2, p0  }
0x20: {  	[sflag:s8] =	ssyncset.s32 @!p0 $0xFFFFF086;
	s6 =	sadd.s32 @!p0 s3, s7;
	s7 =	simm.s32 @!p0 $0x108  }
0x21: {  	s3 =	sadd.s32 s3, s9;
	s6 =	sadd.s32 @!p0 $0x88, s6;
	s7 =	simm.s32 @p2 $0x1082  }
0x22: {  	[simem:s7], [sflag:s8] =	dma.local @!p0 [hbm:s6], $0xF7A  }
0x23: {  	s9 =	sor.u32 $0xD0000000, s2;
	s6 =	simm.s32 $0x108;
	_ =	swait.ge @!p0 [sflag:s8], $0x0  }
0x24: {  	s3 =	sadd.s32 $0x88, s3;
	s6 =	simm.s32 @!p1 $0x1082;
	[sflag:s4] =	ssyncset.s32 $0xFFFFF086  }
0x25: {  	[simem:s6], [sflag:s4] =	dma.local [hbm:s3], $0xF7A  }
0x26: {  	[smem:$0x3F80] =	sst s1;
	(tag) =	ssettag s2;
	_ =	strace s9  }
0x27: {  	s1 =	sld [smem:$0x3F90]  }
0x28: {  	s2 =	sld [smem:$0x3F91]  }
0x29: {  	s4 =	sld [smem:$0x3F93]  }
0x2a: {  	p0 =	seq.s32 s5, $0x0;
	s5 =	sld [smem:$0x3F94]  }
0x2b: {  	s6 =	sld [smem:$0x3F95]  }
0x2c: {  	s7 =	sld [smem:$0x3F96]  }
0x2d: {  	s3 =	simm.s32 $0x108;
	s8 =	sld [smem:$0x3F97]  }
0x2e: {  	s3 =	simm.s32 @!p0 $0x1082;
	s9 =	sld [smem:$0x3F98]  }
0x2f: {  	lr =	sadd.s32 s0, s3;
	s0 =	sld [smem:$0x3F8F]  }
0x30: {  	s3 =	sld [smem:$0x3F92]  }
0x31: {  	[smem:$0x3F9B] =	sst s10  }
0x32: {  	s10 =	sld [smem:$0x3F99];
	_ =	sdelay $0x3  }
0x33: {  	p0 =	seq.s32 s10, $0x1;
	s10 =	sld [smem:$0x3F9B];
	_ =	sdelay $0x3  }
0x34: {  	[smem:$0x3F9B] =	sst s10  }
0x35: {  	s10 =	sld [smem:$0x3F9A];
	_ =	sdelay $0x3  }
0x36: {  	p1 =	seq.s32 s10, $0x1;
	s10 =	sld [smem:$0x3F9B];
	_ =	sdelay $0x3  }
0x37: {  	[smem:$0x3F9B] =	sst s10  }
0x38: {  	s10 =	sld [smem:$0x3F9C]  }
0x39: {  	_ = 	snop;
	(pc) =	sbr.ind lr, $3  }
0x3a: {  	_ = 	snop  }
0x3b: {  	_ = 	snop  }
0x3c: {  	p2 =	seq.s32 s10, $0x1;
	s10 =	sld [smem:$0x3F9B]  }
0x3d: {  	_ =	shalt  }
0x3e: {  	_ =	shalt  }
0x3f: {  	_ =	shalt  }
0x40: {  	_ =	shalt  }
0x41: {  	_ =	shalt  }
0x42: {  	_ =	shalt  }
0x43: {  	_ =	shalt  }
0x44: {  	_ =	shalt  }
0x45: {  	_ =	shalt  }
0x46: {  	_ =	shalt  }
0x47: {  	_ =	shalt  }
0x48: {  	_ =	shalt  }
0x49: {  	_ =	shalt  }
0x4a: {  	_ =	shalt  }
0x4b: {  	_ =	shalt  }
0x4c: {  	_ =	shalt  }
0x4d: {  	_ =	shalt  }
0x4e: {  	_ =	shalt  }
0x4f: {  	_ =	shalt  }
0x50: {  	_ =	shalt  }
0x51: {  	_ =	shalt  }
0x52: {  	_ =	shalt  }
0x53: {  	_ =	shalt  }
0x54: {  	_ =	shalt  }
0x55: {  	_ =	shalt  }
0x56: {  	_ =	shalt  }
0x57: {  	_ =	shalt  }
0x58: {  	_ =	shalt  }
0x59: {  	_ =	shalt  }
0x5a: {  	_ =	shalt  }
0x5b: {  	_ =	shalt  }
0x5c: {  	_ =	shalt  }
0x5d: {  	_ =	shalt  }
0x5e: {  	_ =	shalt  }
0x5f: {  	_ =	shalt  }
0x60: {  	_ =	shalt  }
0x61: {  	_ =	shalt  }
0x62: {  	_ =	shalt  }
0x63: {  	_ =	shalt  }
0x64: {  	_ =	shalt  }
0x65: {  	_ =	shalt  }
0x66: {  	_ =	shalt  }
0x67: {  	_ =	shalt  }
0x68: {  	_ =	shalt  }
0x69: {  	_ =	shalt  }
0x6a: {  	_ =	shalt  }
0x6b: {  	_ =	shalt  }
0x6c: {  	_ =	shalt  }
0x6d: {  	_ =	shalt  }
0x6e: {  	_ =	shalt  }
0x6f: {  	_ =	shalt  }
0x70: {  	_ =	shalt  }
0x71: {  	_ =	shalt  }
0x72: {  	_ =	shalt  }
0x73: {  	_ =	shalt  }
0x74: {  	_ =	shalt  }
0x75: {  	_ =	shalt  }
0x76: {  	_ =	shalt  }
0x77: {  	_ =	shalt  }
0x78: {  	_ =	shalt  }
0x79: {  	_ =	shalt  }
0x7a: {  	_ =	shalt  }
0x7b: {  	_ =	shalt  }
0x7c: {  	_ =	shalt  }
0x7d: {  	_ =	shalt  }
0x7e: {  	_ =	shalt  }
0x7f: {  	_ =	shalt  }
0x80: {  	_ =	shalt  }
0x81: {  	_ =	shalt  }
0x82: {  	_ =	shalt  }
0x83: {  	_ =	shalt  }
0x84: {  	_ =	shalt  }
0x85: {  	_ =	shalt  }
0x86: {  	_ =	shalt  }
0x87: {  	_ =	shalt  }
.Lfunc_end0:
.L_simem_size_0:
called_computation.1_lowered:
.L_overlay_start_0:
0x88: {  	s2 =	sld [smem:$0x3FD9]  }
0x89: {  	s3 =	sld [smem:$0x3FFE];
	_ =	sdelay $0x1  }
0x8a: {  	s1 =	srdreg.scid  }
0x8b: {  	s0 =	sand.u32 $0x1, s1  }
0x8c: {  	s14 =	sshll.u32 s0, $0xA;
	s2 =	sadd.s32 s3, s2  }
0x8d: {  	s2 =	sadd.s32 s2, s14  }
0x8e: {  	[smem:$0x3FA7] =	sst s2  }
0x8f: {  	_ = 	snop  }
0x90: {  	s2 =	sld [smem:$0x3FD0];
	_ =	sdelay $0x2  }
0x91: {  	s15 =	simm.s32 $0xA;
	s4 =	simm.s32 $0x10  }
0x92: {  	[smem:s4], [sflag:s15] =	dma.local [hbm:s2], $0x1  }
0x93: {  	_ =	swait.eq [sflag:s15], $0x1  }
0x94: {  	[sflag:s15] =	ssyncset.done $0x0  }
0x95: {  	[sflag:s15] =	ssyncadd.s32 $0xFFFFFFFF  }
0x96: {  	s16 =	sld [smem:$0x10];
	(tm) =	ssettm $0x1  }
0x97: {  	s17 =	sld [smem:$0x3FFB];
	_ =	sdelay $0x3  }
0x98: {  	_ =	strace s17  }
0x99: {  	s3 =	sld [smem:$0x3FFC];
	_ =	sdelay $0x3  }
0x9a: {  	_ =	strace s3  }
0x9b: {  	s3 =	sld [smem:$0x3FFD];
	_ =	sdelay $0x3  }
0x9c: {  	_ =	strace s3  }
0x9d: {  	_ =	strace $0x8FFFFFFF  }
0x9e: {  	s18 =	sld [smem:$0x3FDB];
	_ =	sdelay $0x1  }
0x9f: {  	s19 =	simm.s32 $_scs_section_size  }
0xa0: {  	s5 =	simm.s32 $_size__tile_overlayer_lowered;
	s6 =	simm.s32 $_tile_overlayer_lowered  }
0xa1: {  	s22 =	simm.s32 $0x1BFF;
	s21 =	sshll.u32 s6, $0x1;
	s3 =	sadd.s32 s19, s18  }
0xa2: {  	s7 =	simm.s32 $0x0;
	s20 =	sshll.u32 s5, $0x1;
	s5 =	sadd.s32 s21, s3  }
0xa3: {  	[timem:s7], [sflag:s22] =	dma.local [hbm:s5], s20  }
0xa4: {  	_ =	swait.ge [sflag:s22], s20  }
0xa5: {  	s4 =	ssub.s32 $0x0, s20;
	[sflag:s22] =	ssyncset.done $0x0  }
0xa6: {  	[sflag:s22] =	ssyncadd.s32 s4;
	_ =	sdelay $0x1  }
0xa7: {  	s23 =	simm.s32 $0x1B8B  }
0xa8: {  	_ =	swait.ge [sflag:s23], $0x1  }
0xa9: {  	[sflag:s23] =	ssyncset.done $0x0  }
0xaa: {  	s25 =	simm.s32 $0x1B8E;
	s24 =	sld [smem:$0x3FFE];
	[sflag:s23] =	ssyncadd.s32 $0xFFFFFFFF  }
0xab: {  	s26 =	simm.s32 $execute0_lowered;
	[smem:$0x3FD2] =	sst s25  }
0xac: {  	s5 =	sshll.u32 s26, $0x1;
	_ =	strace $0x80000046;
	[dreg:$0x1] =	wrdreg $0xFFFFFFFF  }
0xad: {  	s28 =	simm.s32 $_size_execute0_lowered;
	s3 =	sadd.s32 s3, s5;
	[dreg:$0x0] =	wrdreg $0x0  }
0xae: {  	s5 =	sshll.u32 s28, $0x1;
	[dreg:$0x2] =	wrdreg s3  }
0xaf: {  	[dreg:$0x3] =	wrdreg s5  }
0xb0: {  	[dreg:$0x4] =	wrdreg $0xC0  }
0xb1: {  	_ =	task [dreg:s7], $0x5FFFF  }
0xb2: {  	[dreg:$0x1] =	wrdreg $0xFFFFFFFF  }
0xb3: {  	[dreg:$0x0] =	wrdreg $0x60  }
0xb4: {  	[dreg:$0x2] =	wrdreg s24  }
0xb5: {  	[dreg:$0x3] =	wrdreg s16  }
0xb6: {  	[dreg:$0x4] =	wrdreg $0xF0000  }
0xb7: {  	[dreg:$0x5] =	wrdreg $0x9  }
0xb8: {  	_ =	task.clear_ibuf [dreg:s7], $0x6FFFF;
	_ =	strace $0x90000046  }
0xb9: {  	s29 =	simm.s32 $0x9;
	_ =	strace $0x80000048  }
0xba: {  	_ =	swait.ge [sflag:s29], $0x1  }
0xbb: {  	[sflag:s29] =	ssyncadd.s32 $0xFFFFFFFF  }
0xbc: {  	_ =	strace $0x90000048  }
0xbd: {  	_ =	sfence  }
0xbe: {  	s30 =	sld [smem:$0x0];
	_ =	sdelay $0x2  }
0xbf: {  	s31 =	sshll.u32 s1, $0xD;
	s1 =	sshrl.u32 s1, $0x2  }
0xc0: {  	s3 =	sand.u32 $0x4000, s31;
	s1 =	sadd.s32 s1, s30  }
0xc1: {  	s0 =	sor.u32 s3, s0;
	s1 =	sshll.u32 s1, $0x11  }
0xc2: {  	s0 =	sor.u32 s1, s0  }
0xc3: {  	s0 =	sadd.s32 $0x8F2B, s0  }
0xc4: {  	[sflag:s0] =	ssyncadd.remote.s32 $0x1  }
0xc5: {  	_ =	sfence.sel $0xFFFF  }
0xc6: {  	[dreg:$0x0] =	wrdreg $0xFFFFFFFF;
	(pc) =	sbr.abs _section_cstart, $3  }
0xc7: {  	[dreg:$0x1] =	wrdreg $0xFFFFFFFF  }
0xc8: {  	_ =	task.clear_ibuf [dreg:s7], $0x2FFFF;
	_ =	strace $0x9FFFFFFF  }
0xc9: {  	(tm) =	ssettm $0x7FFFFFFF  }
tec
execute0_lowered:
.L_overlay_start_1:
0x0: {  	(tag) =	ssettag $0x1  }
0x1: {  	s5 =	rddreg [dreg:$0x0];
	s1 =	stileid.u32  }
0x2: {  	s0 =	rddreg [dreg:$0x1];
	s4 =	smul.u32 $0x3400, s1  }
0x3: {  	s2 =	rddreg [dreg:$0x2];
	s3 =	simm.s32 $0x0  }
0x4: {  	[smem:$0x7FF] =	sst s3;
	s6 =	sadd.s32 $0x6E00, s5;
	s4 =	sshrl.u32 s4, $0x2  }
0x5: {  	_ =	strace $0x80000047;
	[dreg:$0x4] =	wrdreg s6;
	s21 =	sor.u32 $0x80, s4  }
0x6: {  	s22 =	sadd.s32 $0x100, s4;
	[dreg:$0x5] =	wrdreg s21  }
0x7: {  	s23 =	sadd.s32 $0x180, s4;
	[dreg:$0x6] =	wrdreg s22  }
0x8: {  	s24 =	sadd.s32 $0x200, s4;
	[dreg:$0x7] =	wrdreg s23  }
0x9: {  	s25 =	sadd.s32 $0x280, s4;
	[dreg:$0x8] =	wrdreg s24  }
0xa: {  	s26 =	sadd.s32 $0x300, s4;
	[dreg:$0x9] =	wrdreg s25  }
0xb: {  	s29 =	sadd.s32 $0x380, s4;
	[dreg:$0xa] =	wrdreg s26  }
0xc: {  	s30 =	sadd.s32 $0x400, s4;
	[dreg:$0xb] =	wrdreg s29  }
0xd: {  	s31 =	sadd.s32 $0x480, s4;
	[dreg:$0xc] =	wrdreg s30  }
0xe: {  	s7 =	sadd.s32 $0x500, s4;
	[dreg:$0xd] =	wrdreg s31  }
0xf: {  	s8 =	sadd.s32 $0x580, s4;
	[dreg:$0xe] =	wrdreg s7  }
0x10: {  	s9 =	sadd.s32 $0x600, s4;
	[dreg:$0xf] =	wrdreg s8  }
0x11: {  	s10 =	sadd.s32 $0x680, s4;
	[dreg:$0x10] =	wrdreg s9  }
0x12: {  	s11 =	sadd.s32 $0x700, s4;
	[dreg:$0x11] =	wrdreg s10  }
0x13: {  	s12 =	sadd.s32 $0x780, s4;
	[dreg:$0x12] =	wrdreg s11  }
0x14: {  	s13 =	sadd.s32 $0x800, s4;
	[dreg:$0x13] =	wrdreg s12  }
0x15: {  	s14 =	sadd.s32 $0x880, s4;
	[dreg:$0x14] =	wrdreg s13  }
0x16: {  	s15 =	sadd.s32 $0x900, s4;
	[dreg:$0x15] =	wrdreg s14  }
0x17: {  	s16 =	sadd.s32 $0x980, s4;
	[dreg:$0x16] =	wrdreg s15  }
0x18: {  	s17 =	sadd.s32 $0xA00, s4;
	[dreg:$0x17] =	wrdreg s16  }
0x19: {  	s19 =	sadd.s32 $0xA80, s4;
	[dreg:$0x18] =	wrdreg s17  }
0x1a: {  	s7 =	sadd.s32 $0xD1DC00, s5;
	s5 =	sadd.s32 $0x5400, s5;
	[dreg:$0x19] =	wrdreg s19  }
0x1b: {  	s21 =	sadd.s32 $0xB00, s4;
	[smem:$0x7E2] =	sst s5  }
0x1c: {  	s28 =	simm.s32 $0x0;
	s22 =	sadd.s32 $0xB80, s4;
	[dreg:$0x1a] =	wrdreg s21  }
0x1d: {  	s8 =	srdreg.scid;
	s24 =	sadd.s32 $0xC00, s4;
	[dreg:$0x1b] =	wrdreg s22  }
0x1e: {  	s10 =	smul.u32 $0x1100, s1;
	s25 =	sadd.s32 $0xC80, s4;
	[dreg:$0x1c] =	wrdreg s24  }
0x1f: {  	s20 =	smul.u32 $0x6800, s1;
	s11 =	sand.u32 $0x1, s8;
	[dreg:$0x1d] =	wrdreg s25  }
0x20: {  	s8 =	ssub.s32 $0x2, s11;
	s18 =	sshrl.u32 s10, $0x2;
	s23 =	smul.u32 $0x340000, s11  }
0x21: {  	s10 =	sshll.u32 s1, $0xA;
	s11 =	sshll.u32 s11, $0x11;
	s9 =	sshrl.u32 s8, $0x1  }
0x22: {  	s12 =	ssub.s32 s8, s9;
	s8 =	sadd.s32 s18, s2;
	s9 =	sadd.s32 s20, s23  }
0x23: {  	s23 =	sadd.s32 s10, s2;
	s10 =	sor.u32 s10, s11;
	s11 =	simm.s32 $0xD800  }
0x24: {  	s13 =	sadd.s32 $0x6400, s9;
	s26 =	smax.u32 s12, $0x1;
	s30 =	sadd.s32 $0x6000, s9  }
0x25: {  	s1 =	sadd.s32 $0x5C00, s9;
	s14 =	sadd.s32 $0x5800, s9;
	s16 =	sadd.s32 $0x5000, s9  }
0x26: {  	s17 =	sadd.s32 $0x4C00, s9;
	s21 =	sadd.s32 $0x4800, s9;
	s24 =	sadd.s32 $0x4400, s9  }
0x27: {  	s25 =	sadd.s32 $0x4000, s9;
	[smem:$0x7E3] =	sst s26;
	s29 =	sshrl.u32 s13, $0x3  }
0x28: {  	s31 =	sshrl.u32 s30, $0x3;
	s13 =	sshrl.u32 s1, $0x3;
	s6 =	sshrl.u32 s14, $0x3  }
0x29: {  	s14 =	sadd.s32 $0x5400, s9;
	s19 =	sshrl.u32 s17, $0x3;
	s22 =	sshrl.u32 s21, $0x3  }
0x2a: {  	s17 =	sadd.s32 $0x3000, s9;
	s12 =	sadd.s32 s29, s7;
	s5 =	sadd.s32 s13, s7  }
0x2b: {  	s13 =	sadd.s32 s6, s7;
	s15 =	sshrl.u32 s14, $0x3;
	s20 =	sadd.s32 s19, s7  }
0x2c: {  	s29 =	sshrl.u32 s25, $0x3;
	s6 =	sadd.s32 $0x3400, s9;
	[dreg:$0x1e] =	wrdreg s12  }
0x2d: {  	s19 =	sadd.s32 $0x2C00, s9;
	s25 =	sadd.s32 $0x2400, s9;
	[smem:$0x7E4] =	sst s5  }
0x2e: {  	s14 =	sadd.s32 $0x1400, s9;
	s12 =	sadd.s32 s31, s7;
	[smem:$0x7E5] =	sst s13  }
0x2f: {  	s13 =	sshrl.u32 s16, $0x3;
	[smem:$0x7E8] =	sst s20;
	s30 =	sadd.s32 s29, s7  }
0x30: {  	s31 =	sadd.s32 $0x3C00, s9;
	s5 =	sadd.s32 $0x3800, s9;
	s20 =	sadd.s32 $0x2800, s9  }
0x31: {  	s29 =	sadd.s32 $0x2000, s9;
	[dreg:$0x1f] =	wrdreg s12;
	s12 =	sadd.s32 s15, s7  }
0x32: {  	s18 =	sadd.s32 s13, s7;
	s13 =	sshrl.u32 s24, $0x3;
	[smem:$0x7EB] =	sst s30  }
0x33: {  	s1 =	sshrl.u32 s31, $0x3;
	s15 =	sshrl.u32 s6, $0x3;
	[smem:$0x7E6] =	sst s12  }
0x34: {  	s30 =	sadd.s32 $0x1C00, s9;
	s6 =	sadd.s32 $0x1800, s9;
	[smem:$0x7E7] =	sst s18  }
0x35: {  	s12 =	sadd.s32 s22, s7;
	s26 =	sadd.s32 s13, s7;
	s13 =	sshrl.u32 s5, $0x3  }
0x36: {  	s16 =	sadd.s32 s15, s7;
	s18 =	sshrl.u32 s17, $0x3;
	[smem:$0x7E9] =	sst s12  }
0x37: {  	s22 =	sshrl.u32 s20, $0x3;
	s15 =	sadd.s32 $0x1000, s9;
	[smem:$0x7EA] =	sst s26  }
0x38: {  	s12 =	sadd.s32 s1, s7;
	s13 =	sadd.s32 s13, s7;
	[smem:$0x7EE] =	sst s16  }
0x39: {  	s24 =	sadd.s32 s22, s7;
	s26 =	sshrl.u32 s25, $0x3;
	s1 =	sshrl.u32 s30, $0x3  }
0x3a: {  	s17 =	sshrl.u32 s15, $0x3;
	s22 =	sor.u32 $0x400, s9;
	s30 =	sshrl.u32 s8, $0x3  }
0x3b: {  	s8 =	simm.s32 $0xA;
	s15 =	simm.s32 $0xE800;
	[smem:$0x7EC] =	sst s12  }
0x3c: {  	[smem:$0x7ED] =	sst s13;
	s12 =	sadd.s32 s18, s7;
	s13 =	sshrl.u32 s19, $0x3  }
0x3d: {  	[smem:$0x7F1] =	sst s24;
	s5 =	sadd.s32 s1, s7;
	s18 =	sadd.s32 s17, s7  }
0x3e: {  	s19 =	sadd.s32 $0xC00, s9;
	s25 =	sshrl.u32 s22, $0x3;
	[smem:$0x7FC] =	sst s30  }
0x3f: {  	s17 =	simm.s32 $0x1;
	s22 =	simm.s32 $0x5;
	[smem:$0x7EF] =	sst s12  }
0x40: {  	s21 =	sadd.s32 s13, s7;
	s12 =	sadd.s32 s26, s7;
	[smem:$0x7F4] =	sst s5  }
0x41: {  	s13 =	sshrl.u32 s29, $0x3;
	[smem:$0x7F7] =	sst s18;
	s20 =	sshrl.u32 s19, $0x3  }
0x42: {  	s26 =	sadd.s32 s25, s7;
	s29 =	sshrl.u32 s10, $0x3;
	s10 =	simm.s32 $0xD400  }
0x43: {  	s18 =	simm.s32 $0x80;
	s19 =	simm.s32 $0x2;
	[smem:$0x7F0] =	sst s21  }
0x44: {  	s25 =	simm.s32 $0x8;
	[smem:$0x7F2] =	sst s12;
	s31 =	sadd.s32 s13, s7  }
0x45: {  	s13 =	sshrl.u32 s6, $0x3;
	s21 =	sadd.s32 $0x800, s9;
	[smem:$0x7FA] =	sst s26  }
0x46: {  	s9 =	sshrl.u32 s9, $0x3;
	s26 =	simm.s32 $0x9;
	[smem:$0x7F3] =	sst s31  }
0x47: {  	s12 =	sadd.s32 s13, s7;
	s13 =	sshrl.u32 s14, $0x3;
	s14 =	simm.s32 $0xE400  }
0x48: {  	s31 =	sshrl.u32 s23, $0x3;
	s23 =	simm.s32 $0x6;
	[smem:$0x7F5] =	sst s12  }
0x49: {  	s16 =	sadd.s32 s13, s7;
	s12 =	sadd.s32 s20, s7;
	[smem:$0x7FD] =	sst s31  }
0x4a: {  	s13 =	sshrl.u32 s21, $0x3;
	s20 =	simm.s32 $0x3;
	[smem:$0x7F6] =	sst s16  }
0x4b: {  	s21 =	simm.s32 $0x4;
	[smem:$0x7F8] =	sst s12;
	s24 =	sadd.s32 s13, s7  }
0x4c: {  	s7 =	sadd.s32 s9, s7;
	s9 =	simm.s32 $0xD000;
	s12 =	simm.s32 $0xDC00  }
0x4d: {  	s13 =	simm.s32 $0xE000;
	s16 =	simm.s32 $0xEC00;
	[smem:$0x7F9] =	sst s24  }
0x4e: {  	[smem:$0x7FB] =	sst s7;
	s7 =	sadd.s32 s29, s0;
	s24 =	simm.s32 $0x7  }
.LBB2_1:
0x4f: {  	s0 =	sld [smem:$0x7E2];
	_ =	sdelay $0x2  }
0x50: {  	[tilespmem:s3], [sflag:$0xA] =	stream.linear.gather [hbm4b:s0+s3], $0xD000, $0x38;
	[tilespmem:$0xF440] =	vst v63  }
0x51: {  	_ =	swait.ge [sflag:s8], $0xD000  }
0x52: {  	s1 =	stileid.u32;
	s30 =	sld [smem:$0x7FC]  }
0x53: {  	s29 =	sshll.u32 s1, $0x6;
	[sflag:s8] =	ssyncset.done $0x0  }
0x54: {  	s29 =	sor.u32 $0x1C0A, s29;
	s5 =	rddreg [dreg:$0x4];
	[sflag:s8] =	ssyncadd.s32 $0xFFFF3000  }
0x55: {  	[spmem:s30], [sflag:s29] =	dma.local [hbm:s5], $0x88  }
0x56: {  	_ =	swait.ge [sflag:s8], $0x88  }
0x57: {  	[sflag:s8] =	ssyncset.done $0x0  }
0x58: {  	[sflag:s8] =	ssyncadd.s32 $0xFFFFFF78  }
0x59: {  	[bflag:$0x0] =	sbarrier.arrive $0xFFFF  }
0x5a: {  	s6 =	sld [smem:$0x7FB];
	_ =	sdelay $0x1  }
0x5b: {  	s30 =	sld [smem:$0x7FA]  }
0x5c: {  	s0 =	sadd.s32 $0x0, s6  }
0x5d: {  	[tilespmem:s9], [sflag:$0x1] =	stream.linear.gather [hbm4b:s0+s3], $0x400, $0x38;
	[tilespmem:$0xF440] =	vst v63  }
0x5e: {  	s1 =	sld [smem:$0x7F9];
	s30 =	sadd.s32 $0x0, s30  }
0x5f: {  	[tilespmem:s10], [sflag:$0x2] =	stream.linear.gather [hbm4b:s30+s3], $0x400, $0x38;
	[tilespmem:$0xF440] =	vst v63  }
0x60: {  	s30 =	sld [smem:$0x7F8]  }
0x61: {  	s0 =	sadd.s32 $0x0, s1  }
0x62: {  	[tilespmem:s11], [sflag:$0x3] =	stream.linear.gather [hbm4b:s0+s3], $0x400, $0x38;
	[tilespmem:$0xF440] =	vst v63  }
0x63: {  	s5 =	sld [smem:$0x7F7];
	s30 =	sadd.s32 $0x0, s30  }
0x64: {  	[tilespmem:s12], [sflag:$0x4] =	stream.linear.gather [hbm4b:s30+s3], $0x400, $0x38;
	[tilespmem:$0xF440] =	vst v63  }
0x65: {  	s30 =	sld [smem:$0x7F6]  }
0x66: {  	s0 =	sadd.s32 $0x0, s5  }
0x67: {  	[tilespmem:s13], [sflag:$0x5] =	stream.linear.gather [hbm4b:s0+s3], $0x400, $0x38;
	[tilespmem:$0xF440] =	vst v63  }
0x68: {  	s6 =	sld [smem:$0x7F5];
	s30 =	sadd.s32 $0x0, s30  }
0x69: {  	[tilespmem:s14], [sflag:$0x6] =	stream.linear.gather [hbm4b:s30+s3], $0x400, $0x38;
	[tilespmem:$0xF440] =	vst v63  }
0x6a: {  	s30 =	sld [smem:$0x7F4]  }
0x6b: {  	s0 =	sadd.s32 $0x0, s6  }
0x6c: {  	[tilespmem:s15], [sflag:$0x7] =	stream.linear.gather [hbm4b:s0+s3], $0x400, $0x38;
	[tilespmem:$0xF440] =	vst v63  }
0x6d: {  	s1 =	sadd.s32 $0x0, s30  }
0x6e: {  	[tilespmem:s16], [sflag:$0x8] =	stream.linear.gather [hbm4b:s1+s3], $0x400, $0x38;
	[tilespmem:$0xF440] =	vst v63  }
0x6f: {  	_ =	swait.ge [sflag:s17], $0x400  }
0x70: {  	[sflag:s17] =	ssyncset.done $0x0  }
0x71: {  	[sflag:s17] =	ssyncadd.s32 $0xFFFFFC00  }
0x72: {  	[spmem:s2] =	stream.indirect.scatter.add.f32 [tilespmem:s9], [sflag:$0x9], $0x8, s4, s18, $0xb8;
	[tilespmem:$0xF440] =	vst v63  }
0x73: {  	_ =	swait.ge [sflag:s19], $0x400  }
0x74: {  	[sflag:s19] =	ssyncset.done $0x0  }
0x75: {  	s5 =	rddreg [dreg:$0x5];
	[sflag:s19] =	ssyncadd.s32 $0xFFFFFC00  }
0x76: {  	[spmem:s2] =	stream.indirect.scatter.add.f32 [tilespmem:s10], [sflag:$0x9], $0x8, s5, s18, $0xb8;
	[tilespmem:$0xF440] =	vst v63  }
0x77: {  	_ =	swait.ge [sflag:s20], $0x400  }
0x78: {  	[sflag:s20] =	ssyncset.done $0x0  }
0x79: {  	s6 =	rddreg [dreg:$0x6];
	[sflag:s20] =	ssyncadd.s32 $0xFFFFFC00  }
0x7a: {  	[spmem:s2] =	stream.indirect.scatter.add.f32 [tilespmem:s11], [sflag:$0x9], $0x8, s6, s18, $0xb8;
	[tilespmem:$0xF440] =	vst v63  }
0x7b: {  	_ =	swait.ge [sflag:s21], $0x400  }
0x7c: {  	[sflag:s21] =	ssyncset.done $0x0  }
0x7d: {  	s1 =	rddreg [dreg:$0x7];
	[sflag:s21] =	ssyncadd.s32 $0xFFFFFC00  }
0x7e: {  	[spmem:s2] =	stream.indirect.scatter.add.f32 [tilespmem:s12], [sflag:$0x9], $0x8, s1, s18, $0xb8;
	[tilespmem:$0xF440] =	vst v63  }
0x7f: {  	_ =	swait.ge [sflag:s22], $0x400  }
0x80: {  	[sflag:s22] =	ssyncset.done $0x0  }
0x81: {  	s5 =	rddreg [dreg:$0x8];
	[sflag:s22] =	ssyncadd.s32 $0xFFFFFC00  }
0x82: {  	[spmem:s2] =	stream.indirect.scatter.add.f32 [tilespmem:s13], [sflag:$0x9], $0x8, s5, s18, $0xb8;
	[tilespmem:$0xF440] =	vst v63  }
0x83: {  	_ =	swait.ge [sflag:s23], $0x400  }
0x84: {  	[sflag:s23] =	ssyncset.done $0x0  }
0x85: {  	s6 =	rddreg [dreg:$0x9];
	[sflag:s23] =	ssyncadd.s32 $0xFFFFFC00  }
0x86: {  	[spmem:s2] =	stream.indirect.scatter.add.f32 [tilespmem:s14], [sflag:$0x9], $0x8, s6, s18, $0xb8;
	[tilespmem:$0xF440] =	vst v63  }
0x87: {  	_ =	swait.ge [sflag:s24], $0x400  }
0x88: {  	[sflag:s24] =	ssyncset.done $0x0  }
0x89: {  	s1 =	rddreg [dreg:$0xa];
	[sflag:s24] =	ssyncadd.s32 $0xFFFFFC00  }
0x8a: {  	[spmem:s2] =	stream.indirect.scatter.add.f32 [tilespmem:s15], [sflag:$0x9], $0x8, s1, s18, $0xb8;
	[tilespmem:$0xF440] =	vst v63  }
0x8b: {  	_ =	swait.ge [sflag:s25], $0x400  }
0x8c: {  	[sflag:s25] =	ssyncset.done $0x0  }
0x8d: {  	s5 =	rddreg [dreg:$0xb];
	[sflag:s25] =	ssyncadd.s32 $0xFFFFFC00  }
0x8e: {  	[spmem:s2] =	stream.indirect.scatter.add.f32 [tilespmem:s16], [sflag:$0x9], $0x8, s5, s18, $0xb8;
	[tilespmem:$0xF440] =	vst v63  }
0x8f: {  	_ =	swait.ge [sflag:s26], $0x400  }
0x90: {  	[sflag:s26] =	ssyncset.done $0x0  }
0x91: {  	[sflag:s26] =	ssyncadd.s32 $0xFFFFFC00  }
0x92: {  	_ =	swait.ge [sflag:s26], $0x400  }
0x93: {  	[sflag:s26] =	ssyncset.done $0x0  }
0x94: {  	[sflag:s26] =	ssyncadd.s32 $0xFFFFFC00  }
0x95: {  	_ =	swait.ge [sflag:s26], $0x400  }
0x96: {  	[sflag:s26] =	ssyncset.done $0x0  }
0x97: {  	[sflag:s26] =	ssyncadd.s32 $0xFFFFFC00  }
0x98: {  	_ =	swait.ge [sflag:s26], $0x400  }
0x99: {  	[sflag:s26] =	ssyncset.done $0x0  }
0x9a: {  	[sflag:s26] =	ssyncadd.s32 $0xFFFFFC00  }
0x9b: {  	_ =	swait.ge [sflag:s26], $0x400  }
0x9c: {  	[sflag:s26] =	ssyncset.done $0x0  }
0x9d: {  	[sflag:s26] =	ssyncadd.s32 $0xFFFFFC00  }
0x9e: {  	_ =	swait.ge [sflag:s26], $0x400  }
0x9f: {  	[sflag:s26] =	ssyncset.done $0x0  }
0xa0: {  	[sflag:s26] =	ssyncadd.s32 $0xFFFFFC00  }
0xa1: {  	_ =	swait.ge [sflag:s26], $0x400  }
0xa2: {  	[sflag:s26] =	ssyncset.done $0x0  }
0xa3: {  	[sflag:s26] =	ssyncadd.s32 $0xFFFFFC00  }
0xa4: {  	_ =	swait.ge [sflag:s26], $0x400  }
0xa5: {  	s6 =	sld [smem:$0x7F3];
	_ =	sdelay $0x1  }
0xa6: {  	[sflag:s26] =	ssyncset.done $0x0;
	s30 =	sld [smem:$0x7F2]  }
0xa7: {  	[sflag:s26] =	ssyncadd.s32 $0xFFFFFC00;
	s0 =	sadd.s32 $0x0, s6  }
0xa8: {  	[tilespmem:s9], [sflag:$0x1] =	stream.linear.gather [hbm4b:s0+s3], $0x400, $0x38;
	[tilespmem:$0xF440] =	vst v63  }
0xa9: {  	s1 =	sld [smem:$0x7F1];
	s30 =	sadd.s32 $0x0, s30  }
0xaa: {  	[tilespmem:s10], [sflag:$0x2] =	stream.linear.gather [hbm4b:s30+s3], $0x400, $0x38;
	[tilespmem:$0xF440] =	vst v63  }
0xab: {  	s30 =	sld [smem:$0x7F0]  }
0xac: {  	s0 =	sadd.s32 $0x0, s1  }
0xad: {  	[tilespmem:s11], [sflag:$0x3] =	stream.linear.gather [hbm4b:s0+s3], $0x400, $0x38;
	[tilespmem:$0xF440] =	vst v63  }
0xae: {  	s5 =	sld [smem:$0x7EF];
	s30 =	sadd.s32 $0x0, s30  }
0xaf: {  	[tilespmem:s12], [sflag:$0x4] =	stream.linear.gather [hbm4b:s30+s3], $0x400, $0x38;
	[tilespmem:$0xF440] =	vst v63  }
0xb0: {  	s30 =	sld [smem:$0x7EE]  }
0xb1: {  	s0 =	sadd.s32 $0x0, s5  }
0xb2: {  	[tilespmem:s13], [sflag:$0x5] =	stream.linear.gather [hbm4b:s0+s3], $0x400, $0x38;
	[tilespmem:$0xF440] =	vst v63  }
0xb3: {  	s6 =	sld [smem:$0x7ED];
	s30 =	sadd.s32 $0x0, s30  }
0xb4: {  	[tilespmem:s14], [sflag:$0x6] =	stream.linear.gather [hbm4b:s30+s3], $0x400, $0x38;
	[tilespmem:$0xF440] =	vst v63  }
0xb5: {  	s30 =	sld [smem:$0x7EC]  }
0xb6: {  	s0 =	sadd.s32 $0x0, s6  }
0xb7: {  	[tilespmem:s15], [sflag:$0x7] =	stream.linear.gather [hbm4b:s0+s3], $0x400, $0x38;
	[tilespmem:$0xF440] =	vst v63  }
0xb8: {  	s1 =	sadd.s32 $0x0, s30  }
0xb9: {  	[tilespmem:s16], [sflag:$0x8] =	stream.linear.gather [hbm4b:s1+s3], $0x400, $0x38;
	[tilespmem:$0xF440] =	vst v63  }
0xba: {  	_ =	swait.ge [sflag:s17], $0x400  }
0xbb: {  	[sflag:s17] =	ssyncset.done $0x0  }
0xbc: {  	s5 =	rddreg [dreg:$0xc];
	[sflag:s17] =	ssyncadd.s32 $0xFFFFFC00  }
0xbd: {  	[spmem:s2] =	stream.indirect.scatter.add.f32 [tilespmem:s9], [sflag:$0x9], $0x8, s5, s18, $0xb8;
	[tilespmem:$0xF440] =	vst v63  }
0xbe: {  	_ =	swait.ge [sflag:s19], $0x400  }
0xbf: {  	[sflag:s19] =	ssyncset.done $0x0  }
0xc0: {  	s6 =	rddreg [dreg:$0xd];
	[sflag:s19] =	ssyncadd.s32 $0xFFFFFC00  }
0xc1: {  	[spmem:s2] =	stream.indirect.scatter.add.f32 [tilespmem:s10], [sflag:$0x9], $0x8, s6, s18, $0xb8;
	[tilespmem:$0xF440] =	vst v63  }
0xc2: {  	_ =	swait.ge [sflag:s20], $0x400  }
0xc3: {  	[sflag:s20] =	ssyncset.done $0x0  }
0xc4: {  	s1 =	rddreg [dreg:$0xe];
	[sflag:s20] =	ssyncadd.s32 $0xFFFFFC00  }
0xc5: {  	[spmem:s2] =	stream.indirect.scatter.add.f32 [tilespmem:s11], [sflag:$0x9], $0x8, s1, s18, $0xb8;
	[tilespmem:$0xF440] =	vst v63  }
0xc6: {  	_ =	swait.ge [sflag:s21], $0x400  }
0xc7: {  	[sflag:s21] =	ssyncset.done $0x0  }
0xc8: {  	s5 =	rddreg [dreg:$0xf];
	[sflag:s21] =	ssyncadd.s32 $0xFFFFFC00  }
0xc9: {  	[spmem:s2] =	stream.indirect.scatter.add.f32 [tilespmem:s12], [sflag:$0x9], $0x8, s5, s18, $0xb8;
	[tilespmem:$0xF440] =	vst v63  }
0xca: {  	_ =	swait.ge [sflag:s22], $0x400  }
0xcb: {  	[sflag:s22] =	ssyncset.done $0x0  }
0xcc: {  	s6 =	rddreg [dreg:$0x10];
	[sflag:s22] =	ssyncadd.s32 $0xFFFFFC00  }
0xcd: {  	[spmem:s2] =	stream.indirect.scatter.add.f32 [tilespmem:s13], [sflag:$0x9], $0x8, s6, s18, $0xb8;
	[tilespmem:$0xF440] =	vst v63  }
0xce: {  	_ =	swait.ge [sflag:s23], $0x400  }
0xcf: {  	[sflag:s23] =	ssyncset.done $0x0  }
0xd0: {  	s1 =	rddreg [dreg:$0x11];
	[sflag:s23] =	ssyncadd.s32 $0xFFFFFC00  }
0xd1: {  	[spmem:s2] =	stream.indirect.scatter.add.f32 [tilespmem:s14], [sflag:$0x9], $0x8, s1, s18, $0xb8;
	[tilespmem:$0xF440] =	vst v63  }
0xd2: {  	_ =	swait.ge [sflag:s24], $0x400  }
0xd3: {  	[sflag:s24] =	ssyncset.done $0x0  }
0xd4: {  	s5 =	rddreg [dreg:$0x12];
	[sflag:s24] =	ssyncadd.s32 $0xFFFFFC00  }
0xd5: {  	[spmem:s2] =	stream.indirect.scatter.add.f32 [tilespmem:s15], [sflag:$0x9], $0x8, s5, s18, $0xb8;
	[tilespmem:$0xF440] =	vst v63  }
0xd6: {  	_ =	swait.ge [sflag:s25], $0x400  }
0xd7: {  	[sflag:s25] =	ssyncset.done $0x0  }
0xd8: {  	s6 =	rddreg [dreg:$0x13];
	[sflag:s25] =	ssyncadd.s32 $0xFFFFFC00  }
0xd9: {  	[spmem:s2] =	stream.indirect.scatter.add.f32 [tilespmem:s16], [sflag:$0x9], $0x8, s6, s18, $0xb8;
	[tilespmem:$0xF440] =	vst v63  }
0xda: {  	_ =	swait.ge [sflag:s26], $0x400  }
0xdb: {  	[sflag:s26] =	ssyncset.done $0x0  }
0xdc: {  	[sflag:s26] =	ssyncadd.s32 $0xFFFFFC00  }
0xdd: {  	_ =	swait.ge [sflag:s26], $0x400  }
0xde: {  	[sflag:s26] =	ssyncset.done $0x0  }
0xdf: {  	[sflag:s26] =	ssyncadd.s32 $0xFFFFFC00  }
0xe0: {  	_ =	swait.ge [sflag:s26], $0x400  }
0xe1: {  	[sflag:s26] =	ssyncset.done $0x0  }
0xe2: {  	[sflag:s26] =	ssyncadd.s32 $0xFFFFFC00  }
0xe3: {  	_ =	swait.ge [sflag:s26], $0x400  }
0xe4: {  	[sflag:s26] =	ssyncset.done $0x0  }
0xe5: {  	[sflag:s26] =	ssyncadd.s32 $0xFFFFFC00  }
0xe6: {  	_ =	swait.ge [sflag:s26], $0x400  }
0xe7: {  	[sflag:s26] =	ssyncset.done $0x0  }
0xe8: {  	[sflag:s26] =	ssyncadd.s32 $0xFFFFFC00  }
0xe9: {  	_ =	swait.ge [sflag:s26], $0x400  }
0xea: {  	[sflag:s26] =	ssyncset.done $0x0  }
0xeb: {  	[sflag:s26] =	ssyncadd.s32 $0xFFFFFC00  }
0xec: {  	_ =	swait.ge [sflag:s26], $0x400  }
0xed: {  	[sflag:s26] =	ssyncset.done $0x0  }
0xee: {  	[sflag:s26] =	ssyncadd.s32 $0xFFFFFC00  }
0xef: {  	_ =	swait.ge [sflag:s26], $0x400  }
0xf0: {  	s1 =	sld [smem:$0x7EB];
	_ =	sdelay $0x1  }
0xf1: {  	[sflag:s26] =	ssyncset.done $0x0;
	s30 =	sld [smem:$0x7EA]  }
0xf2: {  	[sflag:s26] =	ssyncadd.s32 $0xFFFFFC00;
	s0 =	sadd.s32 $0x0, s1  }
0xf3: {  	[tilespmem:s9], [sflag:$0x1] =	stream.linear.gather [hbm4b:s0+s3], $0x400, $0x38;
	[tilespmem:$0xF440] =	vst v63  }
0xf4: {  	s5 =	sld [smem:$0x7E9];
	s30 =	sadd.s32 $0x0, s30  }
0xf5: {  	[tilespmem:s10], [sflag:$0x2] =	stream.linear.gather [hbm4b:s30+s3], $0x400, $0x38;
	[tilespmem:$0xF440] =	vst v63  }
0xf6: {  	s30 =	sld [smem:$0x7E8]  }
0xf7: {  	s0 =	sadd.s32 $0x0, s5  }
0xf8: {  	[tilespmem:s11], [sflag:$0x3] =	stream.linear.gather [hbm4b:s0+s3], $0x400, $0x38;
	[tilespmem:$0xF440] =	vst v63  }
0xf9: {  	s6 =	sld [smem:$0x7E7];
	s30 =	sadd.s32 $0x0, s30  }
0xfa: {  	[tilespmem:s12], [sflag:$0x4] =	stream.linear.gather [hbm4b:s30+s3], $0x400, $0x38;
	[tilespmem:$0xF440] =	vst v63  }
0xfb: {  	s30 =	sld [smem:$0x7E6]  }
0xfc: {  	s0 =	sadd.s32 $0x0, s6  }
0xfd: {  	[tilespmem:s13], [sflag:$0x5] =	stream.linear.gather [hbm4b:s0+s3], $0x400, $0x38;
	[tilespmem:$0xF440] =	vst v63  }
0xfe: {  	s1 =	sld [smem:$0x7E5];
	s30 =	sadd.s32 $0x0, s30  }
0xff: {  	[tilespmem:s14], [sflag:$0x6] =	stream.linear.gather [hbm4b:s30+s3], $0x400, $0x38;
	[tilespmem:$0xF440] =	vst v63  }
0x100: {  	s30 =	sld [smem:$0x7E4]  }
0x101: {  	s0 =	sadd.s32 $0x0, s1  }
0x102: {  	[tilespmem:s15], [sflag:$0x7] =	stream.linear.gather [hbm4b:s0+s3], $0x400, $0x38;
	[tilespmem:$0xF440] =	vst v63  }
0x103: {  	s5 =	sadd.s32 $0x0, s30  }
0x104: {  	[tilespmem:s16], [sflag:$0x8] =	stream.linear.gather [hbm4b:s5+s3], $0x400, $0x38;
	[tilespmem:$0xF440] =	vst v63  }
0x105: {  	_ =	swait.ge [sflag:s17], $0x400  }
0x106: {  	[sflag:s17] =	ssyncset.done $0x0  }
0x107: {  	s6 =	rddreg [dreg:$0x14];
	[sflag:s17] =	ssyncadd.s32 $0xFFFFFC00  }
0x108: {  	[spmem:s2] =	stream.indirect.scatter.add.f32 [tilespmem:s9], [sflag:$0x9], $0x8, s6, s18, $0xb8;
	[tilespmem:$0xF440] =	vst v63  }
0x109: {  	_ =	swait.ge [sflag:s19], $0x400  }
0x10a: {  	[sflag:s19] =	ssyncset.done $0x0  }
0x10b: {  	s1 =	rddreg [dreg:$0x15];
	[sflag:s19] =	ssyncadd.s32 $0xFFFFFC00  }
0x10c: {  	[spmem:s2] =	stream.indirect.scatter.add.f32 [tilespmem:s10], [sflag:$0x9], $0x8, s1, s18, $0xb8;
	[tilespmem:$0xF440] =	vst v63  }
0x10d: {  	_ =	swait.ge [sflag:s20], $0x400  }
0x10e: {  	[sflag:s20] =	ssyncset.done $0x0  }
0x10f: {  	s5 =	rddreg [dreg:$0x16];
	[sflag:s20] =	ssyncadd.s32 $0xFFFFFC00  }
0x110: {  	[spmem:s2] =	stream.indirect.scatter.add.f32 [tilespmem:s11], [sflag:$0x9], $0x8, s5, s18, $0xb8;
	[tilespmem:$0xF440] =	vst v63  }
0x111: {  	_ =	swait.ge [sflag:s21], $0x400  }
0x112: {  	[sflag:s21] =	ssyncset.done $0x0  }
0x113: {  	s6 =	rddreg [dreg:$0x17];
	[sflag:s21] =	ssyncadd.s32 $0xFFFFFC00  }
0x114: {  	[spmem:s2] =	stream.indirect.scatter.add.f32 [tilespmem:s12], [sflag:$0x9], $0x8, s6, s18, $0xb8;
	[tilespmem:$0xF440] =	vst v63  }
0x115: {  	_ =	swait.ge [sflag:s22], $0x400  }
0x116: {  	[sflag:s22] =	ssyncset.done $0x0  }
0x117: {  	s1 =	rddreg [dreg:$0x18];
	[sflag:s22] =	ssyncadd.s32 $0xFFFFFC00  }
0x118: {  	[spmem:s2] =	stream.indirect.scatter.add.f32 [tilespmem:s13], [sflag:$0x9], $0x8, s1, s18, $0xb8;
	[tilespmem:$0xF440] =	vst v63  }
0x119: {  	_ =	swait.ge [sflag:s23], $0x400  }
0x11a: {  	[sflag:s23] =	ssyncset.done $0x0  }
0x11b: {  	s5 =	rddreg [dreg:$0x19];
	[sflag:s23] =	ssyncadd.s32 $0xFFFFFC00  }
0x11c: {  	[spmem:s2] =	stream.indirect.scatter.add.f32 [tilespmem:s14], [sflag:$0x9], $0x8, s5, s18, $0xb8;
	[tilespmem:$0xF440] =	vst v63  }
0x11d: {  	_ =	swait.ge [sflag:s24], $0x400  }
0x11e: {  	[sflag:s24] =	ssyncset.done $0x0  }
0x11f: {  	s6 =	rddreg [dreg:$0x1a];
	[sflag:s24] =	ssyncadd.s32 $0xFFFFFC00  }
0x120: {  	[spmem:s2] =	stream.indirect.scatter.add.f32 [tilespmem:s15], [sflag:$0x9], $0x8, s6, s18, $0xb8;
	[tilespmem:$0xF440] =	vst v63  }
0x121: {  	_ =	swait.ge [sflag:s25], $0x400  }
0x122: {  	[sflag:s25] =	ssyncset.done $0x0  }
0x123: {  	s1 =	rddreg [dreg:$0x1b];
	[sflag:s25] =	ssyncadd.s32 $0xFFFFFC00  }
0x124: {  	[spmem:s2] =	stream.indirect.scatter.add.f32 [tilespmem:s16], [sflag:$0x9], $0x8, s1, s18, $0xb8;
	[tilespmem:$0xF440] =	vst v63  }
0x125: {  	_ =	swait.ge [sflag:s26], $0x400  }
0x126: {  	[sflag:s26] =	ssyncset.done $0x0  }
0x127: {  	[sflag:s26] =	ssyncadd.s32 $0xFFFFFC00  }
0x128: {  	_ =	swait.ge [sflag:s26], $0x400  }
0x129: {  	[sflag:s26] =	ssyncset.done $0x0  }
0x12a: {  	[sflag:s26] =	ssyncadd.s32 $0xFFFFFC00  }
0x12b: {  	_ =	swait.ge [sflag:s26], $0x400  }
0x12c: {  	[sflag:s26] =	ssyncset.done $0x0  }
0x12d: {  	[sflag:s26] =	ssyncadd.s32 $0xFFFFFC00  }
0x12e: {  	_ =	swait.ge [sflag:s26], $0x400  }
0x12f: {  	[sflag:s26] =	ssyncset.done $0x0  }
0x130: {  	[sflag:s26] =	ssyncadd.s32 $0xFFFFFC00  }
0x131: {  	_ =	swait.ge [sflag:s26], $0x400  }
0x132: {  	[sflag:s26] =	ssyncset.done $0x0  }
0x133: {  	[sflag:s26] =	ssyncadd.s32 $0xFFFFFC00  }
0x134: {  	_ =	swait.ge [sflag:s26], $0x400  }
0x135: {  	[sflag:s26] =	ssyncset.done $0x0  }
0x136: {  	[sflag:s26] =	ssyncadd.s32 $0xFFFFFC00  }
0x137: {  	_ =	swait.ge [sflag:s26], $0x400  }
0x138: {  	[sflag:s26] =	ssyncset.done $0x0  }
0x139: {  	[sflag:s26] =	ssyncadd.s32 $0xFFFFFC00  }
0x13a: {  	_ =	swait.ge [sflag:s26], $0x400  }
0x13b: {  	s5 =	rddreg [dreg:$0x1f];
	[sflag:s26] =	ssyncset.done $0x0  }
0x13c: {  	s30 =	rddreg [dreg:$0x1e];
	[sflag:s26] =	ssyncadd.s32 $0xFFFFFC00;
	s0 =	sadd.s32 $0x0, s5  }
0x13d: {  	[tilespmem:s9], [sflag:$0x1] =	stream.linear.gather [hbm4b:s0+s3], $0x400, $0x38;
	[tilespmem:$0xF440] =	vst v63  }
0x13e: {  	s6 =	sadd.s32 $0x0, s30  }
0x13f: {  	[tilespmem:s10], [sflag:$0x2] =	stream.linear.gather [hbm4b:s6+s3], $0x400, $0x38;
	[tilespmem:$0xF440] =	vst v63  }
0x140: {  	_ =	swait.ge [sflag:s17], $0x400  }
0x141: {  	[sflag:s17] =	ssyncset.done $0x0  }
0x142: {  	s1 =	rddreg [dreg:$0x1c];
	[sflag:s17] =	ssyncadd.s32 $0xFFFFFC00  }
0x143: {  	[spmem:s2] =	stream.indirect.scatter.add.f32 [tilespmem:s9], [sflag:$0x9], $0x8, s1, s18, $0xb8;
	[tilespmem:$0xF440] =	vst v63  }
0x144: {  	_ =	swait.ge [sflag:s19], $0x400  }
0x145: {  	[sflag:s19] =	ssyncset.done $0x0  }
0x146: {  	s5 =	rddreg [dreg:$0x1d];
	[sflag:s19] =	ssyncadd.s32 $0xFFFFFC00  }
0x147: {  	[spmem:s2] =	stream.indirect.scatter.add.f32 [tilespmem:s10], [sflag:$0x9], $0x8, s5, s18, $0xb8;
	[tilespmem:$0xF440] =	vst v63  }
0x148: {  	_ =	swait.ge [sflag:s26], $0x400  }
0x149: {  	[sflag:s26] =	ssyncset.done $0x0  }
0x14a: {  	[sflag:s26] =	ssyncadd.s32 $0xFFFFFC00  }
0x14b: {  	_ =	swait.ge [sflag:s26], $0x400  }
0x14c: {  	[sflag:s26] =	ssyncset.done $0x0  }
0x14d: {  	[sflag:s26] =	ssyncadd.s32 $0xFFFFFC00  }
0x14e: {  	[bflag:$0x0] =	sbarrier.arrive $0xFFFF  }
0x14f: {  	s6 =	sld [smem:$0x7FD];
	_ =	sdelay $0x2  }
0x150: {  	[hbm:s7], [sflag:s29] =	dma.local [spmem:s6], $0x80  }
0x151: {  	_ =	swait.ge [sflag:s8], $0x80  }
0x152: {  	[sflag:s8] =	ssyncset.done $0x0  }
0x153: {  	s31 =	smov.u32 s7;
	s30 =	simm.s32 $0xD000;
	[sflag:s8] =	ssyncadd.s32 $0xFFFFFF80  }
.LBB2_2:
0x154: {  	[bflag:$0x0] =	sbarrier.arrive $0xFFFF  }
0x155: {  	s5 =	sld [smem:$0x7FC];
	_ =	sdelay $0x1  }
0x156: {  	s1 =	rddreg [dreg:$0x4]  }
0x157: {  	[spmem:s5], [sflag:s29] =	dma.local [hbm:s1], $0x88  }
0x158: {  	_ =	swait.ge [sflag:s8], $0x88  }
0x159: {  	[sflag:s8] =	ssyncset.done $0x0  }
0x15a: {  	[sflag:s8] =	ssyncadd.s32 $0xFFFFFF78  }
0x15b: {  	[bflag:$0x0] =	sbarrier.arrive $0xFFFF  }
0x15c: {  	s6 =	sld [smem:$0x7FB];
	_ =	sdelay $0x1  }
0x15d: {  	s0 =	smov.u32 s30;
	s5 =	sld [smem:$0x7FA]  }
0x15e: {  	s1 =	sadd.s32 s0, s6;
	s6 =	sld [smem:$0x7F9]  }
0x15f: {  	[tilespmem:s9], [sflag:$0x1] =	stream.linear.gather [hbm4b:s1+s3], $0x400, $0x38;
	[tilespmem:$0xF440] =	vst v63  }
0x160: {  	s1 =	sadd.s32 s0, s5;
	s5 =	sld [smem:$0x7F8]  }
0x161: {  	[tilespmem:s10], [sflag:$0x2] =	stream.linear.gather [hbm4b:s1+s3], $0x400, $0x38;
	[tilespmem:$0xF440] =	vst v63  }
0x162: {  	s1 =	sadd.s32 s0, s6;
	s6 =	sld [smem:$0x7F7]  }
0x163: {  	[tilespmem:s11], [sflag:$0x3] =	stream.linear.gather [hbm4b:s1+s3], $0x400, $0x38;
	[tilespmem:$0xF440] =	vst v63  }
0x164: {  	s1 =	sadd.s32 s0, s5;
	s5 =	sld [smem:$0x7F6]  }
0x165: {  	[tilespmem:s12], [sflag:$0x4] =	stream.linear.gather [hbm4b:s1+s3], $0x400, $0x38;
	[tilespmem:$0xF440] =	vst v63  }
0x166: {  	s1 =	sadd.s32 s0, s6;
	s6 =	sld [smem:$0x7F5]  }
0x167: {  	[tilespmem:s13], [sflag:$0x5] =	stream.linear.gather [hbm4b:s1+s3], $0x400, $0x38;
	[tilespmem:$0xF440] =	vst v63  }
0x168: {  	s1 =	sadd.s32 s0, s5;
	s5 =	sld [smem:$0x7F4]  }
0x169: {  	[tilespmem:s14], [sflag:$0x6] =	stream.linear.gather [hbm4b:s1+s3], $0x400, $0x38;
	[tilespmem:$0xF440] =	vst v63  }
0x16a: {  	s6 =	sadd.s32 s0, s6  }
0x16b: {  	[tilespmem:s15], [sflag:$0x7] =	stream.linear.gather [hbm4b:s6+s3], $0x400, $0x38;
	[tilespmem:$0xF440] =	vst v63  }
0x16c: {  	s6 =	sadd.s32 s0, s5  }
0x16d: {  	[tilespmem:s16], [sflag:$0x8] =	stream.linear.gather [hbm4b:s6+s3], $0x400, $0x38;
	[tilespmem:$0xF440] =	vst v63  }
0x16e: {  	_ =	swait.ge [sflag:s17], $0x400  }
0x16f: {  	[sflag:s17] =	ssyncset.done $0x0  }
0x170: {  	[sflag:s17] =	ssyncadd.s32 $0xFFFFFC00  }
0x171: {  	[spmem:s2] =	stream.indirect.scatter.add.f32 [tilespmem:s9], [sflag:$0x9], $0x8, s4, s18, $0xb8;
	[tilespmem:$0xF440] =	vst v63  }
0x172: {  	_ =	swait.ge [sflag:s19], $0x400  }
0x173: {  	[sflag:s19] =	ssyncset.done $0x0  }
0x174: {  	s5 =	rddreg [dreg:$0x5];
	[sflag:s19] =	ssyncadd.s32 $0xFFFFFC00  }
0x175: {  	[spmem:s2] =	stream.indirect.scatter.add.f32 [tilespmem:s10], [sflag:$0x9], $0x8, s5, s18, $0xb8;
	[tilespmem:$0xF440] =	vst v63  }
0x176: {  	_ =	swait.ge [sflag:s20], $0x400  }
0x177: {  	[sflag:s20] =	ssyncset.done $0x0  }
0x178: {  	s6 =	rddreg [dreg:$0x6];
	[sflag:s20] =	ssyncadd.s32 $0xFFFFFC00  }
0x179: {  	[spmem:s2] =	stream.indirect.scatter.add.f32 [tilespmem:s11], [sflag:$0x9], $0x8, s6, s18, $0xb8;
	[tilespmem:$0xF440] =	vst v63  }
0x17a: {  	_ =	swait.ge [sflag:s21], $0x400  }
0x17b: {  	[sflag:s21] =	ssyncset.done $0x0  }
0x17c: {  	s5 =	rddreg [dreg:$0x7];
	[sflag:s21] =	ssyncadd.s32 $0xFFFFFC00  }
0x17d: {  	[spmem:s2] =	stream.indirect.scatter.add.f32 [tilespmem:s12], [sflag:$0x9], $0x8, s5, s18, $0xb8;
	[tilespmem:$0xF440] =	vst v63  }
0x17e: {  	_ =	swait.ge [sflag:s22], $0x400  }
0x17f: {  	[sflag:s22] =	ssyncset.done $0x0  }
0x180: {  	s6 =	rddreg [dreg:$0x8];
	[sflag:s22] =	ssyncadd.s32 $0xFFFFFC00  }
0x181: {  	[spmem:s2] =	stream.indirect.scatter.add.f32 [tilespmem:s13], [sflag:$0x9], $0x8, s6, s18, $0xb8;
	[tilespmem:$0xF440] =	vst v63  }
0x182: {  	_ =	swait.ge [sflag:s23], $0x400  }
0x183: {  	[sflag:s23] =	ssyncset.done $0x0  }
0x184: {  	s5 =	rddreg [dreg:$0x9];
	[sflag:s23] =	ssyncadd.s32 $0xFFFFFC00  }
0x185: {  	[spmem:s2] =	stream.indirect.scatter.add.f32 [tilespmem:s14], [sflag:$0x9], $0x8, s5, s18, $0xb8;
	[tilespmem:$0xF440] =	vst v63  }
0x186: {  	_ =	swait.ge [sflag:s24], $0x400  }
0x187: {  	[sflag:s24] =	ssyncset.done $0x0  }
0x188: {  	s6 =	rddreg [dreg:$0xa];
	[sflag:s24] =	ssyncadd.s32 $0xFFFFFC00  }
0x189: {  	[spmem:s2] =	stream.indirect.scatter.add.f32 [tilespmem:s15], [sflag:$0x9], $0x8, s6, s18, $0xb8;
	[tilespmem:$0xF440] =	vst v63  }
0x18a: {  	_ =	swait.ge [sflag:s25], $0x400  }
0x18b: {  	[sflag:s25] =	ssyncset.done $0x0  }
0x18c: {  	s5 =	rddreg [dreg:$0xb];
	[sflag:s25] =	ssyncadd.s32 $0xFFFFFC00  }
0x18d: {  	[spmem:s2] =	stream.indirect.scatter.add.f32 [tilespmem:s16], [sflag:$0x9], $0x8, s5, s18, $0xb8;
	[tilespmem:$0xF440] =	vst v63  }
0x18e: {  	_ =	swait.ge [sflag:s26], $0x400  }
0x18f: {  	[sflag:s26] =	ssyncset.done $0x0  }
0x190: {  	[sflag:s26] =	ssyncadd.s32 $0xFFFFFC00  }
0x191: {  	_ =	swait.ge [sflag:s26], $0x400  }
0x192: {  	[sflag:s26] =	ssyncset.done $0x0  }
0x193: {  	[sflag:s26] =	ssyncadd.s32 $0xFFFFFC00  }
0x194: {  	_ =	swait.ge [sflag:s26], $0x400  }
0x195: {  	[sflag:s26] =	ssyncset.done $0x0  }
0x196: {  	[sflag:s26] =	ssyncadd.s32 $0xFFFFFC00  }
0x197: {  	_ =	swait.ge [sflag:s26], $0x400  }
0x198: {  	[sflag:s26] =	ssyncset.done $0x0  }
0x199: {  	[sflag:s26] =	ssyncadd.s32 $0xFFFFFC00  }
0x19a: {  	_ =	swait.ge [sflag:s26], $0x400  }
0x19b: {  	[sflag:s26] =	ssyncset.done $0x0  }
0x19c: {  	[sflag:s26] =	ssyncadd.s32 $0xFFFFFC00  }
0x19d: {  	_ =	swait.ge [sflag:s26], $0x400  }
0x19e: {  	[sflag:s26] =	ssyncset.done $0x0  }
0x19f: {  	[sflag:s26] =	ssyncadd.s32 $0xFFFFFC00  }
0x1a0: {  	_ =	swait.ge [sflag:s26], $0x400  }
0x1a1: {  	[sflag:s26] =	ssyncset.done $0x0  }
0x1a2: {  	[sflag:s26] =	ssyncadd.s32 $0xFFFFFC00  }
0x1a3: {  	_ =	swait.ge [sflag:s26], $0x400  }
0x1a4: {  	s6 =	sld [smem:$0x7F3];
	_ =	sdelay $0x1  }
0x1a5: {  	[sflag:s26] =	ssyncset.done $0x0;
	s5 =	sld [smem:$0x7F2]  }
0x1a6: {  	[sflag:s26] =	ssyncadd.s32 $0xFFFFFC00;
	s1 =	sadd.s32 s0, s6;
	s6 =	sld [smem:$0x7F1]  }
0x1a7: {  	[tilespmem:s9], [sflag:$0x1] =	stream.linear.gather [hbm4b:s1+s3], $0x400, $0x38;
	[tilespmem:$0xF440] =	vst v63  }
0x1a8: {  	s1 =	sadd.s32 s0, s5;
	s5 =	sld [smem:$0x7F0]  }
0x1a9: {  	[tilespmem:s10], [sflag:$0x2] =	stream.linear.gather [hbm4b:s1+s3], $0x400, $0x38;
	[tilespmem:$0xF440] =	vst v63  }
0x1aa: {  	s1 =	sadd.s32 s0, s6;
	s6 =	sld [smem:$0x7EF]  }
0x1ab: {  	[tilespmem:s11], [sflag:$0x3] =	stream.linear.gather [hbm4b:s1+s3], $0x400, $0x38;
	[tilespmem:$0xF440] =	vst v63  }
0x1ac: {  	s1 =	sadd.s32 s0, s5;
	s5 =	sld [smem:$0x7EE]  }
0x1ad: {  	[tilespmem:s12], [sflag:$0x4] =	stream.linear.gather [hbm4b:s1+s3], $0x400, $0x38;
	[tilespmem:$0xF440] =	vst v63  }
0x1ae: {  	s1 =	sadd.s32 s0, s6;
	s6 =	sld [smem:$0x7ED]  }
0x1af: {  	[tilespmem:s13], [sflag:$0x5] =	stream.linear.gather [hbm4b:s1+s3], $0x400, $0x38;
	[tilespmem:$0xF440] =	vst v63  }
0x1b0: {  	s1 =	sadd.s32 s0, s5;
	s5 =	sld [smem:$0x7EC]  }
0x1b1: {  	[tilespmem:s14], [sflag:$0x6] =	stream.linear.gather [hbm4b:s1+s3], $0x400, $0x38;
	[tilespmem:$0xF440] =	vst v63  }
0x1b2: {  	s6 =	sadd.s32 s0, s6  }
0x1b3: {  	[tilespmem:s15], [sflag:$0x7] =	stream.linear.gather [hbm4b:s6+s3], $0x400, $0x38;
	[tilespmem:$0xF440] =	vst v63  }
0x1b4: {  	s5 =	sadd.s32 s0, s5  }
0x1b5: {  	[tilespmem:s16], [sflag:$0x8] =	stream.linear.gather [hbm4b:s5+s3], $0x400, $0x38;
	[tilespmem:$0xF440] =	vst v63  }
0x1b6: {  	_ =	swait.ge [sflag:s17], $0x400  }
0x1b7: {  	[sflag:s17] =	ssyncset.done $0x0  }
0x1b8: {  	s6 =	rddreg [dreg:$0xc];
	[sflag:s17] =	ssyncadd.s32 $0xFFFFFC00  }
0x1b9: {  	[spmem:s2] =	stream.indirect.scatter.add.f32 [tilespmem:s9], [sflag:$0x9], $0x8, s6, s18, $0xb8;
	[tilespmem:$0xF440] =	vst v63  }
0x1ba: {  	_ =	swait.ge [sflag:s19], $0x400  }
0x1bb: {  	[sflag:s19] =	ssyncset.done $0x0  }
0x1bc: {  	s5 =	rddreg [dreg:$0xd];
	[sflag:s19] =	ssyncadd.s32 $0xFFFFFC00  }
0x1bd: {  	[spmem:s2] =	stream.indirect.scatter.add.f32 [tilespmem:s10], [sflag:$0x9], $0x8, s5, s18, $0xb8;
	[tilespmem:$0xF440] =	vst v63  }
0x1be: {  	_ =	swait.ge [sflag:s20], $0x400  }
0x1bf: {  	[sflag:s20] =	ssyncset.done $0x0  }
0x1c0: {  	s6 =	rddreg [dreg:$0xe];
	[sflag:s20] =	ssyncadd.s32 $0xFFFFFC00  }
0x1c1: {  	[spmem:s2] =	stream.indirect.scatter.add.f32 [tilespmem:s11], [sflag:$0x9], $0x8, s6, s18, $0xb8;
	[tilespmem:$0xF440] =	vst v63  }
0x1c2: {  	_ =	swait.ge [sflag:s21], $0x400  }
0x1c3: {  	[sflag:s21] =	ssyncset.done $0x0  }
0x1c4: {  	s5 =	rddreg [dreg:$0xf];
	[sflag:s21] =	ssyncadd.s32 $0xFFFFFC00  }
0x1c5: {  	[spmem:s2] =	stream.indirect.scatter.add.f32 [tilespmem:s12], [sflag:$0x9], $0x8, s5, s18, $0xb8;
	[tilespmem:$0xF440] =	vst v63  }
0x1c6: {  	_ =	swait.ge [sflag:s22], $0x400  }
0x1c7: {  	[sflag:s22] =	ssyncset.done $0x0  }
0x1c8: {  	s6 =	rddreg [dreg:$0x10];
	[sflag:s22] =	ssyncadd.s32 $0xFFFFFC00  }
0x1c9: {  	[spmem:s2] =	stream.indirect.scatter.add.f32 [tilespmem:s13], [sflag:$0x9], $0x8, s6, s18, $0xb8;
	[tilespmem:$0xF440] =	vst v63  }
0x1ca: {  	_ =	swait.ge [sflag:s23], $0x400  }
0x1cb: {  	[sflag:s23] =	ssyncset.done $0x0  }
0x1cc: {  	s5 =	rddreg [dreg:$0x11];
	[sflag:s23] =	ssyncadd.s32 $0xFFFFFC00  }
0x1cd: {  	[spmem:s2] =	stream.indirect.scatter.add.f32 [tilespmem:s14], [sflag:$0x9], $0x8, s5, s18, $0xb8;
	[tilespmem:$0xF440] =	vst v63  }
0x1ce: {  	_ =	swait.ge [sflag:s24], $0x400  }
0x1cf: {  	[sflag:s24] =	ssyncset.done $0x0  }
0x1d0: {  	s6 =	rddreg [dreg:$0x12];
	[sflag:s24] =	ssyncadd.s32 $0xFFFFFC00  }
0x1d1: {  	[spmem:s2] =	stream.indirect.scatter.add.f32 [tilespmem:s15], [sflag:$0x9], $0x8, s6, s18, $0xb8;
	[tilespmem:$0xF440] =	vst v63  }
0x1d2: {  	_ =	swait.ge [sflag:s25], $0x400  }
0x1d3: {  	[sflag:s25] =	ssyncset.done $0x0  }
0x1d4: {  	s5 =	rddreg [dreg:$0x13];
	[sflag:s25] =	ssyncadd.s32 $0xFFFFFC00  }
0x1d5: {  	[spmem:s2] =	stream.indirect.scatter.add.f32 [tilespmem:s16], [sflag:$0x9], $0x8, s5, s18, $0xb8;
	[tilespmem:$0xF440] =	vst v63  }
0x1d6: {  	_ =	swait.ge [sflag:s26], $0x400  }
0x1d7: {  	[sflag:s26] =	ssyncset.done $0x0  }
0x1d8: {  	[sflag:s26] =	ssyncadd.s32 $0xFFFFFC00  }
0x1d9: {  	_ =	swait.ge [sflag:s26], $0x400  }
0x1da: {  	[sflag:s26] =	ssyncset.done $0x0  }
0x1db: {  	[sflag:s26] =	ssyncadd.s32 $0xFFFFFC00  }
0x1dc: {  	_ =	swait.ge [sflag:s26], $0x400  }
0x1dd: {  	[sflag:s26] =	ssyncset.done $0x0  }
0x1de: {  	[sflag:s26] =	ssyncadd.s32 $0xFFFFFC00  }
0x1df: {  	_ =	swait.ge [sflag:s26], $0x400  }
0x1e0: {  	[sflag:s26] =	ssyncset.done $0x0  }
0x1e1: {  	[sflag:s26] =	ssyncadd.s32 $0xFFFFFC00  }
0x1e2: {  	_ =	swait.ge [sflag:s26], $0x400  }
0x1e3: {  	[sflag:s26] =	ssyncset.done $0x0  }
0x1e4: {  	[sflag:s26] =	ssyncadd.s32 $0xFFFFFC00  }
0x1e5: {  	_ =	swait.ge [sflag:s26], $0x400  }
0x1e6: {  	[sflag:s26] =	ssyncset.done $0x0  }
0x1e7: {  	[sflag:s26] =	ssyncadd.s32 $0xFFFFFC00  }
0x1e8: {  	_ =	swait.ge [sflag:s26], $0x400  }
0x1e9: {  	[sflag:s26] =	ssyncset.done $0x0  }
0x1ea: {  	[sflag:s26] =	ssyncadd.s32 $0xFFFFFC00  }
0x1eb: {  	_ =	swait.ge [sflag:s26], $0x400  }
0x1ec: {  	s6 =	sld [smem:$0x7EB];
	_ =	sdelay $0x1  }
0x1ed: {  	[sflag:s26] =	ssyncset.done $0x0;
	s5 =	sld [smem:$0x7EA]  }
0x1ee: {  	[sflag:s26] =	ssyncadd.s32 $0xFFFFFC00;
	s1 =	sadd.s32 s0, s6;
	s6 =	sld [smem:$0x7E9]  }
0x1ef: {  	[tilespmem:s9], [sflag:$0x1] =	stream.linear.gather [hbm4b:s1+s3], $0x400, $0x38;
	[tilespmem:$0xF440] =	vst v63  }
0x1f0: {  	s1 =	sadd.s32 s0, s5;
	s5 =	sld [smem:$0x7E8]  }
0x1f1: {  	[tilespmem:s10], [sflag:$0x2] =	stream.linear.gather [hbm4b:s1+s3], $0x400, $0x38;
	[tilespmem:$0xF440] =	vst v63  }
0x1f2: {  	s1 =	sadd.s32 s0, s6;
	s6 =	sld [smem:$0x7E7]  }
0x1f3: {  	[tilespmem:s11], [sflag:$0x3] =	stream.linear.gather [hbm4b:s1+s3], $0x400, $0x38;
	[tilespmem:$0xF440] =	vst v63  }
0x1f4: {  	s1 =	sadd.s32 s0, s5;
	s5 =	sld [smem:$0x7E6]  }
0x1f5: {  	[tilespmem:s12], [sflag:$0x4] =	stream.linear.gather [hbm4b:s1+s3], $0x400, $0x38;
	[tilespmem:$0xF440] =	vst v63  }
0x1f6: {  	s1 =	sadd.s32 s0, s6;
	s6 =	sld [smem:$0x7E5]  }
0x1f7: {  	[tilespmem:s13], [sflag:$0x5] =	stream.linear.gather [hbm4b:s1+s3], $0x400, $0x38;
	[tilespmem:$0xF440] =	vst v63  }
0x1f8: {  	s1 =	sadd.s32 s0, s5;
	s5 =	sld [smem:$0x7E4]  }
0x1f9: {  	[tilespmem:s14], [sflag:$0x6] =	stream.linear.gather [hbm4b:s1+s3], $0x400, $0x38;
	[tilespmem:$0xF440] =	vst v63  }
0x1fa: {  	s6 =	sadd.s32 s0, s6  }
0x1fb: {  	[tilespmem:s15], [sflag:$0x7] =	stream.linear.gather [hbm4b:s6+s3], $0x400, $0x38;
	[tilespmem:$0xF440] =	vst v63  }
0x1fc: {  	s6 =	sadd.s32 s0, s5  }
0x1fd: {  	[tilespmem:s16], [sflag:$0x8] =	stream.linear.gather [hbm4b:s6+s3], $0x400, $0x38;
	[tilespmem:$0xF440] =	vst v63  }
0x1fe: {  	_ =	swait.ge [sflag:s17], $0x400  }
0x1ff: {  	[sflag:s17] =	ssyncset.done $0x0  }
0x200: {  	s5 =	rddreg [dreg:$0x14];
	[sflag:s17] =	ssyncadd.s32 $0xFFFFFC00  }
0x201: {  	[spmem:s2] =	stream.indirect.scatter.add.f32 [tilespmem:s9], [sflag:$0x9], $0x8, s5, s18, $0xb8;
	[tilespmem:$0xF440] =	vst v63  }
0x202: {  	_ =	swait.ge [sflag:s19], $0x400  }
0x203: {  	[sflag:s19] =	ssyncset.done $0x0  }
0x204: {  	s6 =	rddreg [dreg:$0x15];
	[sflag:s19] =	ssyncadd.s32 $0xFFFFFC00  }
0x205: {  	[spmem:s2] =	stream.indirect.scatter.add.f32 [tilespmem:s10], [sflag:$0x9], $0x8, s6, s18, $0xb8;
	[tilespmem:$0xF440] =	vst v63  }
0x206: {  	_ =	swait.ge [sflag:s20], $0x400  }
0x207: {  	[sflag:s20] =	ssyncset.done $0x0  }
0x208: {  	s5 =	rddreg [dreg:$0x16];
	[sflag:s20] =	ssyncadd.s32 $0xFFFFFC00  }
0x209: {  	[spmem:s2] =	stream.indirect.scatter.add.f32 [tilespmem:s11], [sflag:$0x9], $0x8, s5, s18, $0xb8;
	[tilespmem:$0xF440] =	vst v63  }
0x20a: {  	_ =	swait.ge [sflag:s21], $0x400  }
0x20b: {  	[sflag:s21] =	ssyncset.done $0x0  }
0x20c: {  	s6 =	rddreg [dreg:$0x17];
	[sflag:s21] =	ssyncadd.s32 $0xFFFFFC00  }
0x20d: {  	[spmem:s2] =	stream.indirect.scatter.add.f32 [tilespmem:s12], [sflag:$0x9], $0x8, s6, s18, $0xb8;
	[tilespmem:$0xF440] =	vst v63  }
0x20e: {  	_ =	swait.ge [sflag:s22], $0x400  }
0x20f: {  	[sflag:s22] =	ssyncset.done $0x0  }
0x210: {  	s5 =	rddreg [dreg:$0x18];
	[sflag:s22] =	ssyncadd.s32 $0xFFFFFC00  }
0x211: {  	[spmem:s2] =	stream.indirect.scatter.add.f32 [tilespmem:s13], [sflag:$0x9], $0x8, s5, s18, $0xb8;
	[tilespmem:$0xF440] =	vst v63  }
0x212: {  	_ =	swait.ge [sflag:s23], $0x400  }
0x213: {  	[sflag:s23] =	ssyncset.done $0x0  }
0x214: {  	s6 =	rddreg [dreg:$0x19];
	[sflag:s23] =	ssyncadd.s32 $0xFFFFFC00  }
0x215: {  	[spmem:s2] =	stream.indirect.scatter.add.f32 [tilespmem:s14], [sflag:$0x9], $0x8, s6, s18, $0xb8;
	[tilespmem:$0xF440] =	vst v63  }
0x216: {  	_ =	swait.ge [sflag:s24], $0x400  }
0x217: {  	[sflag:s24] =	ssyncset.done $0x0  }
0x218: {  	s5 =	rddreg [dreg:$0x1a];
	[sflag:s24] =	ssyncadd.s32 $0xFFFFFC00  }
0x219: {  	[spmem:s2] =	stream.indirect.scatter.add.f32 [tilespmem:s15], [sflag:$0x9], $0x8, s5, s18, $0xb8;
	[tilespmem:$0xF440] =	vst v63  }
0x21a: {  	_ =	swait.ge [sflag:s25], $0x400  }
0x21b: {  	[sflag:s25] =	ssyncset.done $0x0  }
0x21c: {  	s6 =	rddreg [dreg:$0x1b];
	[sflag:s25] =	ssyncadd.s32 $0xFFFFFC00  }
0x21d: {  	[spmem:s2] =	stream.indirect.scatter.add.f32 [tilespmem:s16], [sflag:$0x9], $0x8, s6, s18, $0xb8;
	[tilespmem:$0xF440] =	vst v63  }
0x21e: {  	_ =	swait.ge [sflag:s26], $0x400  }
0x21f: {  	[sflag:s26] =	ssyncset.done $0x0  }
0x220: {  	[sflag:s26] =	ssyncadd.s32 $0xFFFFFC00  }
0x221: {  	_ =	swait.ge [sflag:s26], $0x400  }
0x222: {  	[sflag:s26] =	ssyncset.done $0x0  }
0x223: {  	[sflag:s26] =	ssyncadd.s32 $0xFFFFFC00  }
0x224: {  	_ =	swait.ge [sflag:s26], $0x400  }
0x225: {  	[sflag:s26] =	ssyncset.done $0x0  }
0x226: {  	[sflag:s26] =	ssyncadd.s32 $0xFFFFFC00  }
0x227: {  	_ =	swait.ge [sflag:s26], $0x400  }
0x228: {  	[sflag:s26] =	ssyncset.done $0x0  }
0x229: {  	[sflag:s26] =	ssyncadd.s32 $0xFFFFFC00  }
0x22a: {  	_ =	swait.ge [sflag:s26], $0x400  }
0x22b: {  	[sflag:s26] =	ssyncset.done $0x0  }
0x22c: {  	[sflag:s26] =	ssyncadd.s32 $0xFFFFFC00  }
0x22d: {  	_ =	swait.ge [sflag:s26], $0x400  }
0x22e: {  	[sflag:s26] =	ssyncset.done $0x0  }
0x22f: {  	[sflag:s26] =	ssyncadd.s32 $0xFFFFFC00  }
0x230: {  	_ =	swait.ge [sflag:s26], $0x400  }
0x231: {  	[sflag:s26] =	ssyncset.done $0x0  }
0x232: {  	[sflag:s26] =	ssyncadd.s32 $0xFFFFFC00  }
0x233: {  	_ =	swait.ge [sflag:s26], $0x400  }
0x234: {  	s5 =	rddreg [dreg:$0x1f];
	[sflag:s26] =	ssyncset.done $0x0  }
0x235: {  	s6 =	rddreg [dreg:$0x1e];
	[sflag:s26] =	ssyncadd.s32 $0xFFFFFC00;
	s1 =	sadd.s32 s0, s5  }
0x236: {  	[tilespmem:s9], [sflag:$0x1] =	stream.linear.gather [hbm4b:s1+s3], $0x400, $0x38;
	[tilespmem:$0xF440] =	vst v63  }
0x237: {  	s0 =	sadd.s32 s0, s6  }
0x238: {  	[tilespmem:s10], [sflag:$0x2] =	stream.linear.gather [hbm4b:s0+s3], $0x400, $0x38;
	[tilespmem:$0xF440] =	vst v63  }
0x239: {  	_ =	swait.ge [sflag:s17], $0x400  }
0x23a: {  	[sflag:s17] =	ssyncset.done $0x0  }
0x23b: {  	s1 =	rddreg [dreg:$0x1c];
	[sflag:s17] =	ssyncadd.s32 $0xFFFFFC00  }
0x23c: {  	[spmem:s2] =	stream.indirect.scatter.add.f32 [tilespmem:s9], [sflag:$0x9], $0x8, s1, s18, $0xb8;
	[tilespmem:$0xF440] =	vst v63  }
0x23d: {  	_ =	swait.ge [sflag:s19], $0x400  }
0x23e: {  	[sflag:s19] =	ssyncset.done $0x0  }
0x23f: {  	s5 =	rddreg [dreg:$0x1d];
	[sflag:s19] =	ssyncadd.s32 $0xFFFFFC00  }
0x240: {  	[spmem:s2] =	stream.indirect.scatter.add.f32 [tilespmem:s10], [sflag:$0x9], $0x8, s5, s18, $0xb8;
	[tilespmem:$0xF440] =	vst v63  }
0x241: {  	_ =	swait.ge [sflag:s26], $0x400  }
0x242: {  	[sflag:s26] =	ssyncset.done $0x0  }
0x243: {  	[sflag:s26] =	ssyncadd.s32 $0xFFFFFC00  }
0x244: {  	_ =	swait.ge [sflag:s26], $0x400  }
0x245: {  	[sflag:s26] =	ssyncset.done $0x0  }
0x246: {  	[sflag:s26] =	ssyncadd.s32 $0xFFFFFC00  }
0x247: {  	[bflag:$0x0] =	sbarrier.arrive $0xFFFF  }
0x248: {  	s6 =	sld [smem:$0x7FD]  }
0x249: {  	p0 =	sne.s32 s30, $0x5B000  }
.Ltmp0:
0x24a: {  	s31 =	sadd.s32 $0x800, s31;
	(pc) =	sbr.rel @p0 .LBB2_2-.Ltmp0, $4  }
0x24b: {  	[hbm:s31], [sflag:s29] =	dma.local [spmem:s6], $0x80  }
0x24c: {  	_ =	swait.ge [sflag:s8], $0x80  }
0x24d: {  	[sflag:s8] =	ssyncset.done $0x0  }
0x24e: {  	s30 =	sadd.s32 $0xD000, s30;
	[sflag:s8] =	ssyncadd.s32 $0xFFFFFF80  }
0x24f: {  	s0 =	sld [smem:$0x7E3];
	_ =	sdelay $0x1  }
0x250: {  	s28 =	sadd.s32 $0x1, s28  }
0x251: {  	p0 =	sne.s32 s28, s0  }
.Ltmp1:
0x252: {  	_ = 	snop;
	(pc) =	sbr.rel @p0 .LBB2_1-.Ltmp1, $2  }
0x253: {  	_ =	sdelay $0x1  }
0x254: {  	[bflag:$0x0] =	sbarrier.arrive $0xFFFF;
	_ =	sdelay $0x1  }
0x255: {  	_ =	sfence.sel $0x180000  }
0x256: {  	[bflag:$0x0] =	sbarrier.arrive $0xFFFF  }
0x257: {  	_ =	strace $0x90000047  }
0x258: {  	s0 =	stileid.u32;
	[bflag:$0x2] =	sbarrier.arrive $0xFFFF  }
0x259: {  	p0 =	sne.s32 s0, $0x0;
	s0 =	rddreg [dreg:$0x3]  }
0x25a: {  	s0 =	sadd.s32 @!p0 $0x100000, s0  }
0x25b: {  	[sflag:s0] =	ssyncadd.tile.s32 @!p0 $0x1;
	_ =	shalt  }
.Lfunc_end2:
_tile_overlayer_lowered:
.L_overlay_start_2:
0x25c: {  	(tag) =	ssettag $0x2  }
0x25d: {  	s0 =	rddreg [dreg:$0x0];
	s2 =	stileid.u32  }
0x25e: {  	s1 =	rddreg [dreg:$0x1];
	p0 =	sne.s32 s2, $0x0  }
0x25f: {  	s3 =	rddreg [dreg:$0x2];
	[bflag:$0x3] =	sbarrier.arrive $0xFFFF;
	s2 =	simm.s32 @!p0 $0x1C0A  }
0x260: {  	[timem:s3], [sflag:s2] =	dma.local @!p0 [hbm:s0], s1  }
0x261: {  	s0 =	simm.s32 @!p0 $0xA  }
0x262: {  	_ =	swait.ge @!p0 [sflag:s0], s1  }
0x263: {  	s1 =	ssub.s32 @!p0 $0x0, s1;
	[sflag:s0] =	ssyncset.done @!p0 $0x0  }
0x264: {  	[sflag:s0] =	ssyncadd.s32 @!p0 s1  }
0x265: {  	[bflag:$0x3] =	sbarrier.arrive $0xFFFF  }
0x266: {  	_ =	shalt  }

</sc_bundles>
